<compile_context>
chip_gen: v7x
topology: tpu7x:2x2x1
jax: 0.10.2.dev20260603
libtpu: 0.0.44.dev20260713+nightly
codegen_flags: <defaults>
</compile_context>

<pallas_src>
import functools

import jax
import jax.numpy as jnp
from jax import lax
from jax.experimental import pallas as pl
from jax.experimental.pallas import tpu as pltpu
from jax.experimental.pallas import tpu_sc as plsc

B, D, H, W = 64, 4, 256, 256
K = 128
HW = H * W
NC, NS, L = 2, 16, 16
NW = NC * NS
BPW = B // NW
KCH = K // L
NR = BPW * D


@functools.partial(
    pl.kernel,
    mesh=plsc.VectorSubcoreMesh(core_axis_name="c", subcore_axis_name="s"),
    out_type=jax.ShapeDtypeStruct((NW, 2 * L), jnp.float32),
    compiler_params=pltpu.CompilerParams(needs_layout_passes=False),
    scratch_types=[
        pltpu.VMEM((BPW * K,), jnp.int32),
        pltpu.VMEM((BPW * K,), jnp.int32),
        pltpu.VMEM((NR, K), jnp.int32),
        pltpu.VMEM((K, W), jnp.float32),
        pltpu.VMEM((K, W), jnp.float32),
        pltpu.VMEM((K, W), jnp.float32),
        pltpu.VMEM((NR, K), jnp.float32),
        pltpu.VMEM((BPW * K * D,), jnp.float32),
        pltpu.VMEM((2 * L,), jnp.float32),
        pltpu.SemaphoreType.DMA,
        pltpu.SemaphoreType.DMA,
        pltpu.SemaphoreType.DMA,
    ],
)
def _reg_loss_sc(feat2, ind, mask, target, out, ind_v, mask_v, ridx_v,
                 rb0, rb1, rb2, pred_v, tgt_v, obuf, sem0, sem1, sem2):
    cid = lax.axis_index("c")
    sid = lax.axis_index("s")
    wid = sid * NC + cid
    b0 = wid * BPW

    pltpu.sync_copy(ind.at[pl.ds(b0 * K, BPW * K)], ind_v)
    pltpu.sync_copy(mask.at[pl.ds(b0 * K, BPW * K)], mask_v)
    pltpu.sync_copy(target.at[pl.ds(b0 * K * D, BPW * K * D)], tgt_v)

    ki = lax.iota(jnp.int32, L)
    for bi in range(BPW):
        for c in range(KCH):
            chunk = ind_v[pl.ds(bi * K + c * L, L)]
            rin = chunk >> 8
            for d in range(D):
                rbase = ((b0 + bi) * D + d) * H
                ridx_v[bi * D + d, pl.ds(c * L, L)] = rin + rbase

    bufs = [rb0, rb1, rb2]
    sems = [sem0, sem1, sem2]
    NB = 3
    pend = [
        pltpu.async_copy(feat2.at[ridx_v.at[r]], bufs[r], sems[r])
        for r in range(NB)
    ]
    for r in range(NR):
        s = r % NB
        bi = r // D
        pend[s].wait()
        for c in range(KCH):
            chunk = ind_v[pl.ds(bi * K + c * L, L)]
            rows = ki + c * L
            cols = chunk & 255
            pred_v[r, pl.ds(c * L, L)] = plsc.load_gather(bufs[s], [rows, cols])
        if r + NB < NR:
            pend[s] = pltpu.async_copy(feat2.at[ridx_v.at[r + NB]], bufs[s], sems[s])

    acc = jnp.zeros((L,), jnp.float32)
    msum = jnp.zeros((L,), jnp.float32)
    for bi in range(BPW):
        for c in range(KCH):
            m = mask_v[pl.ds(bi * K + c * L, L)].astype(jnp.float32)
            msum = msum + m
            for d in range(D):
                p = pred_v[bi * D + d, pl.ds(c * L, L)]
                t = plsc.load_gather(tgt_v, [(bi * K + c * L + ki) * D + d])
                df = (p - t) * m
                ad = jnp.abs(df)
                acc = acc + jnp.where(ad < 1.0, 0.5 * df * df, ad - 0.5)

    obuf[pl.ds(0, L)] = acc
    obuf[pl.ds(L, L)] = msum
    pltpu.sync_copy(obuf, out.at[wid])


def kernel(output, mask, ind, target):
    feat2 = output.astype(jnp.float32).reshape(B * D * H, W)
    indf = ind.astype(jnp.int32).reshape(-1)
    maskf = mask.astype(jnp.int32).reshape(-1)
    tgtf = target.astype(jnp.float32).reshape(-1)
    parts = _reg_loss_sc(feat2, indf, maskf, tgtf)
    loss = jnp.sum(parts[:, :L])
    num = jnp.sum(parts[:, L:])
    return loss / (num + 0.0001)

# --- scband reference (transcript-rebuilt; emitter-appended) ---
"""Pipeline reference for scband-reg-loss-103079215560 (READ-ONLY COPY).

The authoritative reference and input builder live on the scoring server;
editing this copy changes nothing except your own understanding.
"""

import jax, jax.numpy as jnp
import numpy as np

B, D, H, W = 64, 4, 256, 256
K = 128

def setup_inputs(seed: int = 0) -> dict:
    key = jax.random.key(seed)
    k1, k2, k3, k4 = jax.random.split(key, 4)
    output = jax.random.normal(k1, (B, D, H, W), dtype=jnp.float32)
    mask = jax.random.randint(k2, (B, K), 0, 2, dtype=jnp.int64)
    ind = jax.random.randint(k3, (B, K), 0, H * W, dtype=jnp.int64)
    target = jax.random.normal(k4, (B, K, D), dtype=jnp.float32)
    return {"output": output, "mask": mask, "ind": ind, "target": target}

def _smooth_l1_sum(pred, gt):
    d = pred - gt
    ad = jnp.abs(d)
    loss = jnp.where(ad < 1.0, 0.5 * d * d, ad - 0.5)
    return jnp.sum(loss)

def reference(output, mask, ind, target):
    # _tranpose_and_gather_feat: permute (0,2,3,1) then flatten spatial, gather by ind
    feat = jnp.transpose(output, (0, 2, 3, 1)).reshape(output.shape[0], -1, output.shape[1])
    idx = jnp.broadcast_to(ind[:, :, None], (ind.shape[0], ind.shape[1], feat.shape[2]))
    pred = jnp.take_along_axis(feat, idx, axis=1)
    # _reg_loss
    num = jnp.sum(mask.astype(jnp.float32))
    m = jnp.broadcast_to(mask[:, :, None].astype(jnp.float32), target.shape)
    pred_m = pred * m
    gt_m = target * m
    regr_loss = _smooth_l1_sum(pred_m, gt_m)
    regr_loss = regr_loss / (num + 0.0001)
    return regr_loss

if False:  # reference __main__ guard neutralized (emitter)
    out = reference(**setup_inputs())
    print(out)

if __name__ == "__main__":
    import jax
    _d = setup_inputs()
    print(jax.jit(kernel)(*tuple(_d.values())))

</pallas_src>

<mosaic_0001>
#map = affine_map<(d0, d1) -> (0, 0)>
#map1 = affine_map<(d0, d1) -> (0)>
module attributes {stable_mosaic.version = 14 : i64} {
  func.func @_reg_loss_sc(%arg0: i32, %arg1: i32, %arg2: memref<65536x256xf32, #tpu.memory_space<hbm>>, %arg3: memref<8192xi32, #tpu.memory_space<hbm>>, %arg4: memref<8192xi32, #tpu.memory_space<hbm>>, %arg5: memref<32768xf32, #tpu.memory_space<hbm>>, %arg6: memref<32x32xf32, #tpu.memory_space<hbm>>, %arg7: memref<256xi32, #tpu.memory_space<vmem>>, %arg8: memref<256xi32, #tpu.memory_space<vmem>>, %arg9: memref<8x128xi32, #tpu.memory_space<vmem>>, %arg10: memref<128x256xf32, #tpu.memory_space<vmem>>, %arg11: memref<128x256xf32, #tpu.memory_space<vmem>>, %arg12: memref<128x256xf32, #tpu.memory_space<vmem>>, %arg13: memref<8x128xf32, #tpu.memory_space<vmem>>, %arg14: memref<1024xf32, #tpu.memory_space<vmem>>, %arg15: memref<32xf32, #tpu.memory_space<vmem>>, %arg16: memref<!tpu.dma_semaphore, #tpu.memory_space<semaphore_mem>>, %arg17: memref<!tpu.dma_semaphore, #tpu.memory_space<semaphore_mem>>, %arg18: memref<!tpu.dma_semaphore, #tpu.memory_space<semaphore_mem>>) attributes {dimension_semantics = [#tpu.dimension_semantics<core_parallel>, #tpu.dimension_semantics<subcore_parallel>], iteration_bounds = array<i64: 2, 16>, scalar_prefetch = 0 : i64, scratch_operands = 12 : i64, tpu.core_type = #tpu.core_type<sc_vector_subcore>, window_params = [{transform_indices = #map}, {transform_indices = #map1}, {transform_indices = #map1}, {transform_indices = #map1}, {transform_indices = #map}]} {
    %mul3A = arith.constant 2 : i32
    %mul3A_0 = arith.muli %arg1, %mul3A : i32
    %add3A = arith.addi %mul3A_0, %arg0 : i32
    %mul3A_1 = arith.constant 2 : i32
    %mul3A_2 = arith.muli %add3A, %mul3A_1 : i32
    %mul3A_3 = arith.constant 128 : i32
    %mul3A_4 = arith.muli %mul3A_2, %mul3A_3 : i32
    "tpu.region"() ({
      %run_scoped3A = tpu.sem_alloc : memref<!tpu.dma_semaphore, #tpu.memory_space<semaphore_mem>>
      %dma_start3A_3846 = tpu.memref_slice %arg3[%mul3A_4] : memref<8192xi32, #tpu.memory_space<hbm>> -> memref<256xi32, #tpu.memory_space<hbm>>
      %dma_start3A_3847 = tpu.memref_slice %arg3[%mul3A_4] : memref<8192xi32, #tpu.memory_space<hbm>> -> memref<256xi32, #tpu.memory_space<hbm>>
      tpu.enqueue_dma source(%dma_start3A_3847 : memref<256xi32, #tpu.memory_space<hbm>>) target(%arg7 : memref<256xi32, #tpu.memory_space<vmem>>) target_semaphore(%run_scoped3A : memref<!tpu.dma_semaphore, #tpu.memory_space<semaphore_mem>>)
      %dma_wait3A_3848 = tpu.memref_slice %arg3[%mul3A_4] : memref<8192xi32, #tpu.memory_space<hbm>> -> memref<256xi32, #tpu.memory_space<hbm>>
      %dma_wait3A_3849 = tpu.memref_slice %arg3[%mul3A_4] : memref<8192xi32, #tpu.memory_space<hbm>> -> memref<256xi32, #tpu.memory_space<hbm>>
      tpu.wait_dma2 semaphore(%run_scoped3A : memref<!tpu.dma_semaphore, #tpu.memory_space<semaphore_mem>>) src(%dma_wait3A_3849 : memref<256xi32, #tpu.memory_space<hbm>>) dst(%arg7 : memref<256xi32, #tpu.memory_space<vmem>>)
      tpu.yield
    }) : () -> ()
    %mul3A_5 = arith.constant 128 : i32
    %mul3A_6 = arith.muli %mul3A_2, %mul3A_5 : i32
    "tpu.region"() ({
      %run_scoped3A = tpu.sem_alloc : memref<!tpu.dma_semaphore, #tpu.memory_space<semaphore_mem>>
      %dma_start3A_3846 = tpu.memref_slice %arg4[%mul3A_6] : memref<8192xi32, #tpu.memory_space<hbm>> -> memref<256xi32, #tpu.memory_space<hbm>>
      %dma_start3A_3847 = tpu.memref_slice %arg4[%mul3A_6] : memref<8192xi32, #tpu.memory_space<hbm>> -> memref<256xi32, #tpu.memory_space<hbm>>
      tpu.enqueue_dma source(%dma_start3A_3847 : memref<256xi32, #tpu.memory_space<hbm>>) target(%arg8 : memref<256xi32, #tpu.memory_space<vmem>>) target_semaphore(%run_scoped3A : memref<!tpu.dma_semaphore, #tpu.memory_space<semaphore_mem>>)
      %dma_wait3A_3848 = tpu.memref_slice %arg4[%mul3A_6] : memref<8192xi32, #tpu.memory_space<hbm>> -> memref<256xi32, #tpu.memory_space<hbm>>
      %dma_wait3A_3849 = tpu.memref_slice %arg4[%mul3A_6] : memref<8192xi32, #tpu.memory_space<hbm>> -> memref<256xi32, #tpu.memory_space<hbm>>
      tpu.wait_dma2 semaphore(%run_scoped3A : memref<!tpu.dma_semaphore, #tpu.memory_space<semaphore_mem>>) src(%dma_wait3A_3849 : memref<256xi32, #tpu.memory_space<hbm>>) dst(%arg8 : memref<256xi32, #tpu.memory_space<vmem>>)
      tpu.yield
    }) : () -> ()
    %mul3A_7 = arith.constant 128 : i32
    %mul3A_8 = arith.muli %mul3A_2, %mul3A_7 : i32
    %mul3A_9 = arith.constant 4 : i32
    %mul3A_10 = arith.muli %mul3A_8, %mul3A_9 : i32
    "tpu.region"() ({
      %run_scoped3A = tpu.sem_alloc : memref<!tpu.dma_semaphore, #tpu.memory_space<semaphore_mem>>
      %dma_start3A_3846 = tpu.memref_slice %arg5[%mul3A_10] : memref<32768xf32, #tpu.memory_space<hbm>> -> memref<1024xf32, #tpu.memory_space<hbm>>
      %dma_start3A_3847 = tpu.memref_slice %arg5[%mul3A_10] : memref<32768xf32, #tpu.memory_space<hbm>> -> memref<1024xf32, #tpu.memory_space<hbm>>
      tpu.enqueue_dma source(%dma_start3A_3847 : memref<1024xf32, #tpu.memory_space<hbm>>) target(%arg14 : memref<1024xf32, #tpu.memory_space<vmem>>) target_semaphore(%run_scoped3A : memref<!tpu.dma_semaphore, #tpu.memory_space<semaphore_mem>>)
      %dma_wait3A_3848 = tpu.memref_slice %arg5[%mul3A_10] : memref<32768xf32, #tpu.memory_space<hbm>> -> memref<1024xf32, #tpu.memory_space<hbm>>
      %dma_wait3A_3849 = tpu.memref_slice %arg5[%mul3A_10] : memref<32768xf32, #tpu.memory_space<hbm>> -> memref<1024xf32, #tpu.memory_space<hbm>>
      tpu.wait_dma2 semaphore(%run_scoped3A : memref<!tpu.dma_semaphore, #tpu.memory_space<semaphore_mem>>) src(%dma_wait3A_3849 : memref<1024xf32, #tpu.memory_space<hbm>>) dst(%arg14 : memref<1024xf32, #tpu.memory_space<vmem>>)
      tpu.yield
    }) : () -> ()
    %iota3A = tpu.iota {dimensions = array<i32: 0>} : vector<16xi32>
    %get3A = arith.constant 0 : index
    %get3A_11 = tpu.vector_load %arg7[%get3A] {strides = array<i32>} : memref<256xi32, #tpu.memory_space<vmem>>, vector<16xi32>,
    %shift_right_arithmetic3A = arith.constant 8 : i32
    %shift_right_arithmetic3A_12 = vector.broadcast %shift_right_arithmetic3A : i32 to vector<16xi32>
    %shift_right_arithmetic3A_13 = arith.shrsi %get3A_11, %shift_right_arithmetic3A_12 : vector<16xi32>
    %add3A_14 = arith.constant 0 : i32
    %add3A_15 = arith.addi %mul3A_2, %add3A_14 : i32
    %mul3A_16 = arith.constant 4 : i32
    %mul3A_17 = arith.muli %add3A_15, %mul3A_16 : i32
    %add3A_18 = arith.constant 0 : i32
    %add3A_19 = arith.addi %mul3A_17, %add3A_18 : i32
    %mul3A_20 = arith.constant 256 : i32
    %mul3A_21 = arith.muli %add3A_19, %mul3A_20 : i32
    %add3A_22 = vector.broadcast %mul3A_21 : i32 to vector<16xi32>
    %add3A_23 = arith.addi %shift_right_arithmetic3A_13, %add3A_22 : vector<16xi32>
    %swap3A = arith.constant 0 : i32
    %swap3A_24 = arith.index_cast %swap3A : i32 to index
    %swap3A_25 = arith.constant 0 : index
    %swap3A_26 = tpu.vector_load %arg9[%swap3A_24, %swap3A_25] {strides = array<i32>} : memref<8x128xi32, #tpu.memory_space<vmem>>, vector<16xi32>,
    tpu.vector_store %arg9[%swap3A_24, %swap3A_25], %add3A_23 {strides = array<i32>} : memref<8x128xi32, #tpu.memory_space<vmem>>, vector<16xi32>,
    %add3A_27 = arith.constant 0 : i32
    %add3A_28 = arith.addi %mul3A_2, %add3A_27 : i32
    %mul3A_29 = arith.constant 4 : i32
    %mul3A_30 = arith.muli %add3A_28, %mul3A_29 : i32
    %add3A_31 = arith.constant 1 : i32
    %add3A_32 = arith.addi %mul3A_30, %add3A_31 : i32
    %mul3A_33 = arith.constant 256 : i32
    %mul3A_34 = arith.muli %add3A_32, %mul3A_33 : i32
    %add3A_35 = vector.broadcast %mul3A_34 : i32 to vector<16xi32>
    %add3A_36 = arith.addi %shift_right_arithmetic3A_13, %add3A_35 : vector<16xi32>
    %swap3A_37 = arith.constant 1 : i32
    %swap3A_38 = arith.index_cast %swap3A_37 : i32 to index
    %swap3A_39 = arith.constant 0 : index
    %swap3A_40 = tpu.vector_load %arg9[%swap3A_38, %swap3A_39] {strides = array<i32>} : memref<8x128xi32, #tpu.memory_space<vmem>>, vector<16xi32>,
    tpu.vector_store %arg9[%swap3A_38, %swap3A_39], %add3A_36 {strides = array<i32>} : memref<8x128xi32, #tpu.memory_space<vmem>>, vector<16xi32>,
    %add3A_41 = arith.constant 0 : i32
    %add3A_42 = arith.addi %mul3A_2, %add3A_41 : i32
    %mul3A_43 = arith.constant 4 : i32
    %mul3A_44 = arith.muli %add3A_42, %mul3A_43 : i32
    %add3A_45 = arith.constant 2 : i32
    %add3A_46 = arith.addi %mul3A_44, %add3A_45 : i32
    %mul3A_47 = arith.constant 256 : i32
    %mul3A_48 = arith.muli %add3A_46, %mul3A_47 : i32
    %add3A_49 = vector.broadcast %mul3A_48 : i32 to vector<16xi32>
    %add3A_50 = arith.addi %shift_right_arithmetic3A_13, %add3A_49 : vector<16xi32>
    %swap3A_51 = arith.constant 2 : i32
    %swap3A_52 = arith.index_cast %swap3A_51 : i32 to index
    %swap3A_53 = arith.constant 0 : index
    %swap3A_54 = tpu.vector_load %arg9[%swap3A_52, %swap3A_53] {strides = array<i32>} : memref<8x128xi32, #tpu.memory_space<vmem>>, vector<16xi32>,
    tpu.vector_store %arg9[%swap3A_52, %swap3A_53], %add3A_50 {strides = array<i32>} : memref<8x128xi32, #tpu.memory_space<vmem>>, vector<16xi32>,
    %add3A_55 = arith.constant 0 : i32
    %add3A_56 = arith.addi %mul3A_2, %add3A_55 : i32
    %mul3A_57 = arith.constant 4 : i32
    %mul3A_58 = arith.muli %add3A_56, %mul3A_57 : i32
    %add3A_59 = arith.constant 3 : i32
    %add3A_60 = arith.addi %mul3A_58, %add3A_59 : i32
    %mul3A_61 = arith.constant 256 : i32
    %mul3A_62 = arith.muli %add3A_60, %mul3A_61 : i32
    %add3A_63 = vector.broadcast %mul3A_62 : i32 to vector<16xi32>
    %add3A_64 = arith.addi %shift_right_arithmetic3A_13, %add3A_63 : vector<16xi32>
    %swap3A_65 = arith.constant 3 : i32
    %swap3A_66 = arith.index_cast %swap3A_65 : i32 to index
    %swap3A_67 = arith.constant 0 : index
    %swap3A_68 = tpu.vector_load %arg9[%swap3A_66, %swap3A_67] {strides = array<i32>} : memref<8x128xi32, #tpu.memory_space<vmem>>, vector<16xi32>,
    tpu.vector_store %arg9[%swap3A_66, %swap3A_67], %add3A_64 {strides = array<i32>} : memref<8x128xi32, #tpu.memory_space<vmem>>, vector<16xi32>,
    %get3A_69 = arith.constant 16 : index
    %get3A_70 = tpu.vector_load %arg7[%get3A_69] {strides = array<i32>} : memref<256xi32, #tpu.memory_space<vmem>>, vector<16xi32>,
    %shift_right_arithmetic3A_71 = arith.constant 8 : i32
    %shift_right_arithmetic3A_72 = vector.broadcast %shift_right_arithmetic3A_71 : i32 to vector<16xi32>
    %shift_right_arithmetic3A_73 = arith.shrsi %get3A_70, %shift_right_arithmetic3A_72 : vector<16xi32>
    %add3A_74 = arith.constant 0 : i32
    %add3A_75 = arith.addi %mul3A_2, %add3A_74 : i32
    %mul3A_76 = arith.constant 4 : i32
    %mul3A_77 = arith.muli %add3A_75, %mul3A_76 : i32
    %add3A_78 = arith.constant 0 : i32
    %add3A_79 = arith.addi %mul3A_77, %add3A_78 : i32
    %mul3A_80 = arith.constant 256 : i32
    %mul3A_81 = arith.muli %add3A_79, %mul3A_80 : i32
    %add3A_82 = vector.broadcast %mul3A_81 : i32 to vector<16xi32>
    %add3A_83 = arith.addi %shift_right_arithmetic3A_73, %add3A_82 : vector<16xi32>
    %swap3A_84 = arith.constant 0 : i32
    %swap3A_85 = arith.index_cast %swap3A_84 : i32 to index
    %swap3A_86 = arith.constant 16 : index
    %swap3A_87 = tpu.vector_load %arg9[%swap3A_85, %swap3A_86] {strides = array<i32>} : memref<8x128xi32, #tpu.memory_space<vmem>>, vector<16xi32>,
    tpu.vector_store %arg9[%swap3A_85, %swap3A_86], %add3A_83 {strides = array<i32>} : memref<8x128xi32, #tpu.memory_space<vmem>>, vector<16xi32>,
    %add3A_88 = arith.constant 0 : i32
    %add3A_89 = arith.addi %mul3A_2, %add3A_88 : i32
    %mul3A_90 = arith.constant 4 : i32
    %mul3A_91 = arith.muli %add3A_89, %mul3A_90 : i32
    %add3A_92 = arith.constant 1 : i32
    %add3A_93 = arith.addi %mul3A_91, %add3A_92 : i32
    %mul3A_94 = arith.constant 256 : i32
    %mul3A_95 = arith.muli %add3A_93, %mul3A_94 : i32
    %add3A_96 = vector.broadcast %mul3A_95 : i32 to vector<16xi32>
    %add3A_97 = arith.addi %shift_right_arithmetic3A_73, %add3A_96 : vector<16xi32>
    %swap3A_98 = arith.constant 1 : i32
    %swap3A_99 = arith.index_cast %swap3A_98 : i32 to index
    %swap3A_100 = arith.constant 16 : index
    %swap3A_101 = tpu.vector_load %arg9[%swap3A_99, %swap3A_100] {strides = array<i32>} : memref<8x128xi32, #tpu.memory_space<vmem>>, vector<16xi32>,
    tpu.vector_store %arg9[%swap3A_99, %swap3A_100], %add3A_97 {strides = array<i32>} : memref<8x128xi32, #tpu.memory_space<vmem>>, vector<16xi32>,
    %add3A_102 = arith.constant 0 : i32
    %add3A_103 = arith.addi %mul3A_2, %add3A_102 : i32
    %mul3A_104 = arith.constant 4 : i32
    %mul3A_105 = arith.muli %add3A_103, %mul3A_104 : i32
    %add3A_106 = arith.constant 2 : i32
    %add3A_107 = arith.addi %mul3A_105, %add3A_106 : i32
    %mul3A_108 = arith.constant 256 : i32
    %mul3A_109 = arith.muli %add3A_107, %mul3A_108 : i32
    %add3A_110 = vector.broadcast %mul3A_109 : i32 to vector<16xi32>
    %add3A_111 = arith.addi %shift_right_arithmetic3A_73, %add3A_110 : vector<16xi32>
    %swap3A_112 = arith.constant 2 : i32
    %swap3A_113 = arith.index_cast %swap3A_112 : i32 to index
    %swap3A_114 = arith.constant 16 : index
    %swap3A_115 = tpu.vector_load %arg9[%swap3A_113, %swap3A_114] {strides = array<i32>} : memref<8x128xi32, #tpu.memory_space<vmem>>, vector<16xi32>,
    tpu.vector_store %arg9[%swap3A_113, %swap3A_114], %add3A_111 {strides = array<i32>} : memref<8x128xi32, #tpu.memory_space<vmem>>, vector<16xi32>,
    %add3A_116 = arith.constant 0 : i32
    %add3A_117 = arith.addi %mul3A_2, %add3A_116 : i32
    %mul3A_118 = arith.constant 4 : i32
    %mul3A_119 = arith.muli %add3A_117, %mul3A_118 : i32
    %add3A_120 = arith.constant 3 : i32
    %add3A_121 = arith.addi %mul3A_119, %add3A_120 : i32
    %mul3A_122 = arith.constant 256 : i32
    %mul3A_123 = arith.muli %add3A_121, %mul3A_122 : i32
    %add3A_124 = vector.broadcast %mul3A_123 : i32 to vector<16xi32>
    %add3A_125 = arith.addi %shift_right_arithmetic3A_73, %add3A_124 : vector<16xi32>
    %swap3A_126 = arith.constant 3 : i32
    %swap3A_127 = arith.index_cast %swap3A_126 : i32 to index
    %swap3A_128 = arith.constant 16 : index
    %swap3A_129 = tpu.vector_load %arg9[%swap3A_127, %swap3A_128] {strides = array<i32>} : memref<8x128xi32, #tpu.memory_space<vmem>>, vector<16xi32>,
    tpu.vector_store %arg9[%swap3A_127, %swap3A_128], %add3A_125 {strides = array<i32>} : memref<8x128xi32, #tpu.memory_space<vmem>>, vector<16xi32>,
    %get3A_130 = arith.constant 32 : index
    %get3A_131 = tpu.vector_load %arg7[%get3A_130] {strides = array<i32>} : memref<256xi32, #tpu.memory_space<vmem>>, vector<16xi32>,
    %shift_right_arithmetic3A_132 = arith.constant 8 : i32
    %shift_right_arithmetic3A_133 = vector.broadcast %shift_right_arithmetic3A_132 : i32 to vector<16xi32>
    %shift_right_arithmetic3A_134 = arith.shrsi %get3A_131, %shift_right_arithmetic3A_133 : vector<16xi32>
    %add3A_135 = arith.constant 0 : i32
    %add3A_136 = arith.addi %mul3A_2, %add3A_135 : i32
    %mul3A_137 = arith.constant 4 : i32
    %mul3A_138 = arith.muli %add3A_136, %mul3A_137 : i32
    %add3A_139 = arith.constant 0 : i32
    %add3A_140 = arith.addi %mul3A_138, %add3A_139 : i32
    %mul3A_141 = arith.constant 256 : i32
    %mul3A_142 = arith.muli %add3A_140, %mul3A_141 : i32
    %add3A_143 = vector.broadcast %mul3A_142 : i32 to vector<16xi32>
    %add3A_144 = arith.addi %shift_right_arithmetic3A_134, %add3A_143 : vector<16xi32>
    %swap3A_145 = arith.constant 0 : i32
    %swap3A_146 = arith.index_cast %swap3A_145 : i32 to index
    %swap3A_147 = arith.constant 32 : index
    %swap3A_148 = tpu.vector_load %arg9[%swap3A_146, %swap3A_147] {strides = array<i32>} : memref<8x128xi32, #tpu.memory_space<vmem>>, vector<16xi32>,
    tpu.vector_store %arg9[%swap3A_146, %swap3A_147], %add3A_144 {strides = array<i32>} : memref<8x128xi32, #tpu.memory_space<vmem>>, vector<16xi32>,
    %add3A_149 = arith.constant 0 : i32
    %add3A_150 = arith.addi %mul3A_2, %add3A_149 : i32
    %mul3A_151 = arith.constant 4 : i32
    %mul3A_152 = arith.muli %add3A_150, %mul3A_151 : i32
    %add3A_153 = arith.constant 1 : i32
    %add3A_154 = arith.addi %mul3A_152, %add3A_153 : i32
    %mul3A_155 = arith.constant 256 : i32
    %mul3A_156 = arith.muli %add3A_154, %mul3A_155 : i32
    %add3A_157 = vector.broadcast %mul3A_156 : i32 to vector<16xi32>
    %add3A_158 = arith.addi %shift_right_arithmetic3A_134, %add3A_157 : vector<16xi32>
    %swap3A_159 = arith.constant 1 : i32
    %swap3A_160 = arith.index_cast %swap3A_159 : i32 to index
    %swap3A_161 = arith.constant 32 : index
    %swap3A_162 = tpu.vector_load %arg9[%swap3A_160, %swap3A_161] {strides = array<i32>} : memref<8x128xi32, #tpu.memory_space<vmem>>, vector<16xi32>,
    tpu.vector_store %arg9[%swap3A_160, %swap3A_161], %add3A_158 {strides = array<i32>} : memref<8x128xi32, #tpu.memory_space<vmem>>, vector<16xi32>,
    %add3A_163 = arith.constant 0 : i32
    %add3A_164 = arith.addi %mul3A_2, %add3A_163 : i32
    %mul3A_165 = arith.constant 4 : i32
    %mul3A_166 = arith.muli %add3A_164, %mul3A_165 : i32
    %add3A_167 = arith.constant 2 : i32
    %add3A_168 = arith.addi %mul3A_166, %add3A_167 : i32
    %mul3A_169 = arith.constant 256 : i32
    %mul3A_170 = arith.muli %add3A_168, %mul3A_169 : i32
    %add3A_171 = vector.broadcast %mul3A_170 : i32 to vector<16xi32>
    %add3A_172 = arith.addi %shift_right_arithmetic3A_134, %add3A_171 : vector<16xi32>
    %swap3A_173 = arith.constant 2 : i32
    %swap3A_174 = arith.index_cast %swap3A_173 : i32 to index
    %swap3A_175 = arith.constant 32 : index
    %swap3A_176 = tpu.vector_load %arg9[%swap3A_174, %swap3A_175] {strides = array<i32>} : memref<8x128xi32, #tpu.memory_space<vmem>>, vector<16xi32>,
    tpu.vector_store %arg9[%swap3A_174, %swap3A_175], %add3A_172 {strides = array<i32>} : memref<8x128xi32, #tpu.memory_space<vmem>>, vector<16xi32>,
    %add3A_177 = arith.constant 0 : i32
    %add3A_178 = arith.addi %mul3A_2, %add3A_177 : i32
    %mul3A_179 = arith.constant 4 : i32
    %mul3A_180 = arith.muli %add3A_178, %mul3A_179 : i32
    %add3A_181 = arith.constant 3 : i32
    %add3A_182 = arith.addi %mul3A_180, %add3A_181 : i32
    %mul3A_183 = arith.constant 256 : i32
    %mul3A_184 = arith.muli %add3A_182, %mul3A_183 : i32
    %add3A_185 = vector.broadcast %mul3A_184 : i32 to vector<16xi32>
    %add3A_186 = arith.addi %shift_right_arithmetic3A_134, %add3A_185 : vector<16xi32>
    %swap3A_187 = arith.constant 3 : i32
    %swap3A_188 = arith.index_cast %swap3A_187 : i32 to index
    %swap3A_189 = arith.constant 32 : index
    %swap3A_190 = tpu.vector_load %arg9[%swap3A_188, %swap3A_189] {strides = array<i32>} : memref<8x128xi32, #tpu.memory_space<vmem>>, vector<16xi32>,
    tpu.vector_store %arg9[%swap3A_188, %swap3A_189], %add3A_186 {strides = array<i32>} : memref<8x128xi32, #tpu.memory_space<vmem>>, vector<16xi32>,
    %get3A_191 = arith.constant 48 : index
    %get3A_192 = tpu.vector_load %arg7[%get3A_191] {strides = array<i32>} : memref<256xi32, #tpu.memory_space<vmem>>, vector<16xi32>,
    %shift_right_arithmetic3A_193 = arith.constant 8 : i32
    %shift_right_arithmetic3A_194 = vector.broadcast %shift_right_arithmetic3A_193 : i32 to vector<16xi32>
    %shift_right_arithmetic3A_195 = arith.shrsi %get3A_192, %shift_right_arithmetic3A_194 : vector<16xi32>
    %add3A_196 = arith.constant 0 : i32
    %add3A_197 = arith.addi %mul3A_2, %add3A_196 : i32
    %mul3A_198 = arith.constant 4 : i32
    %mul3A_199 = arith.muli %add3A_197, %mul3A_198 : i32
    %add3A_200 = arith.constant 0 : i32
    %add3A_201 = arith.addi %mul3A_199, %add3A_200 : i32
    %mul3A_202 = arith.constant 256 : i32
    %mul3A_203 = arith.muli %add3A_201, %mul3A_202 : i32
    %add3A_204 = vector.broadcast %mul3A_203 : i32 to vector<16xi32>
    %add3A_205 = arith.addi %shift_right_arithmetic3A_195, %add3A_204 : vector<16xi32>
    %swap3A_206 = arith.constant 0 : i32
    %swap3A_207 = arith.index_cast %swap3A_206 : i32 to index
    %swap3A_208 = arith.constant 48 : index
    %swap3A_209 = tpu.vector_load %arg9[%swap3A_207, %swap3A_208] {strides = array<i32>} : memref<8x128xi32, #tpu.memory_space<vmem>>, vector<16xi32>,
    tpu.vector_store %arg9[%swap3A_207, %swap3A_208], %add3A_205 {strides = array<i32>} : memref<8x128xi32, #tpu.memory_space<vmem>>, vector<16xi32>,
    %add3A_210 = arith.constant 0 : i32
    %add3A_211 = arith.addi %mul3A_2, %add3A_210 : i32
    %mul3A_212 = arith.constant 4 : i32
    %mul3A_213 = arith.muli %add3A_211, %mul3A_212 : i32
    %add3A_214 = arith.constant 1 : i32
    %add3A_215 = arith.addi %mul3A_213, %add3A_214 : i32
    %mul3A_216 = arith.constant 256 : i32
    %mul3A_217 = arith.muli %add3A_215, %mul3A_216 : i32
    %add3A_218 = vector.broadcast %mul3A_217 : i32 to vector<16xi32>
    %add3A_219 = arith.addi %shift_right_arithmetic3A_195, %add3A_218 : vector<16xi32>
    %swap3A_220 = arith.constant 1 : i32
    %swap3A_221 = arith.index_cast %swap3A_220 : i32 to index
    %swap3A_222 = arith.constant 48 : index
    %swap3A_223 = tpu.vector_load %arg9[%swap3A_221, %swap3A_222] {strides = array<i32>} : memref<8x128xi32, #tpu.memory_space<vmem>>, vector<16xi32>,
    tpu.vector_store %arg9[%swap3A_221, %swap3A_222], %add3A_219 {strides = array<i32>} : memref<8x128xi32, #tpu.memory_space<vmem>>, vector<16xi32>,
    %add3A_224 = arith.constant 0 : i32
    %add3A_225 = arith.addi %mul3A_2, %add3A_224 : i32
    %mul3A_226 = arith.constant 4 : i32
    %mul3A_227 = arith.muli %add3A_225, %mul3A_226 : i32
    %add3A_228 = arith.constant 2 : i32
    %add3A_229 = arith.addi %mul3A_227, %add3A_228 : i32
    %mul3A_230 = arith.constant 256 : i32
    %mul3A_231 = arith.muli %add3A_229, %mul3A_230 : i32
    %add3A_232 = vector.broadcast %mul3A_231 : i32 to vector<16xi32>
    %add3A_233 = arith.addi %shift_right_arithmetic3A_195, %add3A_232 : vector<16xi32>
    %swap3A_234 = arith.constant 2 : i32
    %swap3A_235 = arith.index_cast %swap3A_234 : i32 to index
    %swap3A_236 = arith.constant 48 : index
    %swap3A_237 = tpu.vector_load %arg9[%swap3A_235, %swap3A_236] {strides = array<i32>} : memref<8x128xi32, #tpu.memory_space<vmem>>, vector<16xi32>,
    tpu.vector_store %arg9[%swap3A_235, %swap3A_236], %add3A_233 {strides = array<i32>} : memref<8x128xi32, #tpu.memory_space<vmem>>, vector<16xi32>,
    %add3A_238 = arith.constant 0 : i32
    %add3A_239 = arith.addi %mul3A_2, %add3A_238 : i32
    %mul3A_240 = arith.constant 4 : i32
    %mul3A_241 = arith.muli %add3A_239, %mul3A_240 : i32
    %add3A_242 = arith.constant 3 : i32
    %add3A_243 = arith.addi %mul3A_241, %add3A_242 : i32
    %mul3A_244 = arith.constant 256 : i32
    %mul3A_245 = arith.muli %add3A_243, %mul3A_244 : i32
    %add3A_246 = vector.broadcast %mul3A_245 : i32 to vector<16xi32>
    %add3A_247 = arith.addi %shift_right_arithmetic3A_195, %add3A_246 : vector<16xi32>
    %swap3A_248 = arith.constant 3 : i32
    %swap3A_249 = arith.index_cast %swap3A_248 : i32 to index
    %swap3A_250 = arith.constant 48 : index
    %swap3A_251 = tpu.vector_load %arg9[%swap3A_249, %swap3A_250] {strides = array<i32>} : memref<8x128xi32, #tpu.memory_space<vmem>>, vector<16xi32>,
    tpu.vector_store %arg9[%swap3A_249, %swap3A_250], %add3A_247 {strides = array<i32>} : memref<8x128xi32, #tpu.memory_space<vmem>>, vector<16xi32>,
    %get3A_252 = arith.constant 64 : index
    %get3A_253 = tpu.vector_load %arg7[%get3A_252] {strides = array<i32>} : memref<256xi32, #tpu.memory_space<vmem>>, vector<16xi32>,
    %shift_right_arithmetic3A_254 = arith.constant 8 : i32
    %shift_right_arithmetic3A_255 = vector.broadcast %shift_right_arithmetic3A_254 : i32 to vector<16xi32>
    %shift_right_arithmetic3A_256 = arith.shrsi %get3A_253, %shift_right_arithmetic3A_255 : vector<16xi32>
    %add3A_257 = arith.constant 0 : i32
    %add3A_258 = arith.addi %mul3A_2, %add3A_257 : i32
    %mul3A_259 = arith.constant 4 : i32
    %mul3A_260 = arith.muli %add3A_258, %mul3A_259 : i32
    %add3A_261 = arith.constant 0 : i32
    %add3A_262 = arith.addi %mul3A_260, %add3A_261 : i32
    %mul3A_263 = arith.constant 256 : i32
    %mul3A_264 = arith.muli %add3A_262, %mul3A_263 : i32
    %add3A_265 = vector.broadcast %mul3A_264 : i32 to vector<16xi32>
    %add3A_266 = arith.addi %shift_right_arithmetic3A_256, %add3A_265 : vector<16xi32>
    %swap3A_267 = arith.constant 0 : i32
    %swap3A_268 = arith.index_cast %swap3A_267 : i32 to index
    %swap3A_269 = arith.constant 64 : index
    %swap3A_270 = tpu.vector_load %arg9[%swap3A_268, %swap3A_269] {strides = array<i32>} : memref<8x128xi32, #tpu.memory_space<vmem>>, vector<16xi32>,
    tpu.vector_store %arg9[%swap3A_268, %swap3A_269], %add3A_266 {strides = array<i32>} : memref<8x128xi32, #tpu.memory_space<vmem>>, vector<16xi32>,
    %add3A_271 = arith.constant 0 : i32
    %add3A_272 = arith.addi %mul3A_2, %add3A_271 : i32
    %mul3A_273 = arith.constant 4 : i32
    %mul3A_274 = arith.muli %add3A_272, %mul3A_273 : i32
    %add3A_275 = arith.constant 1 : i32
    %add3A_276 = arith.addi %mul3A_274, %add3A_275 : i32
    %mul3A_277 = arith.constant 256 : i32
    %mul3A_278 = arith.muli %add3A_276, %mul3A_277 : i32
    %add3A_279 = vector.broadcast %mul3A_278 : i32 to vector<16xi32>
    %add3A_280 = arith.addi %shift_right_arithmetic3A_256, %add3A_279 : vector<16xi32>
    %swap3A_281 = arith.constant 1 : i32
    %swap3A_282 = arith.index_cast %swap3A_281 : i32 to index
    %swap3A_283 = arith.constant 64 : index
    %swap3A_284 = tpu.vector_load %arg9[%swap3A_282, %swap3A_283] {strides = array<i32>} : memref<8x128xi32, #tpu.memory_space<vmem>>, vector<16xi32>,
    tpu.vector_store %arg9[%swap3A_282, %swap3A_283], %add3A_280 {strides = array<i32>} : memref<8x128xi32, #tpu.memory_space<vmem>>, vector<16xi32>,
    %add3A_285 = arith.constant 0 : i32
    %add3A_286 = arith.addi %mul3A_2, %add3A_285 : i32
    %mul3A_287 = arith.constant 4 : i32
    %mul3A_288 = arith.muli %add3A_286, %mul3A_287 : i32
    %add3A_289 = arith.constant 2 : i32
    %add3A_290 = arith.addi %mul3A_288, %add3A_289 : i32
    %mul3A_291 = arith.constant 256 : i32
    %mul3A_292 = arith.muli %add3A_290, %mul3A_291 : i32
    %add3A_293 = vector.broadcast %mul3A_292 : i32 to vector<16xi32>
    %add3A_294 = arith.addi %shift_right_arithmetic3A_256, %add3A_293 : vector<16xi32>
    %swap3A_295 = arith.constant 2 : i32
    %swap3A_296 = arith.index_cast %swap3A_295 : i32 to index
    %swap3A_297 = arith.constant 64 : index
    %swap3A_298 = tpu.vector_load %arg9[%swap3A_296, %swap3A_297] {strides = array<i32>} : memref<8x128xi32, #tpu.memory_space<vmem>>, vector<16xi32>,
    tpu.vector_store %arg9[%swap3A_296, %swap3A_297], %add3A_294 {strides = array<i32>} : memref<8x128xi32, #tpu.memory_space<vmem>>, vector<16xi32>,
    %add3A_299 = arith.constant 0 : i32
    %add3A_300 = arith.addi %mul3A_2, %add3A_299 : i32
    %mul3A_301 = arith.constant 4 : i32
    %mul3A_302 = arith.muli %add3A_300, %mul3A_301 : i32
    %add3A_303 = arith.constant 3 : i32
    %add3A_304 = arith.addi %mul3A_302, %add3A_303 : i32
    %mul3A_305 = arith.constant 256 : i32
    %mul3A_306 = arith.muli %add3A_304, %mul3A_305 : i32
    %add3A_307 = vector.broadcast %mul3A_306 : i32 to vector<16xi32>
    %add3A_308 = arith.addi %shift_right_arithmetic3A_256, %add3A_307 : vector<16xi32>
    %swap3A_309 = arith.constant 3 : i32
    %swap3A_310 = arith.index_cast %swap3A_309 : i32 to index
    %swap3A_311 = arith.constant 64 : index
    %swap3A_312 = tpu.vector_load %arg9[%swap3A_310, %swap3A_311] {strides = array<i32>} : memref<8x128xi32, #tpu.memory_space<vmem>>, vector<16xi32>,
    tpu.vector_store %arg9[%swap3A_310, %swap3A_311], %add3A_308 {strides = array<i32>} : memref<8x128xi32, #tpu.memory_space<vmem>>, vector<16xi32>,
    %get3A_313 = arith.constant 80 : index
    %get3A_314 = tpu.vector_load %arg7[%get3A_313] {strides = array<i32>} : memref<256xi32, #tpu.memory_space<vmem>>, vector<16xi32>,
    %shift_right_arithmetic3A_315 = arith.constant 8 : i32
    %shift_right_arithmetic3A_316 = vector.broadcast %shift_right_arithmetic3A_315 : i32 to vector<16xi32>
    %shift_right_arithmetic3A_317 = arith.shrsi %get3A_314, %shift_right_arithmetic3A_316 : vector<16xi32>
    %add3A_318 = arith.constant 0 : i32
    %add3A_319 = arith.addi %mul3A_2, %add3A_318 : i32
    %mul3A_320 = arith.constant 4 : i32
    %mul3A_321 = arith.muli %add3A_319, %mul3A_320 : i32
    %add3A_322 = arith.constant 0 : i32
    %add3A_323 = arith.addi %mul3A_321, %add3A_322 : i32
    %mul3A_324 = arith.constant 256 : i32
    %mul3A_325 = arith.muli %add3A_323, %mul3A_324 : i32
    %add3A_326 = vector.broadcast %mul3A_325 : i32 to vector<16xi32>
    %add3A_327 = arith.addi %shift_right_arithmetic3A_317, %add3A_326 : vector<16xi32>
    %swap3A_328 = arith.constant 0 : i32
    %swap3A_329 = arith.index_cast %swap3A_328 : i32 to index
    %swap3A_330 = arith.constant 80 : index
    %swap3A_331 = tpu.vector_load %arg9[%swap3A_329, %swap3A_330] {strides = array<i32>} : memref<8x128xi32, #tpu.memory_space<vmem>>, vector<16xi32>,
    tpu.vector_store %arg9[%swap3A_329, %swap3A_330], %add3A_327 {strides = array<i32>} : memref<8x128xi32, #tpu.memory_space<vmem>>, vector<16xi32>,
    %add3A_332 = arith.constant 0 : i32
    %add3A_333 = arith.addi %mul3A_2, %add3A_332 : i32
    %mul3A_334 = arith.constant 4 : i32
    %mul3A_335 = arith.muli %add3A_333, %mul3A_334 : i32
    %add3A_336 = arith.constant 1 : i32
    %add3A_337 = arith.addi %mul3A_335, %add3A_336 : i32
    %mul3A_338 = arith.constant 256 : i32
    %mul3A_339 = arith.muli %add3A_337, %mul3A_338 : i32
    %add3A_340 = vector.broadcast %mul3A_339 : i32 to vector<16xi32>
    %add3A_341 = arith.addi %shift_right_arithmetic3A_317, %add3A_340 : vector<16xi32>
    %swap3A_342 = arith.constant 1 : i32
    %swap3A_343 = arith.index_cast %swap3A_342 : i32 to index
    %swap3A_344 = arith.constant 80 : index
    %swap3A_345 = tpu.vector_load %arg9[%swap3A_343, %swap3A_344] {strides = array<i32>} : memref<8x128xi32, #tpu.memory_space<vmem>>, vector<16xi32>,
    tpu.vector_store %arg9[%swap3A_343, %swap3A_344], %add3A_341 {strides = array<i32>} : memref<8x128xi32, #tpu.memory_space<vmem>>, vector<16xi32>,
    %add3A_346 = arith.constant 0 : i32
    %add3A_347 = arith.addi %mul3A_2, %add3A_346 : i32
    %mul3A_348 = arith.constant 4 : i32
    %mul3A_349 = arith.muli %add3A_347, %mul3A_348 : i32
    %add3A_350 = arith.constant 2 : i32
    %add3A_351 = arith.addi %mul3A_349, %add3A_350 : i32
    %mul3A_352 = arith.constant 256 : i32
    %mul3A_353 = arith.muli %add3A_351, %mul3A_352 : i32
    %add3A_354 = vector.broadcast %mul3A_353 : i32 to vector<16xi32>
    %add3A_355 = arith.addi %shift_right_arithmetic3A_317, %add3A_354 : vector<16xi32>
    %swap3A_356 = arith.constant 2 : i32
    %swap3A_357 = arith.index_cast %swap3A_356 : i32 to index
    %swap3A_358 = arith.constant 80 : index
    %swap3A_359 = tpu.vector_load %arg9[%swap3A_357, %swap3A_358] {strides = array<i32>} : memref<8x128xi32, #tpu.memory_space<vmem>>, vector<16xi32>,
    tpu.vector_store %arg9[%swap3A_357, %swap3A_358], %add3A_355 {strides = array<i32>} : memref<8x128xi32, #tpu.memory_space<vmem>>, vector<16xi32>,
    %add3A_360 = arith.constant 0 : i32
    %add3A_361 = arith.addi %mul3A_2, %add3A_360 : i32
    %mul3A_362 = arith.constant 4 : i32
    %mul3A_363 = arith.muli %add3A_361, %mul3A_362 : i32
    %add3A_364 = arith.constant 3 : i32
    %add3A_365 = arith.addi %mul3A_363, %add3A_364 : i32
    %mul3A_366 = arith.constant 256 : i32
    %mul3A_367 = arith.muli %add3A_365, %mul3A_366 : i32
    %add3A_368 = vector.broadcast %mul3A_367 : i32 to vector<16xi32>
    %add3A_369 = arith.addi %shift_right_arithmetic3A_317, %add3A_368 : vector<16xi32>
    %swap3A_370 = arith.constant 3 : i32
    %swap3A_371 = arith.index_cast %swap3A_370 : i32 to index
    %swap3A_372 = arith.constant 80 : index
    %swap3A_373 = tpu.vector_load %arg9[%swap3A_371, %swap3A_372] {strides = array<i32>} : memref<8x128xi32, #tpu.memory_space<vmem>>, vector<16xi32>,
    tpu.vector_store %arg9[%swap3A_371, %swap3A_372], %add3A_369 {strides = array<i32>} : memref<8x128xi32, #tpu.memory_space<vmem>>, vector<16xi32>,
    %get3A_374 = arith.constant 96 : index
    %get3A_375 = tpu.vector_load %arg7[%get3A_374] {strides = array<i32>} : memref<256xi32, #tpu.memory_space<vmem>>, vector<16xi32>,
    %shift_right_arithmetic3A_376 = arith.constant 8 : i32
    %shift_right_arithmetic3A_377 = vector.broadcast %shift_right_arithmetic3A_376 : i32 to vector<16xi32>
    %shift_right_arithmetic3A_378 = arith.shrsi %get3A_375, %shift_right_arithmetic3A_377 : vector<16xi32>
    %add3A_379 = arith.constant 0 : i32
    %add3A_380 = arith.addi %mul3A_2, %add3A_379 : i32
    %mul3A_381 = arith.constant 4 : i32
    %mul3A_382 = arith.muli %add3A_380, %mul3A_381 : i32
    %add3A_383 = arith.constant 0 : i32
    %add3A_384 = arith.addi %mul3A_382, %add3A_383 : i32
    %mul3A_385 = arith.constant 256 : i32
    %mul3A_386 = arith.muli %add3A_384, %mul3A_385 : i32
    %add3A_387 = vector.broadcast %mul3A_386 : i32 to vector<16xi32>
    %add3A_388 = arith.addi %shift_right_arithmetic3A_378, %add3A_387 : vector<16xi32>
    %swap3A_389 = arith.constant 0 : i32
    %swap3A_390 = arith.index_cast %swap3A_389 : i32 to index
    %swap3A_391 = arith.constant 96 : index
    %swap3A_392 = tpu.vector_load %arg9[%swap3A_390, %swap3A_391] {strides = array<i32>} : memref<8x128xi32, #tpu.memory_space<vmem>>, vector<16xi32>,
    tpu.vector_store %arg9[%swap3A_390, %swap3A_391], %add3A_388 {strides = array<i32>} : memref<8x128xi32, #tpu.memory_space<vmem>>, vector<16xi32>,
    %add3A_393 = arith.constant 0 : i32
    %add3A_394 = arith.addi %mul3A_2, %add3A_393 : i32
    %mul3A_395 = arith.constant 4 : i32
    %mul3A_396 = arith.muli %add3A_394, %mul3A_395 : i32
    %add3A_397 = arith.constant 1 : i32
    %add3A_398 = arith.addi %mul3A_396, %add3A_397 : i32
    %mul3A_399 = arith.constant 256 : i32
    %mul3A_400 = arith.muli %add3A_398, %mul3A_399 : i32
    %add3A_401 = vector.broadcast %mul3A_400 : i32 to vector<16xi32>
    %add3A_402 = arith.addi %shift_right_arithmetic3A_378, %add3A_401 : vector<16xi32>
    %swap3A_403 = arith.constant 1 : i32
    %swap3A_404 = arith.index_cast %swap3A_403 : i32 to index
    %swap3A_405 = arith.constant 96 : index
    %swap3A_406 = tpu.vector_load %arg9[%swap3A_404, %swap3A_405] {strides = array<i32>} : memref<8x128xi32, #tpu.memory_space<vmem>>, vector<16xi32>,
    tpu.vector_store %arg9[%swap3A_404, %swap3A_405], %add3A_402 {strides = array<i32>} : memref<8x128xi32, #tpu.memory_space<vmem>>, vector<16xi32>,
    %add3A_407 = arith.constant 0 : i32
    %add3A_408 = arith.addi %mul3A_2, %add3A_407 : i32
    %mul3A_409 = arith.constant 4 : i32
    %mul3A_410 = arith.muli %add3A_408, %mul3A_409 : i32
    %add3A_411 = arith.constant 2 : i32
    %add3A_412 = arith.addi %mul3A_410, %add3A_411 : i32
    %mul3A_413 = arith.constant 256 : i32
    %mul3A_414 = arith.muli %add3A_412, %mul3A_413 : i32
    %add3A_415 = vector.broadcast %mul3A_414 : i32 to vector<16xi32>
    %add3A_416 = arith.addi %shift_right_arithmetic3A_378, %add3A_415 : vector<16xi32>
    %swap3A_417 = arith.constant 2 : i32
    %swap3A_418 = arith.index_cast %swap3A_417 : i32 to index
    %swap3A_419 = arith.constant 96 : index
    %swap3A_420 = tpu.vector_load %arg9[%swap3A_418, %swap3A_419] {strides = array<i32>} : memref<8x128xi32, #tpu.memory_space<vmem>>, vector<16xi32>,
    tpu.vector_store %arg9[%swap3A_418, %swap3A_419], %add3A_416 {strides = array<i32>} : memref<8x128xi32, #tpu.memory_space<vmem>>, vector<16xi32>,
    %add3A_421 = arith.constant 0 : i32
    %add3A_422 = arith.addi %mul3A_2, %add3A_421 : i32
    %mul3A_423 = arith.constant 4 : i32
    %mul3A_424 = arith.muli %add3A_422, %mul3A_423 : i32
    %add3A_425 = arith.constant 3 : i32
    %add3A_426 = arith.addi %mul3A_424, %add3A_425 : i32
    %mul3A_427 = arith.constant 256 : i32
    %mul3A_428 = arith.muli %add3A_426, %mul3A_427 : i32
    %add3A_429 = vector.broadcast %mul3A_428 : i32 to vector<16xi32>
    %add3A_430 = arith.addi %shift_right_arithmetic3A_378, %add3A_429 : vector<16xi32>
    %swap3A_431 = arith.constant 3 : i32
    %swap3A_432 = arith.index_cast %swap3A_431 : i32 to index
    %swap3A_433 = arith.constant 96 : index
    %swap3A_434 = tpu.vector_load %arg9[%swap3A_432, %swap3A_433] {strides = array<i32>} : memref<8x128xi32, #tpu.memory_space<vmem>>, vector<16xi32>,
    tpu.vector_store %arg9[%swap3A_432, %swap3A_433], %add3A_430 {strides = array<i32>} : memref<8x128xi32, #tpu.memory_space<vmem>>, vector<16xi32>,
    %get3A_435 = arith.constant 112 : index
    %get3A_436 = tpu.vector_load %arg7[%get3A_435] {strides = array<i32>} : memref<256xi32, #tpu.memory_space<vmem>>, vector<16xi32>,
    %shift_right_arithmetic3A_437 = arith.constant 8 : i32
    %shift_right_arithmetic3A_438 = vector.broadcast %shift_right_arithmetic3A_437 : i32 to vector<16xi32>
    %shift_right_arithmetic3A_439 = arith.shrsi %get3A_436, %shift_right_arithmetic3A_438 : vector<16xi32>
    %add3A_440 = arith.constant 0 : i32
    %add3A_441 = arith.addi %mul3A_2, %add3A_440 : i32
    %mul3A_442 = arith.constant 4 : i32
    %mul3A_443 = arith.muli %add3A_441, %mul3A_442 : i32
    %add3A_444 = arith.constant 0 : i32
    %add3A_445 = arith.addi %mul3A_443, %add3A_444 : i32
    %mul3A_446 = arith.constant 256 : i32
    %mul3A_447 = arith.muli %add3A_445, %mul3A_446 : i32
    %add3A_448 = vector.broadcast %mul3A_447 : i32 to vector<16xi32>
    %add3A_449 = arith.addi %shift_right_arithmetic3A_439, %add3A_448 : vector<16xi32>
    %swap3A_450 = arith.constant 0 : i32
    %swap3A_451 = arith.index_cast %swap3A_450 : i32 to index
    %swap3A_452 = arith.constant 112 : index
    %swap3A_453 = tpu.vector_load %arg9[%swap3A_451, %swap3A_452] {strides = array<i32>} : memref<8x128xi32, #tpu.memory_space<vmem>>, vector<16xi32>,
    tpu.vector_store %arg9[%swap3A_451, %swap3A_452], %add3A_449 {strides = array<i32>} : memref<8x128xi32, #tpu.memory_space<vmem>>, vector<16xi32>,
    %add3A_454 = arith.constant 0 : i32
    %add3A_455 = arith.addi %mul3A_2, %add3A_454 : i32
    %mul3A_456 = arith.constant 4 : i32
    %mul3A_457 = arith.muli %add3A_455, %mul3A_456 : i32
    %add3A_458 = arith.constant 1 : i32
    %add3A_459 = arith.addi %mul3A_457, %add3A_458 : i32
    %mul3A_460 = arith.constant 256 : i32
    %mul3A_461 = arith.muli %add3A_459, %mul3A_460 : i32
    %add3A_462 = vector.broadcast %mul3A_461 : i32 to vector<16xi32>
    %add3A_463 = arith.addi %shift_right_arithmetic3A_439, %add3A_462 : vector<16xi32>
    %swap3A_464 = arith.constant 1 : i32
    %swap3A_465 = arith.index_cast %swap3A_464 : i32 to index
    %swap3A_466 = arith.constant 112 : index
    %swap3A_467 = tpu.vector_load %arg9[%swap3A_465, %swap3A_466] {strides = array<i32>} : memref<8x128xi32, #tpu.memory_space<vmem>>, vector<16xi32>,
    tpu.vector_store %arg9[%swap3A_465, %swap3A_466], %add3A_463 {strides = array<i32>} : memref<8x128xi32, #tpu.memory_space<vmem>>, vector<16xi32>,
    %add3A_468 = arith.constant 0 : i32
    %add3A_469 = arith.addi %mul3A_2, %add3A_468 : i32
    %mul3A_470 = arith.constant 4 : i32
    %mul3A_471 = arith.muli %add3A_469, %mul3A_470 : i32
    %add3A_472 = arith.constant 2 : i32
    %add3A_473 = arith.addi %mul3A_471, %add3A_472 : i32
    %mul3A_474 = arith.constant 256 : i32
    %mul3A_475 = arith.muli %add3A_473, %mul3A_474 : i32
    %add3A_476 = vector.broadcast %mul3A_475 : i32 to vector<16xi32>
    %add3A_477 = arith.addi %shift_right_arithmetic3A_439, %add3A_476 : vector<16xi32>
    %swap3A_478 = arith.constant 2 : i32
    %swap3A_479 = arith.index_cast %swap3A_478 : i32 to index
    %swap3A_480 = arith.constant 112 : index
    %swap3A_481 = tpu.vector_load %arg9[%swap3A_479, %swap3A_480] {strides = array<i32>} : memref<8x128xi32, #tpu.memory_space<vmem>>, vector<16xi32>,
    tpu.vector_store %arg9[%swap3A_479, %swap3A_480], %add3A_477 {strides = array<i32>} : memref<8x128xi32, #tpu.memory_space<vmem>>, vector<16xi32>,
    %add3A_482 = arith.constant 0 : i32
    %add3A_483 = arith.addi %mul3A_2, %add3A_482 : i32
    %mul3A_484 = arith.constant 4 : i32
    %mul3A_485 = arith.muli %add3A_483, %mul3A_484 : i32
    %add3A_486 = arith.constant 3 : i32
    %add3A_487 = arith.addi %mul3A_485, %add3A_486 : i32
    %mul3A_488 = arith.constant 256 : i32
    %mul3A_489 = arith.muli %add3A_487, %mul3A_488 : i32
    %add3A_490 = vector.broadcast %mul3A_489 : i32 to vector<16xi32>
    %add3A_491 = arith.addi %shift_right_arithmetic3A_439, %add3A_490 : vector<16xi32>
    %swap3A_492 = arith.constant 3 : i32
    %swap3A_493 = arith.index_cast %swap3A_492 : i32 to index
    %swap3A_494 = arith.constant 112 : index
    %swap3A_495 = tpu.vector_load %arg9[%swap3A_493, %swap3A_494] {strides = array<i32>} : memref<8x128xi32, #tpu.memory_space<vmem>>, vector<16xi32>,
    tpu.vector_store %arg9[%swap3A_493, %swap3A_494], %add3A_491 {strides = array<i32>} : memref<8x128xi32, #tpu.memory_space<vmem>>, vector<16xi32>,
    %get3A_496 = arith.constant 128 : index
    %get3A_497 = tpu.vector_load %arg7[%get3A_496] {strides = array<i32>} : memref<256xi32, #tpu.memory_space<vmem>>, vector<16xi32>,
    %shift_right_arithmetic3A_498 = arith.constant 8 : i32
    %shift_right_arithmetic3A_499 = vector.broadcast %shift_right_arithmetic3A_498 : i32 to vector<16xi32>
    %shift_right_arithmetic3A_500 = arith.shrsi %get3A_497, %shift_right_arithmetic3A_499 : vector<16xi32>
    %add3A_501 = arith.constant 1 : i32
    %add3A_502 = arith.addi %mul3A_2, %add3A_501 : i32
    %mul3A_503 = arith.constant 4 : i32
    %mul3A_504 = arith.muli %add3A_502, %mul3A_503 : i32
    %add3A_505 = arith.constant 0 : i32
    %add3A_506 = arith.addi %mul3A_504, %add3A_505 : i32
    %mul3A_507 = arith.constant 256 : i32
    %mul3A_508 = arith.muli %add3A_506, %mul3A_507 : i32
    %add3A_509 = vector.broadcast %mul3A_508 : i32 to vector<16xi32>
    %add3A_510 = arith.addi %shift_right_arithmetic3A_500, %add3A_509 : vector<16xi32>
    %swap3A_511 = arith.constant 4 : i32
    %swap3A_512 = arith.index_cast %swap3A_511 : i32 to index
    %swap3A_513 = arith.constant 0 : index
    %swap3A_514 = tpu.vector_load %arg9[%swap3A_512, %swap3A_513] {strides = array<i32>} : memref<8x128xi32, #tpu.memory_space<vmem>>, vector<16xi32>,
    tpu.vector_store %arg9[%swap3A_512, %swap3A_513], %add3A_510 {strides = array<i32>} : memref<8x128xi32, #tpu.memory_space<vmem>>, vector<16xi32>,
    %add3A_515 = arith.constant 1 : i32
    %add3A_516 = arith.addi %mul3A_2, %add3A_515 : i32
    %mul3A_517 = arith.constant 4 : i32
    %mul3A_518 = arith.muli %add3A_516, %mul3A_517 : i32
    %add3A_519 = arith.constant 1 : i32
    %add3A_520 = arith.addi %mul3A_518, %add3A_519 : i32
    %mul3A_521 = arith.constant 256 : i32
    %mul3A_522 = arith.muli %add3A_520, %mul3A_521 : i32
    %add3A_523 = vector.broadcast %mul3A_522 : i32 to vector<16xi32>
    %add3A_524 = arith.addi %shift_right_arithmetic3A_500, %add3A_523 : vector<16xi32>
    %swap3A_525 = arith.constant 5 : i32
    %swap3A_526 = arith.index_cast %swap3A_525 : i32 to index
    %swap3A_527 = arith.constant 0 : index
    %swap3A_528 = tpu.vector_load %arg9[%swap3A_526, %swap3A_527] {strides = array<i32>} : memref<8x128xi32, #tpu.memory_space<vmem>>, vector<16xi32>,
    tpu.vector_store %arg9[%swap3A_526, %swap3A_527], %add3A_524 {strides = array<i32>} : memref<8x128xi32, #tpu.memory_space<vmem>>, vector<16xi32>,
    %add3A_529 = arith.constant 1 : i32
    %add3A_530 = arith.addi %mul3A_2, %add3A_529 : i32
    %mul3A_531 = arith.constant 4 : i32
    %mul3A_532 = arith.muli %add3A_530, %mul3A_531 : i32
    %add3A_533 = arith.constant 2 : i32
    %add3A_534 = arith.addi %mul3A_532, %add3A_533 : i32
    %mul3A_535 = arith.constant 256 : i32
    %mul3A_536 = arith.muli %add3A_534, %mul3A_535 : i32
    %add3A_537 = vector.broadcast %mul3A_536 : i32 to vector<16xi32>
    %add3A_538 = arith.addi %shift_right_arithmetic3A_500, %add3A_537 : vector<16xi32>
    %swap3A_539 = arith.constant 6 : i32
    %swap3A_540 = arith.index_cast %swap3A_539 : i32 to index
    %swap3A_541 = arith.constant 0 : index
    %swap3A_542 = tpu.vector_load %arg9[%swap3A_540, %swap3A_541] {strides = array<i32>} : memref<8x128xi32, #tpu.memory_space<vmem>>, vector<16xi32>,
    tpu.vector_store %arg9[%swap3A_540, %swap3A_541], %add3A_538 {strides = array<i32>} : memref<8x128xi32, #tpu.memory_space<vmem>>, vector<16xi32>,
    %add3A_543 = arith.constant 1 : i32
    %add3A_544 = arith.addi %mul3A_2, %add3A_543 : i32
    %mul3A_545 = arith.constant 4 : i32
    %mul3A_546 = arith.muli %add3A_544, %mul3A_545 : i32
    %add3A_547 = arith.constant 3 : i32
    %add3A_548 = arith.addi %mul3A_546, %add3A_547 : i32
    %mul3A_549 = arith.constant 256 : i32
    %mul3A_550 = arith.muli %add3A_548, %mul3A_549 : i32
    %add3A_551 = vector.broadcast %mul3A_550 : i32 to vector<16xi32>
    %add3A_552 = arith.addi %shift_right_arithmetic3A_500, %add3A_551 : vector<16xi32>
    %swap3A_553 = arith.constant 7 : i32
    %swap3A_554 = arith.index_cast %swap3A_553 : i32 to index
    %swap3A_555 = arith.constant 0 : index
    %swap3A_556 = tpu.vector_load %arg9[%swap3A_554, %swap3A_555] {strides = array<i32>} : memref<8x128xi32, #tpu.memory_space<vmem>>, vector<16xi32>,
    tpu.vector_store %arg9[%swap3A_554, %swap3A_555], %add3A_552 {strides = array<i32>} : memref<8x128xi32, #tpu.memory_space<vmem>>, vector<16xi32>,
    %get3A_557 = arith.constant 144 : index
    %get3A_558 = tpu.vector_load %arg7[%get3A_557] {strides = array<i32>} : memref<256xi32, #tpu.memory_space<vmem>>, vector<16xi32>,
    %shift_right_arithmetic3A_559 = arith.constant 8 : i32
    %shift_right_arithmetic3A_560 = vector.broadcast %shift_right_arithmetic3A_559 : i32 to vector<16xi32>
    %shift_right_arithmetic3A_561 = arith.shrsi %get3A_558, %shift_right_arithmetic3A_560 : vector<16xi32>
    %add3A_562 = arith.constant 1 : i32
    %add3A_563 = arith.addi %mul3A_2, %add3A_562 : i32
    %mul3A_564 = arith.constant 4 : i32
    %mul3A_565 = arith.muli %add3A_563, %mul3A_564 : i32
    %add3A_566 = arith.constant 0 : i32
    %add3A_567 = arith.addi %mul3A_565, %add3A_566 : i32
    %mul3A_568 = arith.constant 256 : i32
    %mul3A_569 = arith.muli %add3A_567, %mul3A_568 : i32
    %add3A_570 = vector.broadcast %mul3A_569 : i32 to vector<16xi32>
    %add3A_571 = arith.addi %shift_right_arithmetic3A_561, %add3A_570 : vector<16xi32>
    %swap3A_572 = arith.constant 4 : i32
    %swap3A_573 = arith.index_cast %swap3A_572 : i32 to index
    %swap3A_574 = arith.constant 16 : index
    %swap3A_575 = tpu.vector_load %arg9[%swap3A_573, %swap3A_574] {strides = array<i32>} : memref<8x128xi32, #tpu.memory_space<vmem>>, vector<16xi32>,
    tpu.vector_store %arg9[%swap3A_573, %swap3A_574], %add3A_571 {strides = array<i32>} : memref<8x128xi32, #tpu.memory_space<vmem>>, vector<16xi32>,
    %add3A_576 = arith.constant 1 : i32
    %add3A_577 = arith.addi %mul3A_2, %add3A_576 : i32
    %mul3A_578 = arith.constant 4 : i32
    %mul3A_579 = arith.muli %add3A_577, %mul3A_578 : i32
    %add3A_580 = arith.constant 1 : i32
    %add3A_581 = arith.addi %mul3A_579, %add3A_580 : i32
    %mul3A_582 = arith.constant 256 : i32
    %mul3A_583 = arith.muli %add3A_581, %mul3A_582 : i32
    %add3A_584 = vector.broadcast %mul3A_583 : i32 to vector<16xi32>
    %add3A_585 = arith.addi %shift_right_arithmetic3A_561, %add3A_584 : vector<16xi32>
    %swap3A_586 = arith.constant 5 : i32
    %swap3A_587 = arith.index_cast %swap3A_586 : i32 to index
    %swap3A_588 = arith.constant 16 : index
    %swap3A_589 = tpu.vector_load %arg9[%swap3A_587, %swap3A_588] {strides = array<i32>} : memref<8x128xi32, #tpu.memory_space<vmem>>, vector<16xi32>,
    tpu.vector_store %arg9[%swap3A_587, %swap3A_588], %add3A_585 {strides = array<i32>} : memref<8x128xi32, #tpu.memory_space<vmem>>, vector<16xi32>,
    %add3A_590 = arith.constant 1 : i32
    %add3A_591 = arith.addi %mul3A_2, %add3A_590 : i32
    %mul3A_592 = arith.constant 4 : i32
    %mul3A_593 = arith.muli %add3A_591, %mul3A_592 : i32
    %add3A_594 = arith.constant 2 : i32
    %add3A_595 = arith.addi %mul3A_593, %add3A_594 : i32
    %mul3A_596 = arith.constant 256 : i32
    %mul3A_597 = arith.muli %add3A_595, %mul3A_596 : i32
    %add3A_598 = vector.broadcast %mul3A_597 : i32 to vector<16xi32>
    %add3A_599 = arith.addi %shift_right_arithmetic3A_561, %add3A_598 : vector<16xi32>
    %swap3A_600 = arith.constant 6 : i32
    %swap3A_601 = arith.index_cast %swap3A_600 : i32 to index
    %swap3A_602 = arith.constant 16 : index
    %swap3A_603 = tpu.vector_load %arg9[%swap3A_601, %swap3A_602] {strides = array<i32>} : memref<8x128xi32, #tpu.memory_space<vmem>>, vector<16xi32>,
    tpu.vector_store %arg9[%swap3A_601, %swap3A_602], %add3A_599 {strides = array<i32>} : memref<8x128xi32, #tpu.memory_space<vmem>>, vector<16xi32>,
    %add3A_604 = arith.constant 1 : i32
    %add3A_605 = arith.addi %mul3A_2, %add3A_604 : i32
    %mul3A_606 = arith.constant 4 : i32
    %mul3A_607 = arith.muli %add3A_605, %mul3A_606 : i32
    %add3A_608 = arith.constant 3 : i32
    %add3A_609 = arith.addi %mul3A_607, %add3A_608 : i32
    %mul3A_610 = arith.constant 256 : i32
    %mul3A_611 = arith.muli %add3A_609, %mul3A_610 : i32
    %add3A_612 = vector.broadcast %mul3A_611 : i32 to vector<16xi32>
    %add3A_613 = arith.addi %shift_right_arithmetic3A_561, %add3A_612 : vector<16xi32>
    %swap3A_614 = arith.constant 7 : i32
    %swap3A_615 = arith.index_cast %swap3A_614 : i32 to index
    %swap3A_616 = arith.constant 16 : index
    %swap3A_617 = tpu.vector_load %arg9[%swap3A_615, %swap3A_616] {strides = array<i32>} : memref<8x128xi32, #tpu.memory_space<vmem>>, vector<16xi32>,
    tpu.vector_store %arg9[%swap3A_615, %swap3A_616], %add3A_613 {strides = array<i32>} : memref<8x128xi32, #tpu.memory_space<vmem>>, vector<16xi32>,
    %get3A_618 = arith.constant 160 : index
    %get3A_619 = tpu.vector_load %arg7[%get3A_618] {strides = array<i32>} : memref<256xi32, #tpu.memory_space<vmem>>, vector<16xi32>,
    %shift_right_arithmetic3A_620 = arith.constant 8 : i32
    %shift_right_arithmetic3A_621 = vector.broadcast %shift_right_arithmetic3A_620 : i32 to vector<16xi32>
    %shift_right_arithmetic3A_622 = arith.shrsi %get3A_619, %shift_right_arithmetic3A_621 : vector<16xi32>
    %add3A_623 = arith.constant 1 : i32
    %add3A_624 = arith.addi %mul3A_2, %add3A_623 : i32
    %mul3A_625 = arith.constant 4 : i32
    %mul3A_626 = arith.muli %add3A_624, %mul3A_625 : i32
    %add3A_627 = arith.constant 0 : i32
    %add3A_628 = arith.addi %mul3A_626, %add3A_627 : i32
    %mul3A_629 = arith.constant 256 : i32
    %mul3A_630 = arith.muli %add3A_628, %mul3A_629 : i32
    %add3A_631 = vector.broadcast %mul3A_630 : i32 to vector<16xi32>
    %add3A_632 = arith.addi %shift_right_arithmetic3A_622, %add3A_631 : vector<16xi32>
    %swap3A_633 = arith.constant 4 : i32
    %swap3A_634 = arith.index_cast %swap3A_633 : i32 to index
    %swap3A_635 = arith.constant 32 : index
    %swap3A_636 = tpu.vector_load %arg9[%swap3A_634, %swap3A_635] {strides = array<i32>} : memref<8x128xi32, #tpu.memory_space<vmem>>, vector<16xi32>,
    tpu.vector_store %arg9[%swap3A_634, %swap3A_635], %add3A_632 {strides = array<i32>} : memref<8x128xi32, #tpu.memory_space<vmem>>, vector<16xi32>,
    %add3A_637 = arith.constant 1 : i32
    %add3A_638 = arith.addi %mul3A_2, %add3A_637 : i32
    %mul3A_639 = arith.constant 4 : i32
    %mul3A_640 = arith.muli %add3A_638, %mul3A_639 : i32
    %add3A_641 = arith.constant 1 : i32
    %add3A_642 = arith.addi %mul3A_640, %add3A_641 : i32
    %mul3A_643 = arith.constant 256 : i32
    %mul3A_644 = arith.muli %add3A_642, %mul3A_643 : i32
    %add3A_645 = vector.broadcast %mul3A_644 : i32 to vector<16xi32>
    %add3A_646 = arith.addi %shift_right_arithmetic3A_622, %add3A_645 : vector<16xi32>
    %swap3A_647 = arith.constant 5 : i32
    %swap3A_648 = arith.index_cast %swap3A_647 : i32 to index
    %swap3A_649 = arith.constant 32 : index
    %swap3A_650 = tpu.vector_load %arg9[%swap3A_648, %swap3A_649] {strides = array<i32>} : memref<8x128xi32, #tpu.memory_space<vmem>>, vector<16xi32>,
    tpu.vector_store %arg9[%swap3A_648, %swap3A_649], %add3A_646 {strides = array<i32>} : memref<8x128xi32, #tpu.memory_space<vmem>>, vector<16xi32>,
    %add3A_651 = arith.constant 1 : i32
    %add3A_652 = arith.addi %mul3A_2, %add3A_651 : i32
    %mul3A_653 = arith.constant 4 : i32
    %mul3A_654 = arith.muli %add3A_652, %mul3A_653 : i32
    %add3A_655 = arith.constant 2 : i32
    %add3A_656 = arith.addi %mul3A_654, %add3A_655 : i32
    %mul3A_657 = arith.constant 256 : i32
    %mul3A_658 = arith.muli %add3A_656, %mul3A_657 : i32
    %add3A_659 = vector.broadcast %mul3A_658 : i32 to vector<16xi32>
    %add3A_660 = arith.addi %shift_right_arithmetic3A_622, %add3A_659 : vector<16xi32>
    %swap3A_661 = arith.constant 6 : i32
    %swap3A_662 = arith.index_cast %swap3A_661 : i32 to index
    %swap3A_663 = arith.constant 32 : index
    %swap3A_664 = tpu.vector_load %arg9[%swap3A_662, %swap3A_663] {strides = array<i32>} : memref<8x128xi32, #tpu.memory_space<vmem>>, vector<16xi32>,
    tpu.vector_store %arg9[%swap3A_662, %swap3A_663], %add3A_660 {strides = array<i32>} : memref<8x128xi32, #tpu.memory_space<vmem>>, vector<16xi32>,
    %add3A_665 = arith.constant 1 : i32
    %add3A_666 = arith.addi %mul3A_2, %add3A_665 : i32
    %mul3A_667 = arith.constant 4 : i32
    %mul3A_668 = arith.muli %add3A_666, %mul3A_667 : i32
    %add3A_669 = arith.constant 3 : i32
    %add3A_670 = arith.addi %mul3A_668, %add3A_669 : i32
    %mul3A_671 = arith.constant 256 : i32
    %mul3A_672 = arith.muli %add3A_670, %mul3A_671 : i32
    %add3A_673 = vector.broadcast %mul3A_672 : i32 to vector<16xi32>
    %add3A_674 = arith.addi %shift_right_arithmetic3A_622, %add3A_673 : vector<16xi32>
    %swap3A_675 = arith.constant 7 : i32
    %swap3A_676 = arith.index_cast %swap3A_675 : i32 to index
    %swap3A_677 = arith.constant 32 : index
    %swap3A_678 = tpu.vector_load %arg9[%swap3A_676, %swap3A_677] {strides = array<i32>} : memref<8x128xi32, #tpu.memory_space<vmem>>, vector<16xi32>,
    tpu.vector_store %arg9[%swap3A_676, %swap3A_677], %add3A_674 {strides = array<i32>} : memref<8x128xi32, #tpu.memory_space<vmem>>, vector<16xi32>,
    %get3A_679 = arith.constant 176 : index
    %get3A_680 = tpu.vector_load %arg7[%get3A_679] {strides = array<i32>} : memref<256xi32, #tpu.memory_space<vmem>>, vector<16xi32>,
    %shift_right_arithmetic3A_681 = arith.constant 8 : i32
    %shift_right_arithmetic3A_682 = vector.broadcast %shift_right_arithmetic3A_681 : i32 to vector<16xi32>
    %shift_right_arithmetic3A_683 = arith.shrsi %get3A_680, %shift_right_arithmetic3A_682 : vector<16xi32>
    %add3A_684 = arith.constant 1 : i32
    %add3A_685 = arith.addi %mul3A_2, %add3A_684 : i32
    %mul3A_686 = arith.constant 4 : i32
    %mul3A_687 = arith.muli %add3A_685, %mul3A_686 : i32
    %add3A_688 = arith.constant 0 : i32
    %add3A_689 = arith.addi %mul3A_687, %add3A_688 : i32
    %mul3A_690 = arith.constant 256 : i32
    %mul3A_691 = arith.muli %add3A_689, %mul3A_690 : i32
    %add3A_692 = vector.broadcast %mul3A_691 : i32 to vector<16xi32>
    %add3A_693 = arith.addi %shift_right_arithmetic3A_683, %add3A_692 : vector<16xi32>
    %swap3A_694 = arith.constant 4 : i32
    %swap3A_695 = arith.index_cast %swap3A_694 : i32 to index
    %swap3A_696 = arith.constant 48 : index
    %swap3A_697 = tpu.vector_load %arg9[%swap3A_695, %swap3A_696] {strides = array<i32>} : memref<8x128xi32, #tpu.memory_space<vmem>>, vector<16xi32>,
    tpu.vector_store %arg9[%swap3A_695, %swap3A_696], %add3A_693 {strides = array<i32>} : memref<8x128xi32, #tpu.memory_space<vmem>>, vector<16xi32>,
    %add3A_698 = arith.constant 1 : i32
    %add3A_699 = arith.addi %mul3A_2, %add3A_698 : i32
    %mul3A_700 = arith.constant 4 : i32
    %mul3A_701 = arith.muli %add3A_699, %mul3A_700 : i32
    %add3A_702 = arith.constant 1 : i32
    %add3A_703 = arith.addi %mul3A_701, %add3A_702 : i32
    %mul3A_704 = arith.constant 256 : i32
    %mul3A_705 = arith.muli %add3A_703, %mul3A_704 : i32
    %add3A_706 = vector.broadcast %mul3A_705 : i32 to vector<16xi32>
    %add3A_707 = arith.addi %shift_right_arithmetic3A_683, %add3A_706 : vector<16xi32>
    %swap3A_708 = arith.constant 5 : i32
    %swap3A_709 = arith.index_cast %swap3A_708 : i32 to index
    %swap3A_710 = arith.constant 48 : index
    %swap3A_711 = tpu.vector_load %arg9[%swap3A_709, %swap3A_710] {strides = array<i32>} : memref<8x128xi32, #tpu.memory_space<vmem>>, vector<16xi32>,
    tpu.vector_store %arg9[%swap3A_709, %swap3A_710], %add3A_707 {strides = array<i32>} : memref<8x128xi32, #tpu.memory_space<vmem>>, vector<16xi32>,
    %add3A_712 = arith.constant 1 : i32
    %add3A_713 = arith.addi %mul3A_2, %add3A_712 : i32
    %mul3A_714 = arith.constant 4 : i32
    %mul3A_715 = arith.muli %add3A_713, %mul3A_714 : i32
    %add3A_716 = arith.constant 2 : i32
    %add3A_717 = arith.addi %mul3A_715, %add3A_716 : i32
    %mul3A_718 = arith.constant 256 : i32
    %mul3A_719 = arith.muli %add3A_717, %mul3A_718 : i32
    %add3A_720 = vector.broadcast %mul3A_719 : i32 to vector<16xi32>
    %add3A_721 = arith.addi %shift_right_arithmetic3A_683, %add3A_720 : vector<16xi32>
    %swap3A_722 = arith.constant 6 : i32
    %swap3A_723 = arith.index_cast %swap3A_722 : i32 to index
    %swap3A_724 = arith.constant 48 : index
    %swap3A_725 = tpu.vector_load %arg9[%swap3A_723, %swap3A_724] {strides = array<i32>} : memref<8x128xi32, #tpu.memory_space<vmem>>, vector<16xi32>,
    tpu.vector_store %arg9[%swap3A_723, %swap3A_724], %add3A_721 {strides = array<i32>} : memref<8x128xi32, #tpu.memory_space<vmem>>, vector<16xi32>,
    %add3A_726 = arith.constant 1 : i32
    %add3A_727 = arith.addi %mul3A_2, %add3A_726 : i32
    %mul3A_728 = arith.constant 4 : i32
    %mul3A_729 = arith.muli %add3A_727, %mul3A_728 : i32
    %add3A_730 = arith.constant 3 : i32
    %add3A_731 = arith.addi %mul3A_729, %add3A_730 : i32
    %mul3A_732 = arith.constant 256 : i32
    %mul3A_733 = arith.muli %add3A_731, %mul3A_732 : i32
    %add3A_734 = vector.broadcast %mul3A_733 : i32 to vector<16xi32>
    %add3A_735 = arith.addi %shift_right_arithmetic3A_683, %add3A_734 : vector<16xi32>
    %swap3A_736 = arith.constant 7 : i32
    %swap3A_737 = arith.index_cast %swap3A_736 : i32 to index
    %swap3A_738 = arith.constant 48 : index
    %swap3A_739 = tpu.vector_load %arg9[%swap3A_737, %swap3A_738] {strides = array<i32>} : memref<8x128xi32, #tpu.memory_space<vmem>>, vector<16xi32>,
    tpu.vector_store %arg9[%swap3A_737, %swap3A_738], %add3A_735 {strides = array<i32>} : memref<8x128xi32, #tpu.memory_space<vmem>>, vector<16xi32>,
    %get3A_740 = arith.constant 192 : index
    %get3A_741 = tpu.vector_load %arg7[%get3A_740] {strides = array<i32>} : memref<256xi32, #tpu.memory_space<vmem>>, vector<16xi32>,
    %shift_right_arithmetic3A_742 = arith.constant 8 : i32
    %shift_right_arithmetic3A_743 = vector.broadcast %shift_right_arithmetic3A_742 : i32 to vector<16xi32>
    %shift_right_arithmetic3A_744 = arith.shrsi %get3A_741, %shift_right_arithmetic3A_743 : vector<16xi32>
    %add3A_745 = arith.constant 1 : i32
    %add3A_746 = arith.addi %mul3A_2, %add3A_745 : i32
    %mul3A_747 = arith.constant 4 : i32
    %mul3A_748 = arith.muli %add3A_746, %mul3A_747 : i32
    %add3A_749 = arith.constant 0 : i32
    %add3A_750 = arith.addi %mul3A_748, %add3A_749 : i32
    %mul3A_751 = arith.constant 256 : i32
    %mul3A_752 = arith.muli %add3A_750, %mul3A_751 : i32
    %add3A_753 = vector.broadcast %mul3A_752 : i32 to vector<16xi32>
    %add3A_754 = arith.addi %shift_right_arithmetic3A_744, %add3A_753 : vector<16xi32>
    %swap3A_755 = arith.constant 4 : i32
    %swap3A_756 = arith.index_cast %swap3A_755 : i32 to index
    %swap3A_757 = arith.constant 64 : index
    %swap3A_758 = tpu.vector_load %arg9[%swap3A_756, %swap3A_757] {strides = array<i32>} : memref<8x128xi32, #tpu.memory_space<vmem>>, vector<16xi32>,
    tpu.vector_store %arg9[%swap3A_756, %swap3A_757], %add3A_754 {strides = array<i32>} : memref<8x128xi32, #tpu.memory_space<vmem>>, vector<16xi32>,
    %add3A_759 = arith.constant 1 : i32
    %add3A_760 = arith.addi %mul3A_2, %add3A_759 : i32
    %mul3A_761 = arith.constant 4 : i32
    %mul3A_762 = arith.muli %add3A_760, %mul3A_761 : i32
    %add3A_763 = arith.constant 1 : i32
    %add3A_764 = arith.addi %mul3A_762, %add3A_763 : i32
    %mul3A_765 = arith.constant 256 : i32
    %mul3A_766 = arith.muli %add3A_764, %mul3A_765 : i32
    %add3A_767 = vector.broadcast %mul3A_766 : i32 to vector<16xi32>
    %add3A_768 = arith.addi %shift_right_arithmetic3A_744, %add3A_767 : vector<16xi32>
    %swap3A_769 = arith.constant 5 : i32
    %swap3A_770 = arith.index_cast %swap3A_769 : i32 to index
    %swap3A_771 = arith.constant 64 : index
    %swap3A_772 = tpu.vector_load %arg9[%swap3A_770, %swap3A_771] {strides = array<i32>} : memref<8x128xi32, #tpu.memory_space<vmem>>, vector<16xi32>,
    tpu.vector_store %arg9[%swap3A_770, %swap3A_771], %add3A_768 {strides = array<i32>} : memref<8x128xi32, #tpu.memory_space<vmem>>, vector<16xi32>,
    %add3A_773 = arith.constant 1 : i32
    %add3A_774 = arith.addi %mul3A_2, %add3A_773 : i32
    %mul3A_775 = arith.constant 4 : i32
    %mul3A_776 = arith.muli %add3A_774, %mul3A_775 : i32
    %add3A_777 = arith.constant 2 : i32
    %add3A_778 = arith.addi %mul3A_776, %add3A_777 : i32
    %mul3A_779 = arith.constant 256 : i32
    %mul3A_780 = arith.muli %add3A_778, %mul3A_779 : i32
    %add3A_781 = vector.broadcast %mul3A_780 : i32 to vector<16xi32>
    %add3A_782 = arith.addi %shift_right_arithmetic3A_744, %add3A_781 : vector<16xi32>
    %swap3A_783 = arith.constant 6 : i32
    %swap3A_784 = arith.index_cast %swap3A_783 : i32 to index
    %swap3A_785 = arith.constant 64 : index
    %swap3A_786 = tpu.vector_load %arg9[%swap3A_784, %swap3A_785] {strides = array<i32>} : memref<8x128xi32, #tpu.memory_space<vmem>>, vector<16xi32>,
    tpu.vector_store %arg9[%swap3A_784, %swap3A_785], %add3A_782 {strides = array<i32>} : memref<8x128xi32, #tpu.memory_space<vmem>>, vector<16xi32>,
    %add3A_787 = arith.constant 1 : i32
    %add3A_788 = arith.addi %mul3A_2, %add3A_787 : i32
    %mul3A_789 = arith.constant 4 : i32
    %mul3A_790 = arith.muli %add3A_788, %mul3A_789 : i32
    %add3A_791 = arith.constant 3 : i32
    %add3A_792 = arith.addi %mul3A_790, %add3A_791 : i32
    %mul3A_793 = arith.constant 256 : i32
    %mul3A_794 = arith.muli %add3A_792, %mul3A_793 : i32
    %add3A_795 = vector.broadcast %mul3A_794 : i32 to vector<16xi32>
    %add3A_796 = arith.addi %shift_right_arithmetic3A_744, %add3A_795 : vector<16xi32>
    %swap3A_797 = arith.constant 7 : i32
    %swap3A_798 = arith.index_cast %swap3A_797 : i32 to index
    %swap3A_799 = arith.constant 64 : index
    %swap3A_800 = tpu.vector_load %arg9[%swap3A_798, %swap3A_799] {strides = array<i32>} : memref<8x128xi32, #tpu.memory_space<vmem>>, vector<16xi32>,
    tpu.vector_store %arg9[%swap3A_798, %swap3A_799], %add3A_796 {strides = array<i32>} : memref<8x128xi32, #tpu.memory_space<vmem>>, vector<16xi32>,
    %get3A_801 = arith.constant 208 : index
    %get3A_802 = tpu.vector_load %arg7[%get3A_801] {strides = array<i32>} : memref<256xi32, #tpu.memory_space<vmem>>, vector<16xi32>,
    %shift_right_arithmetic3A_803 = arith.constant 8 : i32
    %shift_right_arithmetic3A_804 = vector.broadcast %shift_right_arithmetic3A_803 : i32 to vector<16xi32>
    %shift_right_arithmetic3A_805 = arith.shrsi %get3A_802, %shift_right_arithmetic3A_804 : vector<16xi32>
    %add3A_806 = arith.constant 1 : i32
    %add3A_807 = arith.addi %mul3A_2, %add3A_806 : i32
    %mul3A_808 = arith.constant 4 : i32
    %mul3A_809 = arith.muli %add3A_807, %mul3A_808 : i32
    %add3A_810 = arith.constant 0 : i32
    %add3A_811 = arith.addi %mul3A_809, %add3A_810 : i32
    %mul3A_812 = arith.constant 256 : i32
    %mul3A_813 = arith.muli %add3A_811, %mul3A_812 : i32
    %add3A_814 = vector.broadcast %mul3A_813 : i32 to vector<16xi32>
    %add3A_815 = arith.addi %shift_right_arithmetic3A_805, %add3A_814 : vector<16xi32>
    %swap3A_816 = arith.constant 4 : i32
    %swap3A_817 = arith.index_cast %swap3A_816 : i32 to index
    %swap3A_818 = arith.constant 80 : index
    %swap3A_819 = tpu.vector_load %arg9[%swap3A_817, %swap3A_818] {strides = array<i32>} : memref<8x128xi32, #tpu.memory_space<vmem>>, vector<16xi32>,
    tpu.vector_store %arg9[%swap3A_817, %swap3A_818], %add3A_815 {strides = array<i32>} : memref<8x128xi32, #tpu.memory_space<vmem>>, vector<16xi32>,
    %add3A_820 = arith.constant 1 : i32
    %add3A_821 = arith.addi %mul3A_2, %add3A_820 : i32
    %mul3A_822 = arith.constant 4 : i32
    %mul3A_823 = arith.muli %add3A_821, %mul3A_822 : i32
    %add3A_824 = arith.constant 1 : i32
    %add3A_825 = arith.addi %mul3A_823, %add3A_824 : i32
    %mul3A_826 = arith.constant 256 : i32
    %mul3A_827 = arith.muli %add3A_825, %mul3A_826 : i32
    %add3A_828 = vector.broadcast %mul3A_827 : i32 to vector<16xi32>
    %add3A_829 = arith.addi %shift_right_arithmetic3A_805, %add3A_828 : vector<16xi32>
    %swap3A_830 = arith.constant 5 : i32
    %swap3A_831 = arith.index_cast %swap3A_830 : i32 to index
    %swap3A_832 = arith.constant 80 : index
    %swap3A_833 = tpu.vector_load %arg9[%swap3A_831, %swap3A_832] {strides = array<i32>} : memref<8x128xi32, #tpu.memory_space<vmem>>, vector<16xi32>,
    tpu.vector_store %arg9[%swap3A_831, %swap3A_832], %add3A_829 {strides = array<i32>} : memref<8x128xi32, #tpu.memory_space<vmem>>, vector<16xi32>,
    %add3A_834 = arith.constant 1 : i32
    %add3A_835 = arith.addi %mul3A_2, %add3A_834 : i32
    %mul3A_836 = arith.constant 4 : i32
    %mul3A_837 = arith.muli %add3A_835, %mul3A_836 : i32
    %add3A_838 = arith.constant 2 : i32
    %add3A_839 = arith.addi %mul3A_837, %add3A_838 : i32
    %mul3A_840 = arith.constant 256 : i32
    %mul3A_841 = arith.muli %add3A_839, %mul3A_840 : i32
    %add3A_842 = vector.broadcast %mul3A_841 : i32 to vector<16xi32>
    %add3A_843 = arith.addi %shift_right_arithmetic3A_805, %add3A_842 : vector<16xi32>
    %swap3A_844 = arith.constant 6 : i32
    %swap3A_845 = arith.index_cast %swap3A_844 : i32 to index
    %swap3A_846 = arith.constant 80 : index
    %swap3A_847 = tpu.vector_load %arg9[%swap3A_845, %swap3A_846] {strides = array<i32>} : memref<8x128xi32, #tpu.memory_space<vmem>>, vector<16xi32>,
    tpu.vector_store %arg9[%swap3A_845, %swap3A_846], %add3A_843 {strides = array<i32>} : memref<8x128xi32, #tpu.memory_space<vmem>>, vector<16xi32>,
    %add3A_848 = arith.constant 1 : i32
    %add3A_849 = arith.addi %mul3A_2, %add3A_848 : i32
    %mul3A_850 = arith.constant 4 : i32
    %mul3A_851 = arith.muli %add3A_849, %mul3A_850 : i32
    %add3A_852 = arith.constant 3 : i32
    %add3A_853 = arith.addi %mul3A_851, %add3A_852 : i32
    %mul3A_854 = arith.constant 256 : i32
    %mul3A_855 = arith.muli %add3A_853, %mul3A_854 : i32
    %add3A_856 = vector.broadcast %mul3A_855 : i32 to vector<16xi32>
    %add3A_857 = arith.addi %shift_right_arithmetic3A_805, %add3A_856 : vector<16xi32>
    %swap3A_858 = arith.constant 7 : i32
    %swap3A_859 = arith.index_cast %swap3A_858 : i32 to index
    %swap3A_860 = arith.constant 80 : index
    %swap3A_861 = tpu.vector_load %arg9[%swap3A_859, %swap3A_860] {strides = array<i32>} : memref<8x128xi32, #tpu.memory_space<vmem>>, vector<16xi32>,
    tpu.vector_store %arg9[%swap3A_859, %swap3A_860], %add3A_857 {strides = array<i32>} : memref<8x128xi32, #tpu.memory_space<vmem>>, vector<16xi32>,
    %get3A_862 = arith.constant 224 : index
    %get3A_863 = tpu.vector_load %arg7[%get3A_862] {strides = array<i32>} : memref<256xi32, #tpu.memory_space<vmem>>, vector<16xi32>,
    %shift_right_arithmetic3A_864 = arith.constant 8 : i32
    %shift_right_arithmetic3A_865 = vector.broadcast %shift_right_arithmetic3A_864 : i32 to vector<16xi32>
    %shift_right_arithmetic3A_866 = arith.shrsi %get3A_863, %shift_right_arithmetic3A_865 : vector<16xi32>
    %add3A_867 = arith.constant 1 : i32
    %add3A_868 = arith.addi %mul3A_2, %add3A_867 : i32
    %mul3A_869 = arith.constant 4 : i32
    %mul3A_870 = arith.muli %add3A_868, %mul3A_869 : i32
    %add3A_871 = arith.constant 0 : i32
    %add3A_872 = arith.addi %mul3A_870, %add3A_871 : i32
    %mul3A_873 = arith.constant 256 : i32
    %mul3A_874 = arith.muli %add3A_872, %mul3A_873 : i32
    %add3A_875 = vector.broadcast %mul3A_874 : i32 to vector<16xi32>
    %add3A_876 = arith.addi %shift_right_arithmetic3A_866, %add3A_875 : vector<16xi32>
    %swap3A_877 = arith.constant 4 : i32
    %swap3A_878 = arith.index_cast %swap3A_877 : i32 to index
    %swap3A_879 = arith.constant 96 : index
    %swap3A_880 = tpu.vector_load %arg9[%swap3A_878, %swap3A_879] {strides = array<i32>} : memref<8x128xi32, #tpu.memory_space<vmem>>, vector<16xi32>,
    tpu.vector_store %arg9[%swap3A_878, %swap3A_879], %add3A_876 {strides = array<i32>} : memref<8x128xi32, #tpu.memory_space<vmem>>, vector<16xi32>,
    %add3A_881 = arith.constant 1 : i32
    %add3A_882 = arith.addi %mul3A_2, %add3A_881 : i32
    %mul3A_883 = arith.constant 4 : i32
    %mul3A_884 = arith.muli %add3A_882, %mul3A_883 : i32
    %add3A_885 = arith.constant 1 : i32
    %add3A_886 = arith.addi %mul3A_884, %add3A_885 : i32
    %mul3A_887 = arith.constant 256 : i32
    %mul3A_888 = arith.muli %add3A_886, %mul3A_887 : i32
    %add3A_889 = vector.broadcast %mul3A_888 : i32 to vector<16xi32>
    %add3A_890 = arith.addi %shift_right_arithmetic3A_866, %add3A_889 : vector<16xi32>
    %swap3A_891 = arith.constant 5 : i32
    %swap3A_892 = arith.index_cast %swap3A_891 : i32 to index
    %swap3A_893 = arith.constant 96 : index
    %swap3A_894 = tpu.vector_load %arg9[%swap3A_892, %swap3A_893] {strides = array<i32>} : memref<8x128xi32, #tpu.memory_space<vmem>>, vector<16xi32>,
    tpu.vector_store %arg9[%swap3A_892, %swap3A_893], %add3A_890 {strides = array<i32>} : memref<8x128xi32, #tpu.memory_space<vmem>>, vector<16xi32>,
    %add3A_895 = arith.constant 1 : i32
    %add3A_896 = arith.addi %mul3A_2, %add3A_895 : i32
    %mul3A_897 = arith.constant 4 : i32
    %mul3A_898 = arith.muli %add3A_896, %mul3A_897 : i32
    %add3A_899 = arith.constant 2 : i32
    %add3A_900 = arith.addi %mul3A_898, %add3A_899 : i32
    %mul3A_901 = arith.constant 256 : i32
    %mul3A_902 = arith.muli %add3A_900, %mul3A_901 : i32
    %add3A_903 = vector.broadcast %mul3A_902 : i32 to vector<16xi32>
    %add3A_904 = arith.addi %shift_right_arithmetic3A_866, %add3A_903 : vector<16xi32>
    %swap3A_905 = arith.constant 6 : i32
    %swap3A_906 = arith.index_cast %swap3A_905 : i32 to index
    %swap3A_907 = arith.constant 96 : index
    %swap3A_908 = tpu.vector_load %arg9[%swap3A_906, %swap3A_907] {strides = array<i32>} : memref<8x128xi32, #tpu.memory_space<vmem>>, vector<16xi32>,
    tpu.vector_store %arg9[%swap3A_906, %swap3A_907], %add3A_904 {strides = array<i32>} : memref<8x128xi32, #tpu.memory_space<vmem>>, vector<16xi32>,
    %add3A_909 = arith.constant 1 : i32
    %add3A_910 = arith.addi %mul3A_2, %add3A_909 : i32
    %mul3A_911 = arith.constant 4 : i32
    %mul3A_912 = arith.muli %add3A_910, %mul3A_911 : i32
    %add3A_913 = arith.constant 3 : i32
    %add3A_914 = arith.addi %mul3A_912, %add3A_913 : i32
    %mul3A_915 = arith.constant 256 : i32
    %mul3A_916 = arith.muli %add3A_914, %mul3A_915 : i32
    %add3A_917 = vector.broadcast %mul3A_916 : i32 to vector<16xi32>
    %add3A_918 = arith.addi %shift_right_arithmetic3A_866, %add3A_917 : vector<16xi32>
    %swap3A_919 = arith.constant 7 : i32
    %swap3A_920 = arith.index_cast %swap3A_919 : i32 to index
    %swap3A_921 = arith.constant 96 : index
    %swap3A_922 = tpu.vector_load %arg9[%swap3A_920, %swap3A_921] {strides = array<i32>} : memref<8x128xi32, #tpu.memory_space<vmem>>, vector<16xi32>,
    tpu.vector_store %arg9[%swap3A_920, %swap3A_921], %add3A_918 {strides = array<i32>} : memref<8x128xi32, #tpu.memory_space<vmem>>, vector<16xi32>,
    %get3A_923 = arith.constant 240 : index
    %get3A_924 = tpu.vector_load %arg7[%get3A_923] {strides = array<i32>} : memref<256xi32, #tpu.memory_space<vmem>>, vector<16xi32>,
    %shift_right_arithmetic3A_925 = arith.constant 8 : i32
    %shift_right_arithmetic3A_926 = vector.broadcast %shift_right_arithmetic3A_925 : i32 to vector<16xi32>
    %shift_right_arithmetic3A_927 = arith.shrsi %get3A_924, %shift_right_arithmetic3A_926 : vector<16xi32>
    %add3A_928 = arith.constant 1 : i32
    %add3A_929 = arith.addi %mul3A_2, %add3A_928 : i32
    %mul3A_930 = arith.constant 4 : i32
    %mul3A_931 = arith.muli %add3A_929, %mul3A_930 : i32
    %add3A_932 = arith.constant 0 : i32
    %add3A_933 = arith.addi %mul3A_931, %add3A_932 : i32
    %mul3A_934 = arith.constant 256 : i32
    %mul3A_935 = arith.muli %add3A_933, %mul3A_934 : i32
    %add3A_936 = vector.broadcast %mul3A_935 : i32 to vector<16xi32>
    %add3A_937 = arith.addi %shift_right_arithmetic3A_927, %add3A_936 : vector<16xi32>
    %swap3A_938 = arith.constant 4 : i32
    %swap3A_939 = arith.index_cast %swap3A_938 : i32 to index
    %swap3A_940 = arith.constant 112 : index
    %swap3A_941 = tpu.vector_load %arg9[%swap3A_939, %swap3A_940] {strides = array<i32>} : memref<8x128xi32, #tpu.memory_space<vmem>>, vector<16xi32>,
    tpu.vector_store %arg9[%swap3A_939, %swap3A_940], %add3A_937 {strides = array<i32>} : memref<8x128xi32, #tpu.memory_space<vmem>>, vector<16xi32>,
    %add3A_942 = arith.constant 1 : i32
    %add3A_943 = arith.addi %mul3A_2, %add3A_942 : i32
    %mul3A_944 = arith.constant 4 : i32
    %mul3A_945 = arith.muli %add3A_943, %mul3A_944 : i32
    %add3A_946 = arith.constant 1 : i32
    %add3A_947 = arith.addi %mul3A_945, %add3A_946 : i32
    %mul3A_948 = arith.constant 256 : i32
    %mul3A_949 = arith.muli %add3A_947, %mul3A_948 : i32
    %add3A_950 = vector.broadcast %mul3A_949 : i32 to vector<16xi32>
    %add3A_951 = arith.addi %shift_right_arithmetic3A_927, %add3A_950 : vector<16xi32>
    %swap3A_952 = arith.constant 5 : i32
    %swap3A_953 = arith.index_cast %swap3A_952 : i32 to index
    %swap3A_954 = arith.constant 112 : index
    %swap3A_955 = tpu.vector_load %arg9[%swap3A_953, %swap3A_954] {strides = array<i32>} : memref<8x128xi32, #tpu.memory_space<vmem>>, vector<16xi32>,
    tpu.vector_store %arg9[%swap3A_953, %swap3A_954], %add3A_951 {strides = array<i32>} : memref<8x128xi32, #tpu.memory_space<vmem>>, vector<16xi32>,
    %add3A_956 = arith.constant 1 : i32
    %add3A_957 = arith.addi %mul3A_2, %add3A_956 : i32
    %mul3A_958 = arith.constant 4 : i32
    %mul3A_959 = arith.muli %add3A_957, %mul3A_958 : i32
    %add3A_960 = arith.constant 2 : i32
    %add3A_961 = arith.addi %mul3A_959, %add3A_960 : i32
    %mul3A_962 = arith.constant 256 : i32
    %mul3A_963 = arith.muli %add3A_961, %mul3A_962 : i32
    %add3A_964 = vector.broadcast %mul3A_963 : i32 to vector<16xi32>
    %add3A_965 = arith.addi %shift_right_arithmetic3A_927, %add3A_964 : vector<16xi32>
    %swap3A_966 = arith.constant 6 : i32
    %swap3A_967 = arith.index_cast %swap3A_966 : i32 to index
    %swap3A_968 = arith.constant 112 : index
    %swap3A_969 = tpu.vector_load %arg9[%swap3A_967, %swap3A_968] {strides = array<i32>} : memref<8x128xi32, #tpu.memory_space<vmem>>, vector<16xi32>,
    tpu.vector_store %arg9[%swap3A_967, %swap3A_968], %add3A_965 {strides = array<i32>} : memref<8x128xi32, #tpu.memory_space<vmem>>, vector<16xi32>,
    %add3A_970 = arith.constant 1 : i32
    %add3A_971 = arith.addi %mul3A_2, %add3A_970 : i32
    %mul3A_972 = arith.constant 4 : i32
    %mul3A_973 = arith.muli %add3A_971, %mul3A_972 : i32
    %add3A_974 = arith.constant 3 : i32
    %add3A_975 = arith.addi %mul3A_973, %add3A_974 : i32
    %mul3A_976 = arith.constant 256 : i32
    %mul3A_977 = arith.muli %add3A_975, %mul3A_976 : i32
    %add3A_978 = vector.broadcast %mul3A_977 : i32 to vector<16xi32>
    %add3A_979 = arith.addi %shift_right_arithmetic3A_927, %add3A_978 : vector<16xi32>
    %swap3A_980 = arith.constant 7 : i32
    %swap3A_981 = arith.index_cast %swap3A_980 : i32 to index
    %swap3A_982 = arith.constant 112 : index
    %swap3A_983 = tpu.vector_load %arg9[%swap3A_981, %swap3A_982] {strides = array<i32>} : memref<8x128xi32, #tpu.memory_space<vmem>>, vector<16xi32>,
    tpu.vector_store %arg9[%swap3A_981, %swap3A_982], %add3A_979 {strides = array<i32>} : memref<8x128xi32, #tpu.memory_space<vmem>>, vector<16xi32>,
    %dma_start3A = arith.constant 0 : i32
    %dma_start3A_984 = arith.constant 0 : i32
    %dma_start3A_985 = tpu.memref_slice %arg9[%dma_start3A, %dma_start3A_984] : memref<8x128xi32, #tpu.memory_space<vmem>> -> memref<1x128xi32, #tpu.memory_space<vmem>>
    %dma_start3A_986 = tpu.memref_squeeze %dma_start3A_985 : memref<1x128xi32, #tpu.memory_space<vmem>> -> memref<128xi32, #tpu.memory_space<vmem>>
    %dma_start3A_987 = arith.constant 0 : i32
    %dma_start3A_988 = arith.constant 0 : i32
    %dma_start3A_989 = tpu.memref_slice %arg2[%dma_start3A_987, %dma_start3A_988] : memref<65536x256xf32, #tpu.memory_space<hbm>> -> memref<65536x256xf32, #tpu.memory_space<hbm>>
    tpu.enqueue_indirect_dma source(%dma_start3A_989 : memref<65536x256xf32, #tpu.memory_space<hbm>>) target(%arg10 : memref<128x256xf32, #tpu.memory_space<vmem>>) offsets(%dma_start3A_986 : memref<128xi32, #tpu.memory_space<vmem>>) semaphore(%arg16 : memref<!tpu.dma_semaphore, #tpu.memory_space<semaphore_mem>>)
    %dma_start3A_990 = arith.constant 1 : i32
    %dma_start3A_991 = arith.constant 0 : i32
    %dma_start3A_992 = tpu.memref_slice %arg9[%dma_start3A_990, %dma_start3A_991] : memref<8x128xi32, #tpu.memory_space<vmem>> -> memref<1x128xi32, #tpu.memory_space<vmem>>
    %dma_start3A_993 = tpu.memref_squeeze %dma_start3A_992 : memref<1x128xi32, #tpu.memory_space<vmem>> -> memref<128xi32, #tpu.memory_space<vmem>>
    %dma_start3A_994 = arith.constant 0 : i32
    %dma_start3A_995 = arith.constant 0 : i32
    %dma_start3A_996 = tpu.memref_slice %arg2[%dma_start3A_994, %dma_start3A_995] : memref<65536x256xf32, #tpu.memory_space<hbm>> -> memref<65536x256xf32, #tpu.memory_space<hbm>>
    tpu.enqueue_indirect_dma source(%dma_start3A_996 : memref<65536x256xf32, #tpu.memory_space<hbm>>) target(%arg11 : memref<128x256xf32, #tpu.memory_space<vmem>>) offsets(%dma_start3A_993 : memref<128xi32, #tpu.memory_space<vmem>>) semaphore(%arg17 : memref<!tpu.dma_semaphore, #tpu.memory_space<semaphore_mem>>)
    %dma_start3A_997 = arith.constant 2 : i32
    %dma_start3A_998 = arith.constant 0 : i32
    %dma_start3A_999 = tpu.memref_slice %arg9[%dma_start3A_997, %dma_start3A_998] : memref<8x128xi32, #tpu.memory_space<vmem>> -> memref<1x128xi32, #tpu.memory_space<vmem>>
    %dma_start3A_1000 = tpu.memref_squeeze %dma_start3A_999 : memref<1x128xi32, #tpu.memory_space<vmem>> -> memref<128xi32, #tpu.memory_space<vmem>>
    %dma_start3A_1001 = arith.constant 0 : i32
    %dma_start3A_1002 = arith.constant 0 : i32
    %dma_start3A_1003 = tpu.memref_slice %arg2[%dma_start3A_1001, %dma_start3A_1002] : memref<65536x256xf32, #tpu.memory_space<hbm>> -> memref<65536x256xf32, #tpu.memory_space<hbm>>
    tpu.enqueue_indirect_dma source(%dma_start3A_1003 : memref<65536x256xf32, #tpu.memory_space<hbm>>) target(%arg12 : memref<128x256xf32, #tpu.memory_space<vmem>>) offsets(%dma_start3A_1000 : memref<128xi32, #tpu.memory_space<vmem>>) semaphore(%arg18 : memref<!tpu.dma_semaphore, #tpu.memory_space<semaphore_mem>>)
    %dma_wait3A = arith.constant 0 : i32
    %dma_wait3A_1004 = arith.constant 0 : i32
    %dma_wait3A_1005 = tpu.memref_slice %arg9[%dma_wait3A, %dma_wait3A_1004] : memref<8x128xi32, #tpu.memory_space<vmem>> -> memref<1x128xi32, #tpu.memory_space<vmem>>
    %dma_wait3A_1006 = tpu.memref_squeeze %dma_wait3A_1005 : memref<1x128xi32, #tpu.memory_space<vmem>> -> memref<128xi32, #tpu.memory_space<vmem>>
    %dma_wait3A_1007 = arith.constant 0 : i32
    %dma_wait3A_1008 = arith.constant 0 : i32
    %dma_wait3A_1009 = tpu.memref_slice %arg2[%dma_wait3A_1007, %dma_wait3A_1008] : memref<65536x256xf32, #tpu.memory_space<hbm>> -> memref<65536x256xf32, #tpu.memory_space<hbm>>
    tpu.wait_indirect_dma semaphore(%arg16 : memref<!tpu.dma_semaphore, #tpu.memory_space<semaphore_mem>>) src(%dma_wait3A_1009 : memref<65536x256xf32, #tpu.memory_space<hbm>>) dst(%arg10 : memref<128x256xf32, #tpu.memory_space<vmem>>)
    %get3A_1010 = arith.constant 0 : index
    %get3A_1011 = tpu.vector_load %arg7[%get3A_1010] {strides = array<i32>} : memref<256xi32, #tpu.memory_space<vmem>>, vector<16xi32>,
    %add3A_1012 = arith.constant 0 : i32
    %add3A_1013 = vector.broadcast %add3A_1012 : i32 to vector<16xi32>
    %add3A_1014 = arith.addi %iota3A, %add3A_1013 : vector<16xi32>
    %and3A = arith.constant 255 : i32
    %and3A_1015 = vector.broadcast %and3A : i32 to vector<16xi32>
    %and3A_1016 = arith.andi %get3A_1011, %and3A_1015 : vector<16xi32>
    %gather3A = tpu.vector_load_idx %arg10[%add3A_1014, %and3A_1016] : memref<128x256xf32, #tpu.memory_space<vmem>>[vector<16xi32>, vector<16xi32>], vector<16xf32>,
    %swap3A_1017 = arith.constant 0 : i32
    %swap3A_1018 = arith.index_cast %swap3A_1017 : i32 to index
    %swap3A_1019 = arith.constant 0 : index
    %swap3A_1020 = tpu.vector_load %arg13[%swap3A_1018, %swap3A_1019] {strides = array<i32>} : memref<8x128xf32, #tpu.memory_space<vmem>>, vector<16xf32>,
    tpu.vector_store %arg13[%swap3A_1018, %swap3A_1019], %gather3A {strides = array<i32>} : memref<8x128xf32, #tpu.memory_space<vmem>>, vector<16xf32>,
    %get3A_1021 = arith.constant 16 : index
    %get3A_1022 = tpu.vector_load %arg7[%get3A_1021] {strides = array<i32>} : memref<256xi32, #tpu.memory_space<vmem>>, vector<16xi32>,
    %add3A_1023 = arith.constant 16 : i32
    %add3A_1024 = vector.broadcast %add3A_1023 : i32 to vector<16xi32>
    %add3A_1025 = arith.addi %iota3A, %add3A_1024 : vector<16xi32>
    %and3A_1026 = arith.constant 255 : i32
    %and3A_1027 = vector.broadcast %and3A_1026 : i32 to vector<16xi32>
    %and3A_1028 = arith.andi %get3A_1022, %and3A_1027 : vector<16xi32>
    %gather3A_1029 = tpu.vector_load_idx %arg10[%add3A_1025, %and3A_1028] : memref<128x256xf32, #tpu.memory_space<vmem>>[vector<16xi32>, vector<16xi32>], vector<16xf32>,
    %swap3A_1030 = arith.constant 0 : i32
    %swap3A_1031 = arith.index_cast %swap3A_1030 : i32 to index
    %swap3A_1032 = arith.constant 16 : index
    %swap3A_1033 = tpu.vector_load %arg13[%swap3A_1031, %swap3A_1032] {strides = array<i32>} : memref<8x128xf32, #tpu.memory_space<vmem>>, vector<16xf32>,
    tpu.vector_store %arg13[%swap3A_1031, %swap3A_1032], %gather3A_1029 {strides = array<i32>} : memref<8x128xf32, #tpu.memory_space<vmem>>, vector<16xf32>,
    %get3A_1034 = arith.constant 32 : index
    %get3A_1035 = tpu.vector_load %arg7[%get3A_1034] {strides = array<i32>} : memref<256xi32, #tpu.memory_space<vmem>>, vector<16xi32>,
    %add3A_1036 = arith.constant 32 : i32
    %add3A_1037 = vector.broadcast %add3A_1036 : i32 to vector<16xi32>
    %add3A_1038 = arith.addi %iota3A, %add3A_1037 : vector<16xi32>
    %and3A_1039 = arith.constant 255 : i32
    %and3A_1040 = vector.broadcast %and3A_1039 : i32 to vector<16xi32>
    %and3A_1041 = arith.andi %get3A_1035, %and3A_1040 : vector<16xi32>
    %gather3A_1042 = tpu.vector_load_idx %arg10[%add3A_1038, %and3A_1041] : memref<128x256xf32, #tpu.memory_space<vmem>>[vector<16xi32>, vector<16xi32>], vector<16xf32>,
    %swap3A_1043 = arith.constant 0 : i32
    %swap3A_1044 = arith.index_cast %swap3A_1043 : i32 to index
    %swap3A_1045 = arith.constant 32 : index
    %swap3A_1046 = tpu.vector_load %arg13[%swap3A_1044, %swap3A_1045] {strides = array<i32>} : memref<8x128xf32, #tpu.memory_space<vmem>>, vector<16xf32>,
    tpu.vector_store %arg13[%swap3A_1044, %swap3A_1045], %gather3A_1042 {strides = array<i32>} : memref<8x128xf32, #tpu.memory_space<vmem>>, vector<16xf32>,
    %get3A_1047 = arith.constant 48 : index
    %get3A_1048 = tpu.vector_load %arg7[%get3A_1047] {strides = array<i32>} : memref<256xi32, #tpu.memory_space<vmem>>, vector<16xi32>,
    %add3A_1049 = arith.constant 48 : i32
    %add3A_1050 = vector.broadcast %add3A_1049 : i32 to vector<16xi32>
    %add3A_1051 = arith.addi %iota3A, %add3A_1050 : vector<16xi32>
    %and3A_1052 = arith.constant 255 : i32
    %and3A_1053 = vector.broadcast %and3A_1052 : i32 to vector<16xi32>
    %and3A_1054 = arith.andi %get3A_1048, %and3A_1053 : vector<16xi32>
    %gather3A_1055 = tpu.vector_load_idx %arg10[%add3A_1051, %and3A_1054] : memref<128x256xf32, #tpu.memory_space<vmem>>[vector<16xi32>, vector<16xi32>], vector<16xf32>,
    %swap3A_1056 = arith.constant 0 : i32
    %swap3A_1057 = arith.index_cast %swap3A_1056 : i32 to index
    %swap3A_1058 = arith.constant 48 : index
    %swap3A_1059 = tpu.vector_load %arg13[%swap3A_1057, %swap3A_1058] {strides = array<i32>} : memref<8x128xf32, #tpu.memory_space<vmem>>, vector<16xf32>,
    tpu.vector_store %arg13[%swap3A_1057, %swap3A_1058], %gather3A_1055 {strides = array<i32>} : memref<8x128xf32, #tpu.memory_space<vmem>>, vector<16xf32>,
    %get3A_1060 = arith.constant 64 : index
    %get3A_1061 = tpu.vector_load %arg7[%get3A_1060] {strides = array<i32>} : memref<256xi32, #tpu.memory_space<vmem>>, vector<16xi32>,
    %add3A_1062 = arith.constant 64 : i32
    %add3A_1063 = vector.broadcast %add3A_1062 : i32 to vector<16xi32>
    %add3A_1064 = arith.addi %iota3A, %add3A_1063 : vector<16xi32>
    %and3A_1065 = arith.constant 255 : i32
    %and3A_1066 = vector.broadcast %and3A_1065 : i32 to vector<16xi32>
    %and3A_1067 = arith.andi %get3A_1061, %and3A_1066 : vector<16xi32>
    %gather3A_1068 = tpu.vector_load_idx %arg10[%add3A_1064, %and3A_1067] : memref<128x256xf32, #tpu.memory_space<vmem>>[vector<16xi32>, vector<16xi32>], vector<16xf32>,
    %swap3A_1069 = arith.constant 0 : i32
    %swap3A_1070 = arith.index_cast %swap3A_1069 : i32 to index
    %swap3A_1071 = arith.constant 64 : index
    %swap3A_1072 = tpu.vector_load %arg13[%swap3A_1070, %swap3A_1071] {strides = array<i32>} : memref<8x128xf32, #tpu.memory_space<vmem>>, vector<16xf32>,
    tpu.vector_store %arg13[%swap3A_1070, %swap3A_1071], %gather3A_1068 {strides = array<i32>} : memref<8x128xf32, #tpu.memory_space<vmem>>, vector<16xf32>,
    %get3A_1073 = arith.constant 80 : index
    %get3A_1074 = tpu.vector_load %arg7[%get3A_1073] {strides = array<i32>} : memref<256xi32, #tpu.memory_space<vmem>>, vector<16xi32>,
    %add3A_1075 = arith.constant 80 : i32
    %add3A_1076 = vector.broadcast %add3A_1075 : i32 to vector<16xi32>
    %add3A_1077 = arith.addi %iota3A, %add3A_1076 : vector<16xi32>
    %and3A_1078 = arith.constant 255 : i32
    %and3A_1079 = vector.broadcast %and3A_1078 : i32 to vector<16xi32>
    %and3A_1080 = arith.andi %get3A_1074, %and3A_1079 : vector<16xi32>
    %gather3A_1081 = tpu.vector_load_idx %arg10[%add3A_1077, %and3A_1080] : memref<128x256xf32, #tpu.memory_space<vmem>>[vector<16xi32>, vector<16xi32>], vector<16xf32>,
    %swap3A_1082 = arith.constant 0 : i32
    %swap3A_1083 = arith.index_cast %swap3A_1082 : i32 to index
    %swap3A_1084 = arith.constant 80 : index
    %swap3A_1085 = tpu.vector_load %arg13[%swap3A_1083, %swap3A_1084] {strides = array<i32>} : memref<8x128xf32, #tpu.memory_space<vmem>>, vector<16xf32>,
    tpu.vector_store %arg13[%swap3A_1083, %swap3A_1084], %gather3A_1081 {strides = array<i32>} : memref<8x128xf32, #tpu.memory_space<vmem>>, vector<16xf32>,
    %get3A_1086 = arith.constant 96 : index
    %get3A_1087 = tpu.vector_load %arg7[%get3A_1086] {strides = array<i32>} : memref<256xi32, #tpu.memory_space<vmem>>, vector<16xi32>,
    %add3A_1088 = arith.constant 96 : i32
    %add3A_1089 = vector.broadcast %add3A_1088 : i32 to vector<16xi32>
    %add3A_1090 = arith.addi %iota3A, %add3A_1089 : vector<16xi32>
    %and3A_1091 = arith.constant 255 : i32
    %and3A_1092 = vector.broadcast %and3A_1091 : i32 to vector<16xi32>
    %and3A_1093 = arith.andi %get3A_1087, %and3A_1092 : vector<16xi32>
    %gather3A_1094 = tpu.vector_load_idx %arg10[%add3A_1090, %and3A_1093] : memref<128x256xf32, #tpu.memory_space<vmem>>[vector<16xi32>, vector<16xi32>], vector<16xf32>,
    %swap3A_1095 = arith.constant 0 : i32
    %swap3A_1096 = arith.index_cast %swap3A_1095 : i32 to index
    %swap3A_1097 = arith.constant 96 : index
    %swap3A_1098 = tpu.vector_load %arg13[%swap3A_1096, %swap3A_1097] {strides = array<i32>} : memref<8x128xf32, #tpu.memory_space<vmem>>, vector<16xf32>,
    tpu.vector_store %arg13[%swap3A_1096, %swap3A_1097], %gather3A_1094 {strides = array<i32>} : memref<8x128xf32, #tpu.memory_space<vmem>>, vector<16xf32>,
    %get3A_1099 = arith.constant 112 : index
    %get3A_1100 = tpu.vector_load %arg7[%get3A_1099] {strides = array<i32>} : memref<256xi32, #tpu.memory_space<vmem>>, vector<16xi32>,
    %add3A_1101 = arith.constant 112 : i32
    %add3A_1102 = vector.broadcast %add3A_1101 : i32 to vector<16xi32>
    %add3A_1103 = arith.addi %iota3A, %add3A_1102 : vector<16xi32>
    %and3A_1104 = arith.constant 255 : i32
    %and3A_1105 = vector.broadcast %and3A_1104 : i32 to vector<16xi32>
    %and3A_1106 = arith.andi %get3A_1100, %and3A_1105 : vector<16xi32>
    %gather3A_1107 = tpu.vector_load_idx %arg10[%add3A_1103, %and3A_1106] : memref<128x256xf32, #tpu.memory_space<vmem>>[vector<16xi32>, vector<16xi32>], vector<16xf32>,
    %swap3A_1108 = arith.constant 0 : i32
    %swap3A_1109 = arith.index_cast %swap3A_1108 : i32 to index
    %swap3A_1110 = arith.constant 112 : index
    %swap3A_1111 = tpu.vector_load %arg13[%swap3A_1109, %swap3A_1110] {strides = array<i32>} : memref<8x128xf32, #tpu.memory_space<vmem>>, vector<16xf32>,
    tpu.vector_store %arg13[%swap3A_1109, %swap3A_1110], %gather3A_1107 {strides = array<i32>} : memref<8x128xf32, #tpu.memory_space<vmem>>, vector<16xf32>,
    %dma_start3A_1112 = arith.constant 3 : i32
    %dma_start3A_1113 = arith.constant 0 : i32
    %dma_start3A_1114 = tpu.memref_slice %arg9[%dma_start3A_1112, %dma_start3A_1113] : memref<8x128xi32, #tpu.memory_space<vmem>> -> memref<1x128xi32, #tpu.memory_space<vmem>>
    %dma_start3A_1115 = tpu.memref_squeeze %dma_start3A_1114 : memref<1x128xi32, #tpu.memory_space<vmem>> -> memref<128xi32, #tpu.memory_space<vmem>>
    %dma_start3A_1116 = arith.constant 0 : i32
    %dma_start3A_1117 = arith.constant 0 : i32
    %dma_start3A_1118 = tpu.memref_slice %arg2[%dma_start3A_1116, %dma_start3A_1117] : memref<65536x256xf32, #tpu.memory_space<hbm>> -> memref<65536x256xf32, #tpu.memory_space<hbm>>
    tpu.enqueue_indirect_dma source(%dma_start3A_1118 : memref<65536x256xf32, #tpu.memory_space<hbm>>) target(%arg10 : memref<128x256xf32, #tpu.memory_space<vmem>>) offsets(%dma_start3A_1115 : memref<128xi32, #tpu.memory_space<vmem>>) semaphore(%arg16 : memref<!tpu.dma_semaphore, #tpu.memory_space<semaphore_mem>>)
    %dma_wait3A_1119 = arith.constant 1 : i32
    %dma_wait3A_1120 = arith.constant 0 : i32
    %dma_wait3A_1121 = tpu.memref_slice %arg9[%dma_wait3A_1119, %dma_wait3A_1120] : memref<8x128xi32, #tpu.memory_space<vmem>> -> memref<1x128xi32, #tpu.memory_space<vmem>>
    %dma_wait3A_1122 = tpu.memref_squeeze %dma_wait3A_1121 : memref<1x128xi32, #tpu.memory_space<vmem>> -> memref<128xi32, #tpu.memory_space<vmem>>
    %dma_wait3A_1123 = arith.constant 0 : i32
    %dma_wait3A_1124 = arith.constant 0 : i32
    %dma_wait3A_1125 = tpu.memref_slice %arg2[%dma_wait3A_1123, %dma_wait3A_1124] : memref<65536x256xf32, #tpu.memory_space<hbm>> -> memref<65536x256xf32, #tpu.memory_space<hbm>>
    tpu.wait_indirect_dma semaphore(%arg17 : memref<!tpu.dma_semaphore, #tpu.memory_space<semaphore_mem>>) src(%dma_wait3A_1125 : memref<65536x256xf32, #tpu.memory_space<hbm>>) dst(%arg11 : memref<128x256xf32, #tpu.memory_space<vmem>>)
    %get3A_1126 = arith.constant 0 : index
    %get3A_1127 = tpu.vector_load %arg7[%get3A_1126] {strides = array<i32>} : memref<256xi32, #tpu.memory_space<vmem>>, vector<16xi32>,
    %add3A_1128 = arith.constant 0 : i32
    %add3A_1129 = vector.broadcast %add3A_1128 : i32 to vector<16xi32>
    %add3A_1130 = arith.addi %iota3A, %add3A_1129 : vector<16xi32>
    %and3A_1131 = arith.constant 255 : i32
    %and3A_1132 = vector.broadcast %and3A_1131 : i32 to vector<16xi32>
    %and3A_1133 = arith.andi %get3A_1127, %and3A_1132 : vector<16xi32>
    %gather3A_1134 = tpu.vector_load_idx %arg11[%add3A_1130, %and3A_1133] : memref<128x256xf32, #tpu.memory_space<vmem>>[vector<16xi32>, vector<16xi32>], vector<16xf32>,
    %swap3A_1135 = arith.constant 1 : i32
    %swap3A_1136 = arith.index_cast %swap3A_1135 : i32 to index
    %swap3A_1137 = arith.constant 0 : index
    %swap3A_1138 = tpu.vector_load %arg13[%swap3A_1136, %swap3A_1137] {strides = array<i32>} : memref<8x128xf32, #tpu.memory_space<vmem>>, vector<16xf32>,
    tpu.vector_store %arg13[%swap3A_1136, %swap3A_1137], %gather3A_1134 {strides = array<i32>} : memref<8x128xf32, #tpu.memory_space<vmem>>, vector<16xf32>,
    %get3A_1139 = arith.constant 16 : index
    %get3A_1140 = tpu.vector_load %arg7[%get3A_1139] {strides = array<i32>} : memref<256xi32, #tpu.memory_space<vmem>>, vector<16xi32>,
    %add3A_1141 = arith.constant 16 : i32
    %add3A_1142 = vector.broadcast %add3A_1141 : i32 to vector<16xi32>
    %add3A_1143 = arith.addi %iota3A, %add3A_1142 : vector<16xi32>
    %and3A_1144 = arith.constant 255 : i32
    %and3A_1145 = vector.broadcast %and3A_1144 : i32 to vector<16xi32>
    %and3A_1146 = arith.andi %get3A_1140, %and3A_1145 : vector<16xi32>
    %gather3A_1147 = tpu.vector_load_idx %arg11[%add3A_1143, %and3A_1146] : memref<128x256xf32, #tpu.memory_space<vmem>>[vector<16xi32>, vector<16xi32>], vector<16xf32>,
    %swap3A_1148 = arith.constant 1 : i32
    %swap3A_1149 = arith.index_cast %swap3A_1148 : i32 to index
    %swap3A_1150 = arith.constant 16 : index
    %swap3A_1151 = tpu.vector_load %arg13[%swap3A_1149, %swap3A_1150] {strides = array<i32>} : memref<8x128xf32, #tpu.memory_space<vmem>>, vector<16xf32>,
    tpu.vector_store %arg13[%swap3A_1149, %swap3A_1150], %gather3A_1147 {strides = array<i32>} : memref<8x128xf32, #tpu.memory_space<vmem>>, vector<16xf32>,
    %get3A_1152 = arith.constant 32 : index
    %get3A_1153 = tpu.vector_load %arg7[%get3A_1152] {strides = array<i32>} : memref<256xi32, #tpu.memory_space<vmem>>, vector<16xi32>,
    %add3A_1154 = arith.constant 32 : i32
    %add3A_1155 = vector.broadcast %add3A_1154 : i32 to vector<16xi32>
    %add3A_1156 = arith.addi %iota3A, %add3A_1155 : vector<16xi32>
    %and3A_1157 = arith.constant 255 : i32
    %and3A_1158 = vector.broadcast %and3A_1157 : i32 to vector<16xi32>
    %and3A_1159 = arith.andi %get3A_1153, %and3A_1158 : vector<16xi32>
    %gather3A_1160 = tpu.vector_load_idx %arg11[%add3A_1156, %and3A_1159] : memref<128x256xf32, #tpu.memory_space<vmem>>[vector<16xi32>, vector<16xi32>], vector<16xf32>,
    %swap3A_1161 = arith.constant 1 : i32
    %swap3A_1162 = arith.index_cast %swap3A_1161 : i32 to index
    %swap3A_1163 = arith.constant 32 : index
    %swap3A_1164 = tpu.vector_load %arg13[%swap3A_1162, %swap3A_1163] {strides = array<i32>} : memref<8x128xf32, #tpu.memory_space<vmem>>, vector<16xf32>,
    tpu.vector_store %arg13[%swap3A_1162, %swap3A_1163], %gather3A_1160 {strides = array<i32>} : memref<8x128xf32, #tpu.memory_space<vmem>>, vector<16xf32>,
    %get3A_1165 = arith.constant 48 : index
    %get3A_1166 = tpu.vector_load %arg7[%get3A_1165] {strides = array<i32>} : memref<256xi32, #tpu.memory_space<vmem>>, vector<16xi32>,
    %add3A_1167 = arith.constant 48 : i32
    %add3A_1168 = vector.broadcast %add3A_1167 : i32 to vector<16xi32>
    %add3A_1169 = arith.addi %iota3A, %add3A_1168 : vector<16xi32>
    %and3A_1170 = arith.constant 255 : i32
    %and3A_1171 = vector.broadcast %and3A_1170 : i32 to vector<16xi32>
    %and3A_1172 = arith.andi %get3A_1166, %and3A_1171 : vector<16xi32>
    %gather3A_1173 = tpu.vector_load_idx %arg11[%add3A_1169, %and3A_1172] : memref<128x256xf32, #tpu.memory_space<vmem>>[vector<16xi32>, vector<16xi32>], vector<16xf32>,
    %swap3A_1174 = arith.constant 1 : i32
    %swap3A_1175 = arith.index_cast %swap3A_1174 : i32 to index
    %swap3A_1176 = arith.constant 48 : index
    %swap3A_1177 = tpu.vector_load %arg13[%swap3A_1175, %swap3A_1176] {strides = array<i32>} : memref<8x128xf32, #tpu.memory_space<vmem>>, vector<16xf32>,
    tpu.vector_store %arg13[%swap3A_1175, %swap3A_1176], %gather3A_1173 {strides = array<i32>} : memref<8x128xf32, #tpu.memory_space<vmem>>, vector<16xf32>,
    %get3A_1178 = arith.constant 64 : index
    %get3A_1179 = tpu.vector_load %arg7[%get3A_1178] {strides = array<i32>} : memref<256xi32, #tpu.memory_space<vmem>>, vector<16xi32>,
    %add3A_1180 = arith.constant 64 : i32
    %add3A_1181 = vector.broadcast %add3A_1180 : i32 to vector<16xi32>
    %add3A_1182 = arith.addi %iota3A, %add3A_1181 : vector<16xi32>
    %and3A_1183 = arith.constant 255 : i32
    %and3A_1184 = vector.broadcast %and3A_1183 : i32 to vector<16xi32>
    %and3A_1185 = arith.andi %get3A_1179, %and3A_1184 : vector<16xi32>
    %gather3A_1186 = tpu.vector_load_idx %arg11[%add3A_1182, %and3A_1185] : memref<128x256xf32, #tpu.memory_space<vmem>>[vector<16xi32>, vector<16xi32>], vector<16xf32>,
    %swap3A_1187 = arith.constant 1 : i32
    %swap3A_1188 = arith.index_cast %swap3A_1187 : i32 to index
    %swap3A_1189 = arith.constant 64 : index
    %swap3A_1190 = tpu.vector_load %arg13[%swap3A_1188, %swap3A_1189] {strides = array<i32>} : memref<8x128xf32, #tpu.memory_space<vmem>>, vector<16xf32>,
    tpu.vector_store %arg13[%swap3A_1188, %swap3A_1189], %gather3A_1186 {strides = array<i32>} : memref<8x128xf32, #tpu.memory_space<vmem>>, vector<16xf32>,
    %get3A_1191 = arith.constant 80 : index
    %get3A_1192 = tpu.vector_load %arg7[%get3A_1191] {strides = array<i32>} : memref<256xi32, #tpu.memory_space<vmem>>, vector<16xi32>,
    %add3A_1193 = arith.constant 80 : i32
    %add3A_1194 = vector.broadcast %add3A_1193 : i32 to vector<16xi32>
    %add3A_1195 = arith.addi %iota3A, %add3A_1194 : vector<16xi32>
    %and3A_1196 = arith.constant 255 : i32
    %and3A_1197 = vector.broadcast %and3A_1196 : i32 to vector<16xi32>
    %and3A_1198 = arith.andi %get3A_1192, %and3A_1197 : vector<16xi32>
    %gather3A_1199 = tpu.vector_load_idx %arg11[%add3A_1195, %and3A_1198] : memref<128x256xf32, #tpu.memory_space<vmem>>[vector<16xi32>, vector<16xi32>], vector<16xf32>,
    %swap3A_1200 = arith.constant 1 : i32
    %swap3A_1201 = arith.index_cast %swap3A_1200 : i32 to index
    %swap3A_1202 = arith.constant 80 : index
    %swap3A_1203 = tpu.vector_load %arg13[%swap3A_1201, %swap3A_1202] {strides = array<i32>} : memref<8x128xf32, #tpu.memory_space<vmem>>, vector<16xf32>,
    tpu.vector_store %arg13[%swap3A_1201, %swap3A_1202], %gather3A_1199 {strides = array<i32>} : memref<8x128xf32, #tpu.memory_space<vmem>>, vector<16xf32>,
    %get3A_1204 = arith.constant 96 : index
    %get3A_1205 = tpu.vector_load %arg7[%get3A_1204] {strides = array<i32>} : memref<256xi32, #tpu.memory_space<vmem>>, vector<16xi32>,
    %add3A_1206 = arith.constant 96 : i32
    %add3A_1207 = vector.broadcast %add3A_1206 : i32 to vector<16xi32>
    %add3A_1208 = arith.addi %iota3A, %add3A_1207 : vector<16xi32>
    %and3A_1209 = arith.constant 255 : i32
    %and3A_1210 = vector.broadcast %and3A_1209 : i32 to vector<16xi32>
    %and3A_1211 = arith.andi %get3A_1205, %and3A_1210 : vector<16xi32>
    %gather3A_1212 = tpu.vector_load_idx %arg11[%add3A_1208, %and3A_1211] : memref<128x256xf32, #tpu.memory_space<vmem>>[vector<16xi32>, vector<16xi32>], vector<16xf32>,
    %swap3A_1213 = arith.constant 1 : i32
    %swap3A_1214 = arith.index_cast %swap3A_1213 : i32 to index
    %swap3A_1215 = arith.constant 96 : index
    %swap3A_1216 = tpu.vector_load %arg13[%swap3A_1214, %swap3A_1215] {strides = array<i32>} : memref<8x128xf32, #tpu.memory_space<vmem>>, vector<16xf32>,
    tpu.vector_store %arg13[%swap3A_1214, %swap3A_1215], %gather3A_1212 {strides = array<i32>} : memref<8x128xf32, #tpu.memory_space<vmem>>, vector<16xf32>,
    %get3A_1217 = arith.constant 112 : index
    %get3A_1218 = tpu.vector_load %arg7[%get3A_1217] {strides = array<i32>} : memref<256xi32, #tpu.memory_space<vmem>>, vector<16xi32>,
    %add3A_1219 = arith.constant 112 : i32
    %add3A_1220 = vector.broadcast %add3A_1219 : i32 to vector<16xi32>
    %add3A_1221 = arith.addi %iota3A, %add3A_1220 : vector<16xi32>
    %and3A_1222 = arith.constant 255 : i32
    %and3A_1223 = vector.broadcast %and3A_1222 : i32 to vector<16xi32>
    %and3A_1224 = arith.andi %get3A_1218, %and3A_1223 : vector<16xi32>
    %gather3A_1225 = tpu.vector_load_idx %arg11[%add3A_1221, %and3A_1224] : memref<128x256xf32, #tpu.memory_space<vmem>>[vector<16xi32>, vector<16xi32>], vector<16xf32>,
    %swap3A_1226 = arith.constant 1 : i32
    %swap3A_1227 = arith.index_cast %swap3A_1226 : i32 to index
    %swap3A_1228 = arith.constant 112 : index
    %swap3A_1229 = tpu.vector_load %arg13[%swap3A_1227, %swap3A_1228] {strides = array<i32>} : memref<8x128xf32, #tpu.memory_space<vmem>>, vector<16xf32>,
    tpu.vector_store %arg13[%swap3A_1227, %swap3A_1228], %gather3A_1225 {strides = array<i32>} : memref<8x128xf32, #tpu.memory_space<vmem>>, vector<16xf32>,
    %dma_start3A_1230 = arith.constant 4 : i32
    %dma_start3A_1231 = arith.constant 0 : i32
    %dma_start3A_1232 = tpu.memref_slice %arg9[%dma_start3A_1230, %dma_start3A_1231] : memref<8x128xi32, #tpu.memory_space<vmem>> -> memref<1x128xi32, #tpu.memory_space<vmem>>
    %dma_start3A_1233 = tpu.memref_squeeze %dma_start3A_1232 : memref<1x128xi32, #tpu.memory_space<vmem>> -> memref<128xi32, #tpu.memory_space<vmem>>
    %dma_start3A_1234 = arith.constant 0 : i32
    %dma_start3A_1235 = arith.constant 0 : i32
    %dma_start3A_1236 = tpu.memref_slice %arg2[%dma_start3A_1234, %dma_start3A_1235] : memref<65536x256xf32, #tpu.memory_space<hbm>> -> memref<65536x256xf32, #tpu.memory_space<hbm>>
    tpu.enqueue_indirect_dma source(%dma_start3A_1236 : memref<65536x256xf32, #tpu.memory_space<hbm>>) target(%arg11 : memref<128x256xf32, #tpu.memory_space<vmem>>) offsets(%dma_start3A_1233 : memref<128xi32, #tpu.memory_space<vmem>>) semaphore(%arg17 : memref<!tpu.dma_semaphore, #tpu.memory_space<semaphore_mem>>)
    %dma_wait3A_1237 = arith.constant 2 : i32
    %dma_wait3A_1238 = arith.constant 0 : i32
    %dma_wait3A_1239 = tpu.memref_slice %arg9[%dma_wait3A_1237, %dma_wait3A_1238] : memref<8x128xi32, #tpu.memory_space<vmem>> -> memref<1x128xi32, #tpu.memory_space<vmem>>
    %dma_wait3A_1240 = tpu.memref_squeeze %dma_wait3A_1239 : memref<1x128xi32, #tpu.memory_space<vmem>> -> memref<128xi32, #tpu.memory_space<vmem>>
    %dma_wait3A_1241 = arith.constant 0 : i32
    %dma_wait3A_1242 = arith.constant 0 : i32
    %dma_wait3A_1243 = tpu.memref_slice %arg2[%dma_wait3A_1241, %dma_wait3A_1242] : memref<65536x256xf32, #tpu.memory_space<hbm>> -> memref<65536x256xf32, #tpu.memory_space<hbm>>
    tpu.wait_indirect_dma semaphore(%arg18 : memref<!tpu.dma_semaphore, #tpu.memory_space<semaphore_mem>>) src(%dma_wait3A_1243 : memref<65536x256xf32, #tpu.memory_space<hbm>>) dst(%arg12 : memref<128x256xf32, #tpu.memory_space<vmem>>)
    %get3A_1244 = arith.constant 0 : index
    %get3A_1245 = tpu.vector_load %arg7[%get3A_1244] {strides = array<i32>} : memref<256xi32, #tpu.memory_space<vmem>>, vector<16xi32>,
    %add3A_1246 = arith.constant 0 : i32
    %add3A_1247 = vector.broadcast %add3A_1246 : i32 to vector<16xi32>
    %add3A_1248 = arith.addi %iota3A, %add3A_1247 : vector<16xi32>
    %and3A_1249 = arith.constant 255 : i32
    %and3A_1250 = vector.broadcast %and3A_1249 : i32 to vector<16xi32>
    %and3A_1251 = arith.andi %get3A_1245, %and3A_1250 : vector<16xi32>
    %gather3A_1252 = tpu.vector_load_idx %arg12[%add3A_1248, %and3A_1251] : memref<128x256xf32, #tpu.memory_space<vmem>>[vector<16xi32>, vector<16xi32>], vector<16xf32>,
    %swap3A_1253 = arith.constant 2 : i32
    %swap3A_1254 = arith.index_cast %swap3A_1253 : i32 to index
    %swap3A_1255 = arith.constant 0 : index
    %swap3A_1256 = tpu.vector_load %arg13[%swap3A_1254, %swap3A_1255] {strides = array<i32>} : memref<8x128xf32, #tpu.memory_space<vmem>>, vector<16xf32>,
    tpu.vector_store %arg13[%swap3A_1254, %swap3A_1255], %gather3A_1252 {strides = array<i32>} : memref<8x128xf32, #tpu.memory_space<vmem>>, vector<16xf32>,
    %get3A_1257 = arith.constant 16 : index
    %get3A_1258 = tpu.vector_load %arg7[%get3A_1257] {strides = array<i32>} : memref<256xi32, #tpu.memory_space<vmem>>, vector<16xi32>,
    %add3A_1259 = arith.constant 16 : i32
    %add3A_1260 = vector.broadcast %add3A_1259 : i32 to vector<16xi32>
    %add3A_1261 = arith.addi %iota3A, %add3A_1260 : vector<16xi32>
    %and3A_1262 = arith.constant 255 : i32
    %and3A_1263 = vector.broadcast %and3A_1262 : i32 to vector<16xi32>
    %and3A_1264 = arith.andi %get3A_1258, %and3A_1263 : vector<16xi32>
    %gather3A_1265 = tpu.vector_load_idx %arg12[%add3A_1261, %and3A_1264] : memref<128x256xf32, #tpu.memory_space<vmem>>[vector<16xi32>, vector<16xi32>], vector<16xf32>,
    %swap3A_1266 = arith.constant 2 : i32
    %swap3A_1267 = arith.index_cast %swap3A_1266 : i32 to index
    %swap3A_1268 = arith.constant 16 : index
    %swap3A_1269 = tpu.vector_load %arg13[%swap3A_1267, %swap3A_1268] {strides = array<i32>} : memref<8x128xf32, #tpu.memory_space<vmem>>, vector<16xf32>,
    tpu.vector_store %arg13[%swap3A_1267, %swap3A_1268], %gather3A_1265 {strides = array<i32>} : memref<8x128xf32, #tpu.memory_space<vmem>>, vector<16xf32>,
    %get3A_1270 = arith.constant 32 : index
    %get3A_1271 = tpu.vector_load %arg7[%get3A_1270] {strides = array<i32>} : memref<256xi32, #tpu.memory_space<vmem>>, vector<16xi32>,
    %add3A_1272 = arith.constant 32 : i32
    %add3A_1273 = vector.broadcast %add3A_1272 : i32 to vector<16xi32>
    %add3A_1274 = arith.addi %iota3A, %add3A_1273 : vector<16xi32>
    %and3A_1275 = arith.constant 255 : i32
    %and3A_1276 = vector.broadcast %and3A_1275 : i32 to vector<16xi32>
    %and3A_1277 = arith.andi %get3A_1271, %and3A_1276 : vector<16xi32>
    %gather3A_1278 = tpu.vector_load_idx %arg12[%add3A_1274, %and3A_1277] : memref<128x256xf32, #tpu.memory_space<vmem>>[vector<16xi32>, vector<16xi32>], vector<16xf32>,
    %swap3A_1279 = arith.constant 2 : i32
    %swap3A_1280 = arith.index_cast %swap3A_1279 : i32 to index
    %swap3A_1281 = arith.constant 32 : index
    %swap3A_1282 = tpu.vector_load %arg13[%swap3A_1280, %swap3A_1281] {strides = array<i32>} : memref<8x128xf32, #tpu.memory_space<vmem>>, vector<16xf32>,
    tpu.vector_store %arg13[%swap3A_1280, %swap3A_1281], %gather3A_1278 {strides = array<i32>} : memref<8x128xf32, #tpu.memory_space<vmem>>, vector<16xf32>,
    %get3A_1283 = arith.constant 48 : index
    %get3A_1284 = tpu.vector_load %arg7[%get3A_1283] {strides = array<i32>} : memref<256xi32, #tpu.memory_space<vmem>>, vector<16xi32>,
    %add3A_1285 = arith.constant 48 : i32
    %add3A_1286 = vector.broadcast %add3A_1285 : i32 to vector<16xi32>
    %add3A_1287 = arith.addi %iota3A, %add3A_1286 : vector<16xi32>
    %and3A_1288 = arith.constant 255 : i32
    %and3A_1289 = vector.broadcast %and3A_1288 : i32 to vector<16xi32>
    %and3A_1290 = arith.andi %get3A_1284, %and3A_1289 : vector<16xi32>
    %gather3A_1291 = tpu.vector_load_idx %arg12[%add3A_1287, %and3A_1290] : memref<128x256xf32, #tpu.memory_space<vmem>>[vector<16xi32>, vector<16xi32>], vector<16xf32>,
    %swap3A_1292 = arith.constant 2 : i32
    %swap3A_1293 = arith.index_cast %swap3A_1292 : i32 to index
    %swap3A_1294 = arith.constant 48 : index
    %swap3A_1295 = tpu.vector_load %arg13[%swap3A_1293, %swap3A_1294] {strides = array<i32>} : memref<8x128xf32, #tpu.memory_space<vmem>>, vector<16xf32>,
    tpu.vector_store %arg13[%swap3A_1293, %swap3A_1294], %gather3A_1291 {strides = array<i32>} : memref<8x128xf32, #tpu.memory_space<vmem>>, vector<16xf32>,
    %get3A_1296 = arith.constant 64 : index
    %get3A_1297 = tpu.vector_load %arg7[%get3A_1296] {strides = array<i32>} : memref<256xi32, #tpu.memory_space<vmem>>, vector<16xi32>,
    %add3A_1298 = arith.constant 64 : i32
    %add3A_1299 = vector.broadcast %add3A_1298 : i32 to vector<16xi32>
    %add3A_1300 = arith.addi %iota3A, %add3A_1299 : vector<16xi32>
    %and3A_1301 = arith.constant 255 : i32
    %and3A_1302 = vector.broadcast %and3A_1301 : i32 to vector<16xi32>
    %and3A_1303 = arith.andi %get3A_1297, %and3A_1302 : vector<16xi32>
    %gather3A_1304 = tpu.vector_load_idx %arg12[%add3A_1300, %and3A_1303] : memref<128x256xf32, #tpu.memory_space<vmem>>[vector<16xi32>, vector<16xi32>], vector<16xf32>,
    %swap3A_1305 = arith.constant 2 : i32
    %swap3A_1306 = arith.index_cast %swap3A_1305 : i32 to index
    %swap3A_1307 = arith.constant 64 : index
    %swap3A_1308 = tpu.vector_load %arg13[%swap3A_1306, %swap3A_1307] {strides = array<i32>} : memref<8x128xf32, #tpu.memory_space<vmem>>, vector<16xf32>,
    tpu.vector_store %arg13[%swap3A_1306, %swap3A_1307], %gather3A_1304 {strides = array<i32>} : memref<8x128xf32, #tpu.memory_space<vmem>>, vector<16xf32>,
    %get3A_1309 = arith.constant 80 : index
    %get3A_1310 = tpu.vector_load %arg7[%get3A_1309] {strides = array<i32>} : memref<256xi32, #tpu.memory_space<vmem>>, vector<16xi32>,
    %add3A_1311 = arith.constant 80 : i32
    %add3A_1312 = vector.broadcast %add3A_1311 : i32 to vector<16xi32>
    %add3A_1313 = arith.addi %iota3A, %add3A_1312 : vector<16xi32>
    %and3A_1314 = arith.constant 255 : i32
    %and3A_1315 = vector.broadcast %and3A_1314 : i32 to vector<16xi32>
    %and3A_1316 = arith.andi %get3A_1310, %and3A_1315 : vector<16xi32>
    %gather3A_1317 = tpu.vector_load_idx %arg12[%add3A_1313, %and3A_1316] : memref<128x256xf32, #tpu.memory_space<vmem>>[vector<16xi32>, vector<16xi32>], vector<16xf32>,
    %swap3A_1318 = arith.constant 2 : i32
    %swap3A_1319 = arith.index_cast %swap3A_1318 : i32 to index
    %swap3A_1320 = arith.constant 80 : index
    %swap3A_1321 = tpu.vector_load %arg13[%swap3A_1319, %swap3A_1320] {strides = array<i32>} : memref<8x128xf32, #tpu.memory_space<vmem>>, vector<16xf32>,
    tpu.vector_store %arg13[%swap3A_1319, %swap3A_1320], %gather3A_1317 {strides = array<i32>} : memref<8x128xf32, #tpu.memory_space<vmem>>, vector<16xf32>,
    %get3A_1322 = arith.constant 96 : index
    %get3A_1323 = tpu.vector_load %arg7[%get3A_1322] {strides = array<i32>} : memref<256xi32, #tpu.memory_space<vmem>>, vector<16xi32>,
    %add3A_1324 = arith.constant 96 : i32
    %add3A_1325 = vector.broadcast %add3A_1324 : i32 to vector<16xi32>
    %add3A_1326 = arith.addi %iota3A, %add3A_1325 : vector<16xi32>
    %and3A_1327 = arith.constant 255 : i32
    %and3A_1328 = vector.broadcast %and3A_1327 : i32 to vector<16xi32>
    %and3A_1329 = arith.andi %get3A_1323, %and3A_1328 : vector<16xi32>
    %gather3A_1330 = tpu.vector_load_idx %arg12[%add3A_1326, %and3A_1329] : memref<128x256xf32, #tpu.memory_space<vmem>>[vector<16xi32>, vector<16xi32>], vector<16xf32>,
    %swap3A_1331 = arith.constant 2 : i32
    %swap3A_1332 = arith.index_cast %swap3A_1331 : i32 to index
    %swap3A_1333 = arith.constant 96 : index
    %swap3A_1334 = tpu.vector_load %arg13[%swap3A_1332, %swap3A_1333] {strides = array<i32>} : memref<8x128xf32, #tpu.memory_space<vmem>>, vector<16xf32>,
    tpu.vector_store %arg13[%swap3A_1332, %swap3A_1333], %gather3A_1330 {strides = array<i32>} : memref<8x128xf32, #tpu.memory_space<vmem>>, vector<16xf32>,
    %get3A_1335 = arith.constant 112 : index
    %get3A_1336 = tpu.vector_load %arg7[%get3A_1335] {strides = array<i32>} : memref<256xi32, #tpu.memory_space<vmem>>, vector<16xi32>,
    %add3A_1337 = arith.constant 112 : i32
    %add3A_1338 = vector.broadcast %add3A_1337 : i32 to vector<16xi32>
    %add3A_1339 = arith.addi %iota3A, %add3A_1338 : vector<16xi32>
    %and3A_1340 = arith.constant 255 : i32
    %and3A_1341 = vector.broadcast %and3A_1340 : i32 to vector<16xi32>
    %and3A_1342 = arith.andi %get3A_1336, %and3A_1341 : vector<16xi32>
    %gather3A_1343 = tpu.vector_load_idx %arg12[%add3A_1339, %and3A_1342] : memref<128x256xf32, #tpu.memory_space<vmem>>[vector<16xi32>, vector<16xi32>], vector<16xf32>,
    %swap3A_1344 = arith.constant 2 : i32
    %swap3A_1345 = arith.index_cast %swap3A_1344 : i32 to index
    %swap3A_1346 = arith.constant 112 : index
    %swap3A_1347 = tpu.vector_load %arg13[%swap3A_1345, %swap3A_1346] {strides = array<i32>} : memref<8x128xf32, #tpu.memory_space<vmem>>, vector<16xf32>,
    tpu.vector_store %arg13[%swap3A_1345, %swap3A_1346], %gather3A_1343 {strides = array<i32>} : memref<8x128xf32, #tpu.memory_space<vmem>>, vector<16xf32>,
    %dma_start3A_1348 = arith.constant 5 : i32
    %dma_start3A_1349 = arith.constant 0 : i32
    %dma_start3A_1350 = tpu.memref_slice %arg9[%dma_start3A_1348, %dma_start3A_1349] : memref<8x128xi32, #tpu.memory_space<vmem>> -> memref<1x128xi32, #tpu.memory_space<vmem>>
    %dma_start3A_1351 = tpu.memref_squeeze %dma_start3A_1350 : memref<1x128xi32, #tpu.memory_space<vmem>> -> memref<128xi32, #tpu.memory_space<vmem>>
    %dma_start3A_1352 = arith.constant 0 : i32
    %dma_start3A_1353 = arith.constant 0 : i32
    %dma_start3A_1354 = tpu.memref_slice %arg2[%dma_start3A_1352, %dma_start3A_1353] : memref<65536x256xf32, #tpu.memory_space<hbm>> -> memref<65536x256xf32, #tpu.memory_space<hbm>>
    tpu.enqueue_indirect_dma source(%dma_start3A_1354 : memref<65536x256xf32, #tpu.memory_space<hbm>>) target(%arg12 : memref<128x256xf32, #tpu.memory_space<vmem>>) offsets(%dma_start3A_1351 : memref<128xi32, #tpu.memory_space<vmem>>) semaphore(%arg18 : memref<!tpu.dma_semaphore, #tpu.memory_space<semaphore_mem>>)
    %dma_wait3A_1355 = arith.constant 3 : i32
    %dma_wait3A_1356 = arith.constant 0 : i32
    %dma_wait3A_1357 = tpu.memref_slice %arg9[%dma_wait3A_1355, %dma_wait3A_1356] : memref<8x128xi32, #tpu.memory_space<vmem>> -> memref<1x128xi32, #tpu.memory_space<vmem>>
    %dma_wait3A_1358 = tpu.memref_squeeze %dma_wait3A_1357 : memref<1x128xi32, #tpu.memory_space<vmem>> -> memref<128xi32, #tpu.memory_space<vmem>>
    %dma_wait3A_1359 = arith.constant 0 : i32
    %dma_wait3A_1360 = arith.constant 0 : i32
    %dma_wait3A_1361 = tpu.memref_slice %arg2[%dma_wait3A_1359, %dma_wait3A_1360] : memref<65536x256xf32, #tpu.memory_space<hbm>> -> memref<65536x256xf32, #tpu.memory_space<hbm>>
    tpu.wait_indirect_dma semaphore(%arg16 : memref<!tpu.dma_semaphore, #tpu.memory_space<semaphore_mem>>) src(%dma_wait3A_1361 : memref<65536x256xf32, #tpu.memory_space<hbm>>) dst(%arg10 : memref<128x256xf32, #tpu.memory_space<vmem>>)
    %get3A_1362 = arith.constant 0 : index
    %get3A_1363 = tpu.vector_load %arg7[%get3A_1362] {strides = array<i32>} : memref<256xi32, #tpu.memory_space<vmem>>, vector<16xi32>,
    %add3A_1364 = arith.constant 0 : i32
    %add3A_1365 = vector.broadcast %add3A_1364 : i32 to vector<16xi32>
    %add3A_1366 = arith.addi %iota3A, %add3A_1365 : vector<16xi32>
    %and3A_1367 = arith.constant 255 : i32
    %and3A_1368 = vector.broadcast %and3A_1367 : i32 to vector<16xi32>
    %and3A_1369 = arith.andi %get3A_1363, %and3A_1368 : vector<16xi32>
    %gather3A_1370 = tpu.vector_load_idx %arg10[%add3A_1366, %and3A_1369] : memref<128x256xf32, #tpu.memory_space<vmem>>[vector<16xi32>, vector<16xi32>], vector<16xf32>,
    %swap3A_1371 = arith.constant 3 : i32
    %swap3A_1372 = arith.index_cast %swap3A_1371 : i32 to index
    %swap3A_1373 = arith.constant 0 : index
    %swap3A_1374 = tpu.vector_load %arg13[%swap3A_1372, %swap3A_1373] {strides = array<i32>} : memref<8x128xf32, #tpu.memory_space<vmem>>, vector<16xf32>,
    tpu.vector_store %arg13[%swap3A_1372, %swap3A_1373], %gather3A_1370 {strides = array<i32>} : memref<8x128xf32, #tpu.memory_space<vmem>>, vector<16xf32>,
    %get3A_1375 = arith.constant 16 : index
    %get3A_1376 = tpu.vector_load %arg7[%get3A_1375] {strides = array<i32>} : memref<256xi32, #tpu.memory_space<vmem>>, vector<16xi32>,
    %add3A_1377 = arith.constant 16 : i32
    %add3A_1378 = vector.broadcast %add3A_1377 : i32 to vector<16xi32>
    %add3A_1379 = arith.addi %iota3A, %add3A_1378 : vector<16xi32>
    %and3A_1380 = arith.constant 255 : i32
    %and3A_1381 = vector.broadcast %and3A_1380 : i32 to vector<16xi32>
    %and3A_1382 = arith.andi %get3A_1376, %and3A_1381 : vector<16xi32>
    %gather3A_1383 = tpu.vector_load_idx %arg10[%add3A_1379, %and3A_1382] : memref<128x256xf32, #tpu.memory_space<vmem>>[vector<16xi32>, vector<16xi32>], vector<16xf32>,
    %swap3A_1384 = arith.constant 3 : i32
    %swap3A_1385 = arith.index_cast %swap3A_1384 : i32 to index
    %swap3A_1386 = arith.constant 16 : index
    %swap3A_1387 = tpu.vector_load %arg13[%swap3A_1385, %swap3A_1386] {strides = array<i32>} : memref<8x128xf32, #tpu.memory_space<vmem>>, vector<16xf32>,
    tpu.vector_store %arg13[%swap3A_1385, %swap3A_1386], %gather3A_1383 {strides = array<i32>} : memref<8x128xf32, #tpu.memory_space<vmem>>, vector<16xf32>,
    %get3A_1388 = arith.constant 32 : index
    %get3A_1389 = tpu.vector_load %arg7[%get3A_1388] {strides = array<i32>} : memref<256xi32, #tpu.memory_space<vmem>>, vector<16xi32>,
    %add3A_1390 = arith.constant 32 : i32
    %add3A_1391 = vector.broadcast %add3A_1390 : i32 to vector<16xi32>
    %add3A_1392 = arith.addi %iota3A, %add3A_1391 : vector<16xi32>
    %and3A_1393 = arith.constant 255 : i32
    %and3A_1394 = vector.broadcast %and3A_1393 : i32 to vector<16xi32>
    %and3A_1395 = arith.andi %get3A_1389, %and3A_1394 : vector<16xi32>
    %gather3A_1396 = tpu.vector_load_idx %arg10[%add3A_1392, %and3A_1395] : memref<128x256xf32, #tpu.memory_space<vmem>>[vector<16xi32>, vector<16xi32>], vector<16xf32>,
    %swap3A_1397 = arith.constant 3 : i32
    %swap3A_1398 = arith.index_cast %swap3A_1397 : i32 to index
    %swap3A_1399 = arith.constant 32 : index
    %swap3A_1400 = tpu.vector_load %arg13[%swap3A_1398, %swap3A_1399] {strides = array<i32>} : memref<8x128xf32, #tpu.memory_space<vmem>>, vector<16xf32>,
    tpu.vector_store %arg13[%swap3A_1398, %swap3A_1399], %gather3A_1396 {strides = array<i32>} : memref<8x128xf32, #tpu.memory_space<vmem>>, vector<16xf32>,
    %get3A_1401 = arith.constant 48 : index
    %get3A_1402 = tpu.vector_load %arg7[%get3A_1401] {strides = array<i32>} : memref<256xi32, #tpu.memory_space<vmem>>, vector<16xi32>,
    %add3A_1403 = arith.constant 48 : i32
    %add3A_1404 = vector.broadcast %add3A_1403 : i32 to vector<16xi32>
    %add3A_1405 = arith.addi %iota3A, %add3A_1404 : vector<16xi32>
    %and3A_1406 = arith.constant 255 : i32
    %and3A_1407 = vector.broadcast %and3A_1406 : i32 to vector<16xi32>
    %and3A_1408 = arith.andi %get3A_1402, %and3A_1407 : vector<16xi32>
    %gather3A_1409 = tpu.vector_load_idx %arg10[%add3A_1405, %and3A_1408] : memref<128x256xf32, #tpu.memory_space<vmem>>[vector<16xi32>, vector<16xi32>], vector<16xf32>,
    %swap3A_1410 = arith.constant 3 : i32
    %swap3A_1411 = arith.index_cast %swap3A_1410 : i32 to index
    %swap3A_1412 = arith.constant 48 : index
    %swap3A_1413 = tpu.vector_load %arg13[%swap3A_1411, %swap3A_1412] {strides = array<i32>} : memref<8x128xf32, #tpu.memory_space<vmem>>, vector<16xf32>,
    tpu.vector_store %arg13[%swap3A_1411, %swap3A_1412], %gather3A_1409 {strides = array<i32>} : memref<8x128xf32, #tpu.memory_space<vmem>>, vector<16xf32>,
    %get3A_1414 = arith.constant 64 : index
    %get3A_1415 = tpu.vector_load %arg7[%get3A_1414] {strides = array<i32>} : memref<256xi32, #tpu.memory_space<vmem>>, vector<16xi32>,
    %add3A_1416 = arith.constant 64 : i32
    %add3A_1417 = vector.broadcast %add3A_1416 : i32 to vector<16xi32>
    %add3A_1418 = arith.addi %iota3A, %add3A_1417 : vector<16xi32>
    %and3A_1419 = arith.constant 255 : i32
    %and3A_1420 = vector.broadcast %and3A_1419 : i32 to vector<16xi32>
    %and3A_1421 = arith.andi %get3A_1415, %and3A_1420 : vector<16xi32>
    %gather3A_1422 = tpu.vector_load_idx %arg10[%add3A_1418, %and3A_1421] : memref<128x256xf32, #tpu.memory_space<vmem>>[vector<16xi32>, vector<16xi32>], vector<16xf32>,
    %swap3A_1423 = arith.constant 3 : i32
    %swap3A_1424 = arith.index_cast %swap3A_1423 : i32 to index
    %swap3A_1425 = arith.constant 64 : index
    %swap3A_1426 = tpu.vector_load %arg13[%swap3A_1424, %swap3A_1425] {strides = array<i32>} : memref<8x128xf32, #tpu.memory_space<vmem>>, vector<16xf32>,
    tpu.vector_store %arg13[%swap3A_1424, %swap3A_1425], %gather3A_1422 {strides = array<i32>} : memref<8x128xf32, #tpu.memory_space<vmem>>, vector<16xf32>,
    %get3A_1427 = arith.constant 80 : index
    %get3A_1428 = tpu.vector_load %arg7[%get3A_1427] {strides = array<i32>} : memref<256xi32, #tpu.memory_space<vmem>>, vector<16xi32>,
    %add3A_1429 = arith.constant 80 : i32
    %add3A_1430 = vector.broadcast %add3A_1429 : i32 to vector<16xi32>
    %add3A_1431 = arith.addi %iota3A, %add3A_1430 : vector<16xi32>
    %and3A_1432 = arith.constant 255 : i32
    %and3A_1433 = vector.broadcast %and3A_1432 : i32 to vector<16xi32>
    %and3A_1434 = arith.andi %get3A_1428, %and3A_1433 : vector<16xi32>
    %gather3A_1435 = tpu.vector_load_idx %arg10[%add3A_1431, %and3A_1434] : memref<128x256xf32, #tpu.memory_space<vmem>>[vector<16xi32>, vector<16xi32>], vector<16xf32>,
    %swap3A_1436 = arith.constant 3 : i32
    %swap3A_1437 = arith.index_cast %swap3A_1436 : i32 to index
    %swap3A_1438 = arith.constant 80 : index
    %swap3A_1439 = tpu.vector_load %arg13[%swap3A_1437, %swap3A_1438] {strides = array<i32>} : memref<8x128xf32, #tpu.memory_space<vmem>>, vector<16xf32>,
    tpu.vector_store %arg13[%swap3A_1437, %swap3A_1438], %gather3A_1435 {strides = array<i32>} : memref<8x128xf32, #tpu.memory_space<vmem>>, vector<16xf32>,
    %get3A_1440 = arith.constant 96 : index
    %get3A_1441 = tpu.vector_load %arg7[%get3A_1440] {strides = array<i32>} : memref<256xi32, #tpu.memory_space<vmem>>, vector<16xi32>,
    %add3A_1442 = arith.constant 96 : i32
    %add3A_1443 = vector.broadcast %add3A_1442 : i32 to vector<16xi32>
    %add3A_1444 = arith.addi %iota3A, %add3A_1443 : vector<16xi32>
    %and3A_1445 = arith.constant 255 : i32
    %and3A_1446 = vector.broadcast %and3A_1445 : i32 to vector<16xi32>
    %and3A_1447 = arith.andi %get3A_1441, %and3A_1446 : vector<16xi32>
    %gather3A_1448 = tpu.vector_load_idx %arg10[%add3A_1444, %and3A_1447] : memref<128x256xf32, #tpu.memory_space<vmem>>[vector<16xi32>, vector<16xi32>], vector<16xf32>,
    %swap3A_1449 = arith.constant 3 : i32
    %swap3A_1450 = arith.index_cast %swap3A_1449 : i32 to index
    %swap3A_1451 = arith.constant 96 : index
    %swap3A_1452 = tpu.vector_load %arg13[%swap3A_1450, %swap3A_1451] {strides = array<i32>} : memref<8x128xf32, #tpu.memory_space<vmem>>, vector<16xf32>,
    tpu.vector_store %arg13[%swap3A_1450, %swap3A_1451], %gather3A_1448 {strides = array<i32>} : memref<8x128xf32, #tpu.memory_space<vmem>>, vector<16xf32>,
    %get3A_1453 = arith.constant 112 : index
    %get3A_1454 = tpu.vector_load %arg7[%get3A_1453] {strides = array<i32>} : memref<256xi32, #tpu.memory_space<vmem>>, vector<16xi32>,
    %add3A_1455 = arith.constant 112 : i32
    %add3A_1456 = vector.broadcast %add3A_1455 : i32 to vector<16xi32>
    %add3A_1457 = arith.addi %iota3A, %add3A_1456 : vector<16xi32>
    %and3A_1458 = arith.constant 255 : i32
    %and3A_1459 = vector.broadcast %and3A_1458 : i32 to vector<16xi32>
    %and3A_1460 = arith.andi %get3A_1454, %and3A_1459 : vector<16xi32>
    %gather3A_1461 = tpu.vector_load_idx %arg10[%add3A_1457, %and3A_1460] : memref<128x256xf32, #tpu.memory_space<vmem>>[vector<16xi32>, vector<16xi32>], vector<16xf32>,
    %swap3A_1462 = arith.constant 3 : i32
    %swap3A_1463 = arith.index_cast %swap3A_1462 : i32 to index
    %swap3A_1464 = arith.constant 112 : index
    %swap3A_1465 = tpu.vector_load %arg13[%swap3A_1463, %swap3A_1464] {strides = array<i32>} : memref<8x128xf32, #tpu.memory_space<vmem>>, vector<16xf32>,
    tpu.vector_store %arg13[%swap3A_1463, %swap3A_1464], %gather3A_1461 {strides = array<i32>} : memref<8x128xf32, #tpu.memory_space<vmem>>, vector<16xf32>,
    %dma_start3A_1466 = arith.constant 6 : i32
    %dma_start3A_1467 = arith.constant 0 : i32
    %dma_start3A_1468 = tpu.memref_slice %arg9[%dma_start3A_1466, %dma_start3A_1467] : memref<8x128xi32, #tpu.memory_space<vmem>> -> memref<1x128xi32, #tpu.memory_space<vmem>>
    %dma_start3A_1469 = tpu.memref_squeeze %dma_start3A_1468 : memref<1x128xi32, #tpu.memory_space<vmem>> -> memref<128xi32, #tpu.memory_space<vmem>>
    %dma_start3A_1470 = arith.constant 0 : i32
    %dma_start3A_1471 = arith.constant 0 : i32
    %dma_start3A_1472 = tpu.memref_slice %arg2[%dma_start3A_1470, %dma_start3A_1471] : memref<65536x256xf32, #tpu.memory_space<hbm>> -> memref<65536x256xf32, #tpu.memory_space<hbm>>
    tpu.enqueue_indirect_dma source(%dma_start3A_1472 : memref<65536x256xf32, #tpu.memory_space<hbm>>) target(%arg10 : memref<128x256xf32, #tpu.memory_space<vmem>>) offsets(%dma_start3A_1469 : memref<128xi32, #tpu.memory_space<vmem>>) semaphore(%arg16 : memref<!tpu.dma_semaphore, #tpu.memory_space<semaphore_mem>>)
    %dma_wait3A_1473 = arith.constant 4 : i32
    %dma_wait3A_1474 = arith.constant 0 : i32
    %dma_wait3A_1475 = tpu.memref_slice %arg9[%dma_wait3A_1473, %dma_wait3A_1474] : memref<8x128xi32, #tpu.memory_space<vmem>> -> memref<1x128xi32, #tpu.memory_space<vmem>>
    %dma_wait3A_1476 = tpu.memref_squeeze %dma_wait3A_1475 : memref<1x128xi32, #tpu.memory_space<vmem>> -> memref<128xi32, #tpu.memory_space<vmem>>
    %dma_wait3A_1477 = arith.constant 0 : i32
    %dma_wait3A_1478 = arith.constant 0 : i32
    %dma_wait3A_1479 = tpu.memref_slice %arg2[%dma_wait3A_1477, %dma_wait3A_1478] : memref<65536x256xf32, #tpu.memory_space<hbm>> -> memref<65536x256xf32, #tpu.memory_space<hbm>>
    tpu.wait_indirect_dma semaphore(%arg17 : memref<!tpu.dma_semaphore, #tpu.memory_space<semaphore_mem>>) src(%dma_wait3A_1479 : memref<65536x256xf32, #tpu.memory_space<hbm>>) dst(%arg11 : memref<128x256xf32, #tpu.memory_space<vmem>>)
    %get3A_1480 = arith.constant 128 : index
    %get3A_1481 = tpu.vector_load %arg7[%get3A_1480] {strides = array<i32>} : memref<256xi32, #tpu.memory_space<vmem>>, vector<16xi32>,
    %add3A_1482 = arith.constant 0 : i32
    %add3A_1483 = vector.broadcast %add3A_1482 : i32 to vector<16xi32>
    %add3A_1484 = arith.addi %iota3A, %add3A_1483 : vector<16xi32>
    %and3A_1485 = arith.constant 255 : i32
    %and3A_1486 = vector.broadcast %and3A_1485 : i32 to vector<16xi32>
    %and3A_1487 = arith.andi %get3A_1481, %and3A_1486 : vector<16xi32>
    %gather3A_1488 = tpu.vector_load_idx %arg11[%add3A_1484, %and3A_1487] : memref<128x256xf32, #tpu.memory_space<vmem>>[vector<16xi32>, vector<16xi32>], vector<16xf32>,
    %swap3A_1489 = arith.constant 4 : i32
    %swap3A_1490 = arith.index_cast %swap3A_1489 : i32 to index
    %swap3A_1491 = arith.constant 0 : index
    %swap3A_1492 = tpu.vector_load %arg13[%swap3A_1490, %swap3A_1491] {strides = array<i32>} : memref<8x128xf32, #tpu.memory_space<vmem>>, vector<16xf32>,
    tpu.vector_store %arg13[%swap3A_1490, %swap3A_1491], %gather3A_1488 {strides = array<i32>} : memref<8x128xf32, #tpu.memory_space<vmem>>, vector<16xf32>,
    %get3A_1493 = arith.constant 144 : index
    %get3A_1494 = tpu.vector_load %arg7[%get3A_1493] {strides = array<i32>} : memref<256xi32, #tpu.memory_space<vmem>>, vector<16xi32>,
    %add3A_1495 = arith.constant 16 : i32
    %add3A_1496 = vector.broadcast %add3A_1495 : i32 to vector<16xi32>
    %add3A_1497 = arith.addi %iota3A, %add3A_1496 : vector<16xi32>
    %and3A_1498 = arith.constant 255 : i32
    %and3A_1499 = vector.broadcast %and3A_1498 : i32 to vector<16xi32>
    %and3A_1500 = arith.andi %get3A_1494, %and3A_1499 : vector<16xi32>
    %gather3A_1501 = tpu.vector_load_idx %arg11[%add3A_1497, %and3A_1500] : memref<128x256xf32, #tpu.memory_space<vmem>>[vector<16xi32>, vector<16xi32>], vector<16xf32>,
    %swap3A_1502 = arith.constant 4 : i32
    %swap3A_1503 = arith.index_cast %swap3A_1502 : i32 to index
    %swap3A_1504 = arith.constant 16 : index
    %swap3A_1505 = tpu.vector_load %arg13[%swap3A_1503, %swap3A_1504] {strides = array<i32>} : memref<8x128xf32, #tpu.memory_space<vmem>>, vector<16xf32>,
    tpu.vector_store %arg13[%swap3A_1503, %swap3A_1504], %gather3A_1501 {strides = array<i32>} : memref<8x128xf32, #tpu.memory_space<vmem>>, vector<16xf32>,
    %get3A_1506 = arith.constant 160 : index
    %get3A_1507 = tpu.vector_load %arg7[%get3A_1506] {strides = array<i32>} : memref<256xi32, #tpu.memory_space<vmem>>, vector<16xi32>,
    %add3A_1508 = arith.constant 32 : i32
    %add3A_1509 = vector.broadcast %add3A_1508 : i32 to vector<16xi32>
    %add3A_1510 = arith.addi %iota3A, %add3A_1509 : vector<16xi32>
    %and3A_1511 = arith.constant 255 : i32
    %and3A_1512 = vector.broadcast %and3A_1511 : i32 to vector<16xi32>
    %and3A_1513 = arith.andi %get3A_1507, %and3A_1512 : vector<16xi32>
    %gather3A_1514 = tpu.vector_load_idx %arg11[%add3A_1510, %and3A_1513] : memref<128x256xf32, #tpu.memory_space<vmem>>[vector<16xi32>, vector<16xi32>], vector<16xf32>,
    %swap3A_1515 = arith.constant 4 : i32
    %swap3A_1516 = arith.index_cast %swap3A_1515 : i32 to index
    %swap3A_1517 = arith.constant 32 : index
    %swap3A_1518 = tpu.vector_load %arg13[%swap3A_1516, %swap3A_1517] {strides = array<i32>} : memref<8x128xf32, #tpu.memory_space<vmem>>, vector<16xf32>,
    tpu.vector_store %arg13[%swap3A_1516, %swap3A_1517], %gather3A_1514 {strides = array<i32>} : memref<8x128xf32, #tpu.memory_space<vmem>>, vector<16xf32>,
    %get3A_1519 = arith.constant 176 : index
    %get3A_1520 = tpu.vector_load %arg7[%get3A_1519] {strides = array<i32>} : memref<256xi32, #tpu.memory_space<vmem>>, vector<16xi32>,
    %add3A_1521 = arith.constant 48 : i32
    %add3A_1522 = vector.broadcast %add3A_1521 : i32 to vector<16xi32>
    %add3A_1523 = arith.addi %iota3A, %add3A_1522 : vector<16xi32>
    %and3A_1524 = arith.constant 255 : i32
    %and3A_1525 = vector.broadcast %and3A_1524 : i32 to vector<16xi32>
    %and3A_1526 = arith.andi %get3A_1520, %and3A_1525 : vector<16xi32>
    %gather3A_1527 = tpu.vector_load_idx %arg11[%add3A_1523, %and3A_1526] : memref<128x256xf32, #tpu.memory_space<vmem>>[vector<16xi32>, vector<16xi32>], vector<16xf32>,
    %swap3A_1528 = arith.constant 4 : i32
    %swap3A_1529 = arith.index_cast %swap3A_1528 : i32 to index
    %swap3A_1530 = arith.constant 48 : index
    %swap3A_1531 = tpu.vector_load %arg13[%swap3A_1529, %swap3A_1530] {strides = array<i32>} : memref<8x128xf32, #tpu.memory_space<vmem>>, vector<16xf32>,
    tpu.vector_store %arg13[%swap3A_1529, %swap3A_1530], %gather3A_1527 {strides = array<i32>} : memref<8x128xf32, #tpu.memory_space<vmem>>, vector<16xf32>,
    %get3A_1532 = arith.constant 192 : index
    %get3A_1533 = tpu.vector_load %arg7[%get3A_1532] {strides = array<i32>} : memref<256xi32, #tpu.memory_space<vmem>>, vector<16xi32>,
    %add3A_1534 = arith.constant 64 : i32
    %add3A_1535 = vector.broadcast %add3A_1534 : i32 to vector<16xi32>
    %add3A_1536 = arith.addi %iota3A, %add3A_1535 : vector<16xi32>
    %and3A_1537 = arith.constant 255 : i32
    %and3A_1538 = vector.broadcast %and3A_1537 : i32 to vector<16xi32>
    %and3A_1539 = arith.andi %get3A_1533, %and3A_1538 : vector<16xi32>
    %gather3A_1540 = tpu.vector_load_idx %arg11[%add3A_1536, %and3A_1539] : memref<128x256xf32, #tpu.memory_space<vmem>>[vector<16xi32>, vector<16xi32>], vector<16xf32>,
    %swap3A_1541 = arith.constant 4 : i32
    %swap3A_1542 = arith.index_cast %swap3A_1541 : i32 to index
    %swap3A_1543 = arith.constant 64 : index
    %swap3A_1544 = tpu.vector_load %arg13[%swap3A_1542, %swap3A_1543] {strides = array<i32>} : memref<8x128xf32, #tpu.memory_space<vmem>>, vector<16xf32>,
    tpu.vector_store %arg13[%swap3A_1542, %swap3A_1543], %gather3A_1540 {strides = array<i32>} : memref<8x128xf32, #tpu.memory_space<vmem>>, vector<16xf32>,
    %get3A_1545 = arith.constant 208 : index
    %get3A_1546 = tpu.vector_load %arg7[%get3A_1545] {strides = array<i32>} : memref<256xi32, #tpu.memory_space<vmem>>, vector<16xi32>,
    %add3A_1547 = arith.constant 80 : i32
    %add3A_1548 = vector.broadcast %add3A_1547 : i32 to vector<16xi32>
    %add3A_1549 = arith.addi %iota3A, %add3A_1548 : vector<16xi32>
    %and3A_1550 = arith.constant 255 : i32
    %and3A_1551 = vector.broadcast %and3A_1550 : i32 to vector<16xi32>
    %and3A_1552 = arith.andi %get3A_1546, %and3A_1551 : vector<16xi32>
    %gather3A_1553 = tpu.vector_load_idx %arg11[%add3A_1549, %and3A_1552] : memref<128x256xf32, #tpu.memory_space<vmem>>[vector<16xi32>, vector<16xi32>], vector<16xf32>,
    %swap3A_1554 = arith.constant 4 : i32
    %swap3A_1555 = arith.index_cast %swap3A_1554 : i32 to index
    %swap3A_1556 = arith.constant 80 : index
    %swap3A_1557 = tpu.vector_load %arg13[%swap3A_1555, %swap3A_1556] {strides = array<i32>} : memref<8x128xf32, #tpu.memory_space<vmem>>, vector<16xf32>,
    tpu.vector_store %arg13[%swap3A_1555, %swap3A_1556], %gather3A_1553 {strides = array<i32>} : memref<8x128xf32, #tpu.memory_space<vmem>>, vector<16xf32>,
    %get3A_1558 = arith.constant 224 : index
    %get3A_1559 = tpu.vector_load %arg7[%get3A_1558] {strides = array<i32>} : memref<256xi32, #tpu.memory_space<vmem>>, vector<16xi32>,
    %add3A_1560 = arith.constant 96 : i32
    %add3A_1561 = vector.broadcast %add3A_1560 : i32 to vector<16xi32>
    %add3A_1562 = arith.addi %iota3A, %add3A_1561 : vector<16xi32>
    %and3A_1563 = arith.constant 255 : i32
    %and3A_1564 = vector.broadcast %and3A_1563 : i32 to vector<16xi32>
    %and3A_1565 = arith.andi %get3A_1559, %and3A_1564 : vector<16xi32>
    %gather3A_1566 = tpu.vector_load_idx %arg11[%add3A_1562, %and3A_1565] : memref<128x256xf32, #tpu.memory_space<vmem>>[vector<16xi32>, vector<16xi32>], vector<16xf32>,
    %swap3A_1567 = arith.constant 4 : i32
    %swap3A_1568 = arith.index_cast %swap3A_1567 : i32 to index
    %swap3A_1569 = arith.constant 96 : index
    %swap3A_1570 = tpu.vector_load %arg13[%swap3A_1568, %swap3A_1569] {strides = array<i32>} : memref<8x128xf32, #tpu.memory_space<vmem>>, vector<16xf32>,
    tpu.vector_store %arg13[%swap3A_1568, %swap3A_1569], %gather3A_1566 {strides = array<i32>} : memref<8x128xf32, #tpu.memory_space<vmem>>, vector<16xf32>,
    %get3A_1571 = arith.constant 240 : index
    %get3A_1572 = tpu.vector_load %arg7[%get3A_1571] {strides = array<i32>} : memref<256xi32, #tpu.memory_space<vmem>>, vector<16xi32>,
    %add3A_1573 = arith.constant 112 : i32
    %add3A_1574 = vector.broadcast %add3A_1573 : i32 to vector<16xi32>
    %add3A_1575 = arith.addi %iota3A, %add3A_1574 : vector<16xi32>
    %and3A_1576 = arith.constant 255 : i32
    %and3A_1577 = vector.broadcast %and3A_1576 : i32 to vector<16xi32>
    %and3A_1578 = arith.andi %get3A_1572, %and3A_1577 : vector<16xi32>
    %gather3A_1579 = tpu.vector_load_idx %arg11[%add3A_1575, %and3A_1578] : memref<128x256xf32, #tpu.memory_space<vmem>>[vector<16xi32>, vector<16xi32>], vector<16xf32>,
    %swap3A_1580 = arith.constant 4 : i32
    %swap3A_1581 = arith.index_cast %swap3A_1580 : i32 to index
    %swap3A_1582 = arith.constant 112 : index
    %swap3A_1583 = tpu.vector_load %arg13[%swap3A_1581, %swap3A_1582] {strides = array<i32>} : memref<8x128xf32, #tpu.memory_space<vmem>>, vector<16xf32>,
    tpu.vector_store %arg13[%swap3A_1581, %swap3A_1582], %gather3A_1579 {strides = array<i32>} : memref<8x128xf32, #tpu.memory_space<vmem>>, vector<16xf32>,
    %dma_start3A_1584 = arith.constant 7 : i32
    %dma_start3A_1585 = arith.constant 0 : i32
    %dma_start3A_1586 = tpu.memref_slice %arg9[%dma_start3A_1584, %dma_start3A_1585] : memref<8x128xi32, #tpu.memory_space<vmem>> -> memref<1x128xi32, #tpu.memory_space<vmem>>
    %dma_start3A_1587 = tpu.memref_squeeze %dma_start3A_1586 : memref<1x128xi32, #tpu.memory_space<vmem>> -> memref<128xi32, #tpu.memory_space<vmem>>
    %dma_start3A_1588 = arith.constant 0 : i32
    %dma_start3A_1589 = arith.constant 0 : i32
    %dma_start3A_1590 = tpu.memref_slice %arg2[%dma_start3A_1588, %dma_start3A_1589] : memref<65536x256xf32, #tpu.memory_space<hbm>> -> memref<65536x256xf32, #tpu.memory_space<hbm>>
    tpu.enqueue_indirect_dma source(%dma_start3A_1590 : memref<65536x256xf32, #tpu.memory_space<hbm>>) target(%arg11 : memref<128x256xf32, #tpu.memory_space<vmem>>) offsets(%dma_start3A_1587 : memref<128xi32, #tpu.memory_space<vmem>>) semaphore(%arg17 : memref<!tpu.dma_semaphore, #tpu.memory_space<semaphore_mem>>)
    %dma_wait3A_1591 = arith.constant 5 : i32
    %dma_wait3A_1592 = arith.constant 0 : i32
    %dma_wait3A_1593 = tpu.memref_slice %arg9[%dma_wait3A_1591, %dma_wait3A_1592] : memref<8x128xi32, #tpu.memory_space<vmem>> -> memref<1x128xi32, #tpu.memory_space<vmem>>
    %dma_wait3A_1594 = tpu.memref_squeeze %dma_wait3A_1593 : memref<1x128xi32, #tpu.memory_space<vmem>> -> memref<128xi32, #tpu.memory_space<vmem>>
    %dma_wait3A_1595 = arith.constant 0 : i32
    %dma_wait3A_1596 = arith.constant 0 : i32
    %dma_wait3A_1597 = tpu.memref_slice %arg2[%dma_wait3A_1595, %dma_wait3A_1596] : memref<65536x256xf32, #tpu.memory_space<hbm>> -> memref<65536x256xf32, #tpu.memory_space<hbm>>
    tpu.wait_indirect_dma semaphore(%arg18 : memref<!tpu.dma_semaphore, #tpu.memory_space<semaphore_mem>>) src(%dma_wait3A_1597 : memref<65536x256xf32, #tpu.memory_space<hbm>>) dst(%arg12 : memref<128x256xf32, #tpu.memory_space<vmem>>)
    %get3A_1598 = arith.constant 128 : index
    %get3A_1599 = tpu.vector_load %arg7[%get3A_1598] {strides = array<i32>} : memref<256xi32, #tpu.memory_space<vmem>>, vector<16xi32>,
    %add3A_1600 = arith.constant 0 : i32
    %add3A_1601 = vector.broadcast %add3A_1600 : i32 to vector<16xi32>
    %add3A_1602 = arith.addi %iota3A, %add3A_1601 : vector<16xi32>
    %and3A_1603 = arith.constant 255 : i32
    %and3A_1604 = vector.broadcast %and3A_1603 : i32 to vector<16xi32>
    %and3A_1605 = arith.andi %get3A_1599, %and3A_1604 : vector<16xi32>
    %gather3A_1606 = tpu.vector_load_idx %arg12[%add3A_1602, %and3A_1605] : memref<128x256xf32, #tpu.memory_space<vmem>>[vector<16xi32>, vector<16xi32>], vector<16xf32>,
    %swap3A_1607 = arith.constant 5 : i32
    %swap3A_1608 = arith.index_cast %swap3A_1607 : i32 to index
    %swap3A_1609 = arith.constant 0 : index
    %swap3A_1610 = tpu.vector_load %arg13[%swap3A_1608, %swap3A_1609] {strides = array<i32>} : memref<8x128xf32, #tpu.memory_space<vmem>>, vector<16xf32>,
    tpu.vector_store %arg13[%swap3A_1608, %swap3A_1609], %gather3A_1606 {strides = array<i32>} : memref<8x128xf32, #tpu.memory_space<vmem>>, vector<16xf32>,
    %get3A_1611 = arith.constant 144 : index
    %get3A_1612 = tpu.vector_load %arg7[%get3A_1611] {strides = array<i32>} : memref<256xi32, #tpu.memory_space<vmem>>, vector<16xi32>,
    %add3A_1613 = arith.constant 16 : i32
    %add3A_1614 = vector.broadcast %add3A_1613 : i32 to vector<16xi32>
    %add3A_1615 = arith.addi %iota3A, %add3A_1614 : vector<16xi32>
    %and3A_1616 = arith.constant 255 : i32
    %and3A_1617 = vector.broadcast %and3A_1616 : i32 to vector<16xi32>
    %and3A_1618 = arith.andi %get3A_1612, %and3A_1617 : vector<16xi32>
    %gather3A_1619 = tpu.vector_load_idx %arg12[%add3A_1615, %and3A_1618] : memref<128x256xf32, #tpu.memory_space<vmem>>[vector<16xi32>, vector<16xi32>], vector<16xf32>,
    %swap3A_1620 = arith.constant 5 : i32
    %swap3A_1621 = arith.index_cast %swap3A_1620 : i32 to index
    %swap3A_1622 = arith.constant 16 : index
    %swap3A_1623 = tpu.vector_load %arg13[%swap3A_1621, %swap3A_1622] {strides = array<i32>} : memref<8x128xf32, #tpu.memory_space<vmem>>, vector<16xf32>,
    tpu.vector_store %arg13[%swap3A_1621, %swap3A_1622], %gather3A_1619 {strides = array<i32>} : memref<8x128xf32, #tpu.memory_space<vmem>>, vector<16xf32>,
    %get3A_1624 = arith.constant 160 : index
    %get3A_1625 = tpu.vector_load %arg7[%get3A_1624] {strides = array<i32>} : memref<256xi32, #tpu.memory_space<vmem>>, vector<16xi32>,
    %add3A_1626 = arith.constant 32 : i32
    %add3A_1627 = vector.broadcast %add3A_1626 : i32 to vector<16xi32>
    %add3A_1628 = arith.addi %iota3A, %add3A_1627 : vector<16xi32>
    %and3A_1629 = arith.constant 255 : i32
    %and3A_1630 = vector.broadcast %and3A_1629 : i32 to vector<16xi32>
    %and3A_1631 = arith.andi %get3A_1625, %and3A_1630 : vector<16xi32>
    %gather3A_1632 = tpu.vector_load_idx %arg12[%add3A_1628, %and3A_1631] : memref<128x256xf32, #tpu.memory_space<vmem>>[vector<16xi32>, vector<16xi32>], vector<16xf32>,
    %swap3A_1633 = arith.constant 5 : i32
    %swap3A_1634 = arith.index_cast %swap3A_1633 : i32 to index
    %swap3A_1635 = arith.constant 32 : index
    %swap3A_1636 = tpu.vector_load %arg13[%swap3A_1634, %swap3A_1635] {strides = array<i32>} : memref<8x128xf32, #tpu.memory_space<vmem>>, vector<16xf32>,
    tpu.vector_store %arg13[%swap3A_1634, %swap3A_1635], %gather3A_1632 {strides = array<i32>} : memref<8x128xf32, #tpu.memory_space<vmem>>, vector<16xf32>,
    %get3A_1637 = arith.constant 176 : index
    %get3A_1638 = tpu.vector_load %arg7[%get3A_1637] {strides = array<i32>} : memref<256xi32, #tpu.memory_space<vmem>>, vector<16xi32>,
    %add3A_1639 = arith.constant 48 : i32
    %add3A_1640 = vector.broadcast %add3A_1639 : i32 to vector<16xi32>
    %add3A_1641 = arith.addi %iota3A, %add3A_1640 : vector<16xi32>
    %and3A_1642 = arith.constant 255 : i32
    %and3A_1643 = vector.broadcast %and3A_1642 : i32 to vector<16xi32>
    %and3A_1644 = arith.andi %get3A_1638, %and3A_1643 : vector<16xi32>
    %gather3A_1645 = tpu.vector_load_idx %arg12[%add3A_1641, %and3A_1644] : memref<128x256xf32, #tpu.memory_space<vmem>>[vector<16xi32>, vector<16xi32>], vector<16xf32>,
    %swap3A_1646 = arith.constant 5 : i32
    %swap3A_1647 = arith.index_cast %swap3A_1646 : i32 to index
    %swap3A_1648 = arith.constant 48 : index
    %swap3A_1649 = tpu.vector_load %arg13[%swap3A_1647, %swap3A_1648] {strides = array<i32>} : memref<8x128xf32, #tpu.memory_space<vmem>>, vector<16xf32>,
    tpu.vector_store %arg13[%swap3A_1647, %swap3A_1648], %gather3A_1645 {strides = array<i32>} : memref<8x128xf32, #tpu.memory_space<vmem>>, vector<16xf32>,
    %get3A_1650 = arith.constant 192 : index
    %get3A_1651 = tpu.vector_load %arg7[%get3A_1650] {strides = array<i32>} : memref<256xi32, #tpu.memory_space<vmem>>, vector<16xi32>,
    %add3A_1652 = arith.constant 64 : i32
    %add3A_1653 = vector.broadcast %add3A_1652 : i32 to vector<16xi32>
    %add3A_1654 = arith.addi %iota3A, %add3A_1653 : vector<16xi32>
    %and3A_1655 = arith.constant 255 : i32
    %and3A_1656 = vector.broadcast %and3A_1655 : i32 to vector<16xi32>
    %and3A_1657 = arith.andi %get3A_1651, %and3A_1656 : vector<16xi32>
    %gather3A_1658 = tpu.vector_load_idx %arg12[%add3A_1654, %and3A_1657] : memref<128x256xf32, #tpu.memory_space<vmem>>[vector<16xi32>, vector<16xi32>], vector<16xf32>,
    %swap3A_1659 = arith.constant 5 : i32
    %swap3A_1660 = arith.index_cast %swap3A_1659 : i32 to index
    %swap3A_1661 = arith.constant 64 : index
    %swap3A_1662 = tpu.vector_load %arg13[%swap3A_1660, %swap3A_1661] {strides = array<i32>} : memref<8x128xf32, #tpu.memory_space<vmem>>, vector<16xf32>,
    tpu.vector_store %arg13[%swap3A_1660, %swap3A_1661], %gather3A_1658 {strides = array<i32>} : memref<8x128xf32, #tpu.memory_space<vmem>>, vector<16xf32>,
    %get3A_1663 = arith.constant 208 : index
    %get3A_1664 = tpu.vector_load %arg7[%get3A_1663] {strides = array<i32>} : memref<256xi32, #tpu.memory_space<vmem>>, vector<16xi32>,
    %add3A_1665 = arith.constant 80 : i32
    %add3A_1666 = vector.broadcast %add3A_1665 : i32 to vector<16xi32>
    %add3A_1667 = arith.addi %iota3A, %add3A_1666 : vector<16xi32>
    %and3A_1668 = arith.constant 255 : i32
    %and3A_1669 = vector.broadcast %and3A_1668 : i32 to vector<16xi32>
    %and3A_1670 = arith.andi %get3A_1664, %and3A_1669 : vector<16xi32>
    %gather3A_1671 = tpu.vector_load_idx %arg12[%add3A_1667, %and3A_1670] : memref<128x256xf32, #tpu.memory_space<vmem>>[vector<16xi32>, vector<16xi32>], vector<16xf32>,
    %swap3A_1672 = arith.constant 5 : i32
    %swap3A_1673 = arith.index_cast %swap3A_1672 : i32 to index
    %swap3A_1674 = arith.constant 80 : index
    %swap3A_1675 = tpu.vector_load %arg13[%swap3A_1673, %swap3A_1674] {strides = array<i32>} : memref<8x128xf32, #tpu.memory_space<vmem>>, vector<16xf32>,
    tpu.vector_store %arg13[%swap3A_1673, %swap3A_1674], %gather3A_1671 {strides = array<i32>} : memref<8x128xf32, #tpu.memory_space<vmem>>, vector<16xf32>,
    %get3A_1676 = arith.constant 224 : index
    %get3A_1677 = tpu.vector_load %arg7[%get3A_1676] {strides = array<i32>} : memref<256xi32, #tpu.memory_space<vmem>>, vector<16xi32>,
    %add3A_1678 = arith.constant 96 : i32
    %add3A_1679 = vector.broadcast %add3A_1678 : i32 to vector<16xi32>
    %add3A_1680 = arith.addi %iota3A, %add3A_1679 : vector<16xi32>
    %and3A_1681 = arith.constant 255 : i32
    %and3A_1682 = vector.broadcast %and3A_1681 : i32 to vector<16xi32>
    %and3A_1683 = arith.andi %get3A_1677, %and3A_1682 : vector<16xi32>
    %gather3A_1684 = tpu.vector_load_idx %arg12[%add3A_1680, %and3A_1683] : memref<128x256xf32, #tpu.memory_space<vmem>>[vector<16xi32>, vector<16xi32>], vector<16xf32>,
    %swap3A_1685 = arith.constant 5 : i32
    %swap3A_1686 = arith.index_cast %swap3A_1685 : i32 to index
    %swap3A_1687 = arith.constant 96 : index
    %swap3A_1688 = tpu.vector_load %arg13[%swap3A_1686, %swap3A_1687] {strides = array<i32>} : memref<8x128xf32, #tpu.memory_space<vmem>>, vector<16xf32>,
    tpu.vector_store %arg13[%swap3A_1686, %swap3A_1687], %gather3A_1684 {strides = array<i32>} : memref<8x128xf32, #tpu.memory_space<vmem>>, vector<16xf32>,
    %get3A_1689 = arith.constant 240 : index
    %get3A_1690 = tpu.vector_load %arg7[%get3A_1689] {strides = array<i32>} : memref<256xi32, #tpu.memory_space<vmem>>, vector<16xi32>,
    %add3A_1691 = arith.constant 112 : i32
    %add3A_1692 = vector.broadcast %add3A_1691 : i32 to vector<16xi32>
    %add3A_1693 = arith.addi %iota3A, %add3A_1692 : vector<16xi32>
    %and3A_1694 = arith.constant 255 : i32
    %and3A_1695 = vector.broadcast %and3A_1694 : i32 to vector<16xi32>
    %and3A_1696 = arith.andi %get3A_1690, %and3A_1695 : vector<16xi32>
    %gather3A_1697 = tpu.vector_load_idx %arg12[%add3A_1693, %and3A_1696] : memref<128x256xf32, #tpu.memory_space<vmem>>[vector<16xi32>, vector<16xi32>], vector<16xf32>,
    %swap3A_1698 = arith.constant 5 : i32
    %swap3A_1699 = arith.index_cast %swap3A_1698 : i32 to index
    %swap3A_1700 = arith.constant 112 : index
    %swap3A_1701 = tpu.vector_load %arg13[%swap3A_1699, %swap3A_1700] {strides = array<i32>} : memref<8x128xf32, #tpu.memory_space<vmem>>, vector<16xf32>,
    tpu.vector_store %arg13[%swap3A_1699, %swap3A_1700], %gather3A_1697 {strides = array<i32>} : memref<8x128xf32, #tpu.memory_space<vmem>>, vector<16xf32>,
    %dma_wait3A_1702 = arith.constant 6 : i32
    %dma_wait3A_1703 = arith.constant 0 : i32
    %dma_wait3A_1704 = tpu.memref_slice %arg9[%dma_wait3A_1702, %dma_wait3A_1703] : memref<8x128xi32, #tpu.memory_space<vmem>> -> memref<1x128xi32, #tpu.memory_space<vmem>>
    %dma_wait3A_1705 = tpu.memref_squeeze %dma_wait3A_1704 : memref<1x128xi32, #tpu.memory_space<vmem>> -> memref<128xi32, #tpu.memory_space<vmem>>
    %dma_wait3A_1706 = arith.constant 0 : i32
    %dma_wait3A_1707 = arith.constant 0 : i32
    %dma_wait3A_1708 = tpu.memref_slice %arg2[%dma_wait3A_1706, %dma_wait3A_1707] : memref<65536x256xf32, #tpu.memory_space<hbm>> -> memref<65536x256xf32, #tpu.memory_space<hbm>>
    tpu.wait_indirect_dma semaphore(%arg16 : memref<!tpu.dma_semaphore, #tpu.memory_space<semaphore_mem>>) src(%dma_wait3A_1708 : memref<65536x256xf32, #tpu.memory_space<hbm>>) dst(%arg10 : memref<128x256xf32, #tpu.memory_space<vmem>>)
    %get3A_1709 = arith.constant 128 : index
    %get3A_1710 = tpu.vector_load %arg7[%get3A_1709] {strides = array<i32>} : memref<256xi32, #tpu.memory_space<vmem>>, vector<16xi32>,
    %add3A_1711 = arith.constant 0 : i32
    %add3A_1712 = vector.broadcast %add3A_1711 : i32 to vector<16xi32>
    %add3A_1713 = arith.addi %iota3A, %add3A_1712 : vector<16xi32>
    %and3A_1714 = arith.constant 255 : i32
    %and3A_1715 = vector.broadcast %and3A_1714 : i32 to vector<16xi32>
    %and3A_1716 = arith.andi %get3A_1710, %and3A_1715 : vector<16xi32>
    %gather3A_1717 = tpu.vector_load_idx %arg10[%add3A_1713, %and3A_1716] : memref<128x256xf32, #tpu.memory_space<vmem>>[vector<16xi32>, vector<16xi32>], vector<16xf32>,
    %swap3A_1718 = arith.constant 6 : i32
    %swap3A_1719 = arith.index_cast %swap3A_1718 : i32 to index
    %swap3A_1720 = arith.constant 0 : index
    %swap3A_1721 = tpu.vector_load %arg13[%swap3A_1719, %swap3A_1720] {strides = array<i32>} : memref<8x128xf32, #tpu.memory_space<vmem>>, vector<16xf32>,
    tpu.vector_store %arg13[%swap3A_1719, %swap3A_1720], %gather3A_1717 {strides = array<i32>} : memref<8x128xf32, #tpu.memory_space<vmem>>, vector<16xf32>,
    %get3A_1722 = arith.constant 144 : index
    %get3A_1723 = tpu.vector_load %arg7[%get3A_1722] {strides = array<i32>} : memref<256xi32, #tpu.memory_space<vmem>>, vector<16xi32>,
    %add3A_1724 = arith.constant 16 : i32
    %add3A_1725 = vector.broadcast %add3A_1724 : i32 to vector<16xi32>
    %add3A_1726 = arith.addi %iota3A, %add3A_1725 : vector<16xi32>
    %and3A_1727 = arith.constant 255 : i32
    %and3A_1728 = vector.broadcast %and3A_1727 : i32 to vector<16xi32>
    %and3A_1729 = arith.andi %get3A_1723, %and3A_1728 : vector<16xi32>
    %gather3A_1730 = tpu.vector_load_idx %arg10[%add3A_1726, %and3A_1729] : memref<128x256xf32, #tpu.memory_space<vmem>>[vector<16xi32>, vector<16xi32>], vector<16xf32>,
    %swap3A_1731 = arith.constant 6 : i32
    %swap3A_1732 = arith.index_cast %swap3A_1731 : i32 to index
    %swap3A_1733 = arith.constant 16 : index
    %swap3A_1734 = tpu.vector_load %arg13[%swap3A_1732, %swap3A_1733] {strides = array<i32>} : memref<8x128xf32, #tpu.memory_space<vmem>>, vector<16xf32>,
    tpu.vector_store %arg13[%swap3A_1732, %swap3A_1733], %gather3A_1730 {strides = array<i32>} : memref<8x128xf32, #tpu.memory_space<vmem>>, vector<16xf32>,
    %get3A_1735 = arith.constant 160 : index
    %get3A_1736 = tpu.vector_load %arg7[%get3A_1735] {strides = array<i32>} : memref<256xi32, #tpu.memory_space<vmem>>, vector<16xi32>,
    %add3A_1737 = arith.constant 32 : i32
    %add3A_1738 = vector.broadcast %add3A_1737 : i32 to vector<16xi32>
    %add3A_1739 = arith.addi %iota3A, %add3A_1738 : vector<16xi32>
    %and3A_1740 = arith.constant 255 : i32
    %and3A_1741 = vector.broadcast %and3A_1740 : i32 to vector<16xi32>
    %and3A_1742 = arith.andi %get3A_1736, %and3A_1741 : vector<16xi32>
    %gather3A_1743 = tpu.vector_load_idx %arg10[%add3A_1739, %and3A_1742] : memref<128x256xf32, #tpu.memory_space<vmem>>[vector<16xi32>, vector<16xi32>], vector<16xf32>,
    %swap3A_1744 = arith.constant 6 : i32
    %swap3A_1745 = arith.index_cast %swap3A_1744 : i32 to index
    %swap3A_1746 = arith.constant 32 : index
    %swap3A_1747 = tpu.vector_load %arg13[%swap3A_1745, %swap3A_1746] {strides = array<i32>} : memref<8x128xf32, #tpu.memory_space<vmem>>, vector<16xf32>,
    tpu.vector_store %arg13[%swap3A_1745, %swap3A_1746], %gather3A_1743 {strides = array<i32>} : memref<8x128xf32, #tpu.memory_space<vmem>>, vector<16xf32>,
    %get3A_1748 = arith.constant 176 : index
    %get3A_1749 = tpu.vector_load %arg7[%get3A_1748] {strides = array<i32>} : memref<256xi32, #tpu.memory_space<vmem>>, vector<16xi32>,
    %add3A_1750 = arith.constant 48 : i32
    %add3A_1751 = vector.broadcast %add3A_1750 : i32 to vector<16xi32>
    %add3A_1752 = arith.addi %iota3A, %add3A_1751 : vector<16xi32>
    %and3A_1753 = arith.constant 255 : i32
    %and3A_1754 = vector.broadcast %and3A_1753 : i32 to vector<16xi32>
    %and3A_1755 = arith.andi %get3A_1749, %and3A_1754 : vector<16xi32>
    %gather3A_1756 = tpu.vector_load_idx %arg10[%add3A_1752, %and3A_1755] : memref<128x256xf32, #tpu.memory_space<vmem>>[vector<16xi32>, vector<16xi32>], vector<16xf32>,
    %swap3A_1757 = arith.constant 6 : i32
    %swap3A_1758 = arith.index_cast %swap3A_1757 : i32 to index
    %swap3A_1759 = arith.constant 48 : index
    %swap3A_1760 = tpu.vector_load %arg13[%swap3A_1758, %swap3A_1759] {strides = array<i32>} : memref<8x128xf32, #tpu.memory_space<vmem>>, vector<16xf32>,
    tpu.vector_store %arg13[%swap3A_1758, %swap3A_1759], %gather3A_1756 {strides = array<i32>} : memref<8x128xf32, #tpu.memory_space<vmem>>, vector<16xf32>,
    %get3A_1761 = arith.constant 192 : index
    %get3A_1762 = tpu.vector_load %arg7[%get3A_1761] {strides = array<i32>} : memref<256xi32, #tpu.memory_space<vmem>>, vector<16xi32>,
    %add3A_1763 = arith.constant 64 : i32
    %add3A_1764 = vector.broadcast %add3A_1763 : i32 to vector<16xi32>
    %add3A_1765 = arith.addi %iota3A, %add3A_1764 : vector<16xi32>
    %and3A_1766 = arith.constant 255 : i32
    %and3A_1767 = vector.broadcast %and3A_1766 : i32 to vector<16xi32>
    %and3A_1768 = arith.andi %get3A_1762, %and3A_1767 : vector<16xi32>
    %gather3A_1769 = tpu.vector_load_idx %arg10[%add3A_1765, %and3A_1768] : memref<128x256xf32, #tpu.memory_space<vmem>>[vector<16xi32>, vector<16xi32>], vector<16xf32>,
    %swap3A_1770 = arith.constant 6 : i32
    %swap3A_1771 = arith.index_cast %swap3A_1770 : i32 to index
    %swap3A_1772 = arith.constant 64 : index
    %swap3A_1773 = tpu.vector_load %arg13[%swap3A_1771, %swap3A_1772] {strides = array<i32>} : memref<8x128xf32, #tpu.memory_space<vmem>>, vector<16xf32>,
    tpu.vector_store %arg13[%swap3A_1771, %swap3A_1772], %gather3A_1769 {strides = array<i32>} : memref<8x128xf32, #tpu.memory_space<vmem>>, vector<16xf32>,
    %get3A_1774 = arith.constant 208 : index
    %get3A_1775 = tpu.vector_load %arg7[%get3A_1774] {strides = array<i32>} : memref<256xi32, #tpu.memory_space<vmem>>, vector<16xi32>,
    %add3A_1776 = arith.constant 80 : i32
    %add3A_1777 = vector.broadcast %add3A_1776 : i32 to vector<16xi32>
    %add3A_1778 = arith.addi %iota3A, %add3A_1777 : vector<16xi32>
    %and3A_1779 = arith.constant 255 : i32
    %and3A_1780 = vector.broadcast %and3A_1779 : i32 to vector<16xi32>
    %and3A_1781 = arith.andi %get3A_1775, %and3A_1780 : vector<16xi32>
    %gather3A_1782 = tpu.vector_load_idx %arg10[%add3A_1778, %and3A_1781] : memref<128x256xf32, #tpu.memory_space<vmem>>[vector<16xi32>, vector<16xi32>], vector<16xf32>,
    %swap3A_1783 = arith.constant 6 : i32
    %swap3A_1784 = arith.index_cast %swap3A_1783 : i32 to index
    %swap3A_1785 = arith.constant 80 : index
    %swap3A_1786 = tpu.vector_load %arg13[%swap3A_1784, %swap3A_1785] {strides = array<i32>} : memref<8x128xf32, #tpu.memory_space<vmem>>, vector<16xf32>,
    tpu.vector_store %arg13[%swap3A_1784, %swap3A_1785], %gather3A_1782 {strides = array<i32>} : memref<8x128xf32, #tpu.memory_space<vmem>>, vector<16xf32>,
    %get3A_1787 = arith.constant 224 : index
    %get3A_1788 = tpu.vector_load %arg7[%get3A_1787] {strides = array<i32>} : memref<256xi32, #tpu.memory_space<vmem>>, vector<16xi32>,
    %add3A_1789 = arith.constant 96 : i32
    %add3A_1790 = vector.broadcast %add3A_1789 : i32 to vector<16xi32>
    %add3A_1791 = arith.addi %iota3A, %add3A_1790 : vector<16xi32>
    %and3A_1792 = arith.constant 255 : i32
    %and3A_1793 = vector.broadcast %and3A_1792 : i32 to vector<16xi32>
    %and3A_1794 = arith.andi %get3A_1788, %and3A_1793 : vector<16xi32>
    %gather3A_1795 = tpu.vector_load_idx %arg10[%add3A_1791, %and3A_1794] : memref<128x256xf32, #tpu.memory_space<vmem>>[vector<16xi32>, vector<16xi32>], vector<16xf32>,
    %swap3A_1796 = arith.constant 6 : i32
    %swap3A_1797 = arith.index_cast %swap3A_1796 : i32 to index
    %swap3A_1798 = arith.constant 96 : index
    %swap3A_1799 = tpu.vector_load %arg13[%swap3A_1797, %swap3A_1798] {strides = array<i32>} : memref<8x128xf32, #tpu.memory_space<vmem>>, vector<16xf32>,
    tpu.vector_store %arg13[%swap3A_1797, %swap3A_1798], %gather3A_1795 {strides = array<i32>} : memref<8x128xf32, #tpu.memory_space<vmem>>, vector<16xf32>,
    %get3A_1800 = arith.constant 240 : index
    %get3A_1801 = tpu.vector_load %arg7[%get3A_1800] {strides = array<i32>} : memref<256xi32, #tpu.memory_space<vmem>>, vector<16xi32>,
    %add3A_1802 = arith.constant 112 : i32
    %add3A_1803 = vector.broadcast %add3A_1802 : i32 to vector<16xi32>
    %add3A_1804 = arith.addi %iota3A, %add3A_1803 : vector<16xi32>
    %and3A_1805 = arith.constant 255 : i32
    %and3A_1806 = vector.broadcast %and3A_1805 : i32 to vector<16xi32>
    %and3A_1807 = arith.andi %get3A_1801, %and3A_1806 : vector<16xi32>
    %gather3A_1808 = tpu.vector_load_idx %arg10[%add3A_1804, %and3A_1807] : memref<128x256xf32, #tpu.memory_space<vmem>>[vector<16xi32>, vector<16xi32>], vector<16xf32>,
    %swap3A_1809 = arith.constant 6 : i32
    %swap3A_1810 = arith.index_cast %swap3A_1809 : i32 to index
    %swap3A_1811 = arith.constant 112 : index
    %swap3A_1812 = tpu.vector_load %arg13[%swap3A_1810, %swap3A_1811] {strides = array<i32>} : memref<8x128xf32, #tpu.memory_space<vmem>>, vector<16xf32>,
    tpu.vector_store %arg13[%swap3A_1810, %swap3A_1811], %gather3A_1808 {strides = array<i32>} : memref<8x128xf32, #tpu.memory_space<vmem>>, vector<16xf32>,
    %dma_wait3A_1813 = arith.constant 7 : i32
    %dma_wait3A_1814 = arith.constant 0 : i32
    %dma_wait3A_1815 = tpu.memref_slice %arg9[%dma_wait3A_1813, %dma_wait3A_1814] : memref<8x128xi32, #tpu.memory_space<vmem>> -> memref<1x128xi32, #tpu.memory_space<vmem>>
    %dma_wait3A_1816 = tpu.memref_squeeze %dma_wait3A_1815 : memref<1x128xi32, #tpu.memory_space<vmem>> -> memref<128xi32, #tpu.memory_space<vmem>>
    %dma_wait3A_1817 = arith.constant 0 : i32
    %dma_wait3A_1818 = arith.constant 0 : i32
    %dma_wait3A_1819 = tpu.memref_slice %arg2[%dma_wait3A_1817, %dma_wait3A_1818] : memref<65536x256xf32, #tpu.memory_space<hbm>> -> memref<65536x256xf32, #tpu.memory_space<hbm>>
    tpu.wait_indirect_dma semaphore(%arg17 : memref<!tpu.dma_semaphore, #tpu.memory_space<semaphore_mem>>) src(%dma_wait3A_1819 : memref<65536x256xf32, #tpu.memory_space<hbm>>) dst(%arg11 : memref<128x256xf32, #tpu.memory_space<vmem>>)
    %get3A_1820 = arith.constant 128 : index
    %get3A_1821 = tpu.vector_load %arg7[%get3A_1820] {strides = array<i32>} : memref<256xi32, #tpu.memory_space<vmem>>, vector<16xi32>,
    %add3A_1822 = arith.constant 0 : i32
    %add3A_1823 = vector.broadcast %add3A_1822 : i32 to vector<16xi32>
    %add3A_1824 = arith.addi %iota3A, %add3A_1823 : vector<16xi32>
    %and3A_1825 = arith.constant 255 : i32
    %and3A_1826 = vector.broadcast %and3A_1825 : i32 to vector<16xi32>
    %and3A_1827 = arith.andi %get3A_1821, %and3A_1826 : vector<16xi32>
    %gather3A_1828 = tpu.vector_load_idx %arg11[%add3A_1824, %and3A_1827] : memref<128x256xf32, #tpu.memory_space<vmem>>[vector<16xi32>, vector<16xi32>], vector<16xf32>,
    %swap3A_1829 = arith.constant 7 : i32
    %swap3A_1830 = arith.index_cast %swap3A_1829 : i32 to index
    %swap3A_1831 = arith.constant 0 : index
    %swap3A_1832 = tpu.vector_load %arg13[%swap3A_1830, %swap3A_1831] {strides = array<i32>} : memref<8x128xf32, #tpu.memory_space<vmem>>, vector<16xf32>,
    tpu.vector_store %arg13[%swap3A_1830, %swap3A_1831], %gather3A_1828 {strides = array<i32>} : memref<8x128xf32, #tpu.memory_space<vmem>>, vector<16xf32>,
    %get3A_1833 = arith.constant 144 : index
    %get3A_1834 = tpu.vector_load %arg7[%get3A_1833] {strides = array<i32>} : memref<256xi32, #tpu.memory_space<vmem>>, vector<16xi32>,
    %add3A_1835 = arith.constant 16 : i32
    %add3A_1836 = vector.broadcast %add3A_1835 : i32 to vector<16xi32>
    %add3A_1837 = arith.addi %iota3A, %add3A_1836 : vector<16xi32>
    %and3A_1838 = arith.constant 255 : i32
    %and3A_1839 = vector.broadcast %and3A_1838 : i32 to vector<16xi32>
    %and3A_1840 = arith.andi %get3A_1834, %and3A_1839 : vector<16xi32>
    %gather3A_1841 = tpu.vector_load_idx %arg11[%add3A_1837, %and3A_1840] : memref<128x256xf32, #tpu.memory_space<vmem>>[vector<16xi32>, vector<16xi32>], vector<16xf32>,
    %swap3A_1842 = arith.constant 7 : i32
    %swap3A_1843 = arith.index_cast %swap3A_1842 : i32 to index
    %swap3A_1844 = arith.constant 16 : index
    %swap3A_1845 = tpu.vector_load %arg13[%swap3A_1843, %swap3A_1844] {strides = array<i32>} : memref<8x128xf32, #tpu.memory_space<vmem>>, vector<16xf32>,
    tpu.vector_store %arg13[%swap3A_1843, %swap3A_1844], %gather3A_1841 {strides = array<i32>} : memref<8x128xf32, #tpu.memory_space<vmem>>, vector<16xf32>,
    %get3A_1846 = arith.constant 160 : index
    %get3A_1847 = tpu.vector_load %arg7[%get3A_1846] {strides = array<i32>} : memref<256xi32, #tpu.memory_space<vmem>>, vector<16xi32>,
    %add3A_1848 = arith.constant 32 : i32
    %add3A_1849 = vector.broadcast %add3A_1848 : i32 to vector<16xi32>
    %add3A_1850 = arith.addi %iota3A, %add3A_1849 : vector<16xi32>
    %and3A_1851 = arith.constant 255 : i32
    %and3A_1852 = vector.broadcast %and3A_1851 : i32 to vector<16xi32>
    %and3A_1853 = arith.andi %get3A_1847, %and3A_1852 : vector<16xi32>
    %gather3A_1854 = tpu.vector_load_idx %arg11[%add3A_1850, %and3A_1853] : memref<128x256xf32, #tpu.memory_space<vmem>>[vector<16xi32>, vector<16xi32>], vector<16xf32>,
    %swap3A_1855 = arith.constant 7 : i32
    %swap3A_1856 = arith.index_cast %swap3A_1855 : i32 to index
    %swap3A_1857 = arith.constant 32 : index
    %swap3A_1858 = tpu.vector_load %arg13[%swap3A_1856, %swap3A_1857] {strides = array<i32>} : memref<8x128xf32, #tpu.memory_space<vmem>>, vector<16xf32>,
    tpu.vector_store %arg13[%swap3A_1856, %swap3A_1857], %gather3A_1854 {strides = array<i32>} : memref<8x128xf32, #tpu.memory_space<vmem>>, vector<16xf32>,
    %get3A_1859 = arith.constant 176 : index
    %get3A_1860 = tpu.vector_load %arg7[%get3A_1859] {strides = array<i32>} : memref<256xi32, #tpu.memory_space<vmem>>, vector<16xi32>,
    %add3A_1861 = arith.constant 48 : i32
    %add3A_1862 = vector.broadcast %add3A_1861 : i32 to vector<16xi32>
    %add3A_1863 = arith.addi %iota3A, %add3A_1862 : vector<16xi32>
    %and3A_1864 = arith.constant 255 : i32
    %and3A_1865 = vector.broadcast %and3A_1864 : i32 to vector<16xi32>
    %and3A_1866 = arith.andi %get3A_1860, %and3A_1865 : vector<16xi32>
    %gather3A_1867 = tpu.vector_load_idx %arg11[%add3A_1863, %and3A_1866] : memref<128x256xf32, #tpu.memory_space<vmem>>[vector<16xi32>, vector<16xi32>], vector<16xf32>,
    %swap3A_1868 = arith.constant 7 : i32
    %swap3A_1869 = arith.index_cast %swap3A_1868 : i32 to index
    %swap3A_1870 = arith.constant 48 : index
    %swap3A_1871 = tpu.vector_load %arg13[%swap3A_1869, %swap3A_1870] {strides = array<i32>} : memref<8x128xf32, #tpu.memory_space<vmem>>, vector<16xf32>,
    tpu.vector_store %arg13[%swap3A_1869, %swap3A_1870], %gather3A_1867 {strides = array<i32>} : memref<8x128xf32, #tpu.memory_space<vmem>>, vector<16xf32>,
    %get3A_1872 = arith.constant 192 : index
    %get3A_1873 = tpu.vector_load %arg7[%get3A_1872] {strides = array<i32>} : memref<256xi32, #tpu.memory_space<vmem>>, vector<16xi32>,
    %add3A_1874 = arith.constant 64 : i32
    %add3A_1875 = vector.broadcast %add3A_1874 : i32 to vector<16xi32>
    %add3A_1876 = arith.addi %iota3A, %add3A_1875 : vector<16xi32>
    %and3A_1877 = arith.constant 255 : i32
    %and3A_1878 = vector.broadcast %and3A_1877 : i32 to vector<16xi32>
    %and3A_1879 = arith.andi %get3A_1873, %and3A_1878 : vector<16xi32>
    %gather3A_1880 = tpu.vector_load_idx %arg11[%add3A_1876, %and3A_1879] : memref<128x256xf32, #tpu.memory_space<vmem>>[vector<16xi32>, vector<16xi32>], vector<16xf32>,
    %swap3A_1881 = arith.constant 7 : i32
    %swap3A_1882 = arith.index_cast %swap3A_1881 : i32 to index
    %swap3A_1883 = arith.constant 64 : index
    %swap3A_1884 = tpu.vector_load %arg13[%swap3A_1882, %swap3A_1883] {strides = array<i32>} : memref<8x128xf32, #tpu.memory_space<vmem>>, vector<16xf32>,
    tpu.vector_store %arg13[%swap3A_1882, %swap3A_1883], %gather3A_1880 {strides = array<i32>} : memref<8x128xf32, #tpu.memory_space<vmem>>, vector<16xf32>,
    %get3A_1885 = arith.constant 208 : index
    %get3A_1886 = tpu.vector_load %arg7[%get3A_1885] {strides = array<i32>} : memref<256xi32, #tpu.memory_space<vmem>>, vector<16xi32>,
    %add3A_1887 = arith.constant 80 : i32
    %add3A_1888 = vector.broadcast %add3A_1887 : i32 to vector<16xi32>
    %add3A_1889 = arith.addi %iota3A, %add3A_1888 : vector<16xi32>
    %and3A_1890 = arith.constant 255 : i32
    %and3A_1891 = vector.broadcast %and3A_1890 : i32 to vector<16xi32>
    %and3A_1892 = arith.andi %get3A_1886, %and3A_1891 : vector<16xi32>
    %gather3A_1893 = tpu.vector_load_idx %arg11[%add3A_1889, %and3A_1892] : memref<128x256xf32, #tpu.memory_space<vmem>>[vector<16xi32>, vector<16xi32>], vector<16xf32>,
    %swap3A_1894 = arith.constant 7 : i32
    %swap3A_1895 = arith.index_cast %swap3A_1894 : i32 to index
    %swap3A_1896 = arith.constant 80 : index
    %swap3A_1897 = tpu.vector_load %arg13[%swap3A_1895, %swap3A_1896] {strides = array<i32>} : memref<8x128xf32, #tpu.memory_space<vmem>>, vector<16xf32>,
    tpu.vector_store %arg13[%swap3A_1895, %swap3A_1896], %gather3A_1893 {strides = array<i32>} : memref<8x128xf32, #tpu.memory_space<vmem>>, vector<16xf32>,
    %get3A_1898 = arith.constant 224 : index
    %get3A_1899 = tpu.vector_load %arg7[%get3A_1898] {strides = array<i32>} : memref<256xi32, #tpu.memory_space<vmem>>, vector<16xi32>,
    %add3A_1900 = arith.constant 96 : i32
    %add3A_1901 = vector.broadcast %add3A_1900 : i32 to vector<16xi32>
    %add3A_1902 = arith.addi %iota3A, %add3A_1901 : vector<16xi32>
    %and3A_1903 = arith.constant 255 : i32
    %and3A_1904 = vector.broadcast %and3A_1903 : i32 to vector<16xi32>
    %and3A_1905 = arith.andi %get3A_1899, %and3A_1904 : vector<16xi32>
    %gather3A_1906 = tpu.vector_load_idx %arg11[%add3A_1902, %and3A_1905] : memref<128x256xf32, #tpu.memory_space<vmem>>[vector<16xi32>, vector<16xi32>], vector<16xf32>,
    %swap3A_1907 = arith.constant 7 : i32
    %swap3A_1908 = arith.index_cast %swap3A_1907 : i32 to index
    %swap3A_1909 = arith.constant 96 : index
    %swap3A_1910 = tpu.vector_load %arg13[%swap3A_1908, %swap3A_1909] {strides = array<i32>} : memref<8x128xf32, #tpu.memory_space<vmem>>, vector<16xf32>,
    tpu.vector_store %arg13[%swap3A_1908, %swap3A_1909], %gather3A_1906 {strides = array<i32>} : memref<8x128xf32, #tpu.memory_space<vmem>>, vector<16xf32>,
    %get3A_1911 = arith.constant 240 : index
    %get3A_1912 = tpu.vector_load %arg7[%get3A_1911] {strides = array<i32>} : memref<256xi32, #tpu.memory_space<vmem>>, vector<16xi32>,
    %add3A_1913 = arith.constant 112 : i32
    %add3A_1914 = vector.broadcast %add3A_1913 : i32 to vector<16xi32>
    %add3A_1915 = arith.addi %iota3A, %add3A_1914 : vector<16xi32>
    %and3A_1916 = arith.constant 255 : i32
    %and3A_1917 = vector.broadcast %and3A_1916 : i32 to vector<16xi32>
    %and3A_1918 = arith.andi %get3A_1912, %and3A_1917 : vector<16xi32>
    %gather3A_1919 = tpu.vector_load_idx %arg11[%add3A_1915, %and3A_1918] : memref<128x256xf32, #tpu.memory_space<vmem>>[vector<16xi32>, vector<16xi32>], vector<16xf32>,
    %swap3A_1920 = arith.constant 7 : i32
    %swap3A_1921 = arith.index_cast %swap3A_1920 : i32 to index
    %swap3A_1922 = arith.constant 112 : index
    %swap3A_1923 = tpu.vector_load %arg13[%swap3A_1921, %swap3A_1922] {strides = array<i32>} : memref<8x128xf32, #tpu.memory_space<vmem>>, vector<16xf32>,
    tpu.vector_store %arg13[%swap3A_1921, %swap3A_1922], %gather3A_1919 {strides = array<i32>} : memref<8x128xf32, #tpu.memory_space<vmem>>, vector<16xf32>,
    %broadcast_in_dim3A = arith.constant 0.000000e+00 : f32
    %broadcast_in_dim3A_1924 = vector.broadcast %broadcast_in_dim3A : f32 to vector<16xf32>
    %broadcast_in_dim3A_1925 = arith.constant 0.000000e+00 : f32
    %broadcast_in_dim3A_1926 = vector.broadcast %broadcast_in_dim3A_1925 : f32 to vector<16xf32>
    %get3A_1927 = arith.constant 0 : index
    %get3A_1928 = tpu.vector_load %arg8[%get3A_1927] {strides = array<i32>} : memref<256xi32, #tpu.memory_space<vmem>>, vector<16xi32>,
    %convert_element_type3A = arith.sitofp %get3A_1928 : vector<16xi32> to vector<16xf32>
    %add3A_1929 = arith.addf %broadcast_in_dim3A_1926, %convert_element_type3A : vector<16xf32>
    %get3A_1930 = arith.constant 0 : i32
    %get3A_1931 = arith.index_cast %get3A_1930 : i32 to index
    %get3A_1932 = arith.constant 0 : index
    %get3A_1933 = tpu.vector_load %arg13[%get3A_1931, %get3A_1932] {strides = array<i32>} : memref<8x128xf32, #tpu.memory_space<vmem>>, vector<16xf32>,
    %add3A_1934 = arith.constant 0 : i32
    %add3A_1935 = vector.broadcast %add3A_1934 : i32 to vector<16xi32>
    %add3A_1936 = arith.addi %add3A_1935, %iota3A : vector<16xi32>
    %mul3A_1937 = arith.constant 4 : i32
    %mul3A_1938 = vector.broadcast %mul3A_1937 : i32 to vector<16xi32>
    %mul3A_1939 = arith.muli %add3A_1936, %mul3A_1938 : vector<16xi32>
    %add3A_1940 = arith.constant 0 : i32
    %add3A_1941 = vector.broadcast %add3A_1940 : i32 to vector<16xi32>
    %add3A_1942 = arith.addi %mul3A_1939, %add3A_1941 : vector<16xi32>
    %gather3A_1943 = tpu.vector_load_idx %arg14[%add3A_1942] : memref<1024xf32, #tpu.memory_space<vmem>>[vector<16xi32>], vector<16xf32>,
    %sub3A = arith.subf %get3A_1933, %gather3A_1943 : vector<16xf32>
    %mul3A_1944 = arith.mulf %sub3A, %convert_element_type3A : vector<16xf32>
    %abs3A = math.absf %mul3A_1944 : vector<16xf32>
    %lt3A = arith.constant 1.000000e+00 : f32
    %lt3A_1945 = vector.broadcast %lt3A : f32 to vector<16xf32>
    %lt3A_1946 = arith.cmpf olt, %abs3A, %lt3A_1945 : vector<16xf32>
    %mul3A_1947 = arith.constant 5.000000e-01 : f32
    %mul3A_1948 = vector.broadcast %mul3A_1947 : f32 to vector<16xf32>
    %mul3A_1949 = arith.mulf %mul3A_1948, %mul3A_1944 : vector<16xf32>
    %mul3A_1950 = arith.mulf %mul3A_1949, %mul3A_1944 : vector<16xf32>
    %sub3A_1951 = arith.constant 5.000000e-01 : f32
    %sub3A_1952 = vector.broadcast %sub3A_1951 : f32 to vector<16xf32>
    %sub3A_1953 = arith.subf %abs3A, %sub3A_1952 : vector<16xf32>
    %select_n3A = arith.select %lt3A_1946, %mul3A_1950, %sub3A_1953 : vector<16xi1>, vector<16xf32>
    %add3A_1954 = arith.addf %broadcast_in_dim3A_1924, %select_n3A : vector<16xf32>
    %get3A_1955 = arith.constant 1 : i32
    %get3A_1956 = arith.index_cast %get3A_1955 : i32 to index
    %get3A_1957 = arith.constant 0 : index
    %get3A_1958 = tpu.vector_load %arg13[%get3A_1956, %get3A_1957] {strides = array<i32>} : memref<8x128xf32, #tpu.memory_space<vmem>>, vector<16xf32>,
    %add3A_1959 = arith.constant 0 : i32
    %add3A_1960 = vector.broadcast %add3A_1959 : i32 to vector<16xi32>
    %add3A_1961 = arith.addi %add3A_1960, %iota3A : vector<16xi32>
    %mul3A_1962 = arith.constant 4 : i32
    %mul3A_1963 = vector.broadcast %mul3A_1962 : i32 to vector<16xi32>
    %mul3A_1964 = arith.muli %add3A_1961, %mul3A_1963 : vector<16xi32>
    %add3A_1965 = arith.constant 1 : i32
    %add3A_1966 = vector.broadcast %add3A_1965 : i32 to vector<16xi32>
    %add3A_1967 = arith.addi %mul3A_1964, %add3A_1966 : vector<16xi32>
    %gather3A_1968 = tpu.vector_load_idx %arg14[%add3A_1967] : memref<1024xf32, #tpu.memory_space<vmem>>[vector<16xi32>], vector<16xf32>,
    %sub3A_1969 = arith.subf %get3A_1958, %gather3A_1968 : vector<16xf32>
    %mul3A_1970 = arith.mulf %sub3A_1969, %convert_element_type3A : vector<16xf32>
    %abs3A_1971 = math.absf %mul3A_1970 : vector<16xf32>
    %lt3A_1972 = arith.constant 1.000000e+00 : f32
    %lt3A_1973 = vector.broadcast %lt3A_1972 : f32 to vector<16xf32>
    %lt3A_1974 = arith.cmpf olt, %abs3A_1971, %lt3A_1973 : vector<16xf32>
    %mul3A_1975 = arith.constant 5.000000e-01 : f32
    %mul3A_1976 = vector.broadcast %mul3A_1975 : f32 to vector<16xf32>
    %mul3A_1977 = arith.mulf %mul3A_1976, %mul3A_1970 : vector<16xf32>
    %mul3A_1978 = arith.mulf %mul3A_1977, %mul3A_1970 : vector<16xf32>
    %sub3A_1979 = arith.constant 5.000000e-01 : f32
    %sub3A_1980 = vector.broadcast %sub3A_1979 : f32 to vector<16xf32>
    %sub3A_1981 = arith.subf %abs3A_1971, %sub3A_1980 : vector<16xf32>
    %select_n3A_1982 = arith.select %lt3A_1974, %mul3A_1978, %sub3A_1981 : vector<16xi1>, vector<16xf32>
    %add3A_1983 = arith.addf %add3A_1954, %select_n3A_1982 : vector<16xf32>
    %get3A_1984 = arith.constant 2 : i32
    %get3A_1985 = arith.index_cast %get3A_1984 : i32 to index
    %get3A_1986 = arith.constant 0 : index
    %get3A_1987 = tpu.vector_load %arg13[%get3A_1985, %get3A_1986] {strides = array<i32>} : memref<8x128xf32, #tpu.memory_space<vmem>>, vector<16xf32>,
    %add3A_1988 = arith.constant 0 : i32
    %add3A_1989 = vector.broadcast %add3A_1988 : i32 to vector<16xi32>
    %add3A_1990 = arith.addi %add3A_1989, %iota3A : vector<16xi32>
    %mul3A_1991 = arith.constant 4 : i32
    %mul3A_1992 = vector.broadcast %mul3A_1991 : i32 to vector<16xi32>
    %mul3A_1993 = arith.muli %add3A_1990, %mul3A_1992 : vector<16xi32>
    %add3A_1994 = arith.constant 2 : i32
    %add3A_1995 = vector.broadcast %add3A_1994 : i32 to vector<16xi32>
    %add3A_1996 = arith.addi %mul3A_1993, %add3A_1995 : vector<16xi32>
    %gather3A_1997 = tpu.vector_load_idx %arg14[%add3A_1996] : memref<1024xf32, #tpu.memory_space<vmem>>[vector<16xi32>], vector<16xf32>,
    %sub3A_1998 = arith.subf %get3A_1987, %gather3A_1997 : vector<16xf32>
    %mul3A_1999 = arith.mulf %sub3A_1998, %convert_element_type3A : vector<16xf32>
    %abs3A_2000 = math.absf %mul3A_1999 : vector<16xf32>
    %lt3A_2001 = arith.constant 1.000000e+00 : f32
    %lt3A_2002 = vector.broadcast %lt3A_2001 : f32 to vector<16xf32>
    %lt3A_2003 = arith.cmpf olt, %abs3A_2000, %lt3A_2002 : vector<16xf32>
    %mul3A_2004 = arith.constant 5.000000e-01 : f32
    %mul3A_2005 = vector.broadcast %mul3A_2004 : f32 to vector<16xf32>
    %mul3A_2006 = arith.mulf %mul3A_2005, %mul3A_1999 : vector<16xf32>
    %mul3A_2007 = arith.mulf %mul3A_2006, %mul3A_1999 : vector<16xf32>
    %sub3A_2008 = arith.constant 5.000000e-01 : f32
    %sub3A_2009 = vector.broadcast %sub3A_2008 : f32 to vector<16xf32>
    %sub3A_2010 = arith.subf %abs3A_2000, %sub3A_2009 : vector<16xf32>
    %select_n3A_2011 = arith.select %lt3A_2003, %mul3A_2007, %sub3A_2010 : vector<16xi1>, vector<16xf32>
    %add3A_2012 = arith.addf %add3A_1983, %select_n3A_2011 : vector<16xf32>
    %get3A_2013 = arith.constant 3 : i32
    %get3A_2014 = arith.index_cast %get3A_2013 : i32 to index
    %get3A_2015 = arith.constant 0 : index
    %get3A_2016 = tpu.vector_load %arg13[%get3A_2014, %get3A_2015] {strides = array<i32>} : memref<8x128xf32, #tpu.memory_space<vmem>>, vector<16xf32>,
    %add3A_2017 = arith.constant 0 : i32
    %add3A_2018 = vector.broadcast %add3A_2017 : i32 to vector<16xi32>
    %add3A_2019 = arith.addi %add3A_2018, %iota3A : vector<16xi32>
    %mul3A_2020 = arith.constant 4 : i32
    %mul3A_2021 = vector.broadcast %mul3A_2020 : i32 to vector<16xi32>
    %mul3A_2022 = arith.muli %add3A_2019, %mul3A_2021 : vector<16xi32>
    %add3A_2023 = arith.constant 3 : i32
    %add3A_2024 = vector.broadcast %add3A_2023 : i32 to vector<16xi32>
    %add3A_2025 = arith.addi %mul3A_2022, %add3A_2024 : vector<16xi32>
    %gather3A_2026 = tpu.vector_load_idx %arg14[%add3A_2025] : memref<1024xf32, #tpu.memory_space<vmem>>[vector<16xi32>], vector<16xf32>,
    %sub3A_2027 = arith.subf %get3A_2016, %gather3A_2026 : vector<16xf32>
    %mul3A_2028 = arith.mulf %sub3A_2027, %convert_element_type3A : vector<16xf32>
    %abs3A_2029 = math.absf %mul3A_2028 : vector<16xf32>
    %lt3A_2030 = arith.constant 1.000000e+00 : f32
    %lt3A_2031 = vector.broadcast %lt3A_2030 : f32 to vector<16xf32>
    %lt3A_2032 = arith.cmpf olt, %abs3A_2029, %lt3A_2031 : vector<16xf32>
    %mul3A_2033 = arith.constant 5.000000e-01 : f32
    %mul3A_2034 = vector.broadcast %mul3A_2033 : f32 to vector<16xf32>
    %mul3A_2035 = arith.mulf %mul3A_2034, %mul3A_2028 : vector<16xf32>
    %mul3A_2036 = arith.mulf %mul3A_2035, %mul3A_2028 : vector<16xf32>
    %sub3A_2037 = arith.constant 5.000000e-01 : f32
    %sub3A_2038 = vector.broadcast %sub3A_2037 : f32 to vector<16xf32>
    %sub3A_2039 = arith.subf %abs3A_2029, %sub3A_2038 : vector<16xf32>
    %select_n3A_2040 = arith.select %lt3A_2032, %mul3A_2036, %sub3A_2039 : vector<16xi1>, vector<16xf32>
    %add3A_2041 = arith.addf %add3A_2012, %select_n3A_2040 : vector<16xf32>
    %get3A_2042 = arith.constant 16 : index
    %get3A_2043 = tpu.vector_load %arg8[%get3A_2042] {strides = array<i32>} : memref<256xi32, #tpu.memory_space<vmem>>, vector<16xi32>,
    %convert_element_type3A_2044 = arith.sitofp %get3A_2043 : vector<16xi32> to vector<16xf32>
    %add3A_2045 = arith.addf %add3A_1929, %convert_element_type3A_2044 : vector<16xf32>
    %get3A_2046 = arith.constant 0 : i32
    %get3A_2047 = arith.index_cast %get3A_2046 : i32 to index
    %get3A_2048 = arith.constant 16 : index
    %get3A_2049 = tpu.vector_load %arg13[%get3A_2047, %get3A_2048] {strides = array<i32>} : memref<8x128xf32, #tpu.memory_space<vmem>>, vector<16xf32>,
    %add3A_2050 = arith.constant 16 : i32
    %add3A_2051 = vector.broadcast %add3A_2050 : i32 to vector<16xi32>
    %add3A_2052 = arith.addi %add3A_2051, %iota3A : vector<16xi32>
    %mul3A_2053 = arith.constant 4 : i32
    %mul3A_2054 = vector.broadcast %mul3A_2053 : i32 to vector<16xi32>
    %mul3A_2055 = arith.muli %add3A_2052, %mul3A_2054 : vector<16xi32>
    %add3A_2056 = arith.constant 0 : i32
    %add3A_2057 = vector.broadcast %add3A_2056 : i32 to vector<16xi32>
    %add3A_2058 = arith.addi %mul3A_2055, %add3A_2057 : vector<16xi32>
    %gather3A_2059 = tpu.vector_load_idx %arg14[%add3A_2058] : memref<1024xf32, #tpu.memory_space<vmem>>[vector<16xi32>], vector<16xf32>,
    %sub3A_2060 = arith.subf %get3A_2049, %gather3A_2059 : vector<16xf32>
    %mul3A_2061 = arith.mulf %sub3A_2060, %convert_element_type3A_2044 : vector<16xf32>
    %abs3A_2062 = math.absf %mul3A_2061 : vector<16xf32>
    %lt3A_2063 = arith.constant 1.000000e+00 : f32
    %lt3A_2064 = vector.broadcast %lt3A_2063 : f32 to vector<16xf32>
    %lt3A_2065 = arith.cmpf olt, %abs3A_2062, %lt3A_2064 : vector<16xf32>
    %mul3A_2066 = arith.constant 5.000000e-01 : f32
    %mul3A_2067 = vector.broadcast %mul3A_2066 : f32 to vector<16xf32>
    %mul3A_2068 = arith.mulf %mul3A_2067, %mul3A_2061 : vector<16xf32>
    %mul3A_2069 = arith.mulf %mul3A_2068, %mul3A_2061 : vector<16xf32>
    %sub3A_2070 = arith.constant 5.000000e-01 : f32
    %sub3A_2071 = vector.broadcast %sub3A_2070 : f32 to vector<16xf32>
    %sub3A_2072 = arith.subf %abs3A_2062, %sub3A_2071 : vector<16xf32>
    %select_n3A_2073 = arith.select %lt3A_2065, %mul3A_2069, %sub3A_2072 : vector<16xi1>, vector<16xf32>
    %add3A_2074 = arith.addf %add3A_2041, %select_n3A_2073 : vector<16xf32>
    %get3A_2075 = arith.constant 1 : i32
    %get3A_2076 = arith.index_cast %get3A_2075 : i32 to index
    %get3A_2077 = arith.constant 16 : index
    %get3A_2078 = tpu.vector_load %arg13[%get3A_2076, %get3A_2077] {strides = array<i32>} : memref<8x128xf32, #tpu.memory_space<vmem>>, vector<16xf32>,
    %add3A_2079 = arith.constant 16 : i32
    %add3A_2080 = vector.broadcast %add3A_2079 : i32 to vector<16xi32>
    %add3A_2081 = arith.addi %add3A_2080, %iota3A : vector<16xi32>
    %mul3A_2082 = arith.constant 4 : i32
    %mul3A_2083 = vector.broadcast %mul3A_2082 : i32 to vector<16xi32>
    %mul3A_2084 = arith.muli %add3A_2081, %mul3A_2083 : vector<16xi32>
    %add3A_2085 = arith.constant 1 : i32
    %add3A_2086 = vector.broadcast %add3A_2085 : i32 to vector<16xi32>
    %add3A_2087 = arith.addi %mul3A_2084, %add3A_2086 : vector<16xi32>
    %gather3A_2088 = tpu.vector_load_idx %arg14[%add3A_2087] : memref<1024xf32, #tpu.memory_space<vmem>>[vector<16xi32>], vector<16xf32>,
    %sub3A_2089 = arith.subf %get3A_2078, %gather3A_2088 : vector<16xf32>
    %mul3A_2090 = arith.mulf %sub3A_2089, %convert_element_type3A_2044 : vector<16xf32>
    %abs3A_2091 = math.absf %mul3A_2090 : vector<16xf32>
    %lt3A_2092 = arith.constant 1.000000e+00 : f32
    %lt3A_2093 = vector.broadcast %lt3A_2092 : f32 to vector<16xf32>
    %lt3A_2094 = arith.cmpf olt, %abs3A_2091, %lt3A_2093 : vector<16xf32>
    %mul3A_2095 = arith.constant 5.000000e-01 : f32
    %mul3A_2096 = vector.broadcast %mul3A_2095 : f32 to vector<16xf32>
    %mul3A_2097 = arith.mulf %mul3A_2096, %mul3A_2090 : vector<16xf32>
    %mul3A_2098 = arith.mulf %mul3A_2097, %mul3A_2090 : vector<16xf32>
    %sub3A_2099 = arith.constant 5.000000e-01 : f32
    %sub3A_2100 = vector.broadcast %sub3A_2099 : f32 to vector<16xf32>
    %sub3A_2101 = arith.subf %abs3A_2091, %sub3A_2100 : vector<16xf32>
    %select_n3A_2102 = arith.select %lt3A_2094, %mul3A_2098, %sub3A_2101 : vector<16xi1>, vector<16xf32>
    %add3A_2103 = arith.addf %add3A_2074, %select_n3A_2102 : vector<16xf32>
    %get3A_2104 = arith.constant 2 : i32
    %get3A_2105 = arith.index_cast %get3A_2104 : i32 to index
    %get3A_2106 = arith.constant 16 : index
    %get3A_2107 = tpu.vector_load %arg13[%get3A_2105, %get3A_2106] {strides = array<i32>} : memref<8x128xf32, #tpu.memory_space<vmem>>, vector<16xf32>,
    %add3A_2108 = arith.constant 16 : i32
    %add3A_2109 = vector.broadcast %add3A_2108 : i32 to vector<16xi32>
    %add3A_2110 = arith.addi %add3A_2109, %iota3A : vector<16xi32>
    %mul3A_2111 = arith.constant 4 : i32
    %mul3A_2112 = vector.broadcast %mul3A_2111 : i32 to vector<16xi32>
    %mul3A_2113 = arith.muli %add3A_2110, %mul3A_2112 : vector<16xi32>
    %add3A_2114 = arith.constant 2 : i32
    %add3A_2115 = vector.broadcast %add3A_2114 : i32 to vector<16xi32>
    %add3A_2116 = arith.addi %mul3A_2113, %add3A_2115 : vector<16xi32>
    %gather3A_2117 = tpu.vector_load_idx %arg14[%add3A_2116] : memref<1024xf32, #tpu.memory_space<vmem>>[vector<16xi32>], vector<16xf32>,
    %sub3A_2118 = arith.subf %get3A_2107, %gather3A_2117 : vector<16xf32>
    %mul3A_2119 = arith.mulf %sub3A_2118, %convert_element_type3A_2044 : vector<16xf32>
    %abs3A_2120 = math.absf %mul3A_2119 : vector<16xf32>
    %lt3A_2121 = arith.constant 1.000000e+00 : f32
    %lt3A_2122 = vector.broadcast %lt3A_2121 : f32 to vector<16xf32>
    %lt3A_2123 = arith.cmpf olt, %abs3A_2120, %lt3A_2122 : vector<16xf32>
    %mul3A_2124 = arith.constant 5.000000e-01 : f32
    %mul3A_2125 = vector.broadcast %mul3A_2124 : f32 to vector<16xf32>
    %mul3A_2126 = arith.mulf %mul3A_2125, %mul3A_2119 : vector<16xf32>
    %mul3A_2127 = arith.mulf %mul3A_2126, %mul3A_2119 : vector<16xf32>
    %sub3A_2128 = arith.constant 5.000000e-01 : f32
    %sub3A_2129 = vector.broadcast %sub3A_2128 : f32 to vector<16xf32>
    %sub3A_2130 = arith.subf %abs3A_2120, %sub3A_2129 : vector<16xf32>
    %select_n3A_2131 = arith.select %lt3A_2123, %mul3A_2127, %sub3A_2130 : vector<16xi1>, vector<16xf32>
    %add3A_2132 = arith.addf %add3A_2103, %select_n3A_2131 : vector<16xf32>
    %get3A_2133 = arith.constant 3 : i32
    %get3A_2134 = arith.index_cast %get3A_2133 : i32 to index
    %get3A_2135 = arith.constant 16 : index
    %get3A_2136 = tpu.vector_load %arg13[%get3A_2134, %get3A_2135] {strides = array<i32>} : memref<8x128xf32, #tpu.memory_space<vmem>>, vector<16xf32>,
    %add3A_2137 = arith.constant 16 : i32
    %add3A_2138 = vector.broadcast %add3A_2137 : i32 to vector<16xi32>
    %add3A_2139 = arith.addi %add3A_2138, %iota3A : vector<16xi32>
    %mul3A_2140 = arith.constant 4 : i32
    %mul3A_2141 = vector.broadcast %mul3A_2140 : i32 to vector<16xi32>
    %mul3A_2142 = arith.muli %add3A_2139, %mul3A_2141 : vector<16xi32>
    %add3A_2143 = arith.constant 3 : i32
    %add3A_2144 = vector.broadcast %add3A_2143 : i32 to vector<16xi32>
    %add3A_2145 = arith.addi %mul3A_2142, %add3A_2144 : vector<16xi32>
    %gather3A_2146 = tpu.vector_load_idx %arg14[%add3A_2145] : memref<1024xf32, #tpu.memory_space<vmem>>[vector<16xi32>], vector<16xf32>,
    %sub3A_2147 = arith.subf %get3A_2136, %gather3A_2146 : vector<16xf32>
    %mul3A_2148 = arith.mulf %sub3A_2147, %convert_element_type3A_2044 : vector<16xf32>
    %abs3A_2149 = math.absf %mul3A_2148 : vector<16xf32>
    %lt3A_2150 = arith.constant 1.000000e+00 : f32
    %lt3A_2151 = vector.broadcast %lt3A_2150 : f32 to vector<16xf32>
    %lt3A_2152 = arith.cmpf olt, %abs3A_2149, %lt3A_2151 : vector<16xf32>
    %mul3A_2153 = arith.constant 5.000000e-01 : f32
    %mul3A_2154 = vector.broadcast %mul3A_2153 : f32 to vector<16xf32>
    %mul3A_2155 = arith.mulf %mul3A_2154, %mul3A_2148 : vector<16xf32>
    %mul3A_2156 = arith.mulf %mul3A_2155, %mul3A_2148 : vector<16xf32>
    %sub3A_2157 = arith.constant 5.000000e-01 : f32
    %sub3A_2158 = vector.broadcast %sub3A_2157 : f32 to vector<16xf32>
    %sub3A_2159 = arith.subf %abs3A_2149, %sub3A_2158 : vector<16xf32>
    %select_n3A_2160 = arith.select %lt3A_2152, %mul3A_2156, %sub3A_2159 : vector<16xi1>, vector<16xf32>
    %add3A_2161 = arith.addf %add3A_2132, %select_n3A_2160 : vector<16xf32>
    %get3A_2162 = arith.constant 32 : index
    %get3A_2163 = tpu.vector_load %arg8[%get3A_2162] {strides = array<i32>} : memref<256xi32, #tpu.memory_space<vmem>>, vector<16xi32>,
    %convert_element_type3A_2164 = arith.sitofp %get3A_2163 : vector<16xi32> to vector<16xf32>
    %add3A_2165 = arith.addf %add3A_2045, %convert_element_type3A_2164 : vector<16xf32>
    %get3A_2166 = arith.constant 0 : i32
    %get3A_2167 = arith.index_cast %get3A_2166 : i32 to index
    %get3A_2168 = arith.constant 32 : index
    %get3A_2169 = tpu.vector_load %arg13[%get3A_2167, %get3A_2168] {strides = array<i32>} : memref<8x128xf32, #tpu.memory_space<vmem>>, vector<16xf32>,
    %add3A_2170 = arith.constant 32 : i32
    %add3A_2171 = vector.broadcast %add3A_2170 : i32 to vector<16xi32>
    %add3A_2172 = arith.addi %add3A_2171, %iota3A : vector<16xi32>
    %mul3A_2173 = arith.constant 4 : i32
    %mul3A_2174 = vector.broadcast %mul3A_2173 : i32 to vector<16xi32>
    %mul3A_2175 = arith.muli %add3A_2172, %mul3A_2174 : vector<16xi32>
    %add3A_2176 = arith.constant 0 : i32
    %add3A_2177 = vector.broadcast %add3A_2176 : i32 to vector<16xi32>
    %add3A_2178 = arith.addi %mul3A_2175, %add3A_2177 : vector<16xi32>
    %gather3A_2179 = tpu.vector_load_idx %arg14[%add3A_2178] : memref<1024xf32, #tpu.memory_space<vmem>>[vector<16xi32>], vector<16xf32>,
    %sub3A_2180 = arith.subf %get3A_2169, %gather3A_2179 : vector<16xf32>
    %mul3A_2181 = arith.mulf %sub3A_2180, %convert_element_type3A_2164 : vector<16xf32>
    %abs3A_2182 = math.absf %mul3A_2181 : vector<16xf32>
    %lt3A_2183 = arith.constant 1.000000e+00 : f32
    %lt3A_2184 = vector.broadcast %lt3A_2183 : f32 to vector<16xf32>
    %lt3A_2185 = arith.cmpf olt, %abs3A_2182, %lt3A_2184 : vector<16xf32>
    %mul3A_2186 = arith.constant 5.000000e-01 : f32
    %mul3A_2187 = vector.broadcast %mul3A_2186 : f32 to vector<16xf32>
    %mul3A_2188 = arith.mulf %mul3A_2187, %mul3A_2181 : vector<16xf32>
    %mul3A_2189 = arith.mulf %mul3A_2188, %mul3A_2181 : vector<16xf32>
    %sub3A_2190 = arith.constant 5.000000e-01 : f32
    %sub3A_2191 = vector.broadcast %sub3A_2190 : f32 to vector<16xf32>
    %sub3A_2192 = arith.subf %abs3A_2182, %sub3A_2191 : vector<16xf32>
    %select_n3A_2193 = arith.select %lt3A_2185, %mul3A_2189, %sub3A_2192 : vector<16xi1>, vector<16xf32>
    %add3A_2194 = arith.addf %add3A_2161, %select_n3A_2193 : vector<16xf32>
    %get3A_2195 = arith.constant 1 : i32
    %get3A_2196 = arith.index_cast %get3A_2195 : i32 to index
    %get3A_2197 = arith.constant 32 : index
    %get3A_2198 = tpu.vector_load %arg13[%get3A_2196, %get3A_2197] {strides = array<i32>} : memref<8x128xf32, #tpu.memory_space<vmem>>, vector<16xf32>,
    %add3A_2199 = arith.constant 32 : i32
    %add3A_2200 = vector.broadcast %add3A_2199 : i32 to vector<16xi32>
    %add3A_2201 = arith.addi %add3A_2200, %iota3A : vector<16xi32>
    %mul3A_2202 = arith.constant 4 : i32
    %mul3A_2203 = vector.broadcast %mul3A_2202 : i32 to vector<16xi32>
    %mul3A_2204 = arith.muli %add3A_2201, %mul3A_2203 : vector<16xi32>
    %add3A_2205 = arith.constant 1 : i32
    %add3A_2206 = vector.broadcast %add3A_2205 : i32 to vector<16xi32>
    %add3A_2207 = arith.addi %mul3A_2204, %add3A_2206 : vector<16xi32>
    %gather3A_2208 = tpu.vector_load_idx %arg14[%add3A_2207] : memref<1024xf32, #tpu.memory_space<vmem>>[vector<16xi32>], vector<16xf32>,
    %sub3A_2209 = arith.subf %get3A_2198, %gather3A_2208 : vector<16xf32>
    %mul3A_2210 = arith.mulf %sub3A_2209, %convert_element_type3A_2164 : vector<16xf32>
    %abs3A_2211 = math.absf %mul3A_2210 : vector<16xf32>
    %lt3A_2212 = arith.constant 1.000000e+00 : f32
    %lt3A_2213 = vector.broadcast %lt3A_2212 : f32 to vector<16xf32>
    %lt3A_2214 = arith.cmpf olt, %abs3A_2211, %lt3A_2213 : vector<16xf32>
    %mul3A_2215 = arith.constant 5.000000e-01 : f32
    %mul3A_2216 = vector.broadcast %mul3A_2215 : f32 to vector<16xf32>
    %mul3A_2217 = arith.mulf %mul3A_2216, %mul3A_2210 : vector<16xf32>
    %mul3A_2218 = arith.mulf %mul3A_2217, %mul3A_2210 : vector<16xf32>
    %sub3A_2219 = arith.constant 5.000000e-01 : f32
    %sub3A_2220 = vector.broadcast %sub3A_2219 : f32 to vector<16xf32>
    %sub3A_2221 = arith.subf %abs3A_2211, %sub3A_2220 : vector<16xf32>
    %select_n3A_2222 = arith.select %lt3A_2214, %mul3A_2218, %sub3A_2221 : vector<16xi1>, vector<16xf32>
    %add3A_2223 = arith.addf %add3A_2194, %select_n3A_2222 : vector<16xf32>
    %get3A_2224 = arith.constant 2 : i32
    %get3A_2225 = arith.index_cast %get3A_2224 : i32 to index
    %get3A_2226 = arith.constant 32 : index
    %get3A_2227 = tpu.vector_load %arg13[%get3A_2225, %get3A_2226] {strides = array<i32>} : memref<8x128xf32, #tpu.memory_space<vmem>>, vector<16xf32>,
    %add3A_2228 = arith.constant 32 : i32
    %add3A_2229 = vector.broadcast %add3A_2228 : i32 to vector<16xi32>
    %add3A_2230 = arith.addi %add3A_2229, %iota3A : vector<16xi32>
    %mul3A_2231 = arith.constant 4 : i32
    %mul3A_2232 = vector.broadcast %mul3A_2231 : i32 to vector<16xi32>
    %mul3A_2233 = arith.muli %add3A_2230, %mul3A_2232 : vector<16xi32>
    %add3A_2234 = arith.constant 2 : i32
    %add3A_2235 = vector.broadcast %add3A_2234 : i32 to vector<16xi32>
    %add3A_2236 = arith.addi %mul3A_2233, %add3A_2235 : vector<16xi32>
    %gather3A_2237 = tpu.vector_load_idx %arg14[%add3A_2236] : memref<1024xf32, #tpu.memory_space<vmem>>[vector<16xi32>], vector<16xf32>,
    %sub3A_2238 = arith.subf %get3A_2227, %gather3A_2237 : vector<16xf32>
    %mul3A_2239 = arith.mulf %sub3A_2238, %convert_element_type3A_2164 : vector<16xf32>
    %abs3A_2240 = math.absf %mul3A_2239 : vector<16xf32>
    %lt3A_2241 = arith.constant 1.000000e+00 : f32
    %lt3A_2242 = vector.broadcast %lt3A_2241 : f32 to vector<16xf32>
    %lt3A_2243 = arith.cmpf olt, %abs3A_2240, %lt3A_2242 : vector<16xf32>
    %mul3A_2244 = arith.constant 5.000000e-01 : f32
    %mul3A_2245 = vector.broadcast %mul3A_2244 : f32 to vector<16xf32>
    %mul3A_2246 = arith.mulf %mul3A_2245, %mul3A_2239 : vector<16xf32>
    %mul3A_2247 = arith.mulf %mul3A_2246, %mul3A_2239 : vector<16xf32>
    %sub3A_2248 = arith.constant 5.000000e-01 : f32
    %sub3A_2249 = vector.broadcast %sub3A_2248 : f32 to vector<16xf32>
    %sub3A_2250 = arith.subf %abs3A_2240, %sub3A_2249 : vector<16xf32>
    %select_n3A_2251 = arith.select %lt3A_2243, %mul3A_2247, %sub3A_2250 : vector<16xi1>, vector<16xf32>
    %add3A_2252 = arith.addf %add3A_2223, %select_n3A_2251 : vector<16xf32>
    %get3A_2253 = arith.constant 3 : i32
    %get3A_2254 = arith.index_cast %get3A_2253 : i32 to index
    %get3A_2255 = arith.constant 32 : index
    %get3A_2256 = tpu.vector_load %arg13[%get3A_2254, %get3A_2255] {strides = array<i32>} : memref<8x128xf32, #tpu.memory_space<vmem>>, vector<16xf32>,
    %add3A_2257 = arith.constant 32 : i32
    %add3A_2258 = vector.broadcast %add3A_2257 : i32 to vector<16xi32>
    %add3A_2259 = arith.addi %add3A_2258, %iota3A : vector<16xi32>
    %mul3A_2260 = arith.constant 4 : i32
    %mul3A_2261 = vector.broadcast %mul3A_2260 : i32 to vector<16xi32>
    %mul3A_2262 = arith.muli %add3A_2259, %mul3A_2261 : vector<16xi32>
    %add3A_2263 = arith.constant 3 : i32
    %add3A_2264 = vector.broadcast %add3A_2263 : i32 to vector<16xi32>
    %add3A_2265 = arith.addi %mul3A_2262, %add3A_2264 : vector<16xi32>
    %gather3A_2266 = tpu.vector_load_idx %arg14[%add3A_2265] : memref<1024xf32, #tpu.memory_space<vmem>>[vector<16xi32>], vector<16xf32>,
    %sub3A_2267 = arith.subf %get3A_2256, %gather3A_2266 : vector<16xf32>
    %mul3A_2268 = arith.mulf %sub3A_2267, %convert_element_type3A_2164 : vector<16xf32>
    %abs3A_2269 = math.absf %mul3A_2268 : vector<16xf32>
    %lt3A_2270 = arith.constant 1.000000e+00 : f32
    %lt3A_2271 = vector.broadcast %lt3A_2270 : f32 to vector<16xf32>
    %lt3A_2272 = arith.cmpf olt, %abs3A_2269, %lt3A_2271 : vector<16xf32>
    %mul3A_2273 = arith.constant 5.000000e-01 : f32
    %mul3A_2274 = vector.broadcast %mul3A_2273 : f32 to vector<16xf32>
    %mul3A_2275 = arith.mulf %mul3A_2274, %mul3A_2268 : vector<16xf32>
    %mul3A_2276 = arith.mulf %mul3A_2275, %mul3A_2268 : vector<16xf32>
    %sub3A_2277 = arith.constant 5.000000e-01 : f32
    %sub3A_2278 = vector.broadcast %sub3A_2277 : f32 to vector<16xf32>
    %sub3A_2279 = arith.subf %abs3A_2269, %sub3A_2278 : vector<16xf32>
    %select_n3A_2280 = arith.select %lt3A_2272, %mul3A_2276, %sub3A_2279 : vector<16xi1>, vector<16xf32>
    %add3A_2281 = arith.addf %add3A_2252, %select_n3A_2280 : vector<16xf32>
    %get3A_2282 = arith.constant 48 : index
    %get3A_2283 = tpu.vector_load %arg8[%get3A_2282] {strides = array<i32>} : memref<256xi32, #tpu.memory_space<vmem>>, vector<16xi32>,
    %convert_element_type3A_2284 = arith.sitofp %get3A_2283 : vector<16xi32> to vector<16xf32>
    %add3A_2285 = arith.addf %add3A_2165, %convert_element_type3A_2284 : vector<16xf32>
    %get3A_2286 = arith.constant 0 : i32
    %get3A_2287 = arith.index_cast %get3A_2286 : i32 to index
    %get3A_2288 = arith.constant 48 : index
    %get3A_2289 = tpu.vector_load %arg13[%get3A_2287, %get3A_2288] {strides = array<i32>} : memref<8x128xf32, #tpu.memory_space<vmem>>, vector<16xf32>,
    %add3A_2290 = arith.constant 48 : i32
    %add3A_2291 = vector.broadcast %add3A_2290 : i32 to vector<16xi32>
    %add3A_2292 = arith.addi %add3A_2291, %iota3A : vector<16xi32>
    %mul3A_2293 = arith.constant 4 : i32
    %mul3A_2294 = vector.broadcast %mul3A_2293 : i32 to vector<16xi32>
    %mul3A_2295 = arith.muli %add3A_2292, %mul3A_2294 : vector<16xi32>
    %add3A_2296 = arith.constant 0 : i32
    %add3A_2297 = vector.broadcast %add3A_2296 : i32 to vector<16xi32>
    %add3A_2298 = arith.addi %mul3A_2295, %add3A_2297 : vector<16xi32>
    %gather3A_2299 = tpu.vector_load_idx %arg14[%add3A_2298] : memref<1024xf32, #tpu.memory_space<vmem>>[vector<16xi32>], vector<16xf32>,
    %sub3A_2300 = arith.subf %get3A_2289, %gather3A_2299 : vector<16xf32>
    %mul3A_2301 = arith.mulf %sub3A_2300, %convert_element_type3A_2284 : vector<16xf32>
    %abs3A_2302 = math.absf %mul3A_2301 : vector<16xf32>
    %lt3A_2303 = arith.constant 1.000000e+00 : f32
    %lt3A_2304 = vector.broadcast %lt3A_2303 : f32 to vector<16xf32>
    %lt3A_2305 = arith.cmpf olt, %abs3A_2302, %lt3A_2304 : vector<16xf32>
    %mul3A_2306 = arith.constant 5.000000e-01 : f32
    %mul3A_2307 = vector.broadcast %mul3A_2306 : f32 to vector<16xf32>
    %mul3A_2308 = arith.mulf %mul3A_2307, %mul3A_2301 : vector<16xf32>
    %mul3A_2309 = arith.mulf %mul3A_2308, %mul3A_2301 : vector<16xf32>
    %sub3A_2310 = arith.constant 5.000000e-01 : f32
    %sub3A_2311 = vector.broadcast %sub3A_2310 : f32 to vector<16xf32>
    %sub3A_2312 = arith.subf %abs3A_2302, %sub3A_2311 : vector<16xf32>
    %select_n3A_2313 = arith.select %lt3A_2305, %mul3A_2309, %sub3A_2312 : vector<16xi1>, vector<16xf32>
    %add3A_2314 = arith.addf %add3A_2281, %select_n3A_2313 : vector<16xf32>
    %get3A_2315 = arith.constant 1 : i32
    %get3A_2316 = arith.index_cast %get3A_2315 : i32 to index
    %get3A_2317 = arith.constant 48 : index
    %get3A_2318 = tpu.vector_load %arg13[%get3A_2316, %get3A_2317] {strides = array<i32>} : memref<8x128xf32, #tpu.memory_space<vmem>>, vector<16xf32>,
    %add3A_2319 = arith.constant 48 : i32
    %add3A_2320 = vector.broadcast %add3A_2319 : i32 to vector<16xi32>
    %add3A_2321 = arith.addi %add3A_2320, %iota3A : vector<16xi32>
    %mul3A_2322 = arith.constant 4 : i32
    %mul3A_2323 = vector.broadcast %mul3A_2322 : i32 to vector<16xi32>
    %mul3A_2324 = arith.muli %add3A_2321, %mul3A_2323 : vector<16xi32>
    %add3A_2325 = arith.constant 1 : i32
    %add3A_2326 = vector.broadcast %add3A_2325 : i32 to vector<16xi32>
    %add3A_2327 = arith.addi %mul3A_2324, %add3A_2326 : vector<16xi32>
    %gather3A_2328 = tpu.vector_load_idx %arg14[%add3A_2327] : memref<1024xf32, #tpu.memory_space<vmem>>[vector<16xi32>], vector<16xf32>,
    %sub3A_2329 = arith.subf %get3A_2318, %gather3A_2328 : vector<16xf32>
    %mul3A_2330 = arith.mulf %sub3A_2329, %convert_element_type3A_2284 : vector<16xf32>
    %abs3A_2331 = math.absf %mul3A_2330 : vector<16xf32>
    %lt3A_2332 = arith.constant 1.000000e+00 : f32
    %lt3A_2333 = vector.broadcast %lt3A_2332 : f32 to vector<16xf32>
    %lt3A_2334 = arith.cmpf olt, %abs3A_2331, %lt3A_2333 : vector<16xf32>
    %mul3A_2335 = arith.constant 5.000000e-01 : f32
    %mul3A_2336 = vector.broadcast %mul3A_2335 : f32 to vector<16xf32>
    %mul3A_2337 = arith.mulf %mul3A_2336, %mul3A_2330 : vector<16xf32>
    %mul3A_2338 = arith.mulf %mul3A_2337, %mul3A_2330 : vector<16xf32>
    %sub3A_2339 = arith.constant 5.000000e-01 : f32
    %sub3A_2340 = vector.broadcast %sub3A_2339 : f32 to vector<16xf32>
    %sub3A_2341 = arith.subf %abs3A_2331, %sub3A_2340 : vector<16xf32>
    %select_n3A_2342 = arith.select %lt3A_2334, %mul3A_2338, %sub3A_2341 : vector<16xi1>, vector<16xf32>
    %add3A_2343 = arith.addf %add3A_2314, %select_n3A_2342 : vector<16xf32>
    %get3A_2344 = arith.constant 2 : i32
    %get3A_2345 = arith.index_cast %get3A_2344 : i32 to index
    %get3A_2346 = arith.constant 48 : index
    %get3A_2347 = tpu.vector_load %arg13[%get3A_2345, %get3A_2346] {strides = array<i32>} : memref<8x128xf32, #tpu.memory_space<vmem>>, vector<16xf32>,
    %add3A_2348 = arith.constant 48 : i32
    %add3A_2349 = vector.broadcast %add3A_2348 : i32 to vector<16xi32>
    %add3A_2350 = arith.addi %add3A_2349, %iota3A : vector<16xi32>
    %mul3A_2351 = arith.constant 4 : i32
    %mul3A_2352 = vector.broadcast %mul3A_2351 : i32 to vector<16xi32>
    %mul3A_2353 = arith.muli %add3A_2350, %mul3A_2352 : vector<16xi32>
    %add3A_2354 = arith.constant 2 : i32
    %add3A_2355 = vector.broadcast %add3A_2354 : i32 to vector<16xi32>
    %add3A_2356 = arith.addi %mul3A_2353, %add3A_2355 : vector<16xi32>
    %gather3A_2357 = tpu.vector_load_idx %arg14[%add3A_2356] : memref<1024xf32, #tpu.memory_space<vmem>>[vector<16xi32>], vector<16xf32>,
    %sub3A_2358 = arith.subf %get3A_2347, %gather3A_2357 : vector<16xf32>
    %mul3A_2359 = arith.mulf %sub3A_2358, %convert_element_type3A_2284 : vector<16xf32>
    %abs3A_2360 = math.absf %mul3A_2359 : vector<16xf32>
    %lt3A_2361 = arith.constant 1.000000e+00 : f32
    %lt3A_2362 = vector.broadcast %lt3A_2361 : f32 to vector<16xf32>
    %lt3A_2363 = arith.cmpf olt, %abs3A_2360, %lt3A_2362 : vector<16xf32>
    %mul3A_2364 = arith.constant 5.000000e-01 : f32
    %mul3A_2365 = vector.broadcast %mul3A_2364 : f32 to vector<16xf32>
    %mul3A_2366 = arith.mulf %mul3A_2365, %mul3A_2359 : vector<16xf32>
    %mul3A_2367 = arith.mulf %mul3A_2366, %mul3A_2359 : vector<16xf32>
    %sub3A_2368 = arith.constant 5.000000e-01 : f32
    %sub3A_2369 = vector.broadcast %sub3A_2368 : f32 to vector<16xf32>
    %sub3A_2370 = arith.subf %abs3A_2360, %sub3A_2369 : vector<16xf32>
    %select_n3A_2371 = arith.select %lt3A_2363, %mul3A_2367, %sub3A_2370 : vector<16xi1>, vector<16xf32>
    %add3A_2372 = arith.addf %add3A_2343, %select_n3A_2371 : vector<16xf32>
    %get3A_2373 = arith.constant 3 : i32
    %get3A_2374 = arith.index_cast %get3A_2373 : i32 to index
    %get3A_2375 = arith.constant 48 : index
    %get3A_2376 = tpu.vector_load %arg13[%get3A_2374, %get3A_2375] {strides = array<i32>} : memref<8x128xf32, #tpu.memory_space<vmem>>, vector<16xf32>,
    %add3A_2377 = arith.constant 48 : i32
    %add3A_2378 = vector.broadcast %add3A_2377 : i32 to vector<16xi32>
    %add3A_2379 = arith.addi %add3A_2378, %iota3A : vector<16xi32>
    %mul3A_2380 = arith.constant 4 : i32
    %mul3A_2381 = vector.broadcast %mul3A_2380 : i32 to vector<16xi32>
    %mul3A_2382 = arith.muli %add3A_2379, %mul3A_2381 : vector<16xi32>
    %add3A_2383 = arith.constant 3 : i32
    %add3A_2384 = vector.broadcast %add3A_2383 : i32 to vector<16xi32>
    %add3A_2385 = arith.addi %mul3A_2382, %add3A_2384 : vector<16xi32>
    %gather3A_2386 = tpu.vector_load_idx %arg14[%add3A_2385] : memref<1024xf32, #tpu.memory_space<vmem>>[vector<16xi32>], vector<16xf32>,
    %sub3A_2387 = arith.subf %get3A_2376, %gather3A_2386 : vector<16xf32>
    %mul3A_2388 = arith.mulf %sub3A_2387, %convert_element_type3A_2284 : vector<16xf32>
    %abs3A_2389 = math.absf %mul3A_2388 : vector<16xf32>
    %lt3A_2390 = arith.constant 1.000000e+00 : f32
    %lt3A_2391 = vector.broadcast %lt3A_2390 : f32 to vector<16xf32>
    %lt3A_2392 = arith.cmpf olt, %abs3A_2389, %lt3A_2391 : vector<16xf32>
    %mul3A_2393 = arith.constant 5.000000e-01 : f32
    %mul3A_2394 = vector.broadcast %mul3A_2393 : f32 to vector<16xf32>
    %mul3A_2395 = arith.mulf %mul3A_2394, %mul3A_2388 : vector<16xf32>
    %mul3A_2396 = arith.mulf %mul3A_2395, %mul3A_2388 : vector<16xf32>
    %sub3A_2397 = arith.constant 5.000000e-01 : f32
    %sub3A_2398 = vector.broadcast %sub3A_2397 : f32 to vector<16xf32>
    %sub3A_2399 = arith.subf %abs3A_2389, %sub3A_2398 : vector<16xf32>
    %select_n3A_2400 = arith.select %lt3A_2392, %mul3A_2396, %sub3A_2399 : vector<16xi1>, vector<16xf32>
    %add3A_2401 = arith.addf %add3A_2372, %select_n3A_2400 : vector<16xf32>
    %get3A_2402 = arith.constant 64 : index
    %get3A_2403 = tpu.vector_load %arg8[%get3A_2402] {strides = array<i32>} : memref<256xi32, #tpu.memory_space<vmem>>, vector<16xi32>,
    %convert_element_type3A_2404 = arith.sitofp %get3A_2403 : vector<16xi32> to vector<16xf32>
    %add3A_2405 = arith.addf %add3A_2285, %convert_element_type3A_2404 : vector<16xf32>
    %get3A_2406 = arith.constant 0 : i32
    %get3A_2407 = arith.index_cast %get3A_2406 : i32 to index
    %get3A_2408 = arith.constant 64 : index
    %get3A_2409 = tpu.vector_load %arg13[%get3A_2407, %get3A_2408] {strides = array<i32>} : memref<8x128xf32, #tpu.memory_space<vmem>>, vector<16xf32>,
    %add3A_2410 = arith.constant 64 : i32
    %add3A_2411 = vector.broadcast %add3A_2410 : i32 to vector<16xi32>
    %add3A_2412 = arith.addi %add3A_2411, %iota3A : vector<16xi32>
    %mul3A_2413 = arith.constant 4 : i32
    %mul3A_2414 = vector.broadcast %mul3A_2413 : i32 to vector<16xi32>
    %mul3A_2415 = arith.muli %add3A_2412, %mul3A_2414 : vector<16xi32>
    %add3A_2416 = arith.constant 0 : i32
    %add3A_2417 = vector.broadcast %add3A_2416 : i32 to vector<16xi32>
    %add3A_2418 = arith.addi %mul3A_2415, %add3A_2417 : vector<16xi32>
    %gather3A_2419 = tpu.vector_load_idx %arg14[%add3A_2418] : memref<1024xf32, #tpu.memory_space<vmem>>[vector<16xi32>], vector<16xf32>,
    %sub3A_2420 = arith.subf %get3A_2409, %gather3A_2419 : vector<16xf32>
    %mul3A_2421 = arith.mulf %sub3A_2420, %convert_element_type3A_2404 : vector<16xf32>
    %abs3A_2422 = math.absf %mul3A_2421 : vector<16xf32>
    %lt3A_2423 = arith.constant 1.000000e+00 : f32
    %lt3A_2424 = vector.broadcast %lt3A_2423 : f32 to vector<16xf32>
    %lt3A_2425 = arith.cmpf olt, %abs3A_2422, %lt3A_2424 : vector<16xf32>
    %mul3A_2426 = arith.constant 5.000000e-01 : f32
    %mul3A_2427 = vector.broadcast %mul3A_2426 : f32 to vector<16xf32>
    %mul3A_2428 = arith.mulf %mul3A_2427, %mul3A_2421 : vector<16xf32>
    %mul3A_2429 = arith.mulf %mul3A_2428, %mul3A_2421 : vector<16xf32>
    %sub3A_2430 = arith.constant 5.000000e-01 : f32
    %sub3A_2431 = vector.broadcast %sub3A_2430 : f32 to vector<16xf32>
    %sub3A_2432 = arith.subf %abs3A_2422, %sub3A_2431 : vector<16xf32>
    %select_n3A_2433 = arith.select %lt3A_2425, %mul3A_2429, %sub3A_2432 : vector<16xi1>, vector<16xf32>
    %add3A_2434 = arith.addf %add3A_2401, %select_n3A_2433 : vector<16xf32>
    %get3A_2435 = arith.constant 1 : i32
    %get3A_2436 = arith.index_cast %get3A_2435 : i32 to index
    %get3A_2437 = arith.constant 64 : index
    %get3A_2438 = tpu.vector_load %arg13[%get3A_2436, %get3A_2437] {strides = array<i32>} : memref<8x128xf32, #tpu.memory_space<vmem>>, vector<16xf32>,
    %add3A_2439 = arith.constant 64 : i32
    %add3A_2440 = vector.broadcast %add3A_2439 : i32 to vector<16xi32>
    %add3A_2441 = arith.addi %add3A_2440, %iota3A : vector<16xi32>
    %mul3A_2442 = arith.constant 4 : i32
    %mul3A_2443 = vector.broadcast %mul3A_2442 : i32 to vector<16xi32>
    %mul3A_2444 = arith.muli %add3A_2441, %mul3A_2443 : vector<16xi32>
    %add3A_2445 = arith.constant 1 : i32
    %add3A_2446 = vector.broadcast %add3A_2445 : i32 to vector<16xi32>
    %add3A_2447 = arith.addi %mul3A_2444, %add3A_2446 : vector<16xi32>
    %gather3A_2448 = tpu.vector_load_idx %arg14[%add3A_2447] : memref<1024xf32, #tpu.memory_space<vmem>>[vector<16xi32>], vector<16xf32>,
    %sub3A_2449 = arith.subf %get3A_2438, %gather3A_2448 : vector<16xf32>
    %mul3A_2450 = arith.mulf %sub3A_2449, %convert_element_type3A_2404 : vector<16xf32>
    %abs3A_2451 = math.absf %mul3A_2450 : vector<16xf32>
    %lt3A_2452 = arith.constant 1.000000e+00 : f32
    %lt3A_2453 = vector.broadcast %lt3A_2452 : f32 to vector<16xf32>
    %lt3A_2454 = arith.cmpf olt, %abs3A_2451, %lt3A_2453 : vector<16xf32>
    %mul3A_2455 = arith.constant 5.000000e-01 : f32
    %mul3A_2456 = vector.broadcast %mul3A_2455 : f32 to vector<16xf32>
    %mul3A_2457 = arith.mulf %mul3A_2456, %mul3A_2450 : vector<16xf32>
    %mul3A_2458 = arith.mulf %mul3A_2457, %mul3A_2450 : vector<16xf32>
    %sub3A_2459 = arith.constant 5.000000e-01 : f32
    %sub3A_2460 = vector.broadcast %sub3A_2459 : f32 to vector<16xf32>
    %sub3A_2461 = arith.subf %abs3A_2451, %sub3A_2460 : vector<16xf32>
    %select_n3A_2462 = arith.select %lt3A_2454, %mul3A_2458, %sub3A_2461 : vector<16xi1>, vector<16xf32>
    %add3A_2463 = arith.addf %add3A_2434, %select_n3A_2462 : vector<16xf32>
    %get3A_2464 = arith.constant 2 : i32
    %get3A_2465 = arith.index_cast %get3A_2464 : i32 to index
    %get3A_2466 = arith.constant 64 : index
    %get3A_2467 = tpu.vector_load %arg13[%get3A_2465, %get3A_2466] {strides = array<i32>} : memref<8x128xf32, #tpu.memory_space<vmem>>, vector<16xf32>,
    %add3A_2468 = arith.constant 64 : i32
    %add3A_2469 = vector.broadcast %add3A_2468 : i32 to vector<16xi32>
    %add3A_2470 = arith.addi %add3A_2469, %iota3A : vector<16xi32>
    %mul3A_2471 = arith.constant 4 : i32
    %mul3A_2472 = vector.broadcast %mul3A_2471 : i32 to vector<16xi32>
    %mul3A_2473 = arith.muli %add3A_2470, %mul3A_2472 : vector<16xi32>
    %add3A_2474 = arith.constant 2 : i32
    %add3A_2475 = vector.broadcast %add3A_2474 : i32 to vector<16xi32>
    %add3A_2476 = arith.addi %mul3A_2473, %add3A_2475 : vector<16xi32>
    %gather3A_2477 = tpu.vector_load_idx %arg14[%add3A_2476] : memref<1024xf32, #tpu.memory_space<vmem>>[vector<16xi32>], vector<16xf32>,
    %sub3A_2478 = arith.subf %get3A_2467, %gather3A_2477 : vector<16xf32>
    %mul3A_2479 = arith.mulf %sub3A_2478, %convert_element_type3A_2404 : vector<16xf32>
    %abs3A_2480 = math.absf %mul3A_2479 : vector<16xf32>
    %lt3A_2481 = arith.constant 1.000000e+00 : f32
    %lt3A_2482 = vector.broadcast %lt3A_2481 : f32 to vector<16xf32>
    %lt3A_2483 = arith.cmpf olt, %abs3A_2480, %lt3A_2482 : vector<16xf32>
    %mul3A_2484 = arith.constant 5.000000e-01 : f32
    %mul3A_2485 = vector.broadcast %mul3A_2484 : f32 to vector<16xf32>
    %mul3A_2486 = arith.mulf %mul3A_2485, %mul3A_2479 : vector<16xf32>
    %mul3A_2487 = arith.mulf %mul3A_2486, %mul3A_2479 : vector<16xf32>
    %sub3A_2488 = arith.constant 5.000000e-01 : f32
    %sub3A_2489 = vector.broadcast %sub3A_2488 : f32 to vector<16xf32>
    %sub3A_2490 = arith.subf %abs3A_2480, %sub3A_2489 : vector<16xf32>
    %select_n3A_2491 = arith.select %lt3A_2483, %mul3A_2487, %sub3A_2490 : vector<16xi1>, vector<16xf32>
    %add3A_2492 = arith.addf %add3A_2463, %select_n3A_2491 : vector<16xf32>
    %get3A_2493 = arith.constant 3 : i32
    %get3A_2494 = arith.index_cast %get3A_2493 : i32 to index
    %get3A_2495 = arith.constant 64 : index
    %get3A_2496 = tpu.vector_load %arg13[%get3A_2494, %get3A_2495] {strides = array<i32>} : memref<8x128xf32, #tpu.memory_space<vmem>>, vector<16xf32>,
    %add3A_2497 = arith.constant 64 : i32
    %add3A_2498 = vector.broadcast %add3A_2497 : i32 to vector<16xi32>
    %add3A_2499 = arith.addi %add3A_2498, %iota3A : vector<16xi32>
    %mul3A_2500 = arith.constant 4 : i32
    %mul3A_2501 = vector.broadcast %mul3A_2500 : i32 to vector<16xi32>
    %mul3A_2502 = arith.muli %add3A_2499, %mul3A_2501 : vector<16xi32>
    %add3A_2503 = arith.constant 3 : i32
    %add3A_2504 = vector.broadcast %add3A_2503 : i32 to vector<16xi32>
    %add3A_2505 = arith.addi %mul3A_2502, %add3A_2504 : vector<16xi32>
    %gather3A_2506 = tpu.vector_load_idx %arg14[%add3A_2505] : memref<1024xf32, #tpu.memory_space<vmem>>[vector<16xi32>], vector<16xf32>,
    %sub3A_2507 = arith.subf %get3A_2496, %gather3A_2506 : vector<16xf32>
    %mul3A_2508 = arith.mulf %sub3A_2507, %convert_element_type3A_2404 : vector<16xf32>
    %abs3A_2509 = math.absf %mul3A_2508 : vector<16xf32>
    %lt3A_2510 = arith.constant 1.000000e+00 : f32
    %lt3A_2511 = vector.broadcast %lt3A_2510 : f32 to vector<16xf32>
    %lt3A_2512 = arith.cmpf olt, %abs3A_2509, %lt3A_2511 : vector<16xf32>
    %mul3A_2513 = arith.constant 5.000000e-01 : f32
    %mul3A_2514 = vector.broadcast %mul3A_2513 : f32 to vector<16xf32>
    %mul3A_2515 = arith.mulf %mul3A_2514, %mul3A_2508 : vector<16xf32>
    %mul3A_2516 = arith.mulf %mul3A_2515, %mul3A_2508 : vector<16xf32>
    %sub3A_2517 = arith.constant 5.000000e-01 : f32
    %sub3A_2518 = vector.broadcast %sub3A_2517 : f32 to vector<16xf32>
    %sub3A_2519 = arith.subf %abs3A_2509, %sub3A_2518 : vector<16xf32>
    %select_n3A_2520 = arith.select %lt3A_2512, %mul3A_2516, %sub3A_2519 : vector<16xi1>, vector<16xf32>
    %add3A_2521 = arith.addf %add3A_2492, %select_n3A_2520 : vector<16xf32>
    %get3A_2522 = arith.constant 80 : index
    %get3A_2523 = tpu.vector_load %arg8[%get3A_2522] {strides = array<i32>} : memref<256xi32, #tpu.memory_space<vmem>>, vector<16xi32>,
    %convert_element_type3A_2524 = arith.sitofp %get3A_2523 : vector<16xi32> to vector<16xf32>
    %add3A_2525 = arith.addf %add3A_2405, %convert_element_type3A_2524 : vector<16xf32>
    %get3A_2526 = arith.constant 0 : i32
    %get3A_2527 = arith.index_cast %get3A_2526 : i32 to index
    %get3A_2528 = arith.constant 80 : index
    %get3A_2529 = tpu.vector_load %arg13[%get3A_2527, %get3A_2528] {strides = array<i32>} : memref<8x128xf32, #tpu.memory_space<vmem>>, vector<16xf32>,
    %add3A_2530 = arith.constant 80 : i32
    %add3A_2531 = vector.broadcast %add3A_2530 : i32 to vector<16xi32>
    %add3A_2532 = arith.addi %add3A_2531, %iota3A : vector<16xi32>
    %mul3A_2533 = arith.constant 4 : i32
    %mul3A_2534 = vector.broadcast %mul3A_2533 : i32 to vector<16xi32>
    %mul3A_2535 = arith.muli %add3A_2532, %mul3A_2534 : vector<16xi32>
    %add3A_2536 = arith.constant 0 : i32
    %add3A_2537 = vector.broadcast %add3A_2536 : i32 to vector<16xi32>
    %add3A_2538 = arith.addi %mul3A_2535, %add3A_2537 : vector<16xi32>
    %gather3A_2539 = tpu.vector_load_idx %arg14[%add3A_2538] : memref<1024xf32, #tpu.memory_space<vmem>>[vector<16xi32>], vector<16xf32>,
    %sub3A_2540 = arith.subf %get3A_2529, %gather3A_2539 : vector<16xf32>
    %mul3A_2541 = arith.mulf %sub3A_2540, %convert_element_type3A_2524 : vector<16xf32>
    %abs3A_2542 = math.absf %mul3A_2541 : vector<16xf32>
    %lt3A_2543 = arith.constant 1.000000e+00 : f32
    %lt3A_2544 = vector.broadcast %lt3A_2543 : f32 to vector<16xf32>
    %lt3A_2545 = arith.cmpf olt, %abs3A_2542, %lt3A_2544 : vector<16xf32>
    %mul3A_2546 = arith.constant 5.000000e-01 : f32
    %mul3A_2547 = vector.broadcast %mul3A_2546 : f32 to vector<16xf32>
    %mul3A_2548 = arith.mulf %mul3A_2547, %mul3A_2541 : vector<16xf32>
    %mul3A_2549 = arith.mulf %mul3A_2548, %mul3A_2541 : vector<16xf32>
    %sub3A_2550 = arith.constant 5.000000e-01 : f32
    %sub3A_2551 = vector.broadcast %sub3A_2550 : f32 to vector<16xf32>
    %sub3A_2552 = arith.subf %abs3A_2542, %sub3A_2551 : vector<16xf32>
    %select_n3A_2553 = arith.select %lt3A_2545, %mul3A_2549, %sub3A_2552 : vector<16xi1>, vector<16xf32>
    %add3A_2554 = arith.addf %add3A_2521, %select_n3A_2553 : vector<16xf32>
    %get3A_2555 = arith.constant 1 : i32
    %get3A_2556 = arith.index_cast %get3A_2555 : i32 to index
    %get3A_2557 = arith.constant 80 : index
    %get3A_2558 = tpu.vector_load %arg13[%get3A_2556, %get3A_2557] {strides = array<i32>} : memref<8x128xf32, #tpu.memory_space<vmem>>, vector<16xf32>,
    %add3A_2559 = arith.constant 80 : i32
    %add3A_2560 = vector.broadcast %add3A_2559 : i32 to vector<16xi32>
    %add3A_2561 = arith.addi %add3A_2560, %iota3A : vector<16xi32>
    %mul3A_2562 = arith.constant 4 : i32
    %mul3A_2563 = vector.broadcast %mul3A_2562 : i32 to vector<16xi32>
    %mul3A_2564 = arith.muli %add3A_2561, %mul3A_2563 : vector<16xi32>
    %add3A_2565 = arith.constant 1 : i32
    %add3A_2566 = vector.broadcast %add3A_2565 : i32 to vector<16xi32>
    %add3A_2567 = arith.addi %mul3A_2564, %add3A_2566 : vector<16xi32>
    %gather3A_2568 = tpu.vector_load_idx %arg14[%add3A_2567] : memref<1024xf32, #tpu.memory_space<vmem>>[vector<16xi32>], vector<16xf32>,
    %sub3A_2569 = arith.subf %get3A_2558, %gather3A_2568 : vector<16xf32>
    %mul3A_2570 = arith.mulf %sub3A_2569, %convert_element_type3A_2524 : vector<16xf32>
    %abs3A_2571 = math.absf %mul3A_2570 : vector<16xf32>
    %lt3A_2572 = arith.constant 1.000000e+00 : f32
    %lt3A_2573 = vector.broadcast %lt3A_2572 : f32 to vector<16xf32>
    %lt3A_2574 = arith.cmpf olt, %abs3A_2571, %lt3A_2573 : vector<16xf32>
    %mul3A_2575 = arith.constant 5.000000e-01 : f32
    %mul3A_2576 = vector.broadcast %mul3A_2575 : f32 to vector<16xf32>
    %mul3A_2577 = arith.mulf %mul3A_2576, %mul3A_2570 : vector<16xf32>
    %mul3A_2578 = arith.mulf %mul3A_2577, %mul3A_2570 : vector<16xf32>
    %sub3A_2579 = arith.constant 5.000000e-01 : f32
    %sub3A_2580 = vector.broadcast %sub3A_2579 : f32 to vector<16xf32>
    %sub3A_2581 = arith.subf %abs3A_2571, %sub3A_2580 : vector<16xf32>
    %select_n3A_2582 = arith.select %lt3A_2574, %mul3A_2578, %sub3A_2581 : vector<16xi1>, vector<16xf32>
    %add3A_2583 = arith.addf %add3A_2554, %select_n3A_2582 : vector<16xf32>
    %get3A_2584 = arith.constant 2 : i32
    %get3A_2585 = arith.index_cast %get3A_2584 : i32 to index
    %get3A_2586 = arith.constant 80 : index
    %get3A_2587 = tpu.vector_load %arg13[%get3A_2585, %get3A_2586] {strides = array<i32>} : memref<8x128xf32, #tpu.memory_space<vmem>>, vector<16xf32>,
    %add3A_2588 = arith.constant 80 : i32
    %add3A_2589 = vector.broadcast %add3A_2588 : i32 to vector<16xi32>
    %add3A_2590 = arith.addi %add3A_2589, %iota3A : vector<16xi32>
    %mul3A_2591 = arith.constant 4 : i32
    %mul3A_2592 = vector.broadcast %mul3A_2591 : i32 to vector<16xi32>
    %mul3A_2593 = arith.muli %add3A_2590, %mul3A_2592 : vector<16xi32>
    %add3A_2594 = arith.constant 2 : i32
    %add3A_2595 = vector.broadcast %add3A_2594 : i32 to vector<16xi32>
    %add3A_2596 = arith.addi %mul3A_2593, %add3A_2595 : vector<16xi32>
    %gather3A_2597 = tpu.vector_load_idx %arg14[%add3A_2596] : memref<1024xf32, #tpu.memory_space<vmem>>[vector<16xi32>], vector<16xf32>,
    %sub3A_2598 = arith.subf %get3A_2587, %gather3A_2597 : vector<16xf32>
    %mul3A_2599 = arith.mulf %sub3A_2598, %convert_element_type3A_2524 : vector<16xf32>
    %abs3A_2600 = math.absf %mul3A_2599 : vector<16xf32>
    %lt3A_2601 = arith.constant 1.000000e+00 : f32
    %lt3A_2602 = vector.broadcast %lt3A_2601 : f32 to vector<16xf32>
    %lt3A_2603 = arith.cmpf olt, %abs3A_2600, %lt3A_2602 : vector<16xf32>
    %mul3A_2604 = arith.constant 5.000000e-01 : f32
    %mul3A_2605 = vector.broadcast %mul3A_2604 : f32 to vector<16xf32>
    %mul3A_2606 = arith.mulf %mul3A_2605, %mul3A_2599 : vector<16xf32>
    %mul3A_2607 = arith.mulf %mul3A_2606, %mul3A_2599 : vector<16xf32>
    %sub3A_2608 = arith.constant 5.000000e-01 : f32
    %sub3A_2609 = vector.broadcast %sub3A_2608 : f32 to vector<16xf32>
    %sub3A_2610 = arith.subf %abs3A_2600, %sub3A_2609 : vector<16xf32>
    %select_n3A_2611 = arith.select %lt3A_2603, %mul3A_2607, %sub3A_2610 : vector<16xi1>, vector<16xf32>
    %add3A_2612 = arith.addf %add3A_2583, %select_n3A_2611 : vector<16xf32>
    %get3A_2613 = arith.constant 3 : i32
    %get3A_2614 = arith.index_cast %get3A_2613 : i32 to index
    %get3A_2615 = arith.constant 80 : index
    %get3A_2616 = tpu.vector_load %arg13[%get3A_2614, %get3A_2615] {strides = array<i32>} : memref<8x128xf32, #tpu.memory_space<vmem>>, vector<16xf32>,
    %add3A_2617 = arith.constant 80 : i32
    %add3A_2618 = vector.broadcast %add3A_2617 : i32 to vector<16xi32>
    %add3A_2619 = arith.addi %add3A_2618, %iota3A : vector<16xi32>
    %mul3A_2620 = arith.constant 4 : i32
    %mul3A_2621 = vector.broadcast %mul3A_2620 : i32 to vector<16xi32>
    %mul3A_2622 = arith.muli %add3A_2619, %mul3A_2621 : vector<16xi32>
    %add3A_2623 = arith.constant 3 : i32
    %add3A_2624 = vector.broadcast %add3A_2623 : i32 to vector<16xi32>
    %add3A_2625 = arith.addi %mul3A_2622, %add3A_2624 : vector<16xi32>
    %gather3A_2626 = tpu.vector_load_idx %arg14[%add3A_2625] : memref<1024xf32, #tpu.memory_space<vmem>>[vector<16xi32>], vector<16xf32>,
    %sub3A_2627 = arith.subf %get3A_2616, %gather3A_2626 : vector<16xf32>
    %mul3A_2628 = arith.mulf %sub3A_2627, %convert_element_type3A_2524 : vector<16xf32>
    %abs3A_2629 = math.absf %mul3A_2628 : vector<16xf32>
    %lt3A_2630 = arith.constant 1.000000e+00 : f32
    %lt3A_2631 = vector.broadcast %lt3A_2630 : f32 to vector<16xf32>
    %lt3A_2632 = arith.cmpf olt, %abs3A_2629, %lt3A_2631 : vector<16xf32>
    %mul3A_2633 = arith.constant 5.000000e-01 : f32
    %mul3A_2634 = vector.broadcast %mul3A_2633 : f32 to vector<16xf32>
    %mul3A_2635 = arith.mulf %mul3A_2634, %mul3A_2628 : vector<16xf32>
    %mul3A_2636 = arith.mulf %mul3A_2635, %mul3A_2628 : vector<16xf32>
    %sub3A_2637 = arith.constant 5.000000e-01 : f32
    %sub3A_2638 = vector.broadcast %sub3A_2637 : f32 to vector<16xf32>
    %sub3A_2639 = arith.subf %abs3A_2629, %sub3A_2638 : vector<16xf32>
    %select_n3A_2640 = arith.select %lt3A_2632, %mul3A_2636, %sub3A_2639 : vector<16xi1>, vector<16xf32>
    %add3A_2641 = arith.addf %add3A_2612, %select_n3A_2640 : vector<16xf32>
    %get3A_2642 = arith.constant 96 : index
    %get3A_2643 = tpu.vector_load %arg8[%get3A_2642] {strides = array<i32>} : memref<256xi32, #tpu.memory_space<vmem>>, vector<16xi32>,
    %convert_element_type3A_2644 = arith.sitofp %get3A_2643 : vector<16xi32> to vector<16xf32>
    %add3A_2645 = arith.addf %add3A_2525, %convert_element_type3A_2644 : vector<16xf32>
    %get3A_2646 = arith.constant 0 : i32
    %get3A_2647 = arith.index_cast %get3A_2646 : i32 to index
    %get3A_2648 = arith.constant 96 : index
    %get3A_2649 = tpu.vector_load %arg13[%get3A_2647, %get3A_2648] {strides = array<i32>} : memref<8x128xf32, #tpu.memory_space<vmem>>, vector<16xf32>,
    %add3A_2650 = arith.constant 96 : i32
    %add3A_2651 = vector.broadcast %add3A_2650 : i32 to vector<16xi32>
    %add3A_2652 = arith.addi %add3A_2651, %iota3A : vector<16xi32>
    %mul3A_2653 = arith.constant 4 : i32
    %mul3A_2654 = vector.broadcast %mul3A_2653 : i32 to vector<16xi32>
    %mul3A_2655 = arith.muli %add3A_2652, %mul3A_2654 : vector<16xi32>
    %add3A_2656 = arith.constant 0 : i32
    %add3A_2657 = vector.broadcast %add3A_2656 : i32 to vector<16xi32>
    %add3A_2658 = arith.addi %mul3A_2655, %add3A_2657 : vector<16xi32>
    %gather3A_2659 = tpu.vector_load_idx %arg14[%add3A_2658] : memref<1024xf32, #tpu.memory_space<vmem>>[vector<16xi32>], vector<16xf32>,
    %sub3A_2660 = arith.subf %get3A_2649, %gather3A_2659 : vector<16xf32>
    %mul3A_2661 = arith.mulf %sub3A_2660, %convert_element_type3A_2644 : vector<16xf32>
    %abs3A_2662 = math.absf %mul3A_2661 : vector<16xf32>
    %lt3A_2663 = arith.constant 1.000000e+00 : f32
    %lt3A_2664 = vector.broadcast %lt3A_2663 : f32 to vector<16xf32>
    %lt3A_2665 = arith.cmpf olt, %abs3A_2662, %lt3A_2664 : vector<16xf32>
    %mul3A_2666 = arith.constant 5.000000e-01 : f32
    %mul3A_2667 = vector.broadcast %mul3A_2666 : f32 to vector<16xf32>
    %mul3A_2668 = arith.mulf %mul3A_2667, %mul3A_2661 : vector<16xf32>
    %mul3A_2669 = arith.mulf %mul3A_2668, %mul3A_2661 : vector<16xf32>
    %sub3A_2670 = arith.constant 5.000000e-01 : f32
    %sub3A_2671 = vector.broadcast %sub3A_2670 : f32 to vector<16xf32>
    %sub3A_2672 = arith.subf %abs3A_2662, %sub3A_2671 : vector<16xf32>
    %select_n3A_2673 = arith.select %lt3A_2665, %mul3A_2669, %sub3A_2672 : vector<16xi1>, vector<16xf32>
    %add3A_2674 = arith.addf %add3A_2641, %select_n3A_2673 : vector<16xf32>
    %get3A_2675 = arith.constant 1 : i32
    %get3A_2676 = arith.index_cast %get3A_2675 : i32 to index
    %get3A_2677 = arith.constant 96 : index
    %get3A_2678 = tpu.vector_load %arg13[%get3A_2676, %get3A_2677] {strides = array<i32>} : memref<8x128xf32, #tpu.memory_space<vmem>>, vector<16xf32>,
    %add3A_2679 = arith.constant 96 : i32
    %add3A_2680 = vector.broadcast %add3A_2679 : i32 to vector<16xi32>
    %add3A_2681 = arith.addi %add3A_2680, %iota3A : vector<16xi32>
    %mul3A_2682 = arith.constant 4 : i32
    %mul3A_2683 = vector.broadcast %mul3A_2682 : i32 to vector<16xi32>
    %mul3A_2684 = arith.muli %add3A_2681, %mul3A_2683 : vector<16xi32>
    %add3A_2685 = arith.constant 1 : i32
    %add3A_2686 = vector.broadcast %add3A_2685 : i32 to vector<16xi32>
    %add3A_2687 = arith.addi %mul3A_2684, %add3A_2686 : vector<16xi32>
    %gather3A_2688 = tpu.vector_load_idx %arg14[%add3A_2687] : memref<1024xf32, #tpu.memory_space<vmem>>[vector<16xi32>], vector<16xf32>,
    %sub3A_2689 = arith.subf %get3A_2678, %gather3A_2688 : vector<16xf32>
    %mul3A_2690 = arith.mulf %sub3A_2689, %convert_element_type3A_2644 : vector<16xf32>
    %abs3A_2691 = math.absf %mul3A_2690 : vector<16xf32>
    %lt3A_2692 = arith.constant 1.000000e+00 : f32
    %lt3A_2693 = vector.broadcast %lt3A_2692 : f32 to vector<16xf32>
    %lt3A_2694 = arith.cmpf olt, %abs3A_2691, %lt3A_2693 : vector<16xf32>
    %mul3A_2695 = arith.constant 5.000000e-01 : f32
    %mul3A_2696 = vector.broadcast %mul3A_2695 : f32 to vector<16xf32>
    %mul3A_2697 = arith.mulf %mul3A_2696, %mul3A_2690 : vector<16xf32>
    %mul3A_2698 = arith.mulf %mul3A_2697, %mul3A_2690 : vector<16xf32>
    %sub3A_2699 = arith.constant 5.000000e-01 : f32
    %sub3A_2700 = vector.broadcast %sub3A_2699 : f32 to vector<16xf32>
    %sub3A_2701 = arith.subf %abs3A_2691, %sub3A_2700 : vector<16xf32>
    %select_n3A_2702 = arith.select %lt3A_2694, %mul3A_2698, %sub3A_2701 : vector<16xi1>, vector<16xf32>
    %add3A_2703 = arith.addf %add3A_2674, %select_n3A_2702 : vector<16xf32>
    %get3A_2704 = arith.constant 2 : i32
    %get3A_2705 = arith.index_cast %get3A_2704 : i32 to index
    %get3A_2706 = arith.constant 96 : index
    %get3A_2707 = tpu.vector_load %arg13[%get3A_2705, %get3A_2706] {strides = array<i32>} : memref<8x128xf32, #tpu.memory_space<vmem>>, vector<16xf32>,
    %add3A_2708 = arith.constant 96 : i32
    %add3A_2709 = vector.broadcast %add3A_2708 : i32 to vector<16xi32>
    %add3A_2710 = arith.addi %add3A_2709, %iota3A : vector<16xi32>
    %mul3A_2711 = arith.constant 4 : i32
    %mul3A_2712 = vector.broadcast %mul3A_2711 : i32 to vector<16xi32>
    %mul3A_2713 = arith.muli %add3A_2710, %mul3A_2712 : vector<16xi32>
    %add3A_2714 = arith.constant 2 : i32
    %add3A_2715 = vector.broadcast %add3A_2714 : i32 to vector<16xi32>
    %add3A_2716 = arith.addi %mul3A_2713, %add3A_2715 : vector<16xi32>
    %gather3A_2717 = tpu.vector_load_idx %arg14[%add3A_2716] : memref<1024xf32, #tpu.memory_space<vmem>>[vector<16xi32>], vector<16xf32>,
    %sub3A_2718 = arith.subf %get3A_2707, %gather3A_2717 : vector<16xf32>
    %mul3A_2719 = arith.mulf %sub3A_2718, %convert_element_type3A_2644 : vector<16xf32>
    %abs3A_2720 = math.absf %mul3A_2719 : vector<16xf32>
    %lt3A_2721 = arith.constant 1.000000e+00 : f32
    %lt3A_2722 = vector.broadcast %lt3A_2721 : f32 to vector<16xf32>
    %lt3A_2723 = arith.cmpf olt, %abs3A_2720, %lt3A_2722 : vector<16xf32>
    %mul3A_2724 = arith.constant 5.000000e-01 : f32
    %mul3A_2725 = vector.broadcast %mul3A_2724 : f32 to vector<16xf32>
    %mul3A_2726 = arith.mulf %mul3A_2725, %mul3A_2719 : vector<16xf32>
    %mul3A_2727 = arith.mulf %mul3A_2726, %mul3A_2719 : vector<16xf32>
    %sub3A_2728 = arith.constant 5.000000e-01 : f32
    %sub3A_2729 = vector.broadcast %sub3A_2728 : f32 to vector<16xf32>
    %sub3A_2730 = arith.subf %abs3A_2720, %sub3A_2729 : vector<16xf32>
    %select_n3A_2731 = arith.select %lt3A_2723, %mul3A_2727, %sub3A_2730 : vector<16xi1>, vector<16xf32>
    %add3A_2732 = arith.addf %add3A_2703, %select_n3A_2731 : vector<16xf32>
    %get3A_2733 = arith.constant 3 : i32
    %get3A_2734 = arith.index_cast %get3A_2733 : i32 to index
    %get3A_2735 = arith.constant 96 : index
    %get3A_2736 = tpu.vector_load %arg13[%get3A_2734, %get3A_2735] {strides = array<i32>} : memref<8x128xf32, #tpu.memory_space<vmem>>, vector<16xf32>,
    %add3A_2737 = arith.constant 96 : i32
    %add3A_2738 = vector.broadcast %add3A_2737 : i32 to vector<16xi32>
    %add3A_2739 = arith.addi %add3A_2738, %iota3A : vector<16xi32>
    %mul3A_2740 = arith.constant 4 : i32
    %mul3A_2741 = vector.broadcast %mul3A_2740 : i32 to vector<16xi32>
    %mul3A_2742 = arith.muli %add3A_2739, %mul3A_2741 : vector<16xi32>
    %add3A_2743 = arith.constant 3 : i32
    %add3A_2744 = vector.broadcast %add3A_2743 : i32 to vector<16xi32>
    %add3A_2745 = arith.addi %mul3A_2742, %add3A_2744 : vector<16xi32>
    %gather3A_2746 = tpu.vector_load_idx %arg14[%add3A_2745] : memref<1024xf32, #tpu.memory_space<vmem>>[vector<16xi32>], vector<16xf32>,
    %sub3A_2747 = arith.subf %get3A_2736, %gather3A_2746 : vector<16xf32>
    %mul3A_2748 = arith.mulf %sub3A_2747, %convert_element_type3A_2644 : vector<16xf32>
    %abs3A_2749 = math.absf %mul3A_2748 : vector<16xf32>
    %lt3A_2750 = arith.constant 1.000000e+00 : f32
    %lt3A_2751 = vector.broadcast %lt3A_2750 : f32 to vector<16xf32>
    %lt3A_2752 = arith.cmpf olt, %abs3A_2749, %lt3A_2751 : vector<16xf32>
    %mul3A_2753 = arith.constant 5.000000e-01 : f32
    %mul3A_2754 = vector.broadcast %mul3A_2753 : f32 to vector<16xf32>
    %mul3A_2755 = arith.mulf %mul3A_2754, %mul3A_2748 : vector<16xf32>
    %mul3A_2756 = arith.mulf %mul3A_2755, %mul3A_2748 : vector<16xf32>
    %sub3A_2757 = arith.constant 5.000000e-01 : f32
    %sub3A_2758 = vector.broadcast %sub3A_2757 : f32 to vector<16xf32>
    %sub3A_2759 = arith.subf %abs3A_2749, %sub3A_2758 : vector<16xf32>
    %select_n3A_2760 = arith.select %lt3A_2752, %mul3A_2756, %sub3A_2759 : vector<16xi1>, vector<16xf32>
    %add3A_2761 = arith.addf %add3A_2732, %select_n3A_2760 : vector<16xf32>
    %get3A_2762 = arith.constant 112 : index
    %get3A_2763 = tpu.vector_load %arg8[%get3A_2762] {strides = array<i32>} : memref<256xi32, #tpu.memory_space<vmem>>, vector<16xi32>,
    %convert_element_type3A_2764 = arith.sitofp %get3A_2763 : vector<16xi32> to vector<16xf32>
    %add3A_2765 = arith.addf %add3A_2645, %convert_element_type3A_2764 : vector<16xf32>
    %get3A_2766 = arith.constant 0 : i32
    %get3A_2767 = arith.index_cast %get3A_2766 : i32 to index
    %get3A_2768 = arith.constant 112 : index
    %get3A_2769 = tpu.vector_load %arg13[%get3A_2767, %get3A_2768] {strides = array<i32>} : memref<8x128xf32, #tpu.memory_space<vmem>>, vector<16xf32>,
    %add3A_2770 = arith.constant 112 : i32
    %add3A_2771 = vector.broadcast %add3A_2770 : i32 to vector<16xi32>
    %add3A_2772 = arith.addi %add3A_2771, %iota3A : vector<16xi32>
    %mul3A_2773 = arith.constant 4 : i32
    %mul3A_2774 = vector.broadcast %mul3A_2773 : i32 to vector<16xi32>
    %mul3A_2775 = arith.muli %add3A_2772, %mul3A_2774 : vector<16xi32>
    %add3A_2776 = arith.constant 0 : i32
    %add3A_2777 = vector.broadcast %add3A_2776 : i32 to vector<16xi32>
    %add3A_2778 = arith.addi %mul3A_2775, %add3A_2777 : vector<16xi32>
    %gather3A_2779 = tpu.vector_load_idx %arg14[%add3A_2778] : memref<1024xf32, #tpu.memory_space<vmem>>[vector<16xi32>], vector<16xf32>,
    %sub3A_2780 = arith.subf %get3A_2769, %gather3A_2779 : vector<16xf32>
    %mul3A_2781 = arith.mulf %sub3A_2780, %convert_element_type3A_2764 : vector<16xf32>
    %abs3A_2782 = math.absf %mul3A_2781 : vector<16xf32>
    %lt3A_2783 = arith.constant 1.000000e+00 : f32
    %lt3A_2784 = vector.broadcast %lt3A_2783 : f32 to vector<16xf32>
    %lt3A_2785 = arith.cmpf olt, %abs3A_2782, %lt3A_2784 : vector<16xf32>
    %mul3A_2786 = arith.constant 5.000000e-01 : f32
    %mul3A_2787 = vector.broadcast %mul3A_2786 : f32 to vector<16xf32>
    %mul3A_2788 = arith.mulf %mul3A_2787, %mul3A_2781 : vector<16xf32>
    %mul3A_2789 = arith.mulf %mul3A_2788, %mul3A_2781 : vector<16xf32>
    %sub3A_2790 = arith.constant 5.000000e-01 : f32
    %sub3A_2791 = vector.broadcast %sub3A_2790 : f32 to vector<16xf32>
    %sub3A_2792 = arith.subf %abs3A_2782, %sub3A_2791 : vector<16xf32>
    %select_n3A_2793 = arith.select %lt3A_2785, %mul3A_2789, %sub3A_2792 : vector<16xi1>, vector<16xf32>
    %add3A_2794 = arith.addf %add3A_2761, %select_n3A_2793 : vector<16xf32>
    %get3A_2795 = arith.constant 1 : i32
    %get3A_2796 = arith.index_cast %get3A_2795 : i32 to index
    %get3A_2797 = arith.constant 112 : index
    %get3A_2798 = tpu.vector_load %arg13[%get3A_2796, %get3A_2797] {strides = array<i32>} : memref<8x128xf32, #tpu.memory_space<vmem>>, vector<16xf32>,
    %add3A_2799 = arith.constant 112 : i32
    %add3A_2800 = vector.broadcast %add3A_2799 : i32 to vector<16xi32>
    %add3A_2801 = arith.addi %add3A_2800, %iota3A : vector<16xi32>
    %mul3A_2802 = arith.constant 4 : i32
    %mul3A_2803 = vector.broadcast %mul3A_2802 : i32 to vector<16xi32>
    %mul3A_2804 = arith.muli %add3A_2801, %mul3A_2803 : vector<16xi32>
    %add3A_2805 = arith.constant 1 : i32
    %add3A_2806 = vector.broadcast %add3A_2805 : i32 to vector<16xi32>
    %add3A_2807 = arith.addi %mul3A_2804, %add3A_2806 : vector<16xi32>
    %gather3A_2808 = tpu.vector_load_idx %arg14[%add3A_2807] : memref<1024xf32, #tpu.memory_space<vmem>>[vector<16xi32>], vector<16xf32>,
    %sub3A_2809 = arith.subf %get3A_2798, %gather3A_2808 : vector<16xf32>
    %mul3A_2810 = arith.mulf %sub3A_2809, %convert_element_type3A_2764 : vector<16xf32>
    %abs3A_2811 = math.absf %mul3A_2810 : vector<16xf32>
    %lt3A_2812 = arith.constant 1.000000e+00 : f32
    %lt3A_2813 = vector.broadcast %lt3A_2812 : f32 to vector<16xf32>
    %lt3A_2814 = arith.cmpf olt, %abs3A_2811, %lt3A_2813 : vector<16xf32>
    %mul3A_2815 = arith.constant 5.000000e-01 : f32
    %mul3A_2816 = vector.broadcast %mul3A_2815 : f32 to vector<16xf32>
    %mul3A_2817 = arith.mulf %mul3A_2816, %mul3A_2810 : vector<16xf32>
    %mul3A_2818 = arith.mulf %mul3A_2817, %mul3A_2810 : vector<16xf32>
    %sub3A_2819 = arith.constant 5.000000e-01 : f32
    %sub3A_2820 = vector.broadcast %sub3A_2819 : f32 to vector<16xf32>
    %sub3A_2821 = arith.subf %abs3A_2811, %sub3A_2820 : vector<16xf32>
    %select_n3A_2822 = arith.select %lt3A_2814, %mul3A_2818, %sub3A_2821 : vector<16xi1>, vector<16xf32>
    %add3A_2823 = arith.addf %add3A_2794, %select_n3A_2822 : vector<16xf32>
    %get3A_2824 = arith.constant 2 : i32
    %get3A_2825 = arith.index_cast %get3A_2824 : i32 to index
    %get3A_2826 = arith.constant 112 : index
    %get3A_2827 = tpu.vector_load %arg13[%get3A_2825, %get3A_2826] {strides = array<i32>} : memref<8x128xf32, #tpu.memory_space<vmem>>, vector<16xf32>,
    %add3A_2828 = arith.constant 112 : i32
    %add3A_2829 = vector.broadcast %add3A_2828 : i32 to vector<16xi32>
    %add3A_2830 = arith.addi %add3A_2829, %iota3A : vector<16xi32>
    %mul3A_2831 = arith.constant 4 : i32
    %mul3A_2832 = vector.broadcast %mul3A_2831 : i32 to vector<16xi32>
    %mul3A_2833 = arith.muli %add3A_2830, %mul3A_2832 : vector<16xi32>
    %add3A_2834 = arith.constant 2 : i32
    %add3A_2835 = vector.broadcast %add3A_2834 : i32 to vector<16xi32>
    %add3A_2836 = arith.addi %mul3A_2833, %add3A_2835 : vector<16xi32>
    %gather3A_2837 = tpu.vector_load_idx %arg14[%add3A_2836] : memref<1024xf32, #tpu.memory_space<vmem>>[vector<16xi32>], vector<16xf32>,
    %sub3A_2838 = arith.subf %get3A_2827, %gather3A_2837 : vector<16xf32>
    %mul3A_2839 = arith.mulf %sub3A_2838, %convert_element_type3A_2764 : vector<16xf32>
    %abs3A_2840 = math.absf %mul3A_2839 : vector<16xf32>
    %lt3A_2841 = arith.constant 1.000000e+00 : f32
    %lt3A_2842 = vector.broadcast %lt3A_2841 : f32 to vector<16xf32>
    %lt3A_2843 = arith.cmpf olt, %abs3A_2840, %lt3A_2842 : vector<16xf32>
    %mul3A_2844 = arith.constant 5.000000e-01 : f32
    %mul3A_2845 = vector.broadcast %mul3A_2844 : f32 to vector<16xf32>
    %mul3A_2846 = arith.mulf %mul3A_2845, %mul3A_2839 : vector<16xf32>
    %mul3A_2847 = arith.mulf %mul3A_2846, %mul3A_2839 : vector<16xf32>
    %sub3A_2848 = arith.constant 5.000000e-01 : f32
    %sub3A_2849 = vector.broadcast %sub3A_2848 : f32 to vector<16xf32>
    %sub3A_2850 = arith.subf %abs3A_2840, %sub3A_2849 : vector<16xf32>
    %select_n3A_2851 = arith.select %lt3A_2843, %mul3A_2847, %sub3A_2850 : vector<16xi1>, vector<16xf32>
    %add3A_2852 = arith.addf %add3A_2823, %select_n3A_2851 : vector<16xf32>
    %get3A_2853 = arith.constant 3 : i32
    %get3A_2854 = arith.index_cast %get3A_2853 : i32 to index
    %get3A_2855 = arith.constant 112 : index
    %get3A_2856 = tpu.vector_load %arg13[%get3A_2854, %get3A_2855] {strides = array<i32>} : memref<8x128xf32, #tpu.memory_space<vmem>>, vector<16xf32>,
    %add3A_2857 = arith.constant 112 : i32
    %add3A_2858 = vector.broadcast %add3A_2857 : i32 to vector<16xi32>
    %add3A_2859 = arith.addi %add3A_2858, %iota3A : vector<16xi32>
    %mul3A_2860 = arith.constant 4 : i32
    %mul3A_2861 = vector.broadcast %mul3A_2860 : i32 to vector<16xi32>
    %mul3A_2862 = arith.muli %add3A_2859, %mul3A_2861 : vector<16xi32>
    %add3A_2863 = arith.constant 3 : i32
    %add3A_2864 = vector.broadcast %add3A_2863 : i32 to vector<16xi32>
    %add3A_2865 = arith.addi %mul3A_2862, %add3A_2864 : vector<16xi32>
    %gather3A_2866 = tpu.vector_load_idx %arg14[%add3A_2865] : memref<1024xf32, #tpu.memory_space<vmem>>[vector<16xi32>], vector<16xf32>,
    %sub3A_2867 = arith.subf %get3A_2856, %gather3A_2866 : vector<16xf32>
    %mul3A_2868 = arith.mulf %sub3A_2867, %convert_element_type3A_2764 : vector<16xf32>
    %abs3A_2869 = math.absf %mul3A_2868 : vector<16xf32>
    %lt3A_2870 = arith.constant 1.000000e+00 : f32
    %lt3A_2871 = vector.broadcast %lt3A_2870 : f32 to vector<16xf32>
    %lt3A_2872 = arith.cmpf olt, %abs3A_2869, %lt3A_2871 : vector<16xf32>
    %mul3A_2873 = arith.constant 5.000000e-01 : f32
    %mul3A_2874 = vector.broadcast %mul3A_2873 : f32 to vector<16xf32>
    %mul3A_2875 = arith.mulf %mul3A_2874, %mul3A_2868 : vector<16xf32>
    %mul3A_2876 = arith.mulf %mul3A_2875, %mul3A_2868 : vector<16xf32>
    %sub3A_2877 = arith.constant 5.000000e-01 : f32
    %sub3A_2878 = vector.broadcast %sub3A_2877 : f32 to vector<16xf32>
    %sub3A_2879 = arith.subf %abs3A_2869, %sub3A_2878 : vector<16xf32>
    %select_n3A_2880 = arith.select %lt3A_2872, %mul3A_2876, %sub3A_2879 : vector<16xi1>, vector<16xf32>
    %add3A_2881 = arith.addf %add3A_2852, %select_n3A_2880 : vector<16xf32>
    %get3A_2882 = arith.constant 128 : index
    %get3A_2883 = tpu.vector_load %arg8[%get3A_2882] {strides = array<i32>} : memref<256xi32, #tpu.memory_space<vmem>>, vector<16xi32>,
    %convert_element_type3A_2884 = arith.sitofp %get3A_2883 : vector<16xi32> to vector<16xf32>
    %add3A_2885 = arith.addf %add3A_2765, %convert_element_type3A_2884 : vector<16xf32>
    %get3A_2886 = arith.constant 4 : i32
    %get3A_2887 = arith.index_cast %get3A_2886 : i32 to index
    %get3A_2888 = arith.constant 0 : index
    %get3A_2889 = tpu.vector_load %arg13[%get3A_2887, %get3A_2888] {strides = array<i32>} : memref<8x128xf32, #tpu.memory_space<vmem>>, vector<16xf32>,
    %add3A_2890 = arith.constant 128 : i32
    %add3A_2891 = vector.broadcast %add3A_2890 : i32 to vector<16xi32>
    %add3A_2892 = arith.addi %add3A_2891, %iota3A : vector<16xi32>
    %mul3A_2893 = arith.constant 4 : i32
    %mul3A_2894 = vector.broadcast %mul3A_2893 : i32 to vector<16xi32>
    %mul3A_2895 = arith.muli %add3A_2892, %mul3A_2894 : vector<16xi32>
    %add3A_2896 = arith.constant 0 : i32
    %add3A_2897 = vector.broadcast %add3A_2896 : i32 to vector<16xi32>
    %add3A_2898 = arith.addi %mul3A_2895, %add3A_2897 : vector<16xi32>
    %gather3A_2899 = tpu.vector_load_idx %arg14[%add3A_2898] : memref<1024xf32, #tpu.memory_space<vmem>>[vector<16xi32>], vector<16xf32>,
    %sub3A_2900 = arith.subf %get3A_2889, %gather3A_2899 : vector<16xf32>
    %mul3A_2901 = arith.mulf %sub3A_2900, %convert_element_type3A_2884 : vector<16xf32>
    %abs3A_2902 = math.absf %mul3A_2901 : vector<16xf32>
    %lt3A_2903 = arith.constant 1.000000e+00 : f32
    %lt3A_2904 = vector.broadcast %lt3A_2903 : f32 to vector<16xf32>
    %lt3A_2905 = arith.cmpf olt, %abs3A_2902, %lt3A_2904 : vector<16xf32>
    %mul3A_2906 = arith.constant 5.000000e-01 : f32
    %mul3A_2907 = vector.broadcast %mul3A_2906 : f32 to vector<16xf32>
    %mul3A_2908 = arith.mulf %mul3A_2907, %mul3A_2901 : vector<16xf32>
    %mul3A_2909 = arith.mulf %mul3A_2908, %mul3A_2901 : vector<16xf32>
    %sub3A_2910 = arith.constant 5.000000e-01 : f32
    %sub3A_2911 = vector.broadcast %sub3A_2910 : f32 to vector<16xf32>
    %sub3A_2912 = arith.subf %abs3A_2902, %sub3A_2911 : vector<16xf32>
    %select_n3A_2913 = arith.select %lt3A_2905, %mul3A_2909, %sub3A_2912 : vector<16xi1>, vector<16xf32>
    %add3A_2914 = arith.addf %add3A_2881, %select_n3A_2913 : vector<16xf32>
    %get3A_2915 = arith.constant 5 : i32
    %get3A_2916 = arith.index_cast %get3A_2915 : i32 to index
    %get3A_2917 = arith.constant 0 : index
    %get3A_2918 = tpu.vector_load %arg13[%get3A_2916, %get3A_2917] {strides = array<i32>} : memref<8x128xf32, #tpu.memory_space<vmem>>, vector<16xf32>,
    %add3A_2919 = arith.constant 128 : i32
    %add3A_2920 = vector.broadcast %add3A_2919 : i32 to vector<16xi32>
    %add3A_2921 = arith.addi %add3A_2920, %iota3A : vector<16xi32>
    %mul3A_2922 = arith.constant 4 : i32
    %mul3A_2923 = vector.broadcast %mul3A_2922 : i32 to vector<16xi32>
    %mul3A_2924 = arith.muli %add3A_2921, %mul3A_2923 : vector<16xi32>
    %add3A_2925 = arith.constant 1 : i32
    %add3A_2926 = vector.broadcast %add3A_2925 : i32 to vector<16xi32>
    %add3A_2927 = arith.addi %mul3A_2924, %add3A_2926 : vector<16xi32>
    %gather3A_2928 = tpu.vector_load_idx %arg14[%add3A_2927] : memref<1024xf32, #tpu.memory_space<vmem>>[vector<16xi32>], vector<16xf32>,
    %sub3A_2929 = arith.subf %get3A_2918, %gather3A_2928 : vector<16xf32>
    %mul3A_2930 = arith.mulf %sub3A_2929, %convert_element_type3A_2884 : vector<16xf32>
    %abs3A_2931 = math.absf %mul3A_2930 : vector<16xf32>
    %lt3A_2932 = arith.constant 1.000000e+00 : f32
    %lt3A_2933 = vector.broadcast %lt3A_2932 : f32 to vector<16xf32>
    %lt3A_2934 = arith.cmpf olt, %abs3A_2931, %lt3A_2933 : vector<16xf32>
    %mul3A_2935 = arith.constant 5.000000e-01 : f32
    %mul3A_2936 = vector.broadcast %mul3A_2935 : f32 to vector<16xf32>
    %mul3A_2937 = arith.mulf %mul3A_2936, %mul3A_2930 : vector<16xf32>
    %mul3A_2938 = arith.mulf %mul3A_2937, %mul3A_2930 : vector<16xf32>
    %sub3A_2939 = arith.constant 5.000000e-01 : f32
    %sub3A_2940 = vector.broadcast %sub3A_2939 : f32 to vector<16xf32>
    %sub3A_2941 = arith.subf %abs3A_2931, %sub3A_2940 : vector<16xf32>
    %select_n3A_2942 = arith.select %lt3A_2934, %mul3A_2938, %sub3A_2941 : vector<16xi1>, vector<16xf32>
    %add3A_2943 = arith.addf %add3A_2914, %select_n3A_2942 : vector<16xf32>
    %get3A_2944 = arith.constant 6 : i32
    %get3A_2945 = arith.index_cast %get3A_2944 : i32 to index
    %get3A_2946 = arith.constant 0 : index
    %get3A_2947 = tpu.vector_load %arg13[%get3A_2945, %get3A_2946] {strides = array<i32>} : memref<8x128xf32, #tpu.memory_space<vmem>>, vector<16xf32>,
    %add3A_2948 = arith.constant 128 : i32
    %add3A_2949 = vector.broadcast %add3A_2948 : i32 to vector<16xi32>
    %add3A_2950 = arith.addi %add3A_2949, %iota3A : vector<16xi32>
    %mul3A_2951 = arith.constant 4 : i32
    %mul3A_2952 = vector.broadcast %mul3A_2951 : i32 to vector<16xi32>
    %mul3A_2953 = arith.muli %add3A_2950, %mul3A_2952 : vector<16xi32>
    %add3A_2954 = arith.constant 2 : i32
    %add3A_2955 = vector.broadcast %add3A_2954 : i32 to vector<16xi32>
    %add3A_2956 = arith.addi %mul3A_2953, %add3A_2955 : vector<16xi32>
    %gather3A_2957 = tpu.vector_load_idx %arg14[%add3A_2956] : memref<1024xf32, #tpu.memory_space<vmem>>[vector<16xi32>], vector<16xf32>,
    %sub3A_2958 = arith.subf %get3A_2947, %gather3A_2957 : vector<16xf32>
    %mul3A_2959 = arith.mulf %sub3A_2958, %convert_element_type3A_2884 : vector<16xf32>
    %abs3A_2960 = math.absf %mul3A_2959 : vector<16xf32>
    %lt3A_2961 = arith.constant 1.000000e+00 : f32
    %lt3A_2962 = vector.broadcast %lt3A_2961 : f32 to vector<16xf32>
    %lt3A_2963 = arith.cmpf olt, %abs3A_2960, %lt3A_2962 : vector<16xf32>
    %mul3A_2964 = arith.constant 5.000000e-01 : f32
    %mul3A_2965 = vector.broadcast %mul3A_2964 : f32 to vector<16xf32>
    %mul3A_2966 = arith.mulf %mul3A_2965, %mul3A_2959 : vector<16xf32>
    %mul3A_2967 = arith.mulf %mul3A_2966, %mul3A_2959 : vector<16xf32>
    %sub3A_2968 = arith.constant 5.000000e-01 : f32
    %sub3A_2969 = vector.broadcast %sub3A_2968 : f32 to vector<16xf32>
    %sub3A_2970 = arith.subf %abs3A_2960, %sub3A_2969 : vector<16xf32>
    %select_n3A_2971 = arith.select %lt3A_2963, %mul3A_2967, %sub3A_2970 : vector<16xi1>, vector<16xf32>
    %add3A_2972 = arith.addf %add3A_2943, %select_n3A_2971 : vector<16xf32>
    %get3A_2973 = arith.constant 7 : i32
    %get3A_2974 = arith.index_cast %get3A_2973 : i32 to index
    %get3A_2975 = arith.constant 0 : index
    %get3A_2976 = tpu.vector_load %arg13[%get3A_2974, %get3A_2975] {strides = array<i32>} : memref<8x128xf32, #tpu.memory_space<vmem>>, vector<16xf32>,
    %add3A_2977 = arith.constant 128 : i32
    %add3A_2978 = vector.broadcast %add3A_2977 : i32 to vector<16xi32>
    %add3A_2979 = arith.addi %add3A_2978, %iota3A : vector<16xi32>
    %mul3A_2980 = arith.constant 4 : i32
    %mul3A_2981 = vector.broadcast %mul3A_2980 : i32 to vector<16xi32>
    %mul3A_2982 = arith.muli %add3A_2979, %mul3A_2981 : vector<16xi32>
    %add3A_2983 = arith.constant 3 : i32
    %add3A_2984 = vector.broadcast %add3A_2983 : i32 to vector<16xi32>
    %add3A_2985 = arith.addi %mul3A_2982, %add3A_2984 : vector<16xi32>
    %gather3A_2986 = tpu.vector_load_idx %arg14[%add3A_2985] : memref<1024xf32, #tpu.memory_space<vmem>>[vector<16xi32>], vector<16xf32>,
    %sub3A_2987 = arith.subf %get3A_2976, %gather3A_2986 : vector<16xf32>
    %mul3A_2988 = arith.mulf %sub3A_2987, %convert_element_type3A_2884 : vector<16xf32>
    %abs3A_2989 = math.absf %mul3A_2988 : vector<16xf32>
    %lt3A_2990 = arith.constant 1.000000e+00 : f32
    %lt3A_2991 = vector.broadcast %lt3A_2990 : f32 to vector<16xf32>
    %lt3A_2992 = arith.cmpf olt, %abs3A_2989, %lt3A_2991 : vector<16xf32>
    %mul3A_2993 = arith.constant 5.000000e-01 : f32
    %mul3A_2994 = vector.broadcast %mul3A_2993 : f32 to vector<16xf32>
    %mul3A_2995 = arith.mulf %mul3A_2994, %mul3A_2988 : vector<16xf32>
    %mul3A_2996 = arith.mulf %mul3A_2995, %mul3A_2988 : vector<16xf32>
    %sub3A_2997 = arith.constant 5.000000e-01 : f32
    %sub3A_2998 = vector.broadcast %sub3A_2997 : f32 to vector<16xf32>
    %sub3A_2999 = arith.subf %abs3A_2989, %sub3A_2998 : vector<16xf32>
    %select_n3A_3000 = arith.select %lt3A_2992, %mul3A_2996, %sub3A_2999 : vector<16xi1>, vector<16xf32>
    %add3A_3001 = arith.addf %add3A_2972, %select_n3A_3000 : vector<16xf32>
    %get3A_3002 = arith.constant 144 : index
    %get3A_3003 = tpu.vector_load %arg8[%get3A_3002] {strides = array<i32>} : memref<256xi32, #tpu.memory_space<vmem>>, vector<16xi32>,
    %convert_element_type3A_3004 = arith.sitofp %get3A_3003 : vector<16xi32> to vector<16xf32>
    %add3A_3005 = arith.addf %add3A_2885, %convert_element_type3A_3004 : vector<16xf32>
    %get3A_3006 = arith.constant 4 : i32
    %get3A_3007 = arith.index_cast %get3A_3006 : i32 to index
    %get3A_3008 = arith.constant 16 : index
    %get3A_3009 = tpu.vector_load %arg13[%get3A_3007, %get3A_3008] {strides = array<i32>} : memref<8x128xf32, #tpu.memory_space<vmem>>, vector<16xf32>,
    %add3A_3010 = arith.constant 144 : i32
    %add3A_3011 = vector.broadcast %add3A_3010 : i32 to vector<16xi32>
    %add3A_3012 = arith.addi %add3A_3011, %iota3A : vector<16xi32>
    %mul3A_3013 = arith.constant 4 : i32
    %mul3A_3014 = vector.broadcast %mul3A_3013 : i32 to vector<16xi32>
    %mul3A_3015 = arith.muli %add3A_3012, %mul3A_3014 : vector<16xi32>
    %add3A_3016 = arith.constant 0 : i32
    %add3A_3017 = vector.broadcast %add3A_3016 : i32 to vector<16xi32>
    %add3A_3018 = arith.addi %mul3A_3015, %add3A_3017 : vector<16xi32>
    %gather3A_3019 = tpu.vector_load_idx %arg14[%add3A_3018] : memref<1024xf32, #tpu.memory_space<vmem>>[vector<16xi32>], vector<16xf32>,
    %sub3A_3020 = arith.subf %get3A_3009, %gather3A_3019 : vector<16xf32>
    %mul3A_3021 = arith.mulf %sub3A_3020, %convert_element_type3A_3004 : vector<16xf32>
    %abs3A_3022 = math.absf %mul3A_3021 : vector<16xf32>
    %lt3A_3023 = arith.constant 1.000000e+00 : f32
    %lt3A_3024 = vector.broadcast %lt3A_3023 : f32 to vector<16xf32>
    %lt3A_3025 = arith.cmpf olt, %abs3A_3022, %lt3A_3024 : vector<16xf32>
    %mul3A_3026 = arith.constant 5.000000e-01 : f32
    %mul3A_3027 = vector.broadcast %mul3A_3026 : f32 to vector<16xf32>
    %mul3A_3028 = arith.mulf %mul3A_3027, %mul3A_3021 : vector<16xf32>
    %mul3A_3029 = arith.mulf %mul3A_3028, %mul3A_3021 : vector<16xf32>
    %sub3A_3030 = arith.constant 5.000000e-01 : f32
    %sub3A_3031 = vector.broadcast %sub3A_3030 : f32 to vector<16xf32>
    %sub3A_3032 = arith.subf %abs3A_3022, %sub3A_3031 : vector<16xf32>
    %select_n3A_3033 = arith.select %lt3A_3025, %mul3A_3029, %sub3A_3032 : vector<16xi1>, vector<16xf32>
    %add3A_3034 = arith.addf %add3A_3001, %select_n3A_3033 : vector<16xf32>
    %get3A_3035 = arith.constant 5 : i32
    %get3A_3036 = arith.index_cast %get3A_3035 : i32 to index
    %get3A_3037 = arith.constant 16 : index
    %get3A_3038 = tpu.vector_load %arg13[%get3A_3036, %get3A_3037] {strides = array<i32>} : memref<8x128xf32, #tpu.memory_space<vmem>>, vector<16xf32>,
    %add3A_3039 = arith.constant 144 : i32
    %add3A_3040 = vector.broadcast %add3A_3039 : i32 to vector<16xi32>
    %add3A_3041 = arith.addi %add3A_3040, %iota3A : vector<16xi32>
    %mul3A_3042 = arith.constant 4 : i32
    %mul3A_3043 = vector.broadcast %mul3A_3042 : i32 to vector<16xi32>
    %mul3A_3044 = arith.muli %add3A_3041, %mul3A_3043 : vector<16xi32>
    %add3A_3045 = arith.constant 1 : i32
    %add3A_3046 = vector.broadcast %add3A_3045 : i32 to vector<16xi32>
    %add3A_3047 = arith.addi %mul3A_3044, %add3A_3046 : vector<16xi32>
    %gather3A_3048 = tpu.vector_load_idx %arg14[%add3A_3047] : memref<1024xf32, #tpu.memory_space<vmem>>[vector<16xi32>], vector<16xf32>,
    %sub3A_3049 = arith.subf %get3A_3038, %gather3A_3048 : vector<16xf32>
    %mul3A_3050 = arith.mulf %sub3A_3049, %convert_element_type3A_3004 : vector<16xf32>
    %abs3A_3051 = math.absf %mul3A_3050 : vector<16xf32>
    %lt3A_3052 = arith.constant 1.000000e+00 : f32
    %lt3A_3053 = vector.broadcast %lt3A_3052 : f32 to vector<16xf32>
    %lt3A_3054 = arith.cmpf olt, %abs3A_3051, %lt3A_3053 : vector<16xf32>
    %mul3A_3055 = arith.constant 5.000000e-01 : f32
    %mul3A_3056 = vector.broadcast %mul3A_3055 : f32 to vector<16xf32>
    %mul3A_3057 = arith.mulf %mul3A_3056, %mul3A_3050 : vector<16xf32>
    %mul3A_3058 = arith.mulf %mul3A_3057, %mul3A_3050 : vector<16xf32>
    %sub3A_3059 = arith.constant 5.000000e-01 : f32
    %sub3A_3060 = vector.broadcast %sub3A_3059 : f32 to vector<16xf32>
    %sub3A_3061 = arith.subf %abs3A_3051, %sub3A_3060 : vector<16xf32>
    %select_n3A_3062 = arith.select %lt3A_3054, %mul3A_3058, %sub3A_3061 : vector<16xi1>, vector<16xf32>
    %add3A_3063 = arith.addf %add3A_3034, %select_n3A_3062 : vector<16xf32>
    %get3A_3064 = arith.constant 6 : i32
    %get3A_3065 = arith.index_cast %get3A_3064 : i32 to index
    %get3A_3066 = arith.constant 16 : index
    %get3A_3067 = tpu.vector_load %arg13[%get3A_3065, %get3A_3066] {strides = array<i32>} : memref<8x128xf32, #tpu.memory_space<vmem>>, vector<16xf32>,
    %add3A_3068 = arith.constant 144 : i32
    %add3A_3069 = vector.broadcast %add3A_3068 : i32 to vector<16xi32>
    %add3A_3070 = arith.addi %add3A_3069, %iota3A : vector<16xi32>
    %mul3A_3071 = arith.constant 4 : i32
    %mul3A_3072 = vector.broadcast %mul3A_3071 : i32 to vector<16xi32>
    %mul3A_3073 = arith.muli %add3A_3070, %mul3A_3072 : vector<16xi32>
    %add3A_3074 = arith.constant 2 : i32
    %add3A_3075 = vector.broadcast %add3A_3074 : i32 to vector<16xi32>
    %add3A_3076 = arith.addi %mul3A_3073, %add3A_3075 : vector<16xi32>
    %gather3A_3077 = tpu.vector_load_idx %arg14[%add3A_3076] : memref<1024xf32, #tpu.memory_space<vmem>>[vector<16xi32>], vector<16xf32>,
    %sub3A_3078 = arith.subf %get3A_3067, %gather3A_3077 : vector<16xf32>
    %mul3A_3079 = arith.mulf %sub3A_3078, %convert_element_type3A_3004 : vector<16xf32>
    %abs3A_3080 = math.absf %mul3A_3079 : vector<16xf32>
    %lt3A_3081 = arith.constant 1.000000e+00 : f32
    %lt3A_3082 = vector.broadcast %lt3A_3081 : f32 to vector<16xf32>
    %lt3A_3083 = arith.cmpf olt, %abs3A_3080, %lt3A_3082 : vector<16xf32>
    %mul3A_3084 = arith.constant 5.000000e-01 : f32
    %mul3A_3085 = vector.broadcast %mul3A_3084 : f32 to vector<16xf32>
    %mul3A_3086 = arith.mulf %mul3A_3085, %mul3A_3079 : vector<16xf32>
    %mul3A_3087 = arith.mulf %mul3A_3086, %mul3A_3079 : vector<16xf32>
    %sub3A_3088 = arith.constant 5.000000e-01 : f32
    %sub3A_3089 = vector.broadcast %sub3A_3088 : f32 to vector<16xf32>
    %sub3A_3090 = arith.subf %abs3A_3080, %sub3A_3089 : vector<16xf32>
    %select_n3A_3091 = arith.select %lt3A_3083, %mul3A_3087, %sub3A_3090 : vector<16xi1>, vector<16xf32>
    %add3A_3092 = arith.addf %add3A_3063, %select_n3A_3091 : vector<16xf32>
    %get3A_3093 = arith.constant 7 : i32
    %get3A_3094 = arith.index_cast %get3A_3093 : i32 to index
    %get3A_3095 = arith.constant 16 : index
    %get3A_3096 = tpu.vector_load %arg13[%get3A_3094, %get3A_3095] {strides = array<i32>} : memref<8x128xf32, #tpu.memory_space<vmem>>, vector<16xf32>,
    %add3A_3097 = arith.constant 144 : i32
    %add3A_3098 = vector.broadcast %add3A_3097 : i32 to vector<16xi32>
    %add3A_3099 = arith.addi %add3A_3098, %iota3A : vector<16xi32>
    %mul3A_3100 = arith.constant 4 : i32
    %mul3A_3101 = vector.broadcast %mul3A_3100 : i32 to vector<16xi32>
    %mul3A_3102 = arith.muli %add3A_3099, %mul3A_3101 : vector<16xi32>
    %add3A_3103 = arith.constant 3 : i32
    %add3A_3104 = vector.broadcast %add3A_3103 : i32 to vector<16xi32>
    %add3A_3105 = arith.addi %mul3A_3102, %add3A_3104 : vector<16xi32>
    %gather3A_3106 = tpu.vector_load_idx %arg14[%add3A_3105] : memref<1024xf32, #tpu.memory_space<vmem>>[vector<16xi32>], vector<16xf32>,
    %sub3A_3107 = arith.subf %get3A_3096, %gather3A_3106 : vector<16xf32>
    %mul3A_3108 = arith.mulf %sub3A_3107, %convert_element_type3A_3004 : vector<16xf32>
    %abs3A_3109 = math.absf %mul3A_3108 : vector<16xf32>
    %lt3A_3110 = arith.constant 1.000000e+00 : f32
    %lt3A_3111 = vector.broadcast %lt3A_3110 : f32 to vector<16xf32>
    %lt3A_3112 = arith.cmpf olt, %abs3A_3109, %lt3A_3111 : vector<16xf32>
    %mul3A_3113 = arith.constant 5.000000e-01 : f32
    %mul3A_3114 = vector.broadcast %mul3A_3113 : f32 to vector<16xf32>
    %mul3A_3115 = arith.mulf %mul3A_3114, %mul3A_3108 : vector<16xf32>
    %mul3A_3116 = arith.mulf %mul3A_3115, %mul3A_3108 : vector<16xf32>
    %sub3A_3117 = arith.constant 5.000000e-01 : f32
    %sub3A_3118 = vector.broadcast %sub3A_3117 : f32 to vector<16xf32>
    %sub3A_3119 = arith.subf %abs3A_3109, %sub3A_3118 : vector<16xf32>
    %select_n3A_3120 = arith.select %lt3A_3112, %mul3A_3116, %sub3A_3119 : vector<16xi1>, vector<16xf32>
    %add3A_3121 = arith.addf %add3A_3092, %select_n3A_3120 : vector<16xf32>
    %get3A_3122 = arith.constant 160 : index
    %get3A_3123 = tpu.vector_load %arg8[%get3A_3122] {strides = array<i32>} : memref<256xi32, #tpu.memory_space<vmem>>, vector<16xi32>,
    %convert_element_type3A_3124 = arith.sitofp %get3A_3123 : vector<16xi32> to vector<16xf32>
    %add3A_3125 = arith.addf %add3A_3005, %convert_element_type3A_3124 : vector<16xf32>
    %get3A_3126 = arith.constant 4 : i32
    %get3A_3127 = arith.index_cast %get3A_3126 : i32 to index
    %get3A_3128 = arith.constant 32 : index
    %get3A_3129 = tpu.vector_load %arg13[%get3A_3127, %get3A_3128] {strides = array<i32>} : memref<8x128xf32, #tpu.memory_space<vmem>>, vector<16xf32>,
    %add3A_3130 = arith.constant 160 : i32
    %add3A_3131 = vector.broadcast %add3A_3130 : i32 to vector<16xi32>
    %add3A_3132 = arith.addi %add3A_3131, %iota3A : vector<16xi32>
    %mul3A_3133 = arith.constant 4 : i32
    %mul3A_3134 = vector.broadcast %mul3A_3133 : i32 to vector<16xi32>
    %mul3A_3135 = arith.muli %add3A_3132, %mul3A_3134 : vector<16xi32>
    %add3A_3136 = arith.constant 0 : i32
    %add3A_3137 = vector.broadcast %add3A_3136 : i32 to vector<16xi32>
    %add3A_3138 = arith.addi %mul3A_3135, %add3A_3137 : vector<16xi32>
    %gather3A_3139 = tpu.vector_load_idx %arg14[%add3A_3138] : memref<1024xf32, #tpu.memory_space<vmem>>[vector<16xi32>], vector<16xf32>,
    %sub3A_3140 = arith.subf %get3A_3129, %gather3A_3139 : vector<16xf32>
    %mul3A_3141 = arith.mulf %sub3A_3140, %convert_element_type3A_3124 : vector<16xf32>
    %abs3A_3142 = math.absf %mul3A_3141 : vector<16xf32>
    %lt3A_3143 = arith.constant 1.000000e+00 : f32
    %lt3A_3144 = vector.broadcast %lt3A_3143 : f32 to vector<16xf32>
    %lt3A_3145 = arith.cmpf olt, %abs3A_3142, %lt3A_3144 : vector<16xf32>
    %mul3A_3146 = arith.constant 5.000000e-01 : f32
    %mul3A_3147 = vector.broadcast %mul3A_3146 : f32 to vector<16xf32>
    %mul3A_3148 = arith.mulf %mul3A_3147, %mul3A_3141 : vector<16xf32>
    %mul3A_3149 = arith.mulf %mul3A_3148, %mul3A_3141 : vector<16xf32>
    %sub3A_3150 = arith.constant 5.000000e-01 : f32
    %sub3A_3151 = vector.broadcast %sub3A_3150 : f32 to vector<16xf32>
    %sub3A_3152 = arith.subf %abs3A_3142, %sub3A_3151 : vector<16xf32>
    %select_n3A_3153 = arith.select %lt3A_3145, %mul3A_3149, %sub3A_3152 : vector<16xi1>, vector<16xf32>
    %add3A_3154 = arith.addf %add3A_3121, %select_n3A_3153 : vector<16xf32>
    %get3A_3155 = arith.constant 5 : i32
    %get3A_3156 = arith.index_cast %get3A_3155 : i32 to index
    %get3A_3157 = arith.constant 32 : index
    %get3A_3158 = tpu.vector_load %arg13[%get3A_3156, %get3A_3157] {strides = array<i32>} : memref<8x128xf32, #tpu.memory_space<vmem>>, vector<16xf32>,
    %add3A_3159 = arith.constant 160 : i32
    %add3A_3160 = vector.broadcast %add3A_3159 : i32 to vector<16xi32>
    %add3A_3161 = arith.addi %add3A_3160, %iota3A : vector<16xi32>
    %mul3A_3162 = arith.constant 4 : i32
    %mul3A_3163 = vector.broadcast %mul3A_3162 : i32 to vector<16xi32>
    %mul3A_3164 = arith.muli %add3A_3161, %mul3A_3163 : vector<16xi32>
    %add3A_3165 = arith.constant 1 : i32
    %add3A_3166 = vector.broadcast %add3A_3165 : i32 to vector<16xi32>
    %add3A_3167 = arith.addi %mul3A_3164, %add3A_3166 : vector<16xi32>
    %gather3A_3168 = tpu.vector_load_idx %arg14[%add3A_3167] : memref<1024xf32, #tpu.memory_space<vmem>>[vector<16xi32>], vector<16xf32>,
    %sub3A_3169 = arith.subf %get3A_3158, %gather3A_3168 : vector<16xf32>
    %mul3A_3170 = arith.mulf %sub3A_3169, %convert_element_type3A_3124 : vector<16xf32>
    %abs3A_3171 = math.absf %mul3A_3170 : vector<16xf32>
    %lt3A_3172 = arith.constant 1.000000e+00 : f32
    %lt3A_3173 = vector.broadcast %lt3A_3172 : f32 to vector<16xf32>
    %lt3A_3174 = arith.cmpf olt, %abs3A_3171, %lt3A_3173 : vector<16xf32>
    %mul3A_3175 = arith.constant 5.000000e-01 : f32
    %mul3A_3176 = vector.broadcast %mul3A_3175 : f32 to vector<16xf32>
    %mul3A_3177 = arith.mulf %mul3A_3176, %mul3A_3170 : vector<16xf32>
    %mul3A_3178 = arith.mulf %mul3A_3177, %mul3A_3170 : vector<16xf32>
    %sub3A_3179 = arith.constant 5.000000e-01 : f32
    %sub3A_3180 = vector.broadcast %sub3A_3179 : f32 to vector<16xf32>
    %sub3A_3181 = arith.subf %abs3A_3171, %sub3A_3180 : vector<16xf32>
    %select_n3A_3182 = arith.select %lt3A_3174, %mul3A_3178, %sub3A_3181 : vector<16xi1>, vector<16xf32>
    %add3A_3183 = arith.addf %add3A_3154, %select_n3A_3182 : vector<16xf32>
    %get3A_3184 = arith.constant 6 : i32
    %get3A_3185 = arith.index_cast %get3A_3184 : i32 to index
    %get3A_3186 = arith.constant 32 : index
    %get3A_3187 = tpu.vector_load %arg13[%get3A_3185, %get3A_3186] {strides = array<i32>} : memref<8x128xf32, #tpu.memory_space<vmem>>, vector<16xf32>,
    %add3A_3188 = arith.constant 160 : i32
    %add3A_3189 = vector.broadcast %add3A_3188 : i32 to vector<16xi32>
    %add3A_3190 = arith.addi %add3A_3189, %iota3A : vector<16xi32>
    %mul3A_3191 = arith.constant 4 : i32
    %mul3A_3192 = vector.broadcast %mul3A_3191 : i32 to vector<16xi32>
    %mul3A_3193 = arith.muli %add3A_3190, %mul3A_3192 : vector<16xi32>
    %add3A_3194 = arith.constant 2 : i32
    %add3A_3195 = vector.broadcast %add3A_3194 : i32 to vector<16xi32>
    %add3A_3196 = arith.addi %mul3A_3193, %add3A_3195 : vector<16xi32>
    %gather3A_3197 = tpu.vector_load_idx %arg14[%add3A_3196] : memref<1024xf32, #tpu.memory_space<vmem>>[vector<16xi32>], vector<16xf32>,
    %sub3A_3198 = arith.subf %get3A_3187, %gather3A_3197 : vector<16xf32>
    %mul3A_3199 = arith.mulf %sub3A_3198, %convert_element_type3A_3124 : vector<16xf32>
    %abs3A_3200 = math.absf %mul3A_3199 : vector<16xf32>
    %lt3A_3201 = arith.constant 1.000000e+00 : f32
    %lt3A_3202 = vector.broadcast %lt3A_3201 : f32 to vector<16xf32>
    %lt3A_3203 = arith.cmpf olt, %abs3A_3200, %lt3A_3202 : vector<16xf32>
    %mul3A_3204 = arith.constant 5.000000e-01 : f32
    %mul3A_3205 = vector.broadcast %mul3A_3204 : f32 to vector<16xf32>
    %mul3A_3206 = arith.mulf %mul3A_3205, %mul3A_3199 : vector<16xf32>
    %mul3A_3207 = arith.mulf %mul3A_3206, %mul3A_3199 : vector<16xf32>
    %sub3A_3208 = arith.constant 5.000000e-01 : f32
    %sub3A_3209 = vector.broadcast %sub3A_3208 : f32 to vector<16xf32>
    %sub3A_3210 = arith.subf %abs3A_3200, %sub3A_3209 : vector<16xf32>
    %select_n3A_3211 = arith.select %lt3A_3203, %mul3A_3207, %sub3A_3210 : vector<16xi1>, vector<16xf32>
    %add3A_3212 = arith.addf %add3A_3183, %select_n3A_3211 : vector<16xf32>
    %get3A_3213 = arith.constant 7 : i32
    %get3A_3214 = arith.index_cast %get3A_3213 : i32 to index
    %get3A_3215 = arith.constant 32 : index
    %get3A_3216 = tpu.vector_load %arg13[%get3A_3214, %get3A_3215] {strides = array<i32>} : memref<8x128xf32, #tpu.memory_space<vmem>>, vector<16xf32>,
    %add3A_3217 = arith.constant 160 : i32
    %add3A_3218 = vector.broadcast %add3A_3217 : i32 to vector<16xi32>
    %add3A_3219 = arith.addi %add3A_3218, %iota3A : vector<16xi32>
    %mul3A_3220 = arith.constant 4 : i32
    %mul3A_3221 = vector.broadcast %mul3A_3220 : i32 to vector<16xi32>
    %mul3A_3222 = arith.muli %add3A_3219, %mul3A_3221 : vector<16xi32>
    %add3A_3223 = arith.constant 3 : i32
    %add3A_3224 = vector.broadcast %add3A_3223 : i32 to vector<16xi32>
    %add3A_3225 = arith.addi %mul3A_3222, %add3A_3224 : vector<16xi32>
    %gather3A_3226 = tpu.vector_load_idx %arg14[%add3A_3225] : memref<1024xf32, #tpu.memory_space<vmem>>[vector<16xi32>], vector<16xf32>,
    %sub3A_3227 = arith.subf %get3A_3216, %gather3A_3226 : vector<16xf32>
    %mul3A_3228 = arith.mulf %sub3A_3227, %convert_element_type3A_3124 : vector<16xf32>
    %abs3A_3229 = math.absf %mul3A_3228 : vector<16xf32>
    %lt3A_3230 = arith.constant 1.000000e+00 : f32
    %lt3A_3231 = vector.broadcast %lt3A_3230 : f32 to vector<16xf32>
    %lt3A_3232 = arith.cmpf olt, %abs3A_3229, %lt3A_3231 : vector<16xf32>
    %mul3A_3233 = arith.constant 5.000000e-01 : f32
    %mul3A_3234 = vector.broadcast %mul3A_3233 : f32 to vector<16xf32>
    %mul3A_3235 = arith.mulf %mul3A_3234, %mul3A_3228 : vector<16xf32>
    %mul3A_3236 = arith.mulf %mul3A_3235, %mul3A_3228 : vector<16xf32>
    %sub3A_3237 = arith.constant 5.000000e-01 : f32
    %sub3A_3238 = vector.broadcast %sub3A_3237 : f32 to vector<16xf32>
    %sub3A_3239 = arith.subf %abs3A_3229, %sub3A_3238 : vector<16xf32>
    %select_n3A_3240 = arith.select %lt3A_3232, %mul3A_3236, %sub3A_3239 : vector<16xi1>, vector<16xf32>
    %add3A_3241 = arith.addf %add3A_3212, %select_n3A_3240 : vector<16xf32>
    %get3A_3242 = arith.constant 176 : index
    %get3A_3243 = tpu.vector_load %arg8[%get3A_3242] {strides = array<i32>} : memref<256xi32, #tpu.memory_space<vmem>>, vector<16xi32>,
    %convert_element_type3A_3244 = arith.sitofp %get3A_3243 : vector<16xi32> to vector<16xf32>
    %add3A_3245 = arith.addf %add3A_3125, %convert_element_type3A_3244 : vector<16xf32>
    %get3A_3246 = arith.constant 4 : i32
    %get3A_3247 = arith.index_cast %get3A_3246 : i32 to index
    %get3A_3248 = arith.constant 48 : index
    %get3A_3249 = tpu.vector_load %arg13[%get3A_3247, %get3A_3248] {strides = array<i32>} : memref<8x128xf32, #tpu.memory_space<vmem>>, vector<16xf32>,
    %add3A_3250 = arith.constant 176 : i32
    %add3A_3251 = vector.broadcast %add3A_3250 : i32 to vector<16xi32>
    %add3A_3252 = arith.addi %add3A_3251, %iota3A : vector<16xi32>
    %mul3A_3253 = arith.constant 4 : i32
    %mul3A_3254 = vector.broadcast %mul3A_3253 : i32 to vector<16xi32>
    %mul3A_3255 = arith.muli %add3A_3252, %mul3A_3254 : vector<16xi32>
    %add3A_3256 = arith.constant 0 : i32
    %add3A_3257 = vector.broadcast %add3A_3256 : i32 to vector<16xi32>
    %add3A_3258 = arith.addi %mul3A_3255, %add3A_3257 : vector<16xi32>
    %gather3A_3259 = tpu.vector_load_idx %arg14[%add3A_3258] : memref<1024xf32, #tpu.memory_space<vmem>>[vector<16xi32>], vector<16xf32>,
    %sub3A_3260 = arith.subf %get3A_3249, %gather3A_3259 : vector<16xf32>
    %mul3A_3261 = arith.mulf %sub3A_3260, %convert_element_type3A_3244 : vector<16xf32>
    %abs3A_3262 = math.absf %mul3A_3261 : vector<16xf32>
    %lt3A_3263 = arith.constant 1.000000e+00 : f32
    %lt3A_3264 = vector.broadcast %lt3A_3263 : f32 to vector<16xf32>
    %lt3A_3265 = arith.cmpf olt, %abs3A_3262, %lt3A_3264 : vector<16xf32>
    %mul3A_3266 = arith.constant 5.000000e-01 : f32
    %mul3A_3267 = vector.broadcast %mul3A_3266 : f32 to vector<16xf32>
    %mul3A_3268 = arith.mulf %mul3A_3267, %mul3A_3261 : vector<16xf32>
    %mul3A_3269 = arith.mulf %mul3A_3268, %mul3A_3261 : vector<16xf32>
    %sub3A_3270 = arith.constant 5.000000e-01 : f32
    %sub3A_3271 = vector.broadcast %sub3A_3270 : f32 to vector<16xf32>
    %sub3A_3272 = arith.subf %abs3A_3262, %sub3A_3271 : vector<16xf32>
    %select_n3A_3273 = arith.select %lt3A_3265, %mul3A_3269, %sub3A_3272 : vector<16xi1>, vector<16xf32>
    %add3A_3274 = arith.addf %add3A_3241, %select_n3A_3273 : vector<16xf32>
    %get3A_3275 = arith.constant 5 : i32
    %get3A_3276 = arith.index_cast %get3A_3275 : i32 to index
    %get3A_3277 = arith.constant 48 : index
    %get3A_3278 = tpu.vector_load %arg13[%get3A_3276, %get3A_3277] {strides = array<i32>} : memref<8x128xf32, #tpu.memory_space<vmem>>, vector<16xf32>,
    %add3A_3279 = arith.constant 176 : i32
    %add3A_3280 = vector.broadcast %add3A_3279 : i32 to vector<16xi32>
    %add3A_3281 = arith.addi %add3A_3280, %iota3A : vector<16xi32>
    %mul3A_3282 = arith.constant 4 : i32
    %mul3A_3283 = vector.broadcast %mul3A_3282 : i32 to vector<16xi32>
    %mul3A_3284 = arith.muli %add3A_3281, %mul3A_3283 : vector<16xi32>
    %add3A_3285 = arith.constant 1 : i32
    %add3A_3286 = vector.broadcast %add3A_3285 : i32 to vector<16xi32>
    %add3A_3287 = arith.addi %mul3A_3284, %add3A_3286 : vector<16xi32>
    %gather3A_3288 = tpu.vector_load_idx %arg14[%add3A_3287] : memref<1024xf32, #tpu.memory_space<vmem>>[vector<16xi32>], vector<16xf32>,
    %sub3A_3289 = arith.subf %get3A_3278, %gather3A_3288 : vector<16xf32>
    %mul3A_3290 = arith.mulf %sub3A_3289, %convert_element_type3A_3244 : vector<16xf32>
    %abs3A_3291 = math.absf %mul3A_3290 : vector<16xf32>
    %lt3A_3292 = arith.constant 1.000000e+00 : f32
    %lt3A_3293 = vector.broadcast %lt3A_3292 : f32 to vector<16xf32>
    %lt3A_3294 = arith.cmpf olt, %abs3A_3291, %lt3A_3293 : vector<16xf32>
    %mul3A_3295 = arith.constant 5.000000e-01 : f32
    %mul3A_3296 = vector.broadcast %mul3A_3295 : f32 to vector<16xf32>
    %mul3A_3297 = arith.mulf %mul3A_3296, %mul3A_3290 : vector<16xf32>
    %mul3A_3298 = arith.mulf %mul3A_3297, %mul3A_3290 : vector<16xf32>
    %sub3A_3299 = arith.constant 5.000000e-01 : f32
    %sub3A_3300 = vector.broadcast %sub3A_3299 : f32 to vector<16xf32>
    %sub3A_3301 = arith.subf %abs3A_3291, %sub3A_3300 : vector<16xf32>
    %select_n3A_3302 = arith.select %lt3A_3294, %mul3A_3298, %sub3A_3301 : vector<16xi1>, vector<16xf32>
    %add3A_3303 = arith.addf %add3A_3274, %select_n3A_3302 : vector<16xf32>
    %get3A_3304 = arith.constant 6 : i32
    %get3A_3305 = arith.index_cast %get3A_3304 : i32 to index
    %get3A_3306 = arith.constant 48 : index
    %get3A_3307 = tpu.vector_load %arg13[%get3A_3305, %get3A_3306] {strides = array<i32>} : memref<8x128xf32, #tpu.memory_space<vmem>>, vector<16xf32>,
    %add3A_3308 = arith.constant 176 : i32
    %add3A_3309 = vector.broadcast %add3A_3308 : i32 to vector<16xi32>
    %add3A_3310 = arith.addi %add3A_3309, %iota3A : vector<16xi32>
    %mul3A_3311 = arith.constant 4 : i32
    %mul3A_3312 = vector.broadcast %mul3A_3311 : i32 to vector<16xi32>
    %mul3A_3313 = arith.muli %add3A_3310, %mul3A_3312 : vector<16xi32>
    %add3A_3314 = arith.constant 2 : i32
    %add3A_3315 = vector.broadcast %add3A_3314 : i32 to vector<16xi32>
    %add3A_3316 = arith.addi %mul3A_3313, %add3A_3315 : vector<16xi32>
    %gather3A_3317 = tpu.vector_load_idx %arg14[%add3A_3316] : memref<1024xf32, #tpu.memory_space<vmem>>[vector<16xi32>], vector<16xf32>,
    %sub3A_3318 = arith.subf %get3A_3307, %gather3A_3317 : vector<16xf32>
    %mul3A_3319 = arith.mulf %sub3A_3318, %convert_element_type3A_3244 : vector<16xf32>
    %abs3A_3320 = math.absf %mul3A_3319 : vector<16xf32>
    %lt3A_3321 = arith.constant 1.000000e+00 : f32
    %lt3A_3322 = vector.broadcast %lt3A_3321 : f32 to vector<16xf32>
    %lt3A_3323 = arith.cmpf olt, %abs3A_3320, %lt3A_3322 : vector<16xf32>
    %mul3A_3324 = arith.constant 5.000000e-01 : f32
    %mul3A_3325 = vector.broadcast %mul3A_3324 : f32 to vector<16xf32>
    %mul3A_3326 = arith.mulf %mul3A_3325, %mul3A_3319 : vector<16xf32>
    %mul3A_3327 = arith.mulf %mul3A_3326, %mul3A_3319 : vector<16xf32>
    %sub3A_3328 = arith.constant 5.000000e-01 : f32
    %sub3A_3329 = vector.broadcast %sub3A_3328 : f32 to vector<16xf32>
    %sub3A_3330 = arith.subf %abs3A_3320, %sub3A_3329 : vector<16xf32>
    %select_n3A_3331 = arith.select %lt3A_3323, %mul3A_3327, %sub3A_3330 : vector<16xi1>, vector<16xf32>
    %add3A_3332 = arith.addf %add3A_3303, %select_n3A_3331 : vector<16xf32>
    %get3A_3333 = arith.constant 7 : i32
    %get3A_3334 = arith.index_cast %get3A_3333 : i32 to index
    %get3A_3335 = arith.constant 48 : index
    %get3A_3336 = tpu.vector_load %arg13[%get3A_3334, %get3A_3335] {strides = array<i32>} : memref<8x128xf32, #tpu.memory_space<vmem>>, vector<16xf32>,
    %add3A_3337 = arith.constant 176 : i32
    %add3A_3338 = vector.broadcast %add3A_3337 : i32 to vector<16xi32>
    %add3A_3339 = arith.addi %add3A_3338, %iota3A : vector<16xi32>
    %mul3A_3340 = arith.constant 4 : i32
    %mul3A_3341 = vector.broadcast %mul3A_3340 : i32 to vector<16xi32>
    %mul3A_3342 = arith.muli %add3A_3339, %mul3A_3341 : vector<16xi32>
    %add3A_3343 = arith.constant 3 : i32
    %add3A_3344 = vector.broadcast %add3A_3343 : i32 to vector<16xi32>
    %add3A_3345 = arith.addi %mul3A_3342, %add3A_3344 : vector<16xi32>
    %gather3A_3346 = tpu.vector_load_idx %arg14[%add3A_3345] : memref<1024xf32, #tpu.memory_space<vmem>>[vector<16xi32>], vector<16xf32>,
    %sub3A_3347 = arith.subf %get3A_3336, %gather3A_3346 : vector<16xf32>
    %mul3A_3348 = arith.mulf %sub3A_3347, %convert_element_type3A_3244 : vector<16xf32>
    %abs3A_3349 = math.absf %mul3A_3348 : vector<16xf32>
    %lt3A_3350 = arith.constant 1.000000e+00 : f32
    %lt3A_3351 = vector.broadcast %lt3A_3350 : f32 to vector<16xf32>
    %lt3A_3352 = arith.cmpf olt, %abs3A_3349, %lt3A_3351 : vector<16xf32>
    %mul3A_3353 = arith.constant 5.000000e-01 : f32
    %mul3A_3354 = vector.broadcast %mul3A_3353 : f32 to vector<16xf32>
    %mul3A_3355 = arith.mulf %mul3A_3354, %mul3A_3348 : vector<16xf32>
    %mul3A_3356 = arith.mulf %mul3A_3355, %mul3A_3348 : vector<16xf32>
    %sub3A_3357 = arith.constant 5.000000e-01 : f32
    %sub3A_3358 = vector.broadcast %sub3A_3357 : f32 to vector<16xf32>
    %sub3A_3359 = arith.subf %abs3A_3349, %sub3A_3358 : vector<16xf32>
    %select_n3A_3360 = arith.select %lt3A_3352, %mul3A_3356, %sub3A_3359 : vector<16xi1>, vector<16xf32>
    %add3A_3361 = arith.addf %add3A_3332, %select_n3A_3360 : vector<16xf32>
    %get3A_3362 = arith.constant 192 : index
    %get3A_3363 = tpu.vector_load %arg8[%get3A_3362] {strides = array<i32>} : memref<256xi32, #tpu.memory_space<vmem>>, vector<16xi32>,
    %convert_element_type3A_3364 = arith.sitofp %get3A_3363 : vector<16xi32> to vector<16xf32>
    %add3A_3365 = arith.addf %add3A_3245, %convert_element_type3A_3364 : vector<16xf32>
    %get3A_3366 = arith.constant 4 : i32
    %get3A_3367 = arith.index_cast %get3A_3366 : i32 to index
    %get3A_3368 = arith.constant 64 : index
    %get3A_3369 = tpu.vector_load %arg13[%get3A_3367, %get3A_3368] {strides = array<i32>} : memref<8x128xf32, #tpu.memory_space<vmem>>, vector<16xf32>,
    %add3A_3370 = arith.constant 192 : i32
    %add3A_3371 = vector.broadcast %add3A_3370 : i32 to vector<16xi32>
    %add3A_3372 = arith.addi %add3A_3371, %iota3A : vector<16xi32>
    %mul3A_3373 = arith.constant 4 : i32
    %mul3A_3374 = vector.broadcast %mul3A_3373 : i32 to vector<16xi32>
    %mul3A_3375 = arith.muli %add3A_3372, %mul3A_3374 : vector<16xi32>
    %add3A_3376 = arith.constant 0 : i32
    %add3A_3377 = vector.broadcast %add3A_3376 : i32 to vector<16xi32>
    %add3A_3378 = arith.addi %mul3A_3375, %add3A_3377 : vector<16xi32>
    %gather3A_3379 = tpu.vector_load_idx %arg14[%add3A_3378] : memref<1024xf32, #tpu.memory_space<vmem>>[vector<16xi32>], vector<16xf32>,
    %sub3A_3380 = arith.subf %get3A_3369, %gather3A_3379 : vector<16xf32>
    %mul3A_3381 = arith.mulf %sub3A_3380, %convert_element_type3A_3364 : vector<16xf32>
    %abs3A_3382 = math.absf %mul3A_3381 : vector<16xf32>
    %lt3A_3383 = arith.constant 1.000000e+00 : f32
    %lt3A_3384 = vector.broadcast %lt3A_3383 : f32 to vector<16xf32>
    %lt3A_3385 = arith.cmpf olt, %abs3A_3382, %lt3A_3384 : vector<16xf32>
    %mul3A_3386 = arith.constant 5.000000e-01 : f32
    %mul3A_3387 = vector.broadcast %mul3A_3386 : f32 to vector<16xf32>
    %mul3A_3388 = arith.mulf %mul3A_3387, %mul3A_3381 : vector<16xf32>
    %mul3A_3389 = arith.mulf %mul3A_3388, %mul3A_3381 : vector<16xf32>
    %sub3A_3390 = arith.constant 5.000000e-01 : f32
    %sub3A_3391 = vector.broadcast %sub3A_3390 : f32 to vector<16xf32>
    %sub3A_3392 = arith.subf %abs3A_3382, %sub3A_3391 : vector<16xf32>
    %select_n3A_3393 = arith.select %lt3A_3385, %mul3A_3389, %sub3A_3392 : vector<16xi1>, vector<16xf32>
    %add3A_3394 = arith.addf %add3A_3361, %select_n3A_3393 : vector<16xf32>
    %get3A_3395 = arith.constant 5 : i32
    %get3A_3396 = arith.index_cast %get3A_3395 : i32 to index
    %get3A_3397 = arith.constant 64 : index
    %get3A_3398 = tpu.vector_load %arg13[%get3A_3396, %get3A_3397] {strides = array<i32>} : memref<8x128xf32, #tpu.memory_space<vmem>>, vector<16xf32>,
    %add3A_3399 = arith.constant 192 : i32
    %add3A_3400 = vector.broadcast %add3A_3399 : i32 to vector<16xi32>
    %add3A_3401 = arith.addi %add3A_3400, %iota3A : vector<16xi32>
    %mul3A_3402 = arith.constant 4 : i32
    %mul3A_3403 = vector.broadcast %mul3A_3402 : i32 to vector<16xi32>
    %mul3A_3404 = arith.muli %add3A_3401, %mul3A_3403 : vector<16xi32>
    %add3A_3405 = arith.constant 1 : i32
    %add3A_3406 = vector.broadcast %add3A_3405 : i32 to vector<16xi32>
    %add3A_3407 = arith.addi %mul3A_3404, %add3A_3406 : vector<16xi32>
    %gather3A_3408 = tpu.vector_load_idx %arg14[%add3A_3407] : memref<1024xf32, #tpu.memory_space<vmem>>[vector<16xi32>], vector<16xf32>,
    %sub3A_3409 = arith.subf %get3A_3398, %gather3A_3408 : vector<16xf32>
    %mul3A_3410 = arith.mulf %sub3A_3409, %convert_element_type3A_3364 : vector<16xf32>
    %abs3A_3411 = math.absf %mul3A_3410 : vector<16xf32>
    %lt3A_3412 = arith.constant 1.000000e+00 : f32
    %lt3A_3413 = vector.broadcast %lt3A_3412 : f32 to vector<16xf32>
    %lt3A_3414 = arith.cmpf olt, %abs3A_3411, %lt3A_3413 : vector<16xf32>
    %mul3A_3415 = arith.constant 5.000000e-01 : f32
    %mul3A_3416 = vector.broadcast %mul3A_3415 : f32 to vector<16xf32>
    %mul3A_3417 = arith.mulf %mul3A_3416, %mul3A_3410 : vector<16xf32>
    %mul3A_3418 = arith.mulf %mul3A_3417, %mul3A_3410 : vector<16xf32>
    %sub3A_3419 = arith.constant 5.000000e-01 : f32
    %sub3A_3420 = vector.broadcast %sub3A_3419 : f32 to vector<16xf32>
    %sub3A_3421 = arith.subf %abs3A_3411, %sub3A_3420 : vector<16xf32>
    %select_n3A_3422 = arith.select %lt3A_3414, %mul3A_3418, %sub3A_3421 : vector<16xi1>, vector<16xf32>
    %add3A_3423 = arith.addf %add3A_3394, %select_n3A_3422 : vector<16xf32>
    %get3A_3424 = arith.constant 6 : i32
    %get3A_3425 = arith.index_cast %get3A_3424 : i32 to index
    %get3A_3426 = arith.constant 64 : index
    %get3A_3427 = tpu.vector_load %arg13[%get3A_3425, %get3A_3426] {strides = array<i32>} : memref<8x128xf32, #tpu.memory_space<vmem>>, vector<16xf32>,
    %add3A_3428 = arith.constant 192 : i32
    %add3A_3429 = vector.broadcast %add3A_3428 : i32 to vector<16xi32>
    %add3A_3430 = arith.addi %add3A_3429, %iota3A : vector<16xi32>
    %mul3A_3431 = arith.constant 4 : i32
    %mul3A_3432 = vector.broadcast %mul3A_3431 : i32 to vector<16xi32>
    %mul3A_3433 = arith.muli %add3A_3430, %mul3A_3432 : vector<16xi32>
    %add3A_3434 = arith.constant 2 : i32
    %add3A_3435 = vector.broadcast %add3A_3434 : i32 to vector<16xi32>
    %add3A_3436 = arith.addi %mul3A_3433, %add3A_3435 : vector<16xi32>
    %gather3A_3437 = tpu.vector_load_idx %arg14[%add3A_3436] : memref<1024xf32, #tpu.memory_space<vmem>>[vector<16xi32>], vector<16xf32>,
    %sub3A_3438 = arith.subf %get3A_3427, %gather3A_3437 : vector<16xf32>
    %mul3A_3439 = arith.mulf %sub3A_3438, %convert_element_type3A_3364 : vector<16xf32>
    %abs3A_3440 = math.absf %mul3A_3439 : vector<16xf32>
    %lt3A_3441 = arith.constant 1.000000e+00 : f32
    %lt3A_3442 = vector.broadcast %lt3A_3441 : f32 to vector<16xf32>
    %lt3A_3443 = arith.cmpf olt, %abs3A_3440, %lt3A_3442 : vector<16xf32>
    %mul3A_3444 = arith.constant 5.000000e-01 : f32
    %mul3A_3445 = vector.broadcast %mul3A_3444 : f32 to vector<16xf32>
    %mul3A_3446 = arith.mulf %mul3A_3445, %mul3A_3439 : vector<16xf32>
    %mul3A_3447 = arith.mulf %mul3A_3446, %mul3A_3439 : vector<16xf32>
    %sub3A_3448 = arith.constant 5.000000e-01 : f32
    %sub3A_3449 = vector.broadcast %sub3A_3448 : f32 to vector<16xf32>
    %sub3A_3450 = arith.subf %abs3A_3440, %sub3A_3449 : vector<16xf32>
    %select_n3A_3451 = arith.select %lt3A_3443, %mul3A_3447, %sub3A_3450 : vector<16xi1>, vector<16xf32>
    %add3A_3452 = arith.addf %add3A_3423, %select_n3A_3451 : vector<16xf32>
    %get3A_3453 = arith.constant 7 : i32
    %get3A_3454 = arith.index_cast %get3A_3453 : i32 to index
    %get3A_3455 = arith.constant 64 : index
    %get3A_3456 = tpu.vector_load %arg13[%get3A_3454, %get3A_3455] {strides = array<i32>} : memref<8x128xf32, #tpu.memory_space<vmem>>, vector<16xf32>,
    %add3A_3457 = arith.constant 192 : i32
    %add3A_3458 = vector.broadcast %add3A_3457 : i32 to vector<16xi32>
    %add3A_3459 = arith.addi %add3A_3458, %iota3A : vector<16xi32>
    %mul3A_3460 = arith.constant 4 : i32
    %mul3A_3461 = vector.broadcast %mul3A_3460 : i32 to vector<16xi32>
    %mul3A_3462 = arith.muli %add3A_3459, %mul3A_3461 : vector<16xi32>
    %add3A_3463 = arith.constant 3 : i32
    %add3A_3464 = vector.broadcast %add3A_3463 : i32 to vector<16xi32>
    %add3A_3465 = arith.addi %mul3A_3462, %add3A_3464 : vector<16xi32>
    %gather3A_3466 = tpu.vector_load_idx %arg14[%add3A_3465] : memref<1024xf32, #tpu.memory_space<vmem>>[vector<16xi32>], vector<16xf32>,
    %sub3A_3467 = arith.subf %get3A_3456, %gather3A_3466 : vector<16xf32>
    %mul3A_3468 = arith.mulf %sub3A_3467, %convert_element_type3A_3364 : vector<16xf32>
    %abs3A_3469 = math.absf %mul3A_3468 : vector<16xf32>
    %lt3A_3470 = arith.constant 1.000000e+00 : f32
    %lt3A_3471 = vector.broadcast %lt3A_3470 : f32 to vector<16xf32>
    %lt3A_3472 = arith.cmpf olt, %abs3A_3469, %lt3A_3471 : vector<16xf32>
    %mul3A_3473 = arith.constant 5.000000e-01 : f32
    %mul3A_3474 = vector.broadcast %mul3A_3473 : f32 to vector<16xf32>
    %mul3A_3475 = arith.mulf %mul3A_3474, %mul3A_3468 : vector<16xf32>
    %mul3A_3476 = arith.mulf %mul3A_3475, %mul3A_3468 : vector<16xf32>
    %sub3A_3477 = arith.constant 5.000000e-01 : f32
    %sub3A_3478 = vector.broadcast %sub3A_3477 : f32 to vector<16xf32>
    %sub3A_3479 = arith.subf %abs3A_3469, %sub3A_3478 : vector<16xf32>
    %select_n3A_3480 = arith.select %lt3A_3472, %mul3A_3476, %sub3A_3479 : vector<16xi1>, vector<16xf32>
    %add3A_3481 = arith.addf %add3A_3452, %select_n3A_3480 : vector<16xf32>
    %get3A_3482 = arith.constant 208 : index
    %get3A_3483 = tpu.vector_load %arg8[%get3A_3482] {strides = array<i32>} : memref<256xi32, #tpu.memory_space<vmem>>, vector<16xi32>,
    %convert_element_type3A_3484 = arith.sitofp %get3A_3483 : vector<16xi32> to vector<16xf32>
    %add3A_3485 = arith.addf %add3A_3365, %convert_element_type3A_3484 : vector<16xf32>
    %get3A_3486 = arith.constant 4 : i32
    %get3A_3487 = arith.index_cast %get3A_3486 : i32 to index
    %get3A_3488 = arith.constant 80 : index
    %get3A_3489 = tpu.vector_load %arg13[%get3A_3487, %get3A_3488] {strides = array<i32>} : memref<8x128xf32, #tpu.memory_space<vmem>>, vector<16xf32>,
    %add3A_3490 = arith.constant 208 : i32
    %add3A_3491 = vector.broadcast %add3A_3490 : i32 to vector<16xi32>
    %add3A_3492 = arith.addi %add3A_3491, %iota3A : vector<16xi32>
    %mul3A_3493 = arith.constant 4 : i32
    %mul3A_3494 = vector.broadcast %mul3A_3493 : i32 to vector<16xi32>
    %mul3A_3495 = arith.muli %add3A_3492, %mul3A_3494 : vector<16xi32>
    %add3A_3496 = arith.constant 0 : i32
    %add3A_3497 = vector.broadcast %add3A_3496 : i32 to vector<16xi32>
    %add3A_3498 = arith.addi %mul3A_3495, %add3A_3497 : vector<16xi32>
    %gather3A_3499 = tpu.vector_load_idx %arg14[%add3A_3498] : memref<1024xf32, #tpu.memory_space<vmem>>[vector<16xi32>], vector<16xf32>,
    %sub3A_3500 = arith.subf %get3A_3489, %gather3A_3499 : vector<16xf32>
    %mul3A_3501 = arith.mulf %sub3A_3500, %convert_element_type3A_3484 : vector<16xf32>
    %abs3A_3502 = math.absf %mul3A_3501 : vector<16xf32>
    %lt3A_3503 = arith.constant 1.000000e+00 : f32
    %lt3A_3504 = vector.broadcast %lt3A_3503 : f32 to vector<16xf32>
    %lt3A_3505 = arith.cmpf olt, %abs3A_3502, %lt3A_3504 : vector<16xf32>
    %mul3A_3506 = arith.constant 5.000000e-01 : f32
    %mul3A_3507 = vector.broadcast %mul3A_3506 : f32 to vector<16xf32>
    %mul3A_3508 = arith.mulf %mul3A_3507, %mul3A_3501 : vector<16xf32>
    %mul3A_3509 = arith.mulf %mul3A_3508, %mul3A_3501 : vector<16xf32>
    %sub3A_3510 = arith.constant 5.000000e-01 : f32
    %sub3A_3511 = vector.broadcast %sub3A_3510 : f32 to vector<16xf32>
    %sub3A_3512 = arith.subf %abs3A_3502, %sub3A_3511 : vector<16xf32>
    %select_n3A_3513 = arith.select %lt3A_3505, %mul3A_3509, %sub3A_3512 : vector<16xi1>, vector<16xf32>
    %add3A_3514 = arith.addf %add3A_3481, %select_n3A_3513 : vector<16xf32>
    %get3A_3515 = arith.constant 5 : i32
    %get3A_3516 = arith.index_cast %get3A_3515 : i32 to index
    %get3A_3517 = arith.constant 80 : index
    %get3A_3518 = tpu.vector_load %arg13[%get3A_3516, %get3A_3517] {strides = array<i32>} : memref<8x128xf32, #tpu.memory_space<vmem>>, vector<16xf32>,
    %add3A_3519 = arith.constant 208 : i32
    %add3A_3520 = vector.broadcast %add3A_3519 : i32 to vector<16xi32>
    %add3A_3521 = arith.addi %add3A_3520, %iota3A : vector<16xi32>
    %mul3A_3522 = arith.constant 4 : i32
    %mul3A_3523 = vector.broadcast %mul3A_3522 : i32 to vector<16xi32>
    %mul3A_3524 = arith.muli %add3A_3521, %mul3A_3523 : vector<16xi32>
    %add3A_3525 = arith.constant 1 : i32
    %add3A_3526 = vector.broadcast %add3A_3525 : i32 to vector<16xi32>
    %add3A_3527 = arith.addi %mul3A_3524, %add3A_3526 : vector<16xi32>
    %gather3A_3528 = tpu.vector_load_idx %arg14[%add3A_3527] : memref<1024xf32, #tpu.memory_space<vmem>>[vector<16xi32>], vector<16xf32>,
    %sub3A_3529 = arith.subf %get3A_3518, %gather3A_3528 : vector<16xf32>
    %mul3A_3530 = arith.mulf %sub3A_3529, %convert_element_type3A_3484 : vector<16xf32>
    %abs3A_3531 = math.absf %mul3A_3530 : vector<16xf32>
    %lt3A_3532 = arith.constant 1.000000e+00 : f32
    %lt3A_3533 = vector.broadcast %lt3A_3532 : f32 to vector<16xf32>
    %lt3A_3534 = arith.cmpf olt, %abs3A_3531, %lt3A_3533 : vector<16xf32>
    %mul3A_3535 = arith.constant 5.000000e-01 : f32
    %mul3A_3536 = vector.broadcast %mul3A_3535 : f32 to vector<16xf32>
    %mul3A_3537 = arith.mulf %mul3A_3536, %mul3A_3530 : vector<16xf32>
    %mul3A_3538 = arith.mulf %mul3A_3537, %mul3A_3530 : vector<16xf32>
    %sub3A_3539 = arith.constant 5.000000e-01 : f32
    %sub3A_3540 = vector.broadcast %sub3A_3539 : f32 to vector<16xf32>
    %sub3A_3541 = arith.subf %abs3A_3531, %sub3A_3540 : vector<16xf32>
    %select_n3A_3542 = arith.select %lt3A_3534, %mul3A_3538, %sub3A_3541 : vector<16xi1>, vector<16xf32>
    %add3A_3543 = arith.addf %add3A_3514, %select_n3A_3542 : vector<16xf32>
    %get3A_3544 = arith.constant 6 : i32
    %get3A_3545 = arith.index_cast %get3A_3544 : i32 to index
    %get3A_3546 = arith.constant 80 : index
    %get3A_3547 = tpu.vector_load %arg13[%get3A_3545, %get3A_3546] {strides = array<i32>} : memref<8x128xf32, #tpu.memory_space<vmem>>, vector<16xf32>,
    %add3A_3548 = arith.constant 208 : i32
    %add3A_3549 = vector.broadcast %add3A_3548 : i32 to vector<16xi32>
    %add3A_3550 = arith.addi %add3A_3549, %iota3A : vector<16xi32>
    %mul3A_3551 = arith.constant 4 : i32
    %mul3A_3552 = vector.broadcast %mul3A_3551 : i32 to vector<16xi32>
    %mul3A_3553 = arith.muli %add3A_3550, %mul3A_3552 : vector<16xi32>
    %add3A_3554 = arith.constant 2 : i32
    %add3A_3555 = vector.broadcast %add3A_3554 : i32 to vector<16xi32>
    %add3A_3556 = arith.addi %mul3A_3553, %add3A_3555 : vector<16xi32>
    %gather3A_3557 = tpu.vector_load_idx %arg14[%add3A_3556] : memref<1024xf32, #tpu.memory_space<vmem>>[vector<16xi32>], vector<16xf32>,
    %sub3A_3558 = arith.subf %get3A_3547, %gather3A_3557 : vector<16xf32>
    %mul3A_3559 = arith.mulf %sub3A_3558, %convert_element_type3A_3484 : vector<16xf32>
    %abs3A_3560 = math.absf %mul3A_3559 : vector<16xf32>
    %lt3A_3561 = arith.constant 1.000000e+00 : f32
    %lt3A_3562 = vector.broadcast %lt3A_3561 : f32 to vector<16xf32>
    %lt3A_3563 = arith.cmpf olt, %abs3A_3560, %lt3A_3562 : vector<16xf32>
    %mul3A_3564 = arith.constant 5.000000e-01 : f32
    %mul3A_3565 = vector.broadcast %mul3A_3564 : f32 to vector<16xf32>
    %mul3A_3566 = arith.mulf %mul3A_3565, %mul3A_3559 : vector<16xf32>
    %mul3A_3567 = arith.mulf %mul3A_3566, %mul3A_3559 : vector<16xf32>
    %sub3A_3568 = arith.constant 5.000000e-01 : f32
    %sub3A_3569 = vector.broadcast %sub3A_3568 : f32 to vector<16xf32>
    %sub3A_3570 = arith.subf %abs3A_3560, %sub3A_3569 : vector<16xf32>
    %select_n3A_3571 = arith.select %lt3A_3563, %mul3A_3567, %sub3A_3570 : vector<16xi1>, vector<16xf32>
    %add3A_3572 = arith.addf %add3A_3543, %select_n3A_3571 : vector<16xf32>
    %get3A_3573 = arith.constant 7 : i32
    %get3A_3574 = arith.index_cast %get3A_3573 : i32 to index
    %get3A_3575 = arith.constant 80 : index
    %get3A_3576 = tpu.vector_load %arg13[%get3A_3574, %get3A_3575] {strides = array<i32>} : memref<8x128xf32, #tpu.memory_space<vmem>>, vector<16xf32>,
    %add3A_3577 = arith.constant 208 : i32
    %add3A_3578 = vector.broadcast %add3A_3577 : i32 to vector<16xi32>
    %add3A_3579 = arith.addi %add3A_3578, %iota3A : vector<16xi32>
    %mul3A_3580 = arith.constant 4 : i32
    %mul3A_3581 = vector.broadcast %mul3A_3580 : i32 to vector<16xi32>
    %mul3A_3582 = arith.muli %add3A_3579, %mul3A_3581 : vector<16xi32>
    %add3A_3583 = arith.constant 3 : i32
    %add3A_3584 = vector.broadcast %add3A_3583 : i32 to vector<16xi32>
    %add3A_3585 = arith.addi %mul3A_3582, %add3A_3584 : vector<16xi32>
    %gather3A_3586 = tpu.vector_load_idx %arg14[%add3A_3585] : memref<1024xf32, #tpu.memory_space<vmem>>[vector<16xi32>], vector<16xf32>,
    %sub3A_3587 = arith.subf %get3A_3576, %gather3A_3586 : vector<16xf32>
    %mul3A_3588 = arith.mulf %sub3A_3587, %convert_element_type3A_3484 : vector<16xf32>
    %abs3A_3589 = math.absf %mul3A_3588 : vector<16xf32>
    %lt3A_3590 = arith.constant 1.000000e+00 : f32
    %lt3A_3591 = vector.broadcast %lt3A_3590 : f32 to vector<16xf32>
    %lt3A_3592 = arith.cmpf olt, %abs3A_3589, %lt3A_3591 : vector<16xf32>
    %mul3A_3593 = arith.constant 5.000000e-01 : f32
    %mul3A_3594 = vector.broadcast %mul3A_3593 : f32 to vector<16xf32>
    %mul3A_3595 = arith.mulf %mul3A_3594, %mul3A_3588 : vector<16xf32>
    %mul3A_3596 = arith.mulf %mul3A_3595, %mul3A_3588 : vector<16xf32>
    %sub3A_3597 = arith.constant 5.000000e-01 : f32
    %sub3A_3598 = vector.broadcast %sub3A_3597 : f32 to vector<16xf32>
    %sub3A_3599 = arith.subf %abs3A_3589, %sub3A_3598 : vector<16xf32>
    %select_n3A_3600 = arith.select %lt3A_3592, %mul3A_3596, %sub3A_3599 : vector<16xi1>, vector<16xf32>
    %add3A_3601 = arith.addf %add3A_3572, %select_n3A_3600 : vector<16xf32>
    %get3A_3602 = arith.constant 224 : index
    %get3A_3603 = tpu.vector_load %arg8[%get3A_3602] {strides = array<i32>} : memref<256xi32, #tpu.memory_space<vmem>>, vector<16xi32>,
    %convert_element_type3A_3604 = arith.sitofp %get3A_3603 : vector<16xi32> to vector<16xf32>
    %add3A_3605 = arith.addf %add3A_3485, %convert_element_type3A_3604 : vector<16xf32>
    %get3A_3606 = arith.constant 4 : i32
    %get3A_3607 = arith.index_cast %get3A_3606 : i32 to index
    %get3A_3608 = arith.constant 96 : index
    %get3A_3609 = tpu.vector_load %arg13[%get3A_3607, %get3A_3608] {strides = array<i32>} : memref<8x128xf32, #tpu.memory_space<vmem>>, vector<16xf32>,
    %add3A_3610 = arith.constant 224 : i32
    %add3A_3611 = vector.broadcast %add3A_3610 : i32 to vector<16xi32>
    %add3A_3612 = arith.addi %add3A_3611, %iota3A : vector<16xi32>
    %mul3A_3613 = arith.constant 4 : i32
    %mul3A_3614 = vector.broadcast %mul3A_3613 : i32 to vector<16xi32>
    %mul3A_3615 = arith.muli %add3A_3612, %mul3A_3614 : vector<16xi32>
    %add3A_3616 = arith.constant 0 : i32
    %add3A_3617 = vector.broadcast %add3A_3616 : i32 to vector<16xi32>
    %add3A_3618 = arith.addi %mul3A_3615, %add3A_3617 : vector<16xi32>
    %gather3A_3619 = tpu.vector_load_idx %arg14[%add3A_3618] : memref<1024xf32, #tpu.memory_space<vmem>>[vector<16xi32>], vector<16xf32>,
    %sub3A_3620 = arith.subf %get3A_3609, %gather3A_3619 : vector<16xf32>
    %mul3A_3621 = arith.mulf %sub3A_3620, %convert_element_type3A_3604 : vector<16xf32>
    %abs3A_3622 = math.absf %mul3A_3621 : vector<16xf32>
    %lt3A_3623 = arith.constant 1.000000e+00 : f32
    %lt3A_3624 = vector.broadcast %lt3A_3623 : f32 to vector<16xf32>
    %lt3A_3625 = arith.cmpf olt, %abs3A_3622, %lt3A_3624 : vector<16xf32>
    %mul3A_3626 = arith.constant 5.000000e-01 : f32
    %mul3A_3627 = vector.broadcast %mul3A_3626 : f32 to vector<16xf32>
    %mul3A_3628 = arith.mulf %mul3A_3627, %mul3A_3621 : vector<16xf32>
    %mul3A_3629 = arith.mulf %mul3A_3628, %mul3A_3621 : vector<16xf32>
    %sub3A_3630 = arith.constant 5.000000e-01 : f32
    %sub3A_3631 = vector.broadcast %sub3A_3630 : f32 to vector<16xf32>
    %sub3A_3632 = arith.subf %abs3A_3622, %sub3A_3631 : vector<16xf32>
    %select_n3A_3633 = arith.select %lt3A_3625, %mul3A_3629, %sub3A_3632 : vector<16xi1>, vector<16xf32>
    %add3A_3634 = arith.addf %add3A_3601, %select_n3A_3633 : vector<16xf32>
    %get3A_3635 = arith.constant 5 : i32
    %get3A_3636 = arith.index_cast %get3A_3635 : i32 to index
    %get3A_3637 = arith.constant 96 : index
    %get3A_3638 = tpu.vector_load %arg13[%get3A_3636, %get3A_3637] {strides = array<i32>} : memref<8x128xf32, #tpu.memory_space<vmem>>, vector<16xf32>,
    %add3A_3639 = arith.constant 224 : i32
    %add3A_3640 = vector.broadcast %add3A_3639 : i32 to vector<16xi32>
    %add3A_3641 = arith.addi %add3A_3640, %iota3A : vector<16xi32>
    %mul3A_3642 = arith.constant 4 : i32
    %mul3A_3643 = vector.broadcast %mul3A_3642 : i32 to vector<16xi32>
    %mul3A_3644 = arith.muli %add3A_3641, %mul3A_3643 : vector<16xi32>
    %add3A_3645 = arith.constant 1 : i32
    %add3A_3646 = vector.broadcast %add3A_3645 : i32 to vector<16xi32>
    %add3A_3647 = arith.addi %mul3A_3644, %add3A_3646 : vector<16xi32>
    %gather3A_3648 = tpu.vector_load_idx %arg14[%add3A_3647] : memref<1024xf32, #tpu.memory_space<vmem>>[vector<16xi32>], vector<16xf32>,
    %sub3A_3649 = arith.subf %get3A_3638, %gather3A_3648 : vector<16xf32>
    %mul3A_3650 = arith.mulf %sub3A_3649, %convert_element_type3A_3604 : vector<16xf32>
    %abs3A_3651 = math.absf %mul3A_3650 : vector<16xf32>
    %lt3A_3652 = arith.constant 1.000000e+00 : f32
    %lt3A_3653 = vector.broadcast %lt3A_3652 : f32 to vector<16xf32>
    %lt3A_3654 = arith.cmpf olt, %abs3A_3651, %lt3A_3653 : vector<16xf32>
    %mul3A_3655 = arith.constant 5.000000e-01 : f32
    %mul3A_3656 = vector.broadcast %mul3A_3655 : f32 to vector<16xf32>
    %mul3A_3657 = arith.mulf %mul3A_3656, %mul3A_3650 : vector<16xf32>
    %mul3A_3658 = arith.mulf %mul3A_3657, %mul3A_3650 : vector<16xf32>
    %sub3A_3659 = arith.constant 5.000000e-01 : f32
    %sub3A_3660 = vector.broadcast %sub3A_3659 : f32 to vector<16xf32>
    %sub3A_3661 = arith.subf %abs3A_3651, %sub3A_3660 : vector<16xf32>
    %select_n3A_3662 = arith.select %lt3A_3654, %mul3A_3658, %sub3A_3661 : vector<16xi1>, vector<16xf32>
    %add3A_3663 = arith.addf %add3A_3634, %select_n3A_3662 : vector<16xf32>
    %get3A_3664 = arith.constant 6 : i32
    %get3A_3665 = arith.index_cast %get3A_3664 : i32 to index
    %get3A_3666 = arith.constant 96 : index
    %get3A_3667 = tpu.vector_load %arg13[%get3A_3665, %get3A_3666] {strides = array<i32>} : memref<8x128xf32, #tpu.memory_space<vmem>>, vector<16xf32>,
    %add3A_3668 = arith.constant 224 : i32
    %add3A_3669 = vector.broadcast %add3A_3668 : i32 to vector<16xi32>
    %add3A_3670 = arith.addi %add3A_3669, %iota3A : vector<16xi32>
    %mul3A_3671 = arith.constant 4 : i32
    %mul3A_3672 = vector.broadcast %mul3A_3671 : i32 to vector<16xi32>
    %mul3A_3673 = arith.muli %add3A_3670, %mul3A_3672 : vector<16xi32>
    %add3A_3674 = arith.constant 2 : i32
    %add3A_3675 = vector.broadcast %add3A_3674 : i32 to vector<16xi32>
    %add3A_3676 = arith.addi %mul3A_3673, %add3A_3675 : vector<16xi32>
    %gather3A_3677 = tpu.vector_load_idx %arg14[%add3A_3676] : memref<1024xf32, #tpu.memory_space<vmem>>[vector<16xi32>], vector<16xf32>,
    %sub3A_3678 = arith.subf %get3A_3667, %gather3A_3677 : vector<16xf32>
    %mul3A_3679 = arith.mulf %sub3A_3678, %convert_element_type3A_3604 : vector<16xf32>
    %abs3A_3680 = math.absf %mul3A_3679 : vector<16xf32>
    %lt3A_3681 = arith.constant 1.000000e+00 : f32
    %lt3A_3682 = vector.broadcast %lt3A_3681 : f32 to vector<16xf32>
    %lt3A_3683 = arith.cmpf olt, %abs3A_3680, %lt3A_3682 : vector<16xf32>
    %mul3A_3684 = arith.constant 5.000000e-01 : f32
    %mul3A_3685 = vector.broadcast %mul3A_3684 : f32 to vector<16xf32>
    %mul3A_3686 = arith.mulf %mul3A_3685, %mul3A_3679 : vector<16xf32>
    %mul3A_3687 = arith.mulf %mul3A_3686, %mul3A_3679 : vector<16xf32>
    %sub3A_3688 = arith.constant 5.000000e-01 : f32
    %sub3A_3689 = vector.broadcast %sub3A_3688 : f32 to vector<16xf32>
    %sub3A_3690 = arith.subf %abs3A_3680, %sub3A_3689 : vector<16xf32>
    %select_n3A_3691 = arith.select %lt3A_3683, %mul3A_3687, %sub3A_3690 : vector<16xi1>, vector<16xf32>
    %add3A_3692 = arith.addf %add3A_3663, %select_n3A_3691 : vector<16xf32>
    %get3A_3693 = arith.constant 7 : i32
    %get3A_3694 = arith.index_cast %get3A_3693 : i32 to index
    %get3A_3695 = arith.constant 96 : index
    %get3A_3696 = tpu.vector_load %arg13[%get3A_3694, %get3A_3695] {strides = array<i32>} : memref<8x128xf32, #tpu.memory_space<vmem>>, vector<16xf32>,
    %add3A_3697 = arith.constant 224 : i32
    %add3A_3698 = vector.broadcast %add3A_3697 : i32 to vector<16xi32>
    %add3A_3699 = arith.addi %add3A_3698, %iota3A : vector<16xi32>
    %mul3A_3700 = arith.constant 4 : i32
    %mul3A_3701 = vector.broadcast %mul3A_3700 : i32 to vector<16xi32>
    %mul3A_3702 = arith.muli %add3A_3699, %mul3A_3701 : vector<16xi32>
    %add3A_3703 = arith.constant 3 : i32
    %add3A_3704 = vector.broadcast %add3A_3703 : i32 to vector<16xi32>
    %add3A_3705 = arith.addi %mul3A_3702, %add3A_3704 : vector<16xi32>
    %gather3A_3706 = tpu.vector_load_idx %arg14[%add3A_3705] : memref<1024xf32, #tpu.memory_space<vmem>>[vector<16xi32>], vector<16xf32>,
    %sub3A_3707 = arith.subf %get3A_3696, %gather3A_3706 : vector<16xf32>
    %mul3A_3708 = arith.mulf %sub3A_3707, %convert_element_type3A_3604 : vector<16xf32>
    %abs3A_3709 = math.absf %mul3A_3708 : vector<16xf32>
    %lt3A_3710 = arith.constant 1.000000e+00 : f32
    %lt3A_3711 = vector.broadcast %lt3A_3710 : f32 to vector<16xf32>
    %lt3A_3712 = arith.cmpf olt, %abs3A_3709, %lt3A_3711 : vector<16xf32>
    %mul3A_3713 = arith.constant 5.000000e-01 : f32
    %mul3A_3714 = vector.broadcast %mul3A_3713 : f32 to vector<16xf32>
    %mul3A_3715 = arith.mulf %mul3A_3714, %mul3A_3708 : vector<16xf32>
    %mul3A_3716 = arith.mulf %mul3A_3715, %mul3A_3708 : vector<16xf32>
    %sub3A_3717 = arith.constant 5.000000e-01 : f32
    %sub3A_3718 = vector.broadcast %sub3A_3717 : f32 to vector<16xf32>
    %sub3A_3719 = arith.subf %abs3A_3709, %sub3A_3718 : vector<16xf32>
    %select_n3A_3720 = arith.select %lt3A_3712, %mul3A_3716, %sub3A_3719 : vector<16xi1>, vector<16xf32>
    %add3A_3721 = arith.addf %add3A_3692, %select_n3A_3720 : vector<16xf32>
    %get3A_3722 = arith.constant 240 : index
    %get3A_3723 = tpu.vector_load %arg8[%get3A_3722] {strides = array<i32>} : memref<256xi32, #tpu.memory_space<vmem>>, vector<16xi32>,
    %convert_element_type3A_3724 = arith.sitofp %get3A_3723 : vector<16xi32> to vector<16xf32>
    %add3A_3725 = arith.addf %add3A_3605, %convert_element_type3A_3724 : vector<16xf32>
    %get3A_3726 = arith.constant 4 : i32
    %get3A_3727 = arith.index_cast %get3A_3726 : i32 to index
    %get3A_3728 = arith.constant 112 : index
    %get3A_3729 = tpu.vector_load %arg13[%get3A_3727, %get3A_3728] {strides = array<i32>} : memref<8x128xf32, #tpu.memory_space<vmem>>, vector<16xf32>,
    %add3A_3730 = arith.constant 240 : i32
    %add3A_3731 = vector.broadcast %add3A_3730 : i32 to vector<16xi32>
    %add3A_3732 = arith.addi %add3A_3731, %iota3A : vector<16xi32>
    %mul3A_3733 = arith.constant 4 : i32
    %mul3A_3734 = vector.broadcast %mul3A_3733 : i32 to vector<16xi32>
    %mul3A_3735 = arith.muli %add3A_3732, %mul3A_3734 : vector<16xi32>
    %add3A_3736 = arith.constant 0 : i32
    %add3A_3737 = vector.broadcast %add3A_3736 : i32 to vector<16xi32>
    %add3A_3738 = arith.addi %mul3A_3735, %add3A_3737 : vector<16xi32>
    %gather3A_3739 = tpu.vector_load_idx %arg14[%add3A_3738] : memref<1024xf32, #tpu.memory_space<vmem>>[vector<16xi32>], vector<16xf32>,
    %sub3A_3740 = arith.subf %get3A_3729, %gather3A_3739 : vector<16xf32>
    %mul3A_3741 = arith.mulf %sub3A_3740, %convert_element_type3A_3724 : vector<16xf32>
    %abs3A_3742 = math.absf %mul3A_3741 : vector<16xf32>
    %lt3A_3743 = arith.constant 1.000000e+00 : f32
    %lt3A_3744 = vector.broadcast %lt3A_3743 : f32 to vector<16xf32>
    %lt3A_3745 = arith.cmpf olt, %abs3A_3742, %lt3A_3744 : vector<16xf32>
    %mul3A_3746 = arith.constant 5.000000e-01 : f32
    %mul3A_3747 = vector.broadcast %mul3A_3746 : f32 to vector<16xf32>
    %mul3A_3748 = arith.mulf %mul3A_3747, %mul3A_3741 : vector<16xf32>
    %mul3A_3749 = arith.mulf %mul3A_3748, %mul3A_3741 : vector<16xf32>
    %sub3A_3750 = arith.constant 5.000000e-01 : f32
    %sub3A_3751 = vector.broadcast %sub3A_3750 : f32 to vector<16xf32>
    %sub3A_3752 = arith.subf %abs3A_3742, %sub3A_3751 : vector<16xf32>
    %select_n3A_3753 = arith.select %lt3A_3745, %mul3A_3749, %sub3A_3752 : vector<16xi1>, vector<16xf32>
    %add3A_3754 = arith.addf %add3A_3721, %select_n3A_3753 : vector<16xf32>
    %get3A_3755 = arith.constant 5 : i32
    %get3A_3756 = arith.index_cast %get3A_3755 : i32 to index
    %get3A_3757 = arith.constant 112 : index
    %get3A_3758 = tpu.vector_load %arg13[%get3A_3756, %get3A_3757] {strides = array<i32>} : memref<8x128xf32, #tpu.memory_space<vmem>>, vector<16xf32>,
    %add3A_3759 = arith.constant 240 : i32
    %add3A_3760 = vector.broadcast %add3A_3759 : i32 to vector<16xi32>
    %add3A_3761 = arith.addi %add3A_3760, %iota3A : vector<16xi32>
    %mul3A_3762 = arith.constant 4 : i32
    %mul3A_3763 = vector.broadcast %mul3A_3762 : i32 to vector<16xi32>
    %mul3A_3764 = arith.muli %add3A_3761, %mul3A_3763 : vector<16xi32>
    %add3A_3765 = arith.constant 1 : i32
    %add3A_3766 = vector.broadcast %add3A_3765 : i32 to vector<16xi32>
    %add3A_3767 = arith.addi %mul3A_3764, %add3A_3766 : vector<16xi32>
    %gather3A_3768 = tpu.vector_load_idx %arg14[%add3A_3767] : memref<1024xf32, #tpu.memory_space<vmem>>[vector<16xi32>], vector<16xf32>,
    %sub3A_3769 = arith.subf %get3A_3758, %gather3A_3768 : vector<16xf32>
    %mul3A_3770 = arith.mulf %sub3A_3769, %convert_element_type3A_3724 : vector<16xf32>
    %abs3A_3771 = math.absf %mul3A_3770 : vector<16xf32>
    %lt3A_3772 = arith.constant 1.000000e+00 : f32
    %lt3A_3773 = vector.broadcast %lt3A_3772 : f32 to vector<16xf32>
    %lt3A_3774 = arith.cmpf olt, %abs3A_3771, %lt3A_3773 : vector<16xf32>
    %mul3A_3775 = arith.constant 5.000000e-01 : f32
    %mul3A_3776 = vector.broadcast %mul3A_3775 : f32 to vector<16xf32>
    %mul3A_3777 = arith.mulf %mul3A_3776, %mul3A_3770 : vector<16xf32>
    %mul3A_3778 = arith.mulf %mul3A_3777, %mul3A_3770 : vector<16xf32>
    %sub3A_3779 = arith.constant 5.000000e-01 : f32
    %sub3A_3780 = vector.broadcast %sub3A_3779 : f32 to vector<16xf32>
    %sub3A_3781 = arith.subf %abs3A_3771, %sub3A_3780 : vector<16xf32>
    %select_n3A_3782 = arith.select %lt3A_3774, %mul3A_3778, %sub3A_3781 : vector<16xi1>, vector<16xf32>
    %add3A_3783 = arith.addf %add3A_3754, %select_n3A_3782 : vector<16xf32>
    %get3A_3784 = arith.constant 6 : i32
    %get3A_3785 = arith.index_cast %get3A_3784 : i32 to index
    %get3A_3786 = arith.constant 112 : index
    %get3A_3787 = tpu.vector_load %arg13[%get3A_3785, %get3A_3786] {strides = array<i32>} : memref<8x128xf32, #tpu.memory_space<vmem>>, vector<16xf32>,
    %add3A_3788 = arith.constant 240 : i32
    %add3A_3789 = vector.broadcast %add3A_3788 : i32 to vector<16xi32>
    %add3A_3790 = arith.addi %add3A_3789, %iota3A : vector<16xi32>
    %mul3A_3791 = arith.constant 4 : i32
    %mul3A_3792 = vector.broadcast %mul3A_3791 : i32 to vector<16xi32>
    %mul3A_3793 = arith.muli %add3A_3790, %mul3A_3792 : vector<16xi32>
    %add3A_3794 = arith.constant 2 : i32
    %add3A_3795 = vector.broadcast %add3A_3794 : i32 to vector<16xi32>
    %add3A_3796 = arith.addi %mul3A_3793, %add3A_3795 : vector<16xi32>
    %gather3A_3797 = tpu.vector_load_idx %arg14[%add3A_3796] : memref<1024xf32, #tpu.memory_space<vmem>>[vector<16xi32>], vector<16xf32>,
    %sub3A_3798 = arith.subf %get3A_3787, %gather3A_3797 : vector<16xf32>
    %mul3A_3799 = arith.mulf %sub3A_3798, %convert_element_type3A_3724 : vector<16xf32>
    %abs3A_3800 = math.absf %mul3A_3799 : vector<16xf32>
    %lt3A_3801 = arith.constant 1.000000e+00 : f32
    %lt3A_3802 = vector.broadcast %lt3A_3801 : f32 to vector<16xf32>
    %lt3A_3803 = arith.cmpf olt, %abs3A_3800, %lt3A_3802 : vector<16xf32>
    %mul3A_3804 = arith.constant 5.000000e-01 : f32
    %mul3A_3805 = vector.broadcast %mul3A_3804 : f32 to vector<16xf32>
    %mul3A_3806 = arith.mulf %mul3A_3805, %mul3A_3799 : vector<16xf32>
    %mul3A_3807 = arith.mulf %mul3A_3806, %mul3A_3799 : vector<16xf32>
    %sub3A_3808 = arith.constant 5.000000e-01 : f32
    %sub3A_3809 = vector.broadcast %sub3A_3808 : f32 to vector<16xf32>
    %sub3A_3810 = arith.subf %abs3A_3800, %sub3A_3809 : vector<16xf32>
    %select_n3A_3811 = arith.select %lt3A_3803, %mul3A_3807, %sub3A_3810 : vector<16xi1>, vector<16xf32>
    %add3A_3812 = arith.addf %add3A_3783, %select_n3A_3811 : vector<16xf32>
    %get3A_3813 = arith.constant 7 : i32
    %get3A_3814 = arith.index_cast %get3A_3813 : i32 to index
    %get3A_3815 = arith.constant 112 : index
    %get3A_3816 = tpu.vector_load %arg13[%get3A_3814, %get3A_3815] {strides = array<i32>} : memref<8x128xf32, #tpu.memory_space<vmem>>, vector<16xf32>,
    %add3A_3817 = arith.constant 240 : i32
    %add3A_3818 = vector.broadcast %add3A_3817 : i32 to vector<16xi32>
    %add3A_3819 = arith.addi %add3A_3818, %iota3A : vector<16xi32>
    %mul3A_3820 = arith.constant 4 : i32
    %mul3A_3821 = vector.broadcast %mul3A_3820 : i32 to vector<16xi32>
    %mul3A_3822 = arith.muli %add3A_3819, %mul3A_3821 : vector<16xi32>
    %add3A_3823 = arith.constant 3 : i32
    %add3A_3824 = vector.broadcast %add3A_3823 : i32 to vector<16xi32>
    %add3A_3825 = arith.addi %mul3A_3822, %add3A_3824 : vector<16xi32>
    %gather3A_3826 = tpu.vector_load_idx %arg14[%add3A_3825] : memref<1024xf32, #tpu.memory_space<vmem>>[vector<16xi32>], vector<16xf32>,
    %sub3A_3827 = arith.subf %get3A_3816, %gather3A_3826 : vector<16xf32>
    %mul3A_3828 = arith.mulf %sub3A_3827, %convert_element_type3A_3724 : vector<16xf32>
    %abs3A_3829 = math.absf %mul3A_3828 : vector<16xf32>
    %lt3A_3830 = arith.constant 1.000000e+00 : f32
    %lt3A_3831 = vector.broadcast %lt3A_3830 : f32 to vector<16xf32>
    %lt3A_3832 = arith.cmpf olt, %abs3A_3829, %lt3A_3831 : vector<16xf32>
    %mul3A_3833 = arith.constant 5.000000e-01 : f32
    %mul3A_3834 = vector.broadcast %mul3A_3833 : f32 to vector<16xf32>
    %mul3A_3835 = arith.mulf %mul3A_3834, %mul3A_3828 : vector<16xf32>
    %mul3A_3836 = arith.mulf %mul3A_3835, %mul3A_3828 : vector<16xf32>
    %sub3A_3837 = arith.constant 5.000000e-01 : f32
    %sub3A_3838 = vector.broadcast %sub3A_3837 : f32 to vector<16xf32>
    %sub3A_3839 = arith.subf %abs3A_3829, %sub3A_3838 : vector<16xf32>
    %select_n3A_3840 = arith.select %lt3A_3832, %mul3A_3836, %sub3A_3839 : vector<16xi1>, vector<16xf32>
    %add3A_3841 = arith.addf %add3A_3812, %select_n3A_3840 : vector<16xf32>
    %swap3A_3842 = arith.constant 0 : index
    %swap3A_3843 = tpu.vector_load %arg15[%swap3A_3842] {strides = array<i32>} : memref<32xf32, #tpu.memory_space<vmem>>, vector<16xf32>,
    tpu.vector_store %arg15[%swap3A_3842], %add3A_3841 {strides = array<i32>} : memref<32xf32, #tpu.memory_space<vmem>>, vector<16xf32>,
    %swap3A_3844 = arith.constant 16 : index
    %swap3A_3845 = tpu.vector_load %arg15[%swap3A_3844] {strides = array<i32>} : memref<32xf32, #tpu.memory_space<vmem>>, vector<16xf32>,
    tpu.vector_store %arg15[%swap3A_3844], %add3A_3725 {strides = array<i32>} : memref<32xf32, #tpu.memory_space<vmem>>, vector<16xf32>,
    "tpu.region"() ({
      %run_scoped3A = tpu.sem_alloc : memref<!tpu.dma_semaphore, #tpu.memory_space<semaphore_mem>>
      %dma_start3A_3846 = arith.constant 0 : i32
      %dma_start3A_3847 = tpu.memref_slice %arg6[%add3A, %dma_start3A_3846] : memref<32x32xf32, #tpu.memory_space<hbm>> -> memref<1x32xf32, #tpu.memory_space<hbm>>
      %dma_start3A_3848 = tpu.memref_squeeze %dma_start3A_3847 : memref<1x32xf32, #tpu.memory_space<hbm>> -> memref<32xf32, #tpu.memory_space<hbm>>
      %dma_start3A_3849 = arith.constant 0 : i32
      %dma_start3A_3850 = tpu.memref_slice %arg6[%add3A, %dma_start3A_3849] : memref<32x32xf32, #tpu.memory_space<hbm>> -> memref<1x32xf32, #tpu.memory_space<hbm>>
      %dma_start3A_3851 = tpu.memref_squeeze %dma_start3A_3850 : memref<1x32xf32, #tpu.memory_space<hbm>> -> memref<32xf32, #tpu.memory_space<hbm>>
      tpu.enqueue_dma source(%arg15 : memref<32xf32, #tpu.memory_space<vmem>>) target(%dma_start3A_3851 : memref<32xf32, #tpu.memory_space<hbm>>) target_semaphore(%run_scoped3A : memref<!tpu.dma_semaphore, #tpu.memory_space<semaphore_mem>>)
      %dma_wait3A_3852 = arith.constant 0 : i32
      %dma_wait3A_3853 = tpu.memref_slice %arg6[%add3A, %dma_wait3A_3852] : memref<32x32xf32, #tpu.memory_space<hbm>> -> memref<1x32xf32, #tpu.memory_space<hbm>>
      %dma_wait3A_3854 = tpu.memref_squeeze %dma_wait3A_3853 : memref<1x32xf32, #tpu.memory_space<hbm>> -> memref<32xf32, #tpu.memory_space<hbm>>
      %dma_wait3A_3855 = arith.constant 0 : i32
      %dma_wait3A_3856 = tpu.memref_slice %arg6[%add3A, %dma_wait3A_3855] : memref<32x32xf32, #tpu.memory_space<hbm>> -> memref<1x32xf32, #tpu.memory_space<hbm>>
      %dma_wait3A_3857 = tpu.memref_squeeze %dma_wait3A_3856 : memref<1x32xf32, #tpu.memory_space<hbm>> -> memref<32xf32, #tpu.memory_space<hbm>>
      tpu.wait_dma2 semaphore(%run_scoped3A : memref<!tpu.dma_semaphore, #tpu.memory_space<semaphore_mem>>) src(%arg15 : memref<32xf32, #tpu.memory_space<vmem>>) dst(%dma_wait3A_3857 : memref<32xf32, #tpu.memory_space<hbm>>)
      tpu.yield
    }) : () -> ()
    return
  }
}

</mosaic_0001>

<sc_bundles>
// kernel: kernel.3.cloned.1.call-start
scs
__scs_entry_jumppad:
0x0: {  	(pc) =	sbr.rel $0x88, $3  }
0x1: {  	(tag) =	ssettag $0x0;
	lr =	simm.s32 $0x1  }
0x2: {  	[smem:$0x3F9D] =	sst lr;
	_ =	strace $0xD0000000  }
0x3: {  	_ = 	snop  }
0x4: {  	_ = 	snop  }
0x5: {  	_ = 	snop  }
0x6: {  	_ = 	snop  }
0x7: {  	_ = 	snop  }
__scs_overlays_trampoline_lowered:
0x8: {  	[smem:$0x3FAC] =	sst s0  }
0x9: {  	[smem:$0x3FAD] =	sst s1  }
0xa: {  	[smem:$0x3FAE] =	sst s2  }
0xb: {  	[smem:$0x3FAF] =	sst s3  }
0xc: {  	[smem:$0x3FB0] =	sst s4  }
0xd: {  	[smem:$0x3FB1] =	sst s5  }
0xe: {  	[smem:$0x3FB2] =	sst s6  }
0xf: {  	[smem:$0x3FB3] =	sst s7  }
0x10: {  	[smem:$0x3FB4] =	sst s8  }
0x11: {  	[smem:$0x3FB5] =	sst s9;
	s0 =	simm.s32 @!p0 $0x0  }
0x12: {  	s1 =	sld [smem:$0x3F9B];
	s0 =	simm.s32 @p0 $0x1  }
0x13: {  	[smem:$0x3FB6] =	sst s0;
	s0 =	simm.s32 @!p1 $0x0  }
0x14: {  	s2 =	sld [smem:$0x3F9A];
	s0 =	simm.s32 @p1 $0x1  }
0x15: {  	[smem:$0x3FB7] =	sst s0;
	s0 =	simm.s32 @!p2 $0x0  }
0x16: {  	s3 =	sld [smem:$0x3FDB];
	s0 =	simm.s32 @p2 $0x1  }
0x17: {  	s4 =	simm.s32 $0x1BF5;
	[smem:$0x3FB9] =	sst s0  }
0x18: {  	s0 =	sld [smem:$0x3F9C];
	_ =	swait.ge [sflag:s4], $0x0  }
0x19: {  	s7 =	sld [smem:$0x3F9D]  }
0x1a: {  	s8 =	sadd.s32 $0xFFFFE003, lr  }
0x1b: {  	s9 =	sadd.s32 $0xFFFFFEF7, lr;
	s5 =	simm.s32 $0xFFFFFFFF;
	p2 =	slt.u32 s8, $0xFFFFF086  }
0x1c: {  	p1 =	slt.u32 s9, $0xF7A;
	s5 =	simm.s32 @!p2 $0x0  }
0x1d: {  	s5 =	simm.s32 @p1 $0x1;
	p0 =	seq.s32 s7, s2  }
0x1e: {  	s7 =	smul.u32 @!p0 $0xF7A, s2;
	p2 =	seq.s32 @!p0 s5, $0x0  }
0x1f: {  	s9 =	smul.u32 $0xF7A, s1;
	s8 =	simm.s32 @!p0 $0x1BF5;
	p2 =	por !p2, p0  }
0x20: {  	[sflag:s8] =	ssyncset.s32 @!p0 $0xFFFFF086;
	s6 =	sadd.s32 @!p0 s3, s7;
	s7 =	simm.s32 @!p0 $0x108  }
0x21: {  	s3 =	sadd.s32 s3, s9;
	s6 =	sadd.s32 @!p0 $0x88, s6;
	s7 =	simm.s32 @p2 $0x1082  }
0x22: {  	[simem:s7], [sflag:s8] =	dma.local @!p0 [hbm:s6], $0xF7A  }
0x23: {  	s9 =	sor.u32 $0xD0000000, s2;
	s6 =	simm.s32 $0x108;
	_ =	swait.ge @!p0 [sflag:s8], $0x0  }
0x24: {  	s3 =	sadd.s32 $0x88, s3;
	s6 =	simm.s32 @!p1 $0x1082;
	[sflag:s4] =	ssyncset.s32 $0xFFFFF086  }
0x25: {  	[simem:s6], [sflag:s4] =	dma.local [hbm:s3], $0xF7A  }
0x26: {  	[smem:$0x3F9D] =	sst s1;
	(tag) =	ssettag s2;
	_ =	strace s9  }
0x27: {  	s1 =	sld [smem:$0x3FAD]  }
0x28: {  	s2 =	sld [smem:$0x3FAE]  }
0x29: {  	s4 =	sld [smem:$0x3FB0]  }
0x2a: {  	p0 =	seq.s32 s5, $0x0;
	s5 =	sld [smem:$0x3FB1]  }
0x2b: {  	s6 =	sld [smem:$0x3FB2]  }
0x2c: {  	s7 =	sld [smem:$0x3FB3]  }
0x2d: {  	s3 =	simm.s32 $0x108;
	s8 =	sld [smem:$0x3FB4]  }
0x2e: {  	s3 =	simm.s32 @!p0 $0x1082;
	s9 =	sld [smem:$0x3FB5]  }
0x2f: {  	lr =	sadd.s32 s0, s3;
	s0 =	sld [smem:$0x3FAC]  }
0x30: {  	s3 =	sld [smem:$0x3FAF]  }
0x31: {  	[smem:$0x3FB8] =	sst s10  }
0x32: {  	s10 =	sld [smem:$0x3FB6];
	_ =	sdelay $0x3  }
0x33: {  	p0 =	seq.s32 s10, $0x1;
	s10 =	sld [smem:$0x3FB8];
	_ =	sdelay $0x3  }
0x34: {  	[smem:$0x3FB8] =	sst s10  }
0x35: {  	s10 =	sld [smem:$0x3FB7];
	_ =	sdelay $0x3  }
0x36: {  	p1 =	seq.s32 s10, $0x1;
	s10 =	sld [smem:$0x3FB8];
	_ =	sdelay $0x3  }
0x37: {  	[smem:$0x3FB8] =	sst s10  }
0x38: {  	s10 =	sld [smem:$0x3FB9]  }
0x39: {  	_ = 	snop;
	(pc) =	sbr.ind lr, $3  }
0x3a: {  	_ = 	snop  }
0x3b: {  	_ = 	snop  }
0x3c: {  	p2 =	seq.s32 s10, $0x1;
	s10 =	sld [smem:$0x3FB8]  }
0x3d: {  	_ =	shalt  }
0x3e: {  	_ =	shalt  }
0x3f: {  	_ =	shalt  }
0x40: {  	_ =	shalt  }
0x41: {  	_ =	shalt  }
0x42: {  	_ =	shalt  }
0x43: {  	_ =	shalt  }
0x44: {  	_ =	shalt  }
0x45: {  	_ =	shalt  }
0x46: {  	_ =	shalt  }
0x47: {  	_ =	shalt  }
0x48: {  	_ =	shalt  }
0x49: {  	_ =	shalt  }
0x4a: {  	_ =	shalt  }
0x4b: {  	_ =	shalt  }
0x4c: {  	_ =	shalt  }
0x4d: {  	_ =	shalt  }
0x4e: {  	_ =	shalt  }
0x4f: {  	_ =	shalt  }
0x50: {  	_ =	shalt  }
0x51: {  	_ =	shalt  }
0x52: {  	_ =	shalt  }
0x53: {  	_ =	shalt  }
0x54: {  	_ =	shalt  }
0x55: {  	_ =	shalt  }
0x56: {  	_ =	shalt  }
0x57: {  	_ =	shalt  }
0x58: {  	_ =	shalt  }
0x59: {  	_ =	shalt  }
0x5a: {  	_ =	shalt  }
0x5b: {  	_ =	shalt  }
0x5c: {  	_ =	shalt  }
0x5d: {  	_ =	shalt  }
0x5e: {  	_ =	shalt  }
0x5f: {  	_ =	shalt  }
0x60: {  	_ =	shalt  }
0x61: {  	_ =	shalt  }
0x62: {  	_ =	shalt  }
0x63: {  	_ =	shalt  }
0x64: {  	_ =	shalt  }
0x65: {  	_ =	shalt  }
0x66: {  	_ =	shalt  }
0x67: {  	_ =	shalt  }
0x68: {  	_ =	shalt  }
0x69: {  	_ =	shalt  }
0x6a: {  	_ =	shalt  }
0x6b: {  	_ =	shalt  }
0x6c: {  	_ =	shalt  }
0x6d: {  	_ =	shalt  }
0x6e: {  	_ =	shalt  }
0x6f: {  	_ =	shalt  }
0x70: {  	_ =	shalt  }
0x71: {  	_ =	shalt  }
0x72: {  	_ =	shalt  }
0x73: {  	_ =	shalt  }
0x74: {  	_ =	shalt  }
0x75: {  	_ =	shalt  }
0x76: {  	_ =	shalt  }
0x77: {  	_ =	shalt  }
0x78: {  	_ =	shalt  }
0x79: {  	_ =	shalt  }
0x7a: {  	_ =	shalt  }
0x7b: {  	_ =	shalt  }
0x7c: {  	_ =	shalt  }
0x7d: {  	_ =	shalt  }
0x7e: {  	_ =	shalt  }
0x7f: {  	_ =	shalt  }
0x80: {  	_ =	shalt  }
0x81: {  	_ =	shalt  }
0x82: {  	_ =	shalt  }
0x83: {  	_ =	shalt  }
0x84: {  	_ =	shalt  }
0x85: {  	_ =	shalt  }
0x86: {  	_ =	shalt  }
0x87: {  	_ =	shalt  }
.Lfunc_end0:
.L_simem_size_0:
called_computation_lowered:
.L_overlay_start_0:
0x88: {  	s2 =	sld [smem:$0x3FD9]  }
0x89: {  	s3 =	sld [smem:$0x3FFE];
	_ =	sdelay $0x1  }
0x8a: {  	s1 =	srdreg.scid  }
0x8b: {  	s0 =	sand.u32 $0x1, s1  }
0x8c: {  	s17 =	sshll.u32 s0, $0xA;
	s2 =	sadd.s32 s3, s2  }
0x8d: {  	s2 =	sadd.s32 s2, s17  }
0x8e: {  	[smem:$0x3FC4] =	sst s2  }
0x8f: {  	_ = 	snop  }
0x90: {  	s2 =	sld [smem:$0x3FC9]  }
0x91: {  	s18 =	sld [smem:$0x3FC8]  }
0x92: {  	s4 =	sld [smem:$0x3FC7];
	(tm) =	ssettm $0x1  }
0x93: {  	s5 =	sld [smem:$0x3FFB];
	_ =	sdelay $0x3  }
0x94: {  	_ =	strace s5  }
0x95: {  	s5 =	sld [smem:$0x3FFC];
	_ =	sdelay $0x3  }
0x96: {  	_ =	strace s5  }
0x97: {  	s5 =	sld [smem:$0x3FFD];
	_ =	sdelay $0x3  }
0x98: {  	_ =	strace s5  }
0x99: {  	_ =	strace $0x8FFFFFFF  }
0x9a: {  	s19 =	sld [smem:$0x3FDB];
	_ =	sdelay $0x1  }
0x9b: {  	s6 =	simm.s32 $_scs_section_size  }
0x9c: {  	s7 =	simm.s32 $_size__tile_overlayer_lowered;
	s8 =	simm.s32 $_tile_overlayer_lowered  }
0x9d: {  	s22 =	simm.s32 $0x1BFF;
	s21 =	sshll.u32 s8, $0x1;
	s5 =	sadd.s32 s6, s19  }
0x9e: {  	s9 =	simm.s32 $0x0;
	s20 =	sshll.u32 s7, $0x1;
	s7 =	sadd.s32 s21, s5  }
0x9f: {  	[timem:s9], [sflag:s22] =	dma.local [hbm:s7], s20  }
0xa0: {  	_ =	swait.ge [sflag:s22], s20  }
0xa1: {  	s6 =	ssub.s32 $0x0, s20;
	[sflag:s22] =	ssyncset.done $0x0  }
0xa2: {  	[sflag:s22] =	ssyncadd.s32 s6;
	_ =	sdelay $0x1  }
0xa3: {  	s23 =	simm.s32 $0x1B8B  }
0xa4: {  	_ =	swait.ge [sflag:s23], $0x1  }
0xa5: {  	[sflag:s23] =	ssyncset.done $0x0  }
0xa6: {  	s25 =	simm.s32 $0x1B8E;
	s24 =	sld [smem:$0x3FFE];
	[sflag:s23] =	ssyncadd.s32 $0xFFFFFFFF  }
0xa7: {  	s26 =	simm.s32 $execute0_lowered;
	[smem:$0x3FD2] =	sst s25  }
0xa8: {  	s7 =	sshll.u32 s26, $0x1;
	_ =	strace $0x80000046;
	[dreg:$0x1] =	wrdreg $0xFFFFFFFF  }
0xa9: {  	s28 =	simm.s32 $_size_execute0_lowered;
	s5 =	sadd.s32 s5, s7;
	[dreg:$0x0] =	wrdreg $0x0  }
0xaa: {  	s7 =	sshll.u32 s28, $0x1;
	[dreg:$0x2] =	wrdreg s5  }
0xab: {  	[dreg:$0x3] =	wrdreg s7  }
0xac: {  	[dreg:$0x4] =	wrdreg $0xC0  }
0xad: {  	_ =	task [dreg:s9], $0x5FFFF  }
0xae: {  	[dreg:$0x1] =	wrdreg $0xFFFFFFFF  }
0xaf: {  	[dreg:$0x0] =	wrdreg $0x60  }
0xb0: {  	[dreg:$0x2] =	wrdreg s2  }
0xb1: {  	[dreg:$0x3] =	wrdreg s4  }
0xb2: {  	[dreg:$0x4] =	wrdreg s18  }
0xb3: {  	[dreg:$0x5] =	wrdreg s24  }
0xb4: {  	[dreg:$0x6] =	wrdreg $0x9  }
0xb5: {  	_ =	task.clear_ibuf [dreg:s9], $0x7FFFF;
	_ =	strace $0x90000046  }
0xb6: {  	s29 =	simm.s32 $0x9;
	_ =	strace $0x80000048  }
0xb7: {  	_ =	swait.ge [sflag:s29], $0x1  }
0xb8: {  	[sflag:s29] =	ssyncadd.s32 $0xFFFFFFFF  }
0xb9: {  	_ =	strace $0x90000048  }
0xba: {  	_ =	sfence  }
0xbb: {  	s30 =	sld [smem:$0x0];
	_ =	sdelay $0x2  }
0xbc: {  	s31 =	sshll.u32 s1, $0xD;
	s1 =	sshrl.u32 s1, $0x2  }
0xbd: {  	s3 =	sand.u32 $0x4000, s31;
	s1 =	sadd.s32 s1, s30  }
0xbe: {  	s0 =	sor.u32 s3, s0;
	s1 =	sshll.u32 s1, $0x11  }
0xbf: {  	s0 =	sor.u32 s1, s0  }
0xc0: {  	s0 =	sadd.s32 $0x8F2B, s0  }
0xc1: {  	[sflag:s0] =	ssyncadd.remote.s32 $0x1  }
0xc2: {  	_ =	sfence.sel $0xFFFF  }
0xc3: {  	[dreg:$0x0] =	wrdreg $0xFFFFFFFF;
	(pc) =	sbr.abs _section_cstart, $3  }
0xc4: {  	[dreg:$0x1] =	wrdreg $0xFFFFFFFF  }
0xc5: {  	_ =	task.clear_ibuf [dreg:s9], $0x2FFFF;
	_ =	strace $0x9FFFFFFF  }
0xc6: {  	(tm) =	ssettm $0x7FFFFFFF  }
0xc7: {  	_ =	shalt  }
tec
execute0_lowered:
.L_overlay_start_1:
0x0: {  	(tag) =	ssettag $0x1  }
0x1: {  	v16 =	vlaneseq.u32;
	vm0 =	vmmov $0xffff;
	v10 =	vimm.s32 $0xB80  }
0x2: {  	vm15 =	vcmask $0x300;
	vm14 =	vcmask $0x704;
	v11 =	vimm.s32 $0x1B80  }
0x3: {  	vm13 =	vcmask $0xB08;
	vm12 =	vcmask $0xF0C;
	vm11 =	vcmask $0x1310  }
0x4: {  	vm10 =	vcmask $0x1714;
	vm9 =	vcmask $0x1B18;
	vm8 =	vcmask $0x1F1C  }
0x5: {  	vm7 =	vcmask $0x2320;
	vm6 =	vcmask $0x2724;
	vm5 =	vcmask $0x2B28  }
0x6: {  	vm4 =	vcmask $0x2F2C;
	vm3 =	vcmask $0x3330;
	vm1 =	vcmask $0x3734  }
0x7: {  	vm2 =	vcmask $0x3B38;
	v14 =	vimm.s32 $0x2B80;
	v15 =	vimm.s32 $0x4B80  }
0x8: {  	v17 =	vimm.s32 $0x5B80;
	v18 =	vimm.s32 $0x6B80;
	v19 =	vimm.s32 $0x7B80  }
0x9: {  	v9 =	vshrl.u32 v16, $0x3;
	v8 =	vand.u32 $0x7, v16;
	v10 =	vsel vm15, $0x0, v10  }
0xa: {  	v11 =	vsel vm15, $0x1000, v11;
	v15 =	vsel vm15, $0x4000, v15;
	v17 =	vsel vm15, $0x5000, v17  }
0xb: {  	v18 =	vsel vm15, $0x6000, v18;
	v19 =	vsel vm15, $0x7000, v19;
	v10 =	vsel vm14, $0x80, v10  }
0xc: {  	v9 =	vmul.u32 $0x8, v9;
	v11 =	vsel vm14, $0x1080, v11;
	v10 =	vsel vm13, $0x100, v10  }
0xd: {  	s0 =	srdreg.scid;
	s1 =	stileid.u32;
	v15 =	vsel vm14, $0x4080, v15;
	v17 =	vsel vm14, $0x5080, v17;
	v10 =	vsel vm12, $0x180, v10  }
0xe: {  	s0 =	sand.u32 $0x1, s0;
	s1 =	sshll.u32 s1, $0x1;
	v18 =	vsel vm14, $0x6080, v18;
	v19 =	vsel vm14, $0x7080, v19;
	v10 =	vsel vm11, $0x200, v10  }
0xf: {  	s2 =	sor.u32 s0, s1;
	v11 =	vsel vm13, $0x1100, v11;
	v15 =	vsel vm13, $0x4100, v15;
	v10 =	vsel vm10, $0x280, v10  }
0x10: {  	s1 =	sshll.u32 s2, $0xB;
	v17 =	vsel vm13, $0x5100, v17;
	v18 =	vsel vm13, $0x6100, v18;
	v10 =	vsel vm9, $0x300, v10  }
0x11: {  	v19 =	vsel vm13, $0x7100, v19;
	v0 =	vmov s1;
	v10 =	vsel vm8, $0x380, v10  }
0x12: {  	v11 =	vsel vm12, $0x1180, v11;
	v15 =	vsel vm12, $0x4180, v15;
	v10 =	vsel vm7, $0x800, v10  }
0x13: {  	s3 =	sor.u32 $0x100, s1;
	v17 =	vsel vm12, $0x5180, v17;
	v18 =	vsel vm12, $0x6180, v18;
	v10 =	vsel vm6, $0x880, v10  }
0x14: {  	s24 =	rddreg [dreg:$0x1];
	s4 =	sor.u32 $0x200, s1;
	s20 =	sor.u32 $0x300, s1;
	v19 =	vsel vm12, $0x7180, v19;
	v1 =	vmov s3;
	v10 =	vsel vm5, $0x900, v10  }
0x15: {  	s5 =	rddreg [dreg:$0x2];
	v2 =	vmov s4;
	v3 =	vmov s20;
	v10 =	vsel vm4, $0x980, v10  }
0x16: {  	s21 =	sor.u32 $0x400, s1;
	s22 =	sor.u32 $0x500, s1;
	s23 =	sor.u32 $0x600, s1;
	v12 =	vsel vm3, $0xA00, v10;
	v10 =	vor.u32 $0x8, v16;
	v16 =	vmul.u32 $0x4, v16  }
0x17: {  	s6 =	rddreg [dreg:$0x3];
	s1 =	sor.u32 $0x700, s1;
	v4 =	vmov s21;
	v5 =	vmov s22;
	v6 =	vmov s23;
	s3 =	simm.s32 $0x0  }
0x18: {  	v7 =	vmov s1;
	v11 =	vsel vm11, $0x1200, v11;
	[smem:$0x7FF] =	sst s3;
	v20 =	vor.u32 $0x1, v16  }
0x19: {  	v15 =	vsel vm11, $0x4200, v15;
	s1 =	rddreg [dreg:$0x0];
	v17 =	vsel vm11, $0x5200, v17;
	_ =	strace $0x80000047;
	[tilespmem:$0x1FD50] =	vst v20;
	v20 =	vor.u32 $0x2, v16  }
0x1a: {  	v18 =	vsel vm11, $0x6200, v18;
	v19 =	vsel vm11, $0x7200, v19;
	[tilespmem:$0x1FD60] =	vst v20;
	v20 =	vor.u32 $0x3, v16  }
0x1b: {  	v11 =	vsel vm10, $0x1280, v11;
	v15 =	vsel vm10, $0x4280, v15;
	[tilespmem:$0x1FD70] =	vst v20;
	v20 =	vor.u32 $0x40, v16  }
0x1c: {  	v17 =	vsel vm10, $0x5280, v17;
	v18 =	vsel vm10, $0x6280, v18;
	[tilespmem:$0x1FD80] =	vst v20;
	v20 =	vor.u32 $0x41, v16  }
0x1d: {  	v19 =	vsel vm10, $0x7280, v19;
	v11 =	vsel vm9, $0x1300, v11;
	[tilespmem:$0x1FD90] =	vst v20;
	v20 =	vor.u32 $0x42, v16  }
0x1e: {  	v15 =	vsel vm9, $0x4300, v15;
	v17 =	vsel vm9, $0x5300, v17;
	[tilespmem:$0x1FDA0] =	vst v20;
	v20 =	vor.u32 $0x43, v16  }
0x1f: {  	v18 =	vsel vm9, $0x6300, v18;
	v19 =	vsel vm9, $0x7300, v19;
	[tilespmem:$0x1FDB0] =	vst v20;
	v20 =	vor.u32 $0x80, v16  }
0x20: {  	v11 =	vsel vm8, $0x1380, v11;
	v15 =	vsel vm8, $0x4380, v15;
	[tilespmem:$0x1FDC0] =	vst v20;
	v20 =	vor.u32 $0x81, v16  }
0x21: {  	v17 =	vsel vm8, $0x5380, v17;
	v18 =	vsel vm8, $0x6380, v18;
	[tilespmem:$0x1FDD0] =	vst v20;
	v20 =	vor.u32 $0x82, v16  }
0x22: {  	v19 =	vsel vm8, $0x7380, v19;
	v11 =	vsel vm7, $0x1800, v11;
	[tilespmem:$0x1FDE0] =	vst v20;
	v20 =	vor.u32 $0x83, v16  }
0x23: {  	v15 =	vsel vm7, $0x4800, v15;
	v17 =	vsel vm7, $0x5800, v17;
	[tilespmem:$0x1FDF0] =	vst v20;
	v20 =	vor.u32 $0xC0, v16  }
0x24: {  	v18 =	vsel vm7, $0x6800, v18;
	v19 =	vsel vm7, $0x7800, v19;
	[tilespmem:$0x1FE00] =	vst v20;
	v20 =	vor.u32 $0xC1, v16  }
0x25: {  	v11 =	vsel vm6, $0x1880, v11;
	v15 =	vsel vm6, $0x4880, v15;
	[tilespmem:$0x1FE10] =	vst v20;
	v20 =	vor.u32 $0xC2, v16  }
0x26: {  	v17 =	vsel vm6, $0x5880, v17;
	v18 =	vsel vm6, $0x6880, v18;
	[tilespmem:$0x1FE20] =	vst v20;
	v20 =	vor.u32 $0xC3, v16  }
0x27: {  	v19 =	vsel vm6, $0x7880, v19;
	v11 =	vsel vm5, $0x1900, v11;
	[tilespmem:$0x1FE30] =	vst v20;
	v20 =	vor.u32 $0x100, v16  }
0x28: {  	v15 =	vsel vm5, $0x4900, v15;
	v17 =	vsel vm5, $0x5900, v17;
	[tilespmem:$0x1FE40] =	vst v20;
	v20 =	vor.u32 $0x101, v16  }
0x29: {  	v18 =	vsel vm5, $0x6900, v18;
	v19 =	vsel vm5, $0x7900, v19;
	[tilespmem:$0x1FE50] =	vst v20;
	v20 =	vor.u32 $0x102, v16  }
0x2a: {  	v11 =	vsel vm4, $0x1980, v11;
	v15 =	vsel vm4, $0x4980, v15;
	[tilespmem:$0x1FE60] =	vst v20;
	v20 =	vor.u32 $0x103, v16  }
0x2b: {  	v17 =	vsel vm4, $0x5980, v17;
	v18 =	vsel vm4, $0x6980, v18;
	[tilespmem:$0x1FE70] =	vst v20;
	v20 =	vor.u32 $0x140, v16  }
0x2c: {  	v19 =	vsel vm4, $0x7980, v19;
	v11 =	vsel vm3, $0x1A00, v11;
	[tilespmem:$0x1FE80] =	vst v20;
	v20 =	vor.u32 $0x141, v16  }
0x2d: {  	v15 =	vsel vm3, $0x4A00, v15;
	v17 =	vsel vm3, $0x5A00, v17;
	[tilespmem:$0x1FE90] =	vst v20;
	v20 =	vor.u32 $0x142, v16  }
0x2e: {  	v18 =	vsel vm3, $0x6A00, v18;
	v19 =	vsel vm3, $0x7A00, v19;
	[tilespmem:$0x1FEA0] =	vst v20;
	v20 =	vor.u32 $0x143, v16  }
0x2f: {  	v12 =	vsel vm1, $0xA80, v12;
	v13 =	vsel vm1, $0x1A80, v11;
	[tilespmem:$0x1FEB0] =	vst v20;
	v20 =	vor.u32 $0x180, v16  }
0x30: {  	v15 =	vsel vm1, $0x4A80, v15;
	v17 =	vsel vm1, $0x5A80, v17;
	[tilespmem:$0x1FEC0] =	vst v20;
	v20 =	vor.u32 $0x181, v16  }
0x31: {  	v18 =	vsel vm1, $0x6A80, v18;
	v19 =	vsel vm1, $0x7A80, v19;
	[tilespmem:$0x1FED0] =	vst v20;
	v20 =	vor.u32 $0x182, v16  }
0x32: {  	v11 =	vsel vm2, $0xB00, v12;
	v12 =	vsel vm2, $0x1B00, v13;
	[tilespmem:$0x1FEE0] =	vst v20;
	v20 =	vor.u32 $0x183, v16  }
0x33: {  	v13 =	vsel vm15, $0x2000, v14;
	v14 =	vimm.s32 $0x3B80;
	[tilespmem:$0x1FEF0] =	vst v20;
	v20 =	vor.u32 $0x1C0, v16  }
0x34: {  	v15 =	vsel vm2, $0x4B00, v15;
	v17 =	vsel vm2, $0x5B00, v17;
	[tilespmem:$0x1FF00] =	vst v20;
	v20 =	vor.u32 $0x1C1, v16  }
0x35: {  	v18 =	vsel vm2, $0x6B00, v18;
	v14 =	vsel vm15, $0x3000, v14;
	[tilespmem:$0x1FF10] =	vst v20;
	v20 =	vor.u32 $0x1C2, v16  }
0x36: {  	s31 =	simm.s32 $0x18E00;
	s14 =	simm.s32 $0x10600;
	v13 =	vsel vm14, $0x2080, v13;
	v14 =	vsel vm14, $0x3080, v14;
	[tilespmem:$0x1FF20] =	vst v20;
	v20 =	vor.u32 $0x1C3, v16  }
0x37: {  	s11 =	simm.s32 $0x12600;
	s12 =	simm.s32 $0x12E00;
	v13 =	vsel vm13, $0x2100, v13;
	v14 =	vsel vm13, $0x3100, v14;
	[tilespmem:$0x1FF30] =	vst v20;
	v20 =	vor.u32 $0x200, v16  }
0x38: {  	s30 =	simm.s32 $0x100;
	s13 =	simm.s32 $0x13600;
	s15 =	simm.s32 $0x13E00;
	v13 =	vsel vm12, $0x2180, v13;
	v14 =	vsel vm12, $0x3180, v14;
	[tilespmem:$0x1FF40] =	vst v20;
	v20 =	vor.u32 $0x201, v16  }
0x39: {  	s28 =	simm.s32 $0x4;
	s16 =	simm.s32 $0x14600;
	s17 =	simm.s32 $0x14E00;
	v13 =	vsel vm11, $0x2200, v13;
	v14 =	vsel vm11, $0x3200, v14;
	[tilespmem:$0x1FF50] =	vst v20;
	v20 =	vor.u32 $0x202, v16  }
0x3a: {  	s9 =	simm.s32 $0x15E00;
	s10 =	simm.s32 $0x16600;
	s0 =	ssub.s32 $0x2, s0;
	v13 =	vsel vm10, $0x2280, v13;
	v14 =	vsel vm10, $0x3280, v14;
	[tilespmem:$0x1FF60] =	vst v20;
	v20 =	vor.u32 $0x203, v16  }
0x3b: {  	s7 =	sshll.u32 s2, $0x4;
	s8 =	sshll.u32 s2, $0x5;
	s2 =	sshll.u32 s2, $0x7;
	v13 =	vsel vm9, $0x2300, v13;
	v14 =	vsel vm9, $0x3300, v14;
	[tilespmem:$0x1FF70] =	vst v20;
	v20 =	vor.u32 $0x240, v16  }
0x3c: {  	s26 =	sshrl.u32 s0, $0x1;
	s7 =	sadd.s32 s7, s6;
	s25 =	sadd.s32 s5, s8;
	v13 =	vsel vm8, $0x2380, v13;
	v14 =	vsel vm8, $0x3380, v14;
	[tilespmem:$0x1FF80] =	vst v20;
	v20 =	vor.u32 $0x241, v16  }
0x3d: {  	s2 =	sadd.s32 s6, s2;
	s0 =	ssub.s32 s0, s26;
	s4 =	sadd.s32 s24, s8;
	v13 =	vsel vm7, $0x2800, v13;
	v14 =	vsel vm7, $0x3800, v14;
	[tilespmem:$0x1FF90] =	vst v20;
	v20 =	vor.u32 $0x242, v16  }
0x3e: {  	s6 =	simm.s32 $0x18A00;
	s5 =	simm.s32 $0x11E00;
	[dreg:$0x5] =	wrdreg s4;
	v13 =	vsel vm6, $0x2880, v13;
	v14 =	vsel vm6, $0x3880, v14;
	[tilespmem:$0x1FFA0] =	vst v20;
	v20 =	vor.u32 $0x243, v16  }
0x3f: {  	s29 =	sadd.s32 $0x1000, s7;
	s7 =	simm.s32 $0x600;
	[dreg:$0x6] =	wrdreg s25;
	v13 =	vsel vm5, $0x2900, v13;
	v14 =	vsel vm5, $0x3900, v14;
	[tilespmem:$0x1FFB0] =	vst v20;
	v20 =	vor.u32 $0x280, v16  }
0x40: {  	s23 =	simm.s32 $0x8600;
	s8 =	simm.s32 $0x15600;
	[dreg:$0x7] =	wrdreg s2;
	v13 =	vsel vm4, $0x2980, v13;
	v14 =	vsel vm4, $0x3980, v14;
	[tilespmem:$0x1FFC0] =	vst v20;
	v20 =	vor.u32 $0x281, v16  }
0x41: {  	s20 =	simm.s32 $0x16E00;
	s21 =	simm.s32 $0x17600;
	[dreg:$0x8] =	wrdreg s29;
	v13 =	vsel vm3, $0x2A00, v13;
	v14 =	vsel vm3, $0x3A00, v14;
	[tilespmem:$0x1FFD0] =	vst v20;
	v20 =	vor.u32 $0x282, v16  }
0x42: {  	s22 =	simm.s32 $0x17E00;
	s24 =	simm.s32 $0x1;
	[dreg:$0x9] =	wrdreg s30;
	v13 =	vsel vm1, $0x2A80, v13;
	v14 =	vsel vm1, $0x3A80, v14;
	[tilespmem:$0x1FFE0] =	vst v20;
	v20 =	vor.u32 $0x283, v16  }
0x43: {  	s4 =	smax.u32 s0, $0x1;
	[dreg:$0xa] =	wrdreg s31;
	s2 =	simm.s32 $0x11600;
	v19 =	vsel vm2, $0x7B00, v19;
	v13 =	vsel vm2, $0x2B00, v13;
	v14 =	vsel vm2, $0x3B00, v14;
	[tilespmem:$0x1FFF0] =	vst v20  }
.LBB2_1:
0x44: {  	s18 =	rddreg [dreg:$0x5]  }
0x45: {  	[tilespmem:s3], [sflag:$0x4] =	stream.linear.gather [hbm4b:s18+s3], $0x100, $0x38;
	[tilespmem:$0x18E80] =	vst v63  }
0x46: {  	_ =	swait.ge [sflag:s28], $0x100  }
0x47: {  	s31 =	rddreg [dreg:$0x6];
	[sflag:s28] =	ssyncset.done $0x0  }
0x48: {  	s19 =	rddreg [dreg:$0x9];
	[sflag:s28] =	ssyncadd.s32 $0xFFFFFF00  }
0x49: {  	[tilespmem:s19], [sflag:$0x4] =	stream.linear.gather [hbm4b:s31+s3], $0x100, $0x38;
	[tilespmem:$0x18E80] =	vst v63  }
0x4a: {  	_ =	swait.ge [sflag:s28], $0x100  }
0x4b: {  	[sflag:s28] =	ssyncset.done $0x0  }
0x4c: {  	s0 =	rddreg [dreg:$0x7];
	[sflag:s28] =	ssyncadd.s32 $0xFFFFFF00  }
0x4d: {  	[tilespmem:s6], [sflag:$0x4] =	stream.linear.gather [hbm4b:s0+s3], $0x400, $0x38;
	[tilespmem:$0x18E80] =	vst v63  }
0x4e: {  	_ =	swait.ge [sflag:s28], $0x400  }
0x4f: {  	[sflag:s28] =	ssyncset.done $0x0  }
0x50: {  	[sflag:s28] =	ssyncadd.s32 $0xFFFFFC00  }
0x51: {  	v20 =	vld [tilespmem:$0x0];
	_ =	sdelay $0x3  }
0x52: {  	v22 =	vld [tilespmem:$0x10]  }
0x53: {  	v20 =	vshra.s32 v20, $0x8  }
0x54: {  	v21 =	vadd.s32 v0, v20  }
0x55: {  	v23 =	vadd.s32 v1, v20;
	[tilespmem:$0x200] =	vst v21  }
0x56: {  	v24 =	vld [tilespmem:$0x20];
	v49 =	vadd.s32 v2, v20;
	[tilespmem:$0x280] =	vst v23  }
0x57: {  	v22 =	vshra.s32 v22, $0x8;
	v50 =	vadd.s32 v3, v20;
	[tilespmem:$0x300] =	vst v49  }
0x58: {  	v51 =	vadd.s32 v0, v22;
	[tilespmem:$0x380] =	vst v50  }
0x59: {  	v52 =	vadd.s32 v1, v22;
	[tilespmem:$0x210] =	vst v51  }
0x5a: {  	v25 =	vld [tilespmem:$0x30];
	v53 =	vadd.s32 v2, v22;
	[tilespmem:$0x290] =	vst v52  }
0x5b: {  	v54 =	vshra.s32 v24, $0x8;
	v22 =	vadd.s32 v3, v22;
	[tilespmem:$0x310] =	vst v53  }
0x5c: {  	v55 =	vadd.s32 v0, v54;
	[tilespmem:$0x390] =	vst v22  }
0x5d: {  	v56 =	vadd.s32 v1, v54;
	[tilespmem:$0x220] =	vst v55  }
0x5e: {  	v58 =	vld [tilespmem:$0x40];
	v57 =	vadd.s32 v2, v54;
	[tilespmem:$0x2A0] =	vst v56  }
0x5f: {  	v60 =	vshra.s32 v25, $0x8;
	v59 =	vadd.s32 v3, v54;
	[tilespmem:$0x320] =	vst v57  }
0x60: {  	v61 =	vadd.s32 v0, v60;
	[tilespmem:$0x3A0] =	vst v59  }
0x61: {  	v62 =	vadd.s32 v1, v60;
	[tilespmem:$0x230] =	vst v61  }
0x62: {  	v28 =	vld [tilespmem:$0x50];
	v63 =	vadd.s32 v2, v60;
	[tilespmem:$0x2B0] =	vst v62  }
0x63: {  	v30 =	vshra.s32 v58, $0x8;
	v29 =	vadd.s32 v3, v60;
	[tilespmem:$0x330] =	vst v63  }
0x64: {  	v31 =	vadd.s32 v0, v30;
	[tilespmem:$0x3B0] =	vst v29  }
0x65: {  	v32 =	vadd.s32 v1, v30;
	[tilespmem:$0x240] =	vst v31  }
0x66: {  	v34 =	vld [tilespmem:$0x60];
	v33 =	vadd.s32 v2, v30;
	[tilespmem:$0x2C0] =	vst v32  }
0x67: {  	v36 =	vshra.s32 v28, $0x8;
	v35 =	vadd.s32 v3, v30;
	[tilespmem:$0x340] =	vst v33  }
0x68: {  	v37 =	vadd.s32 v0, v36;
	[tilespmem:$0x3C0] =	vst v35  }
0x69: {  	v38 =	vadd.s32 v1, v36;
	[tilespmem:$0x250] =	vst v37  }
0x6a: {  	v40 =	vld [tilespmem:$0x70];
	v39 =	vadd.s32 v2, v36;
	[tilespmem:$0x2D0] =	vst v38  }
0x6b: {  	v42 =	vshra.s32 v34, $0x8;
	v41 =	vadd.s32 v3, v36;
	[tilespmem:$0x350] =	vst v39  }
0x6c: {  	v43 =	vadd.s32 v0, v42;
	[tilespmem:$0x3D0] =	vst v41  }
0x6d: {  	v44 =	vadd.s32 v1, v42;
	[tilespmem:$0x260] =	vst v43  }
0x6e: {  	v46 =	vld [tilespmem:$0x80];
	v45 =	vadd.s32 v2, v42;
	[tilespmem:$0x2E0] =	vst v44  }
0x6f: {  	v48 =	vshra.s32 v40, $0x8;
	v47 =	vadd.s32 v3, v42;
	[tilespmem:$0x360] =	vst v45  }
0x70: {  	[tilespmem:$0x3E0] =	vst v47;
	v49 =	vadd.s32 v0, v48  }
0x71: {  	v50 =	vadd.s32 v1, v48;
	[tilespmem:$0x270] =	vst v49  }
0x72: {  	v58 =	vld [tilespmem:$0xA0];
	v51 =	vadd.s32 v2, v48;
	[tilespmem:$0x2F0] =	vst v50  }
0x73: {  	v54 =	vshra.s32 v46, $0x8;
	v53 =	vadd.s32 v3, v48;
	[tilespmem:$0x370] =	vst v51  }
0x74: {  	v55 =	vadd.s32 v4, v54;
	[tilespmem:$0x3F0] =	vst v53  }
0x75: {  	v56 =	vadd.s32 v5, v54;
	[tilespmem:$0x400] =	vst v55  }
0x76: {  	v28 =	vld [tilespmem:$0xB0];
	v57 =	vadd.s32 v6, v54;
	[tilespmem:$0x480] =	vst v56  }
0x77: {  	v59 =	vadd.s32 v7, v54;
	[tilespmem:$0x500] =	vst v57;
	v30 =	vshra.s32 v58, $0x8  }
0x78: {  	[tilespmem:$0x580] =	vst v59;
	v31 =	vadd.s32 v4, v30  }
0x79: {  	v32 =	vadd.s32 v5, v30;
	[tilespmem:$0x420] =	vst v31  }
0x7a: {  	v34 =	vld [tilespmem:$0xC0];
	v33 =	vadd.s32 v6, v30;
	[tilespmem:$0x4A0] =	vst v32  }
0x7b: {  	v36 =	vshra.s32 v28, $0x8;
	v35 =	vadd.s32 v7, v30;
	[tilespmem:$0x520] =	vst v33  }
0x7c: {  	v37 =	vadd.s32 v4, v36;
	[tilespmem:$0x5A0] =	vst v35  }
0x7d: {  	v38 =	vadd.s32 v5, v36;
	[tilespmem:$0x430] =	vst v37  }
0x7e: {  	v40 =	vld [tilespmem:$0xD0];
	v39 =	vadd.s32 v6, v36;
	[tilespmem:$0x4B0] =	vst v38  }
0x7f: {  	v42 =	vshra.s32 v34, $0x8;
	v41 =	vadd.s32 v7, v36;
	[tilespmem:$0x530] =	vst v39  }
0x80: {  	v43 =	vadd.s32 v4, v42;
	[tilespmem:$0x5B0] =	vst v41  }
0x81: {  	v44 =	vadd.s32 v5, v42;
	[tilespmem:$0x440] =	vst v43  }
0x82: {  	v46 =	vld [tilespmem:$0xE0];
	v45 =	vadd.s32 v6, v42;
	[tilespmem:$0x4C0] =	vst v44  }
0x83: {  	v48 =	vshra.s32 v40, $0x8;
	v47 =	vadd.s32 v7, v42;
	[tilespmem:$0x540] =	vst v45  }
0x84: {  	v49 =	vadd.s32 v4, v48;
	[tilespmem:$0x5C0] =	vst v47  }
0x85: {  	v52 =	vld [tilespmem:$0x90];
	v50 =	vadd.s32 v5, v48;
	[tilespmem:$0x450] =	vst v49  }
0x86: {  	v51 =	vadd.s32 v6, v48;
	[tilespmem:$0x4D0] =	vst v50  }
0x87: {  	v53 =	vadd.s32 v7, v48;
	v54 =	vshra.s32 v46, $0x8;
	[tilespmem:$0x550] =	vst v51  }
0x88: {  	[tilespmem:$0x5D0] =	vst v53;
	v55 =	vadd.s32 v4, v54  }
0x89: {  	v56 =	vadd.s32 v5, v54;
	[tilespmem:$0x460] =	vst v55  }
0x8a: {  	v60 =	vshra.s32 v52, $0x8;
	v52 =	vld [tilespmem:$0xF0];
	v57 =	vadd.s32 v6, v54;
	[tilespmem:$0x4E0] =	vst v56  }
0x8b: {  	v21 =	vshll.u32 v21, $0x1;
	v59 =	vadd.s32 v7, v54;
	[tilespmem:$0x560] =	vst v57  }
0x8c: {  	v20 =	vand.u32 $0x7, v20;
	v21 =	vand.u32 $0xFFFFFFF0, v21;
	v61 =	vadd.s32 v4, v60;
	[tilespmem:$0x5E0] =	vst v59  }
0x8d: {  	v20 =	vor.u32 v20, v21;
	v62 =	vadd.s32 v5, v60;
	[tilespmem:$0x410] =	vst v61  }
0x8e: {  	v58 =	vperm.xlane v20, v8;
	v63 =	vadd.s32 v6, v60;
	[tilespmem:$0x490] =	vst v62  }
0x8f: {  	v29 =	vadd.s32 v7, v60;
	[tilespmem:$0x510] =	vst v63;
	v60 =	vshra.s32 v52, $0x8  }
0x90: {  	v20 =	vperm.xlane v20, v10;
	v22 =	vadd.s32 v9, v58;
	[tilespmem:$0x590] =	vst v29;
	v61 =	vadd.s32 v4, v60  }
0x91: {  	v62 =	vadd.s32 v5, v60;
	[tilespmem:$0x470] =	vst v61  }
0x92: {  	v20 =	vadd.s32 v9, v20;
	v63 =	vadd.s32 v6, v60;
	[tilespmem:$0x4F0] =	vst v62  }
0x93: {  	v24 =	vadd.s32 v7, v60;
	[tilespmem:$0x570] =	vst v63  }
0x94: {  	[tilespmem:$0x5F0] =	vst v24  }
0x95: {  	[tilespmem:s7], [sflag:$0x1] =	stream.indirect_vreg.gather [hbm4b:s1+s3], $0x80, v22, vm0, $0xb8;
	[tilespmem:$0x18E80] =	vst v63  }
0x96: {  	s0 =	simm.s32 $0xE00  }
0x97: {  	[tilespmem:s0], [sflag:$0x1] =	stream.indirect_vreg.gather [hbm4b:s1+s3], $0x80, v20, vm0, $0xb8;
	[tilespmem:$0x18E80] =	vst v63  }
0x98: {  	v20 =	vld [tilespmem:$0x210];
	_ =	sdelay $0x4  }
0x99: {  	v25 =	vshll.u32 v20, $0x1  }
0x9a: {  	v20 =	vand.u32 $0x7, v20;
	v21 =	vand.u32 $0xFFFFFFF0, v25  }
0x9b: {  	v20 =	vor.u32 v20, v21  }
0x9c: {  	v21 =	vperm.xlane v20, v8;
	_ =	sdelay $0x1  }
0x9d: {  	v20 =	vperm.xlane v20, v10;
	v21 =	vadd.s32 v9, v21;
	_ =	sdelay $0x1  }
0x9e: {  	v20 =	vadd.s32 v9, v20;
	_ =	sdelay $0x1  }
0x9f: {  	s19 =	simm.s32 $0x1600  }
0xa0: {  	[tilespmem:s19], [sflag:$0x1] =	stream.indirect_vreg.gather [hbm4b:s1+s3], $0x80, v21, vm0, $0xb8;
	[tilespmem:$0x18E80] =	vst v63  }
0xa1: {  	s25 =	simm.s32 $0x1E00  }
0xa2: {  	[tilespmem:s25], [sflag:$0x1] =	stream.indirect_vreg.gather [hbm4b:s1+s3], $0x80, v20, vm0, $0xb8;
	[tilespmem:$0x18E80] =	vst v63  }
0xa3: {  	v20 =	vld [tilespmem:$0x220];
	_ =	sdelay $0x4  }
0xa4: {  	v26 =	vshll.u32 v20, $0x1  }
0xa5: {  	v20 =	vand.u32 $0x7, v20;
	v21 =	vand.u32 $0xFFFFFFF0, v26  }
0xa6: {  	v20 =	vor.u32 v20, v21  }
0xa7: {  	v21 =	vperm.xlane v20, v8;
	_ =	sdelay $0x1  }
0xa8: {  	v20 =	vperm.xlane v20, v10;
	v21 =	vadd.s32 v9, v21;
	_ =	sdelay $0x1  }
0xa9: {  	v20 =	vadd.s32 v9, v20;
	_ =	sdelay $0x1  }
0xaa: {  	s26 =	simm.s32 $0x2600  }
0xab: {  	[tilespmem:s26], [sflag:$0x1] =	stream.indirect_vreg.gather [hbm4b:s1+s3], $0x80, v21, vm0, $0xb8;
	[tilespmem:$0x18E80] =	vst v63  }
0xac: {  	s29 =	simm.s32 $0x2E00  }
0xad: {  	[tilespmem:s29], [sflag:$0x1] =	stream.indirect_vreg.gather [hbm4b:s1+s3], $0x80, v20, vm0, $0xb8;
	[tilespmem:$0x18E80] =	vst v63  }
0xae: {  	v20 =	vld [tilespmem:$0x230];
	_ =	sdelay $0x4  }
0xaf: {  	v27 =	vshll.u32 v20, $0x1  }
0xb0: {  	v20 =	vand.u32 $0x7, v20;
	v21 =	vand.u32 $0xFFFFFFF0, v27  }
0xb1: {  	v20 =	vor.u32 v20, v21  }
0xb2: {  	v21 =	vperm.xlane v20, v8;
	_ =	sdelay $0x1  }
0xb3: {  	v20 =	vperm.xlane v20, v10;
	v21 =	vadd.s32 v9, v21;
	_ =	sdelay $0x1  }
0xb4: {  	v20 =	vadd.s32 v9, v20;
	_ =	sdelay $0x1  }
0xb5: {  	s31 =	simm.s32 $0x3600  }
0xb6: {  	[tilespmem:s31], [sflag:$0x1] =	stream.indirect_vreg.gather [hbm4b:s1+s3], $0x80, v21, vm0, $0xb8;
	[tilespmem:$0x18E80] =	vst v63  }
0xb7: {  	s25 =	simm.s32 $0x3E00  }
0xb8: {  	[tilespmem:s25], [sflag:$0x1] =	stream.indirect_vreg.gather [hbm4b:s1+s3], $0x80, v20, vm0, $0xb8;
	[tilespmem:$0x18E80] =	vst v63  }
0xb9: {  	v20 =	vld [tilespmem:$0x240];
	_ =	sdelay $0x4  }
0xba: {  	v28 =	vshll.u32 v20, $0x1  }
0xbb: {  	v20 =	vand.u32 $0x7, v20;
	v21 =	vand.u32 $0xFFFFFFF0, v28  }
0xbc: {  	v20 =	vor.u32 v20, v21  }
0xbd: {  	v21 =	vperm.xlane v20, v8;
	_ =	sdelay $0x1  }
0xbe: {  	v20 =	vperm.xlane v20, v10;
	v21 =	vadd.s32 v9, v21;
	_ =	sdelay $0x1  }
0xbf: {  	v20 =	vadd.s32 v9, v20;
	_ =	sdelay $0x1  }
0xc0: {  	s26 =	simm.s32 $0x4600  }
0xc1: {  	[tilespmem:s26], [sflag:$0x1] =	stream.indirect_vreg.gather [hbm4b:s1+s3], $0x80, v21, vm0, $0xb8;
	[tilespmem:$0x18E80] =	vst v63  }
0xc2: {  	s29 =	simm.s32 $0x4E00  }
0xc3: {  	[tilespmem:s29], [sflag:$0x1] =	stream.indirect_vreg.gather [hbm4b:s1+s3], $0x80, v20, vm0, $0xb8;
	[tilespmem:$0x18E80] =	vst v63  }
0xc4: {  	v20 =	vld [tilespmem:$0x250];
	_ =	sdelay $0x4  }
0xc5: {  	v29 =	vshll.u32 v20, $0x1  }
0xc6: {  	v20 =	vand.u32 $0x7, v20;
	v21 =	vand.u32 $0xFFFFFFF0, v29  }
0xc7: {  	v20 =	vor.u32 v20, v21  }
0xc8: {  	v21 =	vperm.xlane v20, v8;
	_ =	sdelay $0x1  }
0xc9: {  	v20 =	vperm.xlane v20, v10;
	v21 =	vadd.s32 v9, v21;
	_ =	sdelay $0x1  }
0xca: {  	v20 =	vadd.s32 v9, v20;
	_ =	sdelay $0x1  }
0xcb: {  	s31 =	simm.s32 $0x5600  }
0xcc: {  	[tilespmem:s31], [sflag:$0x1] =	stream.indirect_vreg.gather [hbm4b:s1+s3], $0x80, v21, vm0, $0xb8;
	[tilespmem:$0x18E80] =	vst v63  }
0xcd: {  	s29 =	simm.s32 $0x5E00  }
0xce: {  	[tilespmem:s29], [sflag:$0x1] =	stream.indirect_vreg.gather [hbm4b:s1+s3], $0x80, v20, vm0, $0xb8;
	[tilespmem:$0x18E80] =	vst v63  }
0xcf: {  	v20 =	vld [tilespmem:$0x260];
	_ =	sdelay $0x4  }
0xd0: {  	v30 =	vshll.u32 v20, $0x1  }
0xd1: {  	v20 =	vand.u32 $0x7, v20;
	v21 =	vand.u32 $0xFFFFFFF0, v30  }
0xd2: {  	v20 =	vor.u32 v20, v21  }
0xd3: {  	v21 =	vperm.xlane v20, v8;
	_ =	sdelay $0x1  }
0xd4: {  	v20 =	vperm.xlane v20, v10;
	v21 =	vadd.s32 v9, v21;
	_ =	sdelay $0x1  }
0xd5: {  	v20 =	vadd.s32 v9, v20;
	_ =	sdelay $0x1  }
0xd6: {  	s31 =	simm.s32 $0x6600  }
0xd7: {  	[tilespmem:s31], [sflag:$0x1] =	stream.indirect_vreg.gather [hbm4b:s1+s3], $0x80, v21, vm0, $0xb8;
	[tilespmem:$0x18E80] =	vst v63  }
0xd8: {  	s29 =	simm.s32 $0x6E00  }
0xd9: {  	[tilespmem:s29], [sflag:$0x1] =	stream.indirect_vreg.gather [hbm4b:s1+s3], $0x80, v20, vm0, $0xb8;
	[tilespmem:$0x18E80] =	vst v63  }
0xda: {  	v20 =	vld [tilespmem:$0x270];
	_ =	sdelay $0x4  }
0xdb: {  	v31 =	vshll.u32 v20, $0x1  }
0xdc: {  	v20 =	vand.u32 $0x7, v20;
	v21 =	vand.u32 $0xFFFFFFF0, v31  }
0xdd: {  	v20 =	vor.u32 v20, v21  }
0xde: {  	v21 =	vperm.xlane v20, v8;
	_ =	sdelay $0x1  }
0xdf: {  	v20 =	vperm.xlane v20, v10;
	v21 =	vadd.s32 v9, v21;
	_ =	sdelay $0x1  }
0xe0: {  	v20 =	vadd.s32 v9, v20;
	_ =	sdelay $0x1  }
0xe1: {  	s31 =	simm.s32 $0x7600  }
0xe2: {  	[tilespmem:s31], [sflag:$0x1] =	stream.indirect_vreg.gather [hbm4b:s1+s3], $0x80, v21, vm0, $0xb8;
	[tilespmem:$0x18E80] =	vst v63  }
0xe3: {  	s31 =	simm.s32 $0x7E00  }
0xe4: {  	[tilespmem:s31], [sflag:$0x1] =	stream.indirect_vreg.gather [hbm4b:s1+s3], $0x80, v20, vm0, $0xb8;
	[tilespmem:$0x18E80] =	vst v63  }
0xe5: {  	v20 =	vld [tilespmem:$0x280];
	_ =	sdelay $0x4  }
0xe6: {  	v32 =	vshll.u32 v20, $0x1  }
0xe7: {  	v20 =	vand.u32 $0x7, v20;
	v21 =	vand.u32 $0xFFFFFFF0, v32  }
0xe8: {  	v20 =	vor.u32 v20, v21  }
0xe9: {  	v21 =	vperm.xlane v20, v8;
	_ =	sdelay $0x1  }
0xea: {  	v20 =	vperm.xlane v20, v10;
	v21 =	vadd.s32 v9, v21;
	_ =	sdelay $0x1  }
0xeb: {  	v20 =	vadd.s32 v9, v20;
	_ =	sdelay $0x2  }
0xec: {  	[tilespmem:s23], [sflag:$0x2] =	stream.indirect_vreg.gather [hbm4b:s1+s3], $0x80, v21, vm0, $0xb8;
	[tilespmem:$0x18E80] =	vst v63  }
0xed: {  	s0 =	simm.s32 $0x8E00  }
0xee: {  	[tilespmem:s0], [sflag:$0x2] =	stream.indirect_vreg.gather [hbm4b:s1+s3], $0x80, v20, vm0, $0xb8;
	[tilespmem:$0x18E80] =	vst v63  }
0xef: {  	v20 =	vld [tilespmem:$0x290];
	_ =	sdelay $0x4  }
0xf0: {  	v33 =	vshll.u32 v20, $0x1  }
0xf1: {  	v20 =	vand.u32 $0x7, v20;
	v21 =	vand.u32 $0xFFFFFFF0, v33  }
0xf2: {  	v20 =	vor.u32 v20, v21  }
0xf3: {  	v21 =	vperm.xlane v20, v8;
	_ =	sdelay $0x1  }
0xf4: {  	v20 =	vperm.xlane v20, v10;
	v21 =	vadd.s32 v9, v21;
	_ =	sdelay $0x1  }
0xf5: {  	v20 =	vadd.s32 v9, v20;
	_ =	sdelay $0x1  }
0xf6: {  	s0 =	simm.s32 $0x9600  }
0xf7: {  	[tilespmem:s0], [sflag:$0x2] =	stream.indirect_vreg.gather [hbm4b:s1+s3], $0x80, v21, vm0, $0xb8;
	[tilespmem:$0x18E80] =	vst v63  }
0xf8: {  	s0 =	simm.s32 $0x9E00  }
0xf9: {  	[tilespmem:s0], [sflag:$0x2] =	stream.indirect_vreg.gather [hbm4b:s1+s3], $0x80, v20, vm0, $0xb8;
	[tilespmem:$0x18E80] =	vst v63  }
0xfa: {  	v20 =	vld [tilespmem:$0x2A0];
	_ =	sdelay $0x4  }
0xfb: {  	v34 =	vshll.u32 v20, $0x1  }
0xfc: {  	v20 =	vand.u32 $0x7, v20;
	v21 =	vand.u32 $0xFFFFFFF0, v34  }
0xfd: {  	v20 =	vor.u32 v20, v21  }
0xfe: {  	v21 =	vperm.xlane v20, v8;
	_ =	sdelay $0x1  }
0xff: {  	v20 =	vperm.xlane v20, v10;
	v21 =	vadd.s32 v9, v21;
	_ =	sdelay $0x1  }
0x100: {  	v20 =	vadd.s32 v9, v20;
	_ =	sdelay $0x1  }
0x101: {  	s0 =	simm.s32 $0xA600  }
0x102: {  	[tilespmem:s0], [sflag:$0x2] =	stream.indirect_vreg.gather [hbm4b:s1+s3], $0x80, v21, vm0, $0xb8;
	[tilespmem:$0x18E80] =	vst v63  }
0x103: {  	s0 =	simm.s32 $0xAE00  }
0x104: {  	[tilespmem:s0], [sflag:$0x2] =	stream.indirect_vreg.gather [hbm4b:s1+s3], $0x80, v20, vm0, $0xb8;
	[tilespmem:$0x18E80] =	vst v63  }
0x105: {  	v20 =	vld [tilespmem:$0x2B0];
	_ =	sdelay $0x4  }
0x106: {  	v35 =	vshll.u32 v20, $0x1  }
0x107: {  	v20 =	vand.u32 $0x7, v20;
	v21 =	vand.u32 $0xFFFFFFF0, v35  }
0x108: {  	v20 =	vor.u32 v20, v21  }
0x109: {  	v21 =	vperm.xlane v20, v8;
	_ =	sdelay $0x1  }
0x10a: {  	v20 =	vperm.xlane v20, v10;
	v21 =	vadd.s32 v9, v21;
	_ =	sdelay $0x1  }
0x10b: {  	v20 =	vadd.s32 v9, v20;
	_ =	sdelay $0x1  }
0x10c: {  	s0 =	simm.s32 $0xB600  }
0x10d: {  	[tilespmem:s0], [sflag:$0x2] =	stream.indirect_vreg.gather [hbm4b:s1+s3], $0x80, v21, vm0, $0xb8;
	[tilespmem:$0x18E80] =	vst v63  }
0x10e: {  	s0 =	simm.s32 $0xBE00  }
0x10f: {  	[tilespmem:s0], [sflag:$0x2] =	stream.indirect_vreg.gather [hbm4b:s1+s3], $0x80, v20, vm0, $0xb8;
	[tilespmem:$0x18E80] =	vst v63  }
0x110: {  	v20 =	vld [tilespmem:$0x2C0];
	_ =	sdelay $0x4  }
0x111: {  	v36 =	vshll.u32 v20, $0x1  }
0x112: {  	v20 =	vand.u32 $0x7, v20;
	v21 =	vand.u32 $0xFFFFFFF0, v36  }
0x113: {  	v20 =	vor.u32 v20, v21  }
0x114: {  	v21 =	vperm.xlane v20, v8;
	_ =	sdelay $0x1  }
0x115: {  	v20 =	vperm.xlane v20, v10;
	v21 =	vadd.s32 v9, v21;
	_ =	sdelay $0x1  }
0x116: {  	v20 =	vadd.s32 v9, v20;
	_ =	sdelay $0x1  }
0x117: {  	s0 =	simm.s32 $0xC600  }
0x118: {  	[tilespmem:s0], [sflag:$0x2] =	stream.indirect_vreg.gather [hbm4b:s1+s3], $0x80, v21, vm0, $0xb8;
	[tilespmem:$0x18E80] =	vst v63  }
0x119: {  	s0 =	simm.s32 $0xCE00  }
0x11a: {  	[tilespmem:s0], [sflag:$0x2] =	stream.indirect_vreg.gather [hbm4b:s1+s3], $0x80, v20, vm0, $0xb8;
	[tilespmem:$0x18E80] =	vst v63  }
0x11b: {  	v20 =	vld [tilespmem:$0x2D0];
	_ =	sdelay $0x4  }
0x11c: {  	v37 =	vshll.u32 v20, $0x1  }
0x11d: {  	v20 =	vand.u32 $0x7, v20;
	v21 =	vand.u32 $0xFFFFFFF0, v37  }
0x11e: {  	v20 =	vor.u32 v20, v21  }
0x11f: {  	v21 =	vperm.xlane v20, v8;
	_ =	sdelay $0x1  }
0x120: {  	v20 =	vperm.xlane v20, v10;
	v21 =	vadd.s32 v9, v21;
	_ =	sdelay $0x1  }
0x121: {  	v20 =	vadd.s32 v9, v20;
	_ =	sdelay $0x1  }
0x122: {  	s0 =	simm.s32 $0xD600  }
0x123: {  	[tilespmem:s0], [sflag:$0x2] =	stream.indirect_vreg.gather [hbm4b:s1+s3], $0x80, v21, vm0, $0xb8;
	[tilespmem:$0x18E80] =	vst v63  }
0x124: {  	s0 =	simm.s32 $0xDE00  }
0x125: {  	[tilespmem:s0], [sflag:$0x2] =	stream.indirect_vreg.gather [hbm4b:s1+s3], $0x80, v20, vm0, $0xb8;
	[tilespmem:$0x18E80] =	vst v63  }
0x126: {  	v20 =	vld [tilespmem:$0x2E0];
	_ =	sdelay $0x4  }
0x127: {  	v38 =	vshll.u32 v20, $0x1  }
0x128: {  	v20 =	vand.u32 $0x7, v20;
	v21 =	vand.u32 $0xFFFFFFF0, v38  }
0x129: {  	v20 =	vor.u32 v20, v21  }
0x12a: {  	v21 =	vperm.xlane v20, v8;
	_ =	sdelay $0x1  }
0x12b: {  	v20 =	vperm.xlane v20, v10;
	v21 =	vadd.s32 v9, v21;
	_ =	sdelay $0x1  }
0x12c: {  	v20 =	vadd.s32 v9, v20;
	_ =	sdelay $0x1  }
0x12d: {  	s0 =	simm.s32 $0xE600  }
0x12e: {  	[tilespmem:s0], [sflag:$0x2] =	stream.indirect_vreg.gather [hbm4b:s1+s3], $0x80, v21, vm0, $0xb8;
	[tilespmem:$0x18E80] =	vst v63  }
0x12f: {  	s0 =	simm.s32 $0xEE00  }
0x130: {  	[tilespmem:s0], [sflag:$0x2] =	stream.indirect_vreg.gather [hbm4b:s1+s3], $0x80, v20, vm0, $0xb8;
	[tilespmem:$0x18E80] =	vst v63  }
0x131: {  	v20 =	vld [tilespmem:$0x2F0];
	_ =	sdelay $0x4  }
0x132: {  	v39 =	vshll.u32 v20, $0x1  }
0x133: {  	v20 =	vand.u32 $0x7, v20;
	v21 =	vand.u32 $0xFFFFFFF0, v39  }
0x134: {  	v20 =	vor.u32 v20, v21  }
0x135: {  	v21 =	vperm.xlane v20, v8;
	_ =	sdelay $0x1  }
0x136: {  	v20 =	vperm.xlane v20, v10;
	v21 =	vadd.s32 v9, v21;
	_ =	sdelay $0x1  }
0x137: {  	v20 =	vadd.s32 v9, v20;
	_ =	sdelay $0x1  }
0x138: {  	s0 =	simm.s32 $0xF600  }
0x139: {  	[tilespmem:s0], [sflag:$0x2] =	stream.indirect_vreg.gather [hbm4b:s1+s3], $0x80, v21, vm0, $0xb8;
	[tilespmem:$0x18E80] =	vst v63  }
0x13a: {  	s0 =	simm.s32 $0xFE00  }
0x13b: {  	[tilespmem:s0], [sflag:$0x2] =	stream.indirect_vreg.gather [hbm4b:s1+s3], $0x80, v20, vm0, $0xb8;
	[tilespmem:$0x18E80] =	vst v63  }
0x13c: {  	v20 =	vld [tilespmem:$0x300];
	_ =	sdelay $0x4  }
0x13d: {  	v40 =	vshll.u32 v20, $0x1  }
0x13e: {  	v20 =	vand.u32 $0x7, v20;
	v21 =	vand.u32 $0xFFFFFFF0, v40  }
0x13f: {  	v20 =	vor.u32 v20, v21  }
0x140: {  	v21 =	vperm.xlane v20, v8;
	_ =	sdelay $0x1  }
0x141: {  	v20 =	vperm.xlane v20, v10;
	v21 =	vadd.s32 v9, v21;
	_ =	sdelay $0x1  }
0x142: {  	v20 =	vadd.s32 v9, v20;
	_ =	sdelay $0x2  }
0x143: {  	[tilespmem:s14], [sflag:$0x3] =	stream.indirect_vreg.gather [hbm4b:s1+s3], $0x80, v21, vm0, $0xb8;
	[tilespmem:$0x18E80] =	vst v63  }
0x144: {  	s0 =	simm.s32 $0x10E00  }
0x145: {  	[tilespmem:s0], [sflag:$0x3] =	stream.indirect_vreg.gather [hbm4b:s1+s3], $0x80, v20, vm0, $0xb8;
	[tilespmem:$0x18E80] =	vst v63  }
0x146: {  	v20 =	vld [tilespmem:$0x310];
	_ =	sdelay $0x4  }
0x147: {  	v41 =	vshll.u32 v20, $0x1  }
0x148: {  	v20 =	vand.u32 $0x7, v20;
	v21 =	vand.u32 $0xFFFFFFF0, v41  }
0x149: {  	v20 =	vor.u32 v20, v21  }
0x14a: {  	v21 =	vperm.xlane v20, v8;
	_ =	sdelay $0x1  }
0x14b: {  	v20 =	vperm.xlane v20, v10;
	v21 =	vadd.s32 v9, v21;
	_ =	sdelay $0x1  }
0x14c: {  	v20 =	vadd.s32 v9, v20;
	_ =	sdelay $0x2  }
0x14d: {  	[tilespmem:s2], [sflag:$0x3] =	stream.indirect_vreg.gather [hbm4b:s1+s3], $0x80, v21, vm0, $0xb8;
	[tilespmem:$0x18E80] =	vst v63  }
0x14e: {  	_ = 	snop  }
0x14f: {  	[tilespmem:s5], [sflag:$0x3] =	stream.indirect_vreg.gather [hbm4b:s1+s3], $0x80, v20, vm0, $0xb8;
	[tilespmem:$0x18E80] =	vst v63  }
0x150: {  	v20 =	vld [tilespmem:$0x320];
	_ =	sdelay $0x4  }
0x151: {  	v42 =	vshll.u32 v20, $0x1  }
0x152: {  	v20 =	vand.u32 $0x7, v20;
	v21 =	vand.u32 $0xFFFFFFF0, v42  }
0x153: {  	v20 =	vor.u32 v20, v21  }
0x154: {  	v21 =	vperm.xlane v20, v8;
	_ =	sdelay $0x1  }
0x155: {  	v20 =	vperm.xlane v20, v10;
	v21 =	vadd.s32 v9, v21;
	_ =	sdelay $0x1  }
0x156: {  	v20 =	vadd.s32 v9, v20;
	_ =	sdelay $0x2  }
0x157: {  	[tilespmem:s11], [sflag:$0x3] =	stream.indirect_vreg.gather [hbm4b:s1+s3], $0x80, v21, vm0, $0xb8;
	[tilespmem:$0x18E80] =	vst v63  }
0x158: {  	_ = 	snop  }
0x159: {  	[tilespmem:s12], [sflag:$0x3] =	stream.indirect_vreg.gather [hbm4b:s1+s3], $0x80, v20, vm0, $0xb8;
	[tilespmem:$0x18E80] =	vst v63  }
0x15a: {  	v20 =	vld [tilespmem:$0x330];
	_ =	sdelay $0x4  }
0x15b: {  	v43 =	vshll.u32 v20, $0x1  }
0x15c: {  	v20 =	vand.u32 $0x7, v20;
	v21 =	vand.u32 $0xFFFFFFF0, v43  }
0x15d: {  	v20 =	vor.u32 v20, v21  }
0x15e: {  	v21 =	vperm.xlane v20, v8;
	_ =	sdelay $0x1  }
0x15f: {  	v20 =	vperm.xlane v20, v10;
	v21 =	vadd.s32 v9, v21;
	_ =	sdelay $0x1  }
0x160: {  	v20 =	vadd.s32 v9, v20;
	_ =	sdelay $0x2  }
0x161: {  	[tilespmem:s13], [sflag:$0x3] =	stream.indirect_vreg.gather [hbm4b:s1+s3], $0x80, v21, vm0, $0xb8;
	[tilespmem:$0x18E80] =	vst v63  }
0x162: {  	_ = 	snop  }
0x163: {  	[tilespmem:s15], [sflag:$0x3] =	stream.indirect_vreg.gather [hbm4b:s1+s3], $0x80, v20, vm0, $0xb8;
	[tilespmem:$0x18E80] =	vst v63  }
0x164: {  	v20 =	vld [tilespmem:$0x340];
	_ =	sdelay $0x4  }
0x165: {  	v44 =	vshll.u32 v20, $0x1  }
0x166: {  	v20 =	vand.u32 $0x7, v20;
	v21 =	vand.u32 $0xFFFFFFF0, v44  }
0x167: {  	v20 =	vor.u32 v20, v21  }
0x168: {  	v21 =	vperm.xlane v20, v8;
	_ =	sdelay $0x1  }
0x169: {  	v20 =	vperm.xlane v20, v10;
	v21 =	vadd.s32 v9, v21;
	_ =	sdelay $0x1  }
0x16a: {  	v20 =	vadd.s32 v9, v20;
	_ =	sdelay $0x2  }
0x16b: {  	[tilespmem:s16], [sflag:$0x3] =	stream.indirect_vreg.gather [hbm4b:s1+s3], $0x80, v21, vm0, $0xb8;
	[tilespmem:$0x18E80] =	vst v63  }
0x16c: {  	_ = 	snop  }
0x16d: {  	[tilespmem:s17], [sflag:$0x3] =	stream.indirect_vreg.gather [hbm4b:s1+s3], $0x80, v20, vm0, $0xb8;
	[tilespmem:$0x18E80] =	vst v63  }
0x16e: {  	v20 =	vld [tilespmem:$0x350];
	_ =	sdelay $0x4  }
0x16f: {  	v45 =	vshll.u32 v20, $0x1  }
0x170: {  	v20 =	vand.u32 $0x7, v20;
	v21 =	vand.u32 $0xFFFFFFF0, v45  }
0x171: {  	v20 =	vor.u32 v20, v21  }
0x172: {  	v21 =	vperm.xlane v20, v8;
	_ =	sdelay $0x1  }
0x173: {  	v20 =	vperm.xlane v20, v10;
	v21 =	vadd.s32 v9, v21;
	_ =	sdelay $0x1  }
0x174: {  	v20 =	vadd.s32 v9, v20;
	_ =	sdelay $0x2  }
0x175: {  	[tilespmem:s8], [sflag:$0x3] =	stream.indirect_vreg.gather [hbm4b:s1+s3], $0x80, v21, vm0, $0xb8;
	[tilespmem:$0x18E80] =	vst v63  }
0x176: {  	_ = 	snop  }
0x177: {  	[tilespmem:s9], [sflag:$0x3] =	stream.indirect_vreg.gather [hbm4b:s1+s3], $0x80, v20, vm0, $0xb8;
	[tilespmem:$0x18E80] =	vst v63  }
0x178: {  	v20 =	vld [tilespmem:$0x360];
	_ =	sdelay $0x4  }
0x179: {  	v46 =	vshll.u32 v20, $0x1  }
0x17a: {  	v20 =	vand.u32 $0x7, v20;
	v21 =	vand.u32 $0xFFFFFFF0, v46  }
0x17b: {  	v20 =	vor.u32 v20, v21  }
0x17c: {  	v21 =	vperm.xlane v20, v8;
	_ =	sdelay $0x1  }
0x17d: {  	v20 =	vperm.xlane v20, v10;
	v21 =	vadd.s32 v9, v21;
	_ =	sdelay $0x1  }
0x17e: {  	v20 =	vadd.s32 v9, v20;
	_ =	sdelay $0x2  }
0x17f: {  	[tilespmem:s10], [sflag:$0x3] =	stream.indirect_vreg.gather [hbm4b:s1+s3], $0x80, v21, vm0, $0xb8;
	[tilespmem:$0x18E80] =	vst v63  }
0x180: {  	_ = 	snop  }
0x181: {  	[tilespmem:s20], [sflag:$0x3] =	stream.indirect_vreg.gather [hbm4b:s1+s3], $0x80, v20, vm0, $0xb8;
	[tilespmem:$0x18E80] =	vst v63  }
0x182: {  	v20 =	vld [tilespmem:$0x370];
	_ =	sdelay $0x4  }
0x183: {  	v47 =	vshll.u32 v20, $0x1  }
0x184: {  	v20 =	vand.u32 $0x7, v20;
	v21 =	vand.u32 $0xFFFFFFF0, v47  }
0x185: {  	v20 =	vor.u32 v20, v21  }
0x186: {  	v21 =	vperm.xlane v20, v8;
	_ =	sdelay $0x1  }
0x187: {  	v20 =	vperm.xlane v20, v10;
	v21 =	vadd.s32 v9, v21;
	_ =	sdelay $0x1  }
0x188: {  	v20 =	vadd.s32 v9, v20;
	_ =	sdelay $0x2  }
0x189: {  	[tilespmem:s21], [sflag:$0x3] =	stream.indirect_vreg.gather [hbm4b:s1+s3], $0x80, v21, vm0, $0xb8;
	[tilespmem:$0x18E80] =	vst v63  }
0x18a: {  	_ = 	snop  }
0x18b: {  	[tilespmem:s22], [sflag:$0x3] =	stream.indirect_vreg.gather [hbm4b:s1+s3], $0x80, v20, vm0, $0xb8;
	[tilespmem:$0x18E80] =	vst v63  }
0x18c: {  	_ =	swait.ge [sflag:s24], $0x8000  }
0x18d: {  	[sflag:s24] =	ssyncset.done $0x0  }
0x18e: {  	[sflag:s24] =	ssyncadd.s32 $0xFFFF8000  }
0x18f: {  	v20 =	vld [tilespmem:$0x0];
	_ =	sdelay $0x4  }
0x190: {  	v48 =	vshll.u32 v20, $0x3  }
0x191: {  	v49 =	vld [tilespmem:$0x10];
	v20 =	vand.u32 $0x7F, v20;
	v21 =	vand.u32 $0x400, v48  }
0x192: {  	v20 =	vor.u32 v21, v20  }
0x193: {  	v20 =	vor.u32 v11, v20;
	_ =	sdelay $0x2  }
0x194: {  	v50 =	vshll.u32 v49, $0x3  }
0x195: {  	v51 =	vld [tilespmem:$0x20];
	v22 =	vand.u32 $0x7F, v49;
	v21 =	vand.u32 $0x400, v50  }
0x196: {  	v21 =	vor.u32 v21, v22;
	v20 =	vld.idx.msk [tilespmem:v20+s7+$0x0], $0xffff  }
0x197: {  	v21 =	vor.u32 v12, v21;
	_ =	sdelay $0x2  }
0x198: {  	v52 =	vshll.u32 v51, $0x3  }
0x199: {  	v53 =	vld [tilespmem:$0x30];
	v22 =	vand.u32 $0x400, v52;
	[tilespmem:$0x18600] =	vst v20;
	v20 =	vand.u32 $0x7F, v51  }
0x19a: {  	v21 =	vld.idx.msk [tilespmem:v21+s7+$0x0], $0xffff;
	v20 =	vor.u32 v22, v20  }
0x19b: {  	v20 =	vor.u32 v13, v20;
	_ =	sdelay $0x2  }
0x19c: {  	v54 =	vshll.u32 v53, $0x3  }
0x19d: {  	v56 =	vld [tilespmem:$0x40];
	v55 =	vand.u32 $0x7F, v53;
	v22 =	vand.u32 $0x400, v54;
	[tilespmem:$0x18610] =	vst v21  }
0x19e: {  	v21 =	vor.u32 v22, v55;
	v20 =	vld.idx.msk [tilespmem:v20+s7+$0x0], $0xffff  }
0x19f: {  	v21 =	vor.u32 v14, v21;
	_ =	sdelay $0x2  }
0x1a0: {  	v57 =	vshll.u32 v56, $0x3  }
0x1a1: {  	v58 =	vld [tilespmem:$0x50];
	v22 =	vand.u32 $0x400, v57;
	[tilespmem:$0x18620] =	vst v20;
	v20 =	vand.u32 $0x7F, v56  }
0x1a2: {  	v21 =	vld.idx.msk [tilespmem:v21+s7+$0x0], $0xffff;
	v20 =	vor.u32 v22, v20  }
0x1a3: {  	v20 =	vor.u32 v15, v20;
	_ =	sdelay $0x2  }
0x1a4: {  	v59 =	vshll.u32 v58, $0x3  }
0x1a5: {  	v61 =	vld [tilespmem:$0x60];
	v60 =	vand.u32 $0x7F, v58;
	v22 =	vand.u32 $0x400, v59;
	[tilespmem:$0x18630] =	vst v21  }
0x1a6: {  	v21 =	vor.u32 v22, v60;
	v20 =	vld.idx.msk [tilespmem:v20+s7+$0x0], $0xffff  }
0x1a7: {  	v21 =	vor.u32 v17, v21;
	_ =	sdelay $0x2  }
0x1a8: {  	v62 =	vshll.u32 v61, $0x3  }
0x1a9: {  	v63 =	vld [tilespmem:$0x70];
	v22 =	vand.u32 $0x400, v62;
	[tilespmem:$0x18640] =	vst v20;
	v20 =	vand.u32 $0x7F, v61  }
0x1aa: {  	v21 =	vld.idx.msk [tilespmem:v21+s7+$0x0], $0xffff;
	v20 =	vor.u32 v22, v20  }
0x1ab: {  	v20 =	vor.u32 v18, v20;
	_ =	sdelay $0x1  }
0x1ac: {  	v28 =	vld [tilespmem:$0x380]  }
0x1ad: {  	v29 =	vshll.u32 v63, $0x3  }
0x1ae: {  	v30 =	vand.u32 $0x7F, v63;
	v31 =	vand.u32 $0x400, v29;
	[tilespmem:$0x18650] =	vst v21  }
0x1af: {  	v21 =	vor.u32 v31, v30;
	v20 =	vld.idx.msk [tilespmem:v20+s7+$0x0], $0xffff  }
0x1b0: {  	v21 =	vor.u32 v19, v21  }
0x1b1: {  	v32 =	vshll.u32 v28, $0x1  }
0x1b2: {  	v23 =	vand.u32 $0xFFFFFFF0, v32;
	v22 =	vand.u32 $0x7, v28  }
0x1b3: {  	v22 =	vor.u32 v22, v23  }
0x1b4: {  	[tilespmem:$0x18660] =	vst v20;
	v20 =	vperm.xlane v22, v8  }
0x1b5: {  	v21 =	vld.idx.msk [tilespmem:v21+s7+$0x0], $0xffff  }
0x1b6: {  	v22 =	vperm.xlane v22, v10;
	v20 =	vadd.s32 v9, v20;
	_ =	sdelay $0x1  }
0x1b7: {  	v22 =	vadd.s32 v9, v22;
	_ =	sdelay $0x1  }
0x1b8: {  	[tilespmem:$0x18670] =	vst v21  }
0x1b9: {  	[tilespmem:s7], [sflag:$0x1] =	stream.indirect_vreg.gather [hbm4b:s1+s3], $0x80, v20, vm0, $0xb8;
	[tilespmem:$0x18E80] =	vst v63  }
0x1ba: {  	s18 =	simm.s32 $0xE00  }
0x1bb: {  	[tilespmem:s18], [sflag:$0x1] =	stream.indirect_vreg.gather [hbm4b:s1+s3], $0x80, v22, vm0, $0xb8;
	[tilespmem:$0x18E80] =	vst v63  }
0x1bc: {  	v20 =	vld [tilespmem:$0x390];
	_ =	sdelay $0x4  }
0x1bd: {  	v33 =	vshll.u32 v20, $0x1  }
0x1be: {  	v20 =	vand.u32 $0x7, v20;
	v21 =	vand.u32 $0xFFFFFFF0, v33  }
0x1bf: {  	v20 =	vor.u32 v20, v21  }
0x1c0: {  	v21 =	vperm.xlane v20, v8;
	_ =	sdelay $0x1  }
0x1c1: {  	v20 =	vperm.xlane v20, v10;
	v21 =	vadd.s32 v9, v21;
	_ =	sdelay $0x1  }
0x1c2: {  	v20 =	vadd.s32 v9, v20;
	_ =	sdelay $0x1  }
0x1c3: {  	s18 =	simm.s32 $0x1600  }
0x1c4: {  	[tilespmem:s18], [sflag:$0x1] =	stream.indirect_vreg.gather [hbm4b:s1+s3], $0x80, v21, vm0, $0xb8;
	[tilespmem:$0x18E80] =	vst v63  }
0x1c5: {  	s30 =	simm.s32 $0x1E00  }
0x1c6: {  	[tilespmem:s30], [sflag:$0x1] =	stream.indirect_vreg.gather [hbm4b:s1+s3], $0x80, v20, vm0, $0xb8;
	[tilespmem:$0x18E80] =	vst v63  }
0x1c7: {  	v20 =	vld [tilespmem:$0x3A0];
	_ =	sdelay $0x4  }
0x1c8: {  	v34 =	vshll.u32 v20, $0x1  }
0x1c9: {  	v20 =	vand.u32 $0x7, v20;
	v21 =	vand.u32 $0xFFFFFFF0, v34  }
0x1ca: {  	v20 =	vor.u32 v20, v21  }
0x1cb: {  	v21 =	vperm.xlane v20, v8;
	_ =	sdelay $0x1  }
0x1cc: {  	v20 =	vperm.xlane v20, v10;
	v21 =	vadd.s32 v9, v21;
	_ =	sdelay $0x1  }
0x1cd: {  	v20 =	vadd.s32 v9, v20;
	_ =	sdelay $0x1  }
0x1ce: {  	s30 =	simm.s32 $0x2600  }
0x1cf: {  	[tilespmem:s30], [sflag:$0x1] =	stream.indirect_vreg.gather [hbm4b:s1+s3], $0x80, v21, vm0, $0xb8;
	[tilespmem:$0x18E80] =	vst v63  }
0x1d0: {  	s19 =	simm.s32 $0x2E00  }
0x1d1: {  	[tilespmem:s19], [sflag:$0x1] =	stream.indirect_vreg.gather [hbm4b:s1+s3], $0x80, v20, vm0, $0xb8;
	[tilespmem:$0x18E80] =	vst v63  }
0x1d2: {  	v20 =	vld [tilespmem:$0x3B0];
	_ =	sdelay $0x4  }
0x1d3: {  	v35 =	vshll.u32 v20, $0x1  }
0x1d4: {  	v20 =	vand.u32 $0x7, v20;
	v21 =	vand.u32 $0xFFFFFFF0, v35  }
0x1d5: {  	v20 =	vor.u32 v20, v21  }
0x1d6: {  	v21 =	vperm.xlane v20, v8;
	_ =	sdelay $0x1  }
0x1d7: {  	v20 =	vperm.xlane v20, v10;
	v21 =	vadd.s32 v9, v21;
	_ =	sdelay $0x1  }
0x1d8: {  	v20 =	vadd.s32 v9, v20;
	_ =	sdelay $0x1  }
0x1d9: {  	s30 =	simm.s32 $0x3600  }
0x1da: {  	[tilespmem:s30], [sflag:$0x1] =	stream.indirect_vreg.gather [hbm4b:s1+s3], $0x80, v21, vm0, $0xb8;
	[tilespmem:$0x18E80] =	vst v63  }
0x1db: {  	s25 =	simm.s32 $0x3E00  }
0x1dc: {  	[tilespmem:s25], [sflag:$0x1] =	stream.indirect_vreg.gather [hbm4b:s1+s3], $0x80, v20, vm0, $0xb8;
	[tilespmem:$0x18E80] =	vst v63  }
0x1dd: {  	v20 =	vld [tilespmem:$0x3C0];
	_ =	sdelay $0x4  }
0x1de: {  	v36 =	vshll.u32 v20, $0x1  }
0x1df: {  	v20 =	vand.u32 $0x7, v20;
	v21 =	vand.u32 $0xFFFFFFF0, v36  }
0x1e0: {  	v20 =	vor.u32 v20, v21  }
0x1e1: {  	v21 =	vperm.xlane v20, v8;
	_ =	sdelay $0x1  }
0x1e2: {  	v20 =	vperm.xlane v20, v10;
	v21 =	vadd.s32 v9, v21;
	_ =	sdelay $0x1  }
0x1e3: {  	v20 =	vadd.s32 v9, v20;
	_ =	sdelay $0x1  }
0x1e4: {  	s19 =	simm.s32 $0x4600  }
0x1e5: {  	[tilespmem:s19], [sflag:$0x1] =	stream.indirect_vreg.gather [hbm4b:s1+s3], $0x80, v21, vm0, $0xb8;
	[tilespmem:$0x18E80] =	vst v63  }
0x1e6: {  	s26 =	simm.s32 $0x4E00  }
0x1e7: {  	[tilespmem:s26], [sflag:$0x1] =	stream.indirect_vreg.gather [hbm4b:s1+s3], $0x80, v20, vm0, $0xb8;
	[tilespmem:$0x18E80] =	vst v63  }
0x1e8: {  	v20 =	vld [tilespmem:$0x3D0];
	_ =	sdelay $0x4  }
0x1e9: {  	v37 =	vshll.u32 v20, $0x1  }
0x1ea: {  	v20 =	vand.u32 $0x7, v20;
	v21 =	vand.u32 $0xFFFFFFF0, v37  }
0x1eb: {  	v20 =	vor.u32 v20, v21  }
0x1ec: {  	v21 =	vperm.xlane v20, v8;
	_ =	sdelay $0x1  }
0x1ed: {  	v20 =	vperm.xlane v20, v10;
	v21 =	vadd.s32 v9, v21;
	_ =	sdelay $0x1  }
0x1ee: {  	v20 =	vadd.s32 v9, v20;
	_ =	sdelay $0x1  }
0x1ef: {  	s25 =	simm.s32 $0x5600  }
0x1f0: {  	[tilespmem:s25], [sflag:$0x1] =	stream.indirect_vreg.gather [hbm4b:s1+s3], $0x80, v21, vm0, $0xb8;
	[tilespmem:$0x18E80] =	vst v63  }
0x1f1: {  	s26 =	simm.s32 $0x5E00  }
0x1f2: {  	[tilespmem:s26], [sflag:$0x1] =	stream.indirect_vreg.gather [hbm4b:s1+s3], $0x80, v20, vm0, $0xb8;
	[tilespmem:$0x18E80] =	vst v63  }
0x1f3: {  	v20 =	vld [tilespmem:$0x3E0];
	_ =	sdelay $0x4  }
0x1f4: {  	v38 =	vshll.u32 v20, $0x1  }
0x1f5: {  	v20 =	vand.u32 $0x7, v20;
	v21 =	vand.u32 $0xFFFFFFF0, v38  }
0x1f6: {  	v20 =	vor.u32 v20, v21  }
0x1f7: {  	v21 =	vperm.xlane v20, v8;
	_ =	sdelay $0x1  }
0x1f8: {  	v20 =	vperm.xlane v20, v10;
	v21 =	vadd.s32 v9, v21;
	_ =	sdelay $0x1  }
0x1f9: {  	v20 =	vadd.s32 v9, v20;
	_ =	sdelay $0x1  }
0x1fa: {  	s25 =	simm.s32 $0x6600  }
0x1fb: {  	[tilespmem:s25], [sflag:$0x1] =	stream.indirect_vreg.gather [hbm4b:s1+s3], $0x80, v21, vm0, $0xb8;
	[tilespmem:$0x18E80] =	vst v63  }
0x1fc: {  	s29 =	simm.s32 $0x6E00  }
0x1fd: {  	[tilespmem:s29], [sflag:$0x1] =	stream.indirect_vreg.gather [hbm4b:s1+s3], $0x80, v20, vm0, $0xb8;
	[tilespmem:$0x18E80] =	vst v63  }
0x1fe: {  	v20 =	vld [tilespmem:$0x3F0];
	_ =	sdelay $0x4  }
0x1ff: {  	v39 =	vshll.u32 v20, $0x1  }
0x200: {  	v20 =	vand.u32 $0x7, v20;
	v21 =	vand.u32 $0xFFFFFFF0, v39  }
0x201: {  	v20 =	vor.u32 v20, v21  }
0x202: {  	v21 =	vperm.xlane v20, v8;
	_ =	sdelay $0x1  }
0x203: {  	v20 =	vperm.xlane v20, v10;
	v21 =	vadd.s32 v9, v21;
	_ =	sdelay $0x1  }
0x204: {  	v20 =	vadd.s32 v9, v20;
	_ =	sdelay $0x1  }
0x205: {  	s26 =	simm.s32 $0x7600  }
0x206: {  	[tilespmem:s26], [sflag:$0x1] =	stream.indirect_vreg.gather [hbm4b:s1+s3], $0x80, v21, vm0, $0xb8;
	[tilespmem:$0x18E80] =	vst v63  }
0x207: {  	s31 =	simm.s32 $0x7E00;
	s25 =	simm.s32 $0x2  }
0x208: {  	[tilespmem:s31], [sflag:$0x1] =	stream.indirect_vreg.gather [hbm4b:s1+s3], $0x80, v20, vm0, $0xb8;
	[tilespmem:$0x18E80] =	vst v63  }
0x209: {  	_ =	swait.ge [sflag:s25], $0x8000  }
0x20a: {  	[sflag:s25] =	ssyncset.done $0x0  }
0x20b: {  	[sflag:s25] =	ssyncadd.s32 $0xFFFF8000  }
0x20c: {  	v20 =	vld [tilespmem:$0x0];
	_ =	sdelay $0x4  }
0x20d: {  	v40 =	vshll.u32 v20, $0x3  }
0x20e: {  	v41 =	vld [tilespmem:$0x10];
	v20 =	vand.u32 $0x7F, v20;
	v21 =	vand.u32 $0x400, v40  }
0x20f: {  	v20 =	vor.u32 v21, v20  }
0x210: {  	v20 =	vor.u32 v11, v20;
	_ =	sdelay $0x2  }
0x211: {  	v42 =	vshll.u32 v41, $0x3  }
0x212: {  	v43 =	vld [tilespmem:$0x20];
	v22 =	vand.u32 $0x7F, v41;
	v21 =	vand.u32 $0x400, v42  }
0x213: {  	v21 =	vor.u32 v21, v22;
	v20 =	vld.idx.msk [tilespmem:v20+s23+$0x0], $0xffff  }
0x214: {  	v21 =	vor.u32 v12, v21;
	_ =	sdelay $0x2  }
0x215: {  	v44 =	vshll.u32 v43, $0x3  }
0x216: {  	v45 =	vld [tilespmem:$0x30];
	v22 =	vand.u32 $0x400, v44;
	[tilespmem:$0x18680] =	vst v20;
	v20 =	vand.u32 $0x7F, v43  }
0x217: {  	v21 =	vld.idx.msk [tilespmem:v21+s23+$0x0], $0xffff;
	v20 =	vor.u32 v22, v20  }
0x218: {  	v20 =	vor.u32 v13, v20;
	_ =	sdelay $0x2  }
0x219: {  	v46 =	vshll.u32 v45, $0x3  }
0x21a: {  	v48 =	vld [tilespmem:$0x40];
	v47 =	vand.u32 $0x7F, v45;
	v22 =	vand.u32 $0x400, v46;
	[tilespmem:$0x18690] =	vst v21  }
0x21b: {  	v21 =	vor.u32 v22, v47;
	v20 =	vld.idx.msk [tilespmem:v20+s23+$0x0], $0xffff  }
0x21c: {  	v21 =	vor.u32 v14, v21;
	_ =	sdelay $0x2  }
0x21d: {  	v49 =	vshll.u32 v48, $0x3  }
0x21e: {  	v50 =	vld [tilespmem:$0x50];
	v22 =	vand.u32 $0x400, v49;
	[tilespmem:$0x186A0] =	vst v20;
	v20 =	vand.u32 $0x7F, v48  }
0x21f: {  	v21 =	vld.idx.msk [tilespmem:v21+s23+$0x0], $0xffff;
	v20 =	vor.u32 v22, v20  }
0x220: {  	v20 =	vor.u32 v15, v20;
	_ =	sdelay $0x2  }
0x221: {  	v51 =	vshll.u32 v50, $0x3  }
0x222: {  	v53 =	vld [tilespmem:$0x60];
	v52 =	vand.u32 $0x7F, v50;
	v22 =	vand.u32 $0x400, v51;
	[tilespmem:$0x186B0] =	vst v21  }
0x223: {  	v21 =	vor.u32 v22, v52;
	v20 =	vld.idx.msk [tilespmem:v20+s23+$0x0], $0xffff  }
0x224: {  	v21 =	vor.u32 v17, v21;
	_ =	sdelay $0x2  }
0x225: {  	v54 =	vshll.u32 v53, $0x3  }
0x226: {  	v55 =	vld [tilespmem:$0x70];
	v22 =	vand.u32 $0x400, v54;
	[tilespmem:$0x186C0] =	vst v20;
	v20 =	vand.u32 $0x7F, v53  }
0x227: {  	v21 =	vld.idx.msk [tilespmem:v21+s23+$0x0], $0xffff;
	v20 =	vor.u32 v22, v20  }
0x228: {  	v20 =	vor.u32 v18, v20;
	_ =	sdelay $0x1  }
0x229: {  	v56 =	vld [tilespmem:$0x400]  }
0x22a: {  	v57 =	vshll.u32 v55, $0x3  }
0x22b: {  	v58 =	vand.u32 $0x7F, v55;
	v59 =	vand.u32 $0x400, v57;
	[tilespmem:$0x186D0] =	vst v21  }
0x22c: {  	v21 =	vor.u32 v59, v58;
	v20 =	vld.idx.msk [tilespmem:v20+s23+$0x0], $0xffff  }
0x22d: {  	v21 =	vor.u32 v19, v21  }
0x22e: {  	v60 =	vshll.u32 v56, $0x1  }
0x22f: {  	v23 =	vand.u32 $0xFFFFFFF0, v60;
	v22 =	vand.u32 $0x7, v56  }
0x230: {  	v22 =	vor.u32 v22, v23  }
0x231: {  	[tilespmem:$0x186E0] =	vst v20;
	v20 =	vperm.xlane v22, v8  }
0x232: {  	v21 =	vld.idx.msk [tilespmem:v21+s23+$0x0], $0xffff  }
0x233: {  	v22 =	vperm.xlane v22, v10;
	v20 =	vadd.s32 v9, v20;
	_ =	sdelay $0x1  }
0x234: {  	v22 =	vadd.s32 v9, v22;
	_ =	sdelay $0x1  }
0x235: {  	[tilespmem:$0x186F0] =	vst v21  }
0x236: {  	[tilespmem:s23], [sflag:$0x2] =	stream.indirect_vreg.gather [hbm4b:s1+s3], $0x80, v20, vm0, $0xb8;
	[tilespmem:$0x18E80] =	vst v63  }
0x237: {  	s26 =	simm.s32 $0x8E00  }
0x238: {  	[tilespmem:s26], [sflag:$0x2] =	stream.indirect_vreg.gather [hbm4b:s1+s3], $0x80, v22, vm0, $0xb8;
	[tilespmem:$0x18E80] =	vst v63  }
0x239: {  	v20 =	vld [tilespmem:$0x410];
	_ =	sdelay $0x4  }
0x23a: {  	v61 =	vshll.u32 v20, $0x1  }
0x23b: {  	v20 =	vand.u32 $0x7, v20;
	v21 =	vand.u32 $0xFFFFFFF0, v61  }
0x23c: {  	v20 =	vor.u32 v20, v21  }
0x23d: {  	v21 =	vperm.xlane v20, v8;
	_ =	sdelay $0x1  }
0x23e: {  	v20 =	vperm.xlane v20, v10;
	v21 =	vadd.s32 v9, v21;
	_ =	sdelay $0x1  }
0x23f: {  	v20 =	vadd.s32 v9, v20;
	_ =	sdelay $0x1  }
0x240: {  	s26 =	simm.s32 $0x9600  }
0x241: {  	[tilespmem:s26], [sflag:$0x2] =	stream.indirect_vreg.gather [hbm4b:s1+s3], $0x80, v21, vm0, $0xb8;
	[tilespmem:$0x18E80] =	vst v63  }
0x242: {  	s26 =	simm.s32 $0x9E00  }
0x243: {  	[tilespmem:s26], [sflag:$0x2] =	stream.indirect_vreg.gather [hbm4b:s1+s3], $0x80, v20, vm0, $0xb8;
	[tilespmem:$0x18E80] =	vst v63  }
0x244: {  	v20 =	vld [tilespmem:$0x420];
	_ =	sdelay $0x4  }
0x245: {  	v62 =	vshll.u32 v20, $0x1  }
0x246: {  	v20 =	vand.u32 $0x7, v20;
	v21 =	vand.u32 $0xFFFFFFF0, v62  }
0x247: {  	v20 =	vor.u32 v20, v21  }
0x248: {  	v21 =	vperm.xlane v20, v8;
	_ =	sdelay $0x1  }
0x249: {  	v20 =	vperm.xlane v20, v10;
	v21 =	vadd.s32 v9, v21;
	_ =	sdelay $0x1  }
0x24a: {  	v20 =	vadd.s32 v9, v20;
	_ =	sdelay $0x1  }
0x24b: {  	s26 =	simm.s32 $0xA600  }
0x24c: {  	[tilespmem:s26], [sflag:$0x2] =	stream.indirect_vreg.gather [hbm4b:s1+s3], $0x80, v21, vm0, $0xb8;
	[tilespmem:$0x18E80] =	vst v63  }
0x24d: {  	s26 =	simm.s32 $0xAE00  }
0x24e: {  	[tilespmem:s26], [sflag:$0x2] =	stream.indirect_vreg.gather [hbm4b:s1+s3], $0x80, v20, vm0, $0xb8;
	[tilespmem:$0x18E80] =	vst v63  }
0x24f: {  	v20 =	vld [tilespmem:$0x430];
	_ =	sdelay $0x4  }
0x250: {  	v63 =	vshll.u32 v20, $0x1  }
0x251: {  	v20 =	vand.u32 $0x7, v20;
	v21 =	vand.u32 $0xFFFFFFF0, v63  }
0x252: {  	v20 =	vor.u32 v20, v21  }
0x253: {  	v21 =	vperm.xlane v20, v8;
	_ =	sdelay $0x1  }
0x254: {  	v20 =	vperm.xlane v20, v10;
	v21 =	vadd.s32 v9, v21;
	_ =	sdelay $0x1  }
0x255: {  	v20 =	vadd.s32 v9, v20;
	_ =	sdelay $0x1  }
0x256: {  	s26 =	simm.s32 $0xB600  }
0x257: {  	[tilespmem:s26], [sflag:$0x2] =	stream.indirect_vreg.gather [hbm4b:s1+s3], $0x80, v21, vm0, $0xb8;
	[tilespmem:$0x18E80] =	vst v63  }
0x258: {  	s26 =	simm.s32 $0xBE00  }
0x259: {  	[tilespmem:s26], [sflag:$0x2] =	stream.indirect_vreg.gather [hbm4b:s1+s3], $0x80, v20, vm0, $0xb8;
	[tilespmem:$0x18E80] =	vst v63  }
0x25a: {  	v20 =	vld [tilespmem:$0x440];
	_ =	sdelay $0x4  }
0x25b: {  	v24 =	vshll.u32 v20, $0x1  }
0x25c: {  	v20 =	vand.u32 $0x7, v20;
	v21 =	vand.u32 $0xFFFFFFF0, v24  }
0x25d: {  	v20 =	vor.u32 v20, v21  }
0x25e: {  	v21 =	vperm.xlane v20, v8;
	_ =	sdelay $0x1  }
0x25f: {  	v20 =	vperm.xlane v20, v10;
	v21 =	vadd.s32 v9, v21;
	_ =	sdelay $0x1  }
0x260: {  	v20 =	vadd.s32 v9, v20;
	_ =	sdelay $0x1  }
0x261: {  	s26 =	simm.s32 $0xC600  }
0x262: {  	[tilespmem:s26], [sflag:$0x2] =	stream.indirect_vreg.gather [hbm4b:s1+s3], $0x80, v21, vm0, $0xb8;
	[tilespmem:$0x18E80] =	vst v63  }
0x263: {  	s26 =	simm.s32 $0xCE00  }
0x264: {  	[tilespmem:s26], [sflag:$0x2] =	stream.indirect_vreg.gather [hbm4b:s1+s3], $0x80, v20, vm0, $0xb8;
	[tilespmem:$0x18E80] =	vst v63  }
0x265: {  	v20 =	vld [tilespmem:$0x450];
	_ =	sdelay $0x4  }
0x266: {  	v25 =	vshll.u32 v20, $0x1  }
0x267: {  	v20 =	vand.u32 $0x7, v20;
	v21 =	vand.u32 $0xFFFFFFF0, v25  }
0x268: {  	v20 =	vor.u32 v20, v21  }
0x269: {  	v21 =	vperm.xlane v20, v8;
	_ =	sdelay $0x1  }
0x26a: {  	v20 =	vperm.xlane v20, v10;
	v21 =	vadd.s32 v9, v21;
	_ =	sdelay $0x1  }
0x26b: {  	v20 =	vadd.s32 v9, v20;
	_ =	sdelay $0x1  }
0x26c: {  	s26 =	simm.s32 $0xD600  }
0x26d: {  	[tilespmem:s26], [sflag:$0x2] =	stream.indirect_vreg.gather [hbm4b:s1+s3], $0x80, v21, vm0, $0xb8;
	[tilespmem:$0x18E80] =	vst v63  }
0x26e: {  	s26 =	simm.s32 $0xDE00  }
0x26f: {  	[tilespmem:s26], [sflag:$0x2] =	stream.indirect_vreg.gather [hbm4b:s1+s3], $0x80, v20, vm0, $0xb8;
	[tilespmem:$0x18E80] =	vst v63  }
0x270: {  	v20 =	vld [tilespmem:$0x460];
	_ =	sdelay $0x4  }
0x271: {  	v26 =	vshll.u32 v20, $0x1  }
0x272: {  	v20 =	vand.u32 $0x7, v20;
	v21 =	vand.u32 $0xFFFFFFF0, v26  }
0x273: {  	v20 =	vor.u32 v20, v21  }
0x274: {  	v21 =	vperm.xlane v20, v8;
	_ =	sdelay $0x1  }
0x275: {  	v20 =	vperm.xlane v20, v10;
	v21 =	vadd.s32 v9, v21;
	_ =	sdelay $0x1  }
0x276: {  	v20 =	vadd.s32 v9, v20;
	_ =	sdelay $0x1  }
0x277: {  	s26 =	simm.s32 $0xE600  }
0x278: {  	[tilespmem:s26], [sflag:$0x2] =	stream.indirect_vreg.gather [hbm4b:s1+s3], $0x80, v21, vm0, $0xb8;
	[tilespmem:$0x18E80] =	vst v63  }
0x279: {  	s26 =	simm.s32 $0xEE00  }
0x27a: {  	[tilespmem:s26], [sflag:$0x2] =	stream.indirect_vreg.gather [hbm4b:s1+s3], $0x80, v20, vm0, $0xb8;
	[tilespmem:$0x18E80] =	vst v63  }
0x27b: {  	v20 =	vld [tilespmem:$0x470];
	_ =	sdelay $0x4  }
0x27c: {  	v27 =	vshll.u32 v20, $0x1  }
0x27d: {  	v20 =	vand.u32 $0x7, v20;
	v21 =	vand.u32 $0xFFFFFFF0, v27  }
0x27e: {  	v20 =	vor.u32 v20, v21  }
0x27f: {  	v21 =	vperm.xlane v20, v8;
	_ =	sdelay $0x1  }
0x280: {  	v20 =	vperm.xlane v20, v10;
	v21 =	vadd.s32 v9, v21;
	_ =	sdelay $0x1  }
0x281: {  	v20 =	vadd.s32 v9, v20;
	_ =	sdelay $0x1  }
0x282: {  	s26 =	simm.s32 $0xF600  }
0x283: {  	[tilespmem:s26], [sflag:$0x2] =	stream.indirect_vreg.gather [hbm4b:s1+s3], $0x80, v21, vm0, $0xb8;
	[tilespmem:$0x18E80] =	vst v63  }
0x284: {  	s26 =	simm.s32 $0xFE00  }
0x285: {  	[tilespmem:s26], [sflag:$0x2] =	stream.indirect_vreg.gather [hbm4b:s1+s3], $0x80, v20, vm0, $0xb8;
	[tilespmem:$0x18E80] =	vst v63  }
0x286: {  	s26 =	simm.s32 $0x3  }
0x287: {  	_ =	swait.ge [sflag:s26], $0x8000  }
0x288: {  	[sflag:s26] =	ssyncset.done $0x0  }
0x289: {  	[sflag:s26] =	ssyncadd.s32 $0xFFFF8000  }
0x28a: {  	v20 =	vld [tilespmem:$0x0];
	_ =	sdelay $0x4  }
0x28b: {  	v28 =	vshll.u32 v20, $0x3  }
0x28c: {  	v29 =	vld [tilespmem:$0x10];
	v20 =	vand.u32 $0x7F, v20;
	v21 =	vand.u32 $0x400, v28  }
0x28d: {  	v20 =	vor.u32 v21, v20  }
0x28e: {  	v20 =	vor.u32 v11, v20;
	_ =	sdelay $0x2  }
0x28f: {  	v30 =	vshll.u32 v29, $0x3  }
0x290: {  	v31 =	vld [tilespmem:$0x20];
	v22 =	vand.u32 $0x7F, v29;
	v21 =	vand.u32 $0x400, v30  }
0x291: {  	v21 =	vor.u32 v21, v22;
	v20 =	vld.idx.msk [tilespmem:v20+s14+$0x0], $0xffff  }
0x292: {  	v21 =	vor.u32 v12, v21;
	_ =	sdelay $0x2  }
0x293: {  	v32 =	vshll.u32 v31, $0x3  }
0x294: {  	v33 =	vld [tilespmem:$0x30];
	v22 =	vand.u32 $0x400, v32;
	[tilespmem:$0x18700] =	vst v20;
	v20 =	vand.u32 $0x7F, v31  }
0x295: {  	v21 =	vld.idx.msk [tilespmem:v21+s14+$0x0], $0xffff;
	v20 =	vor.u32 v22, v20  }
0x296: {  	v20 =	vor.u32 v13, v20;
	_ =	sdelay $0x2  }
0x297: {  	v34 =	vshll.u32 v33, $0x3  }
0x298: {  	v36 =	vld [tilespmem:$0x40];
	v35 =	vand.u32 $0x7F, v33;
	v22 =	vand.u32 $0x400, v34;
	[tilespmem:$0x18710] =	vst v21  }
0x299: {  	v21 =	vor.u32 v22, v35;
	v20 =	vld.idx.msk [tilespmem:v20+s14+$0x0], $0xffff  }
0x29a: {  	v21 =	vor.u32 v14, v21;
	_ =	sdelay $0x2  }
0x29b: {  	v37 =	vshll.u32 v36, $0x3  }
0x29c: {  	v38 =	vld [tilespmem:$0x50];
	v22 =	vand.u32 $0x400, v37;
	[tilespmem:$0x18720] =	vst v20;
	v20 =	vand.u32 $0x7F, v36  }
0x29d: {  	v21 =	vld.idx.msk [tilespmem:v21+s14+$0x0], $0xffff;
	v20 =	vor.u32 v22, v20  }
0x29e: {  	v20 =	vor.u32 v15, v20;
	_ =	sdelay $0x2  }
0x29f: {  	v39 =	vshll.u32 v38, $0x3  }
0x2a0: {  	v41 =	vld [tilespmem:$0x60];
	v40 =	vand.u32 $0x7F, v38;
	v22 =	vand.u32 $0x400, v39;
	[tilespmem:$0x18730] =	vst v21  }
0x2a1: {  	v21 =	vor.u32 v22, v40;
	v20 =	vld.idx.msk [tilespmem:v20+s14+$0x0], $0xffff  }
0x2a2: {  	v21 =	vor.u32 v17, v21;
	_ =	sdelay $0x2  }
0x2a3: {  	v42 =	vshll.u32 v41, $0x3  }
0x2a4: {  	v43 =	vld [tilespmem:$0x70];
	v22 =	vand.u32 $0x400, v42;
	[tilespmem:$0x18740] =	vst v20;
	v20 =	vand.u32 $0x7F, v41  }
0x2a5: {  	v21 =	vld.idx.msk [tilespmem:v21+s14+$0x0], $0xffff;
	v20 =	vor.u32 v22, v20  }
0x2a6: {  	v20 =	vor.u32 v18, v20;
	_ =	sdelay $0x1  }
0x2a7: {  	v44 =	vld [tilespmem:$0x480]  }
0x2a8: {  	v45 =	vshll.u32 v43, $0x3  }
0x2a9: {  	v46 =	vand.u32 $0x7F, v43;
	v47 =	vand.u32 $0x400, v45;
	[tilespmem:$0x18750] =	vst v21  }
0x2aa: {  	v21 =	vor.u32 v47, v46;
	v20 =	vld.idx.msk [tilespmem:v20+s14+$0x0], $0xffff  }
0x2ab: {  	v21 =	vor.u32 v19, v21  }
0x2ac: {  	v48 =	vshll.u32 v44, $0x1  }
0x2ad: {  	v23 =	vand.u32 $0xFFFFFFF0, v48;
	v22 =	vand.u32 $0x7, v44  }
0x2ae: {  	v22 =	vor.u32 v22, v23  }
0x2af: {  	[tilespmem:$0x18760] =	vst v20;
	v20 =	vperm.xlane v22, v8  }
0x2b0: {  	v21 =	vld.idx.msk [tilespmem:v21+s14+$0x0], $0xffff  }
0x2b1: {  	v22 =	vperm.xlane v22, v10;
	v20 =	vadd.s32 v9, v20;
	_ =	sdelay $0x1  }
0x2b2: {  	v22 =	vadd.s32 v9, v22;
	_ =	sdelay $0x1  }
0x2b3: {  	[tilespmem:$0x18770] =	vst v21  }
0x2b4: {  	[tilespmem:s14], [sflag:$0x3] =	stream.indirect_vreg.gather [hbm4b:s1+s3], $0x80, v20, vm0, $0xb8;
	[tilespmem:$0x18E80] =	vst v63  }
0x2b5: {  	_ = 	snop  }
0x2b6: {  	[tilespmem:s0], [sflag:$0x3] =	stream.indirect_vreg.gather [hbm4b:s1+s3], $0x80, v22, vm0, $0xb8;
	[tilespmem:$0x18E80] =	vst v63  }
0x2b7: {  	v20 =	vld [tilespmem:$0x490];
	_ =	sdelay $0x4  }
0x2b8: {  	v49 =	vshll.u32 v20, $0x1  }
0x2b9: {  	v20 =	vand.u32 $0x7, v20;
	v21 =	vand.u32 $0xFFFFFFF0, v49  }
0x2ba: {  	v20 =	vor.u32 v20, v21  }
0x2bb: {  	v21 =	vperm.xlane v20, v8;
	_ =	sdelay $0x1  }
0x2bc: {  	v20 =	vperm.xlane v20, v10;
	v21 =	vadd.s32 v9, v21;
	_ =	sdelay $0x1  }
0x2bd: {  	v20 =	vadd.s32 v9, v20;
	_ =	sdelay $0x2  }
0x2be: {  	[tilespmem:s2], [sflag:$0x3] =	stream.indirect_vreg.gather [hbm4b:s1+s3], $0x80, v21, vm0, $0xb8;
	[tilespmem:$0x18E80] =	vst v63  }
0x2bf: {  	_ = 	snop  }
0x2c0: {  	[tilespmem:s5], [sflag:$0x3] =	stream.indirect_vreg.gather [hbm4b:s1+s3], $0x80, v20, vm0, $0xb8;
	[tilespmem:$0x18E80] =	vst v63  }
0x2c1: {  	v20 =	vld [tilespmem:$0x4A0];
	_ =	sdelay $0x4  }
0x2c2: {  	v50 =	vshll.u32 v20, $0x1  }
0x2c3: {  	v20 =	vand.u32 $0x7, v20;
	v21 =	vand.u32 $0xFFFFFFF0, v50  }
0x2c4: {  	v20 =	vor.u32 v20, v21  }
0x2c5: {  	v21 =	vperm.xlane v20, v8;
	_ =	sdelay $0x1  }
0x2c6: {  	v20 =	vperm.xlane v20, v10;
	v21 =	vadd.s32 v9, v21;
	_ =	sdelay $0x1  }
0x2c7: {  	v20 =	vadd.s32 v9, v20;
	_ =	sdelay $0x2  }
0x2c8: {  	[tilespmem:s11], [sflag:$0x3] =	stream.indirect_vreg.gather [hbm4b:s1+s3], $0x80, v21, vm0, $0xb8;
	[tilespmem:$0x18E80] =	vst v63  }
0x2c9: {  	_ = 	snop  }
0x2ca: {  	[tilespmem:s12], [sflag:$0x3] =	stream.indirect_vreg.gather [hbm4b:s1+s3], $0x80, v20, vm0, $0xb8;
	[tilespmem:$0x18E80] =	vst v63  }
0x2cb: {  	v20 =	vld [tilespmem:$0x4B0];
	_ =	sdelay $0x4  }
0x2cc: {  	v51 =	vshll.u32 v20, $0x1  }
0x2cd: {  	v20 =	vand.u32 $0x7, v20;
	v21 =	vand.u32 $0xFFFFFFF0, v51  }
0x2ce: {  	v20 =	vor.u32 v20, v21  }
0x2cf: {  	v21 =	vperm.xlane v20, v8;
	_ =	sdelay $0x1  }
0x2d0: {  	v20 =	vperm.xlane v20, v10;
	v21 =	vadd.s32 v9, v21;
	_ =	sdelay $0x1  }
0x2d1: {  	v20 =	vadd.s32 v9, v20;
	_ =	sdelay $0x2  }
0x2d2: {  	[tilespmem:s13], [sflag:$0x3] =	stream.indirect_vreg.gather [hbm4b:s1+s3], $0x80, v21, vm0, $0xb8;
	[tilespmem:$0x18E80] =	vst v63  }
0x2d3: {  	_ = 	snop  }
0x2d4: {  	[tilespmem:s15], [sflag:$0x3] =	stream.indirect_vreg.gather [hbm4b:s1+s3], $0x80, v20, vm0, $0xb8;
	[tilespmem:$0x18E80] =	vst v63  }
0x2d5: {  	v20 =	vld [tilespmem:$0x4C0];
	_ =	sdelay $0x4  }
0x2d6: {  	v52 =	vshll.u32 v20, $0x1  }
0x2d7: {  	v20 =	vand.u32 $0x7, v20;
	v21 =	vand.u32 $0xFFFFFFF0, v52  }
0x2d8: {  	v20 =	vor.u32 v20, v21  }
0x2d9: {  	v21 =	vperm.xlane v20, v8;
	_ =	sdelay $0x1  }
0x2da: {  	v20 =	vperm.xlane v20, v10;
	v21 =	vadd.s32 v9, v21;
	_ =	sdelay $0x1  }
0x2db: {  	v20 =	vadd.s32 v9, v20;
	_ =	sdelay $0x2  }
0x2dc: {  	[tilespmem:s16], [sflag:$0x3] =	stream.indirect_vreg.gather [hbm4b:s1+s3], $0x80, v21, vm0, $0xb8;
	[tilespmem:$0x18E80] =	vst v63  }
0x2dd: {  	_ = 	snop  }
0x2de: {  	[tilespmem:s17], [sflag:$0x3] =	stream.indirect_vreg.gather [hbm4b:s1+s3], $0x80, v20, vm0, $0xb8;
	[tilespmem:$0x18E80] =	vst v63  }
0x2df: {  	v20 =	vld [tilespmem:$0x4D0];
	_ =	sdelay $0x4  }
0x2e0: {  	v53 =	vshll.u32 v20, $0x1  }
0x2e1: {  	v20 =	vand.u32 $0x7, v20;
	v21 =	vand.u32 $0xFFFFFFF0, v53  }
0x2e2: {  	v20 =	vor.u32 v20, v21  }
0x2e3: {  	v21 =	vperm.xlane v20, v8;
	_ =	sdelay $0x1  }
0x2e4: {  	v20 =	vperm.xlane v20, v10;
	v21 =	vadd.s32 v9, v21;
	_ =	sdelay $0x1  }
0x2e5: {  	v20 =	vadd.s32 v9, v20;
	_ =	sdelay $0x2  }
0x2e6: {  	[tilespmem:s8], [sflag:$0x3] =	stream.indirect_vreg.gather [hbm4b:s1+s3], $0x80, v21, vm0, $0xb8;
	[tilespmem:$0x18E80] =	vst v63  }
0x2e7: {  	_ = 	snop  }
0x2e8: {  	[tilespmem:s9], [sflag:$0x3] =	stream.indirect_vreg.gather [hbm4b:s1+s3], $0x80, v20, vm0, $0xb8;
	[tilespmem:$0x18E80] =	vst v63  }
0x2e9: {  	v20 =	vld [tilespmem:$0x4E0];
	_ =	sdelay $0x4  }
0x2ea: {  	v54 =	vshll.u32 v20, $0x1  }
0x2eb: {  	v20 =	vand.u32 $0x7, v20;
	v21 =	vand.u32 $0xFFFFFFF0, v54  }
0x2ec: {  	v20 =	vor.u32 v20, v21  }
0x2ed: {  	v21 =	vperm.xlane v20, v8;
	_ =	sdelay $0x1  }
0x2ee: {  	v20 =	vperm.xlane v20, v10;
	v21 =	vadd.s32 v9, v21;
	_ =	sdelay $0x1  }
0x2ef: {  	v20 =	vadd.s32 v9, v20;
	_ =	sdelay $0x2  }
0x2f0: {  	[tilespmem:s10], [sflag:$0x3] =	stream.indirect_vreg.gather [hbm4b:s1+s3], $0x80, v21, vm0, $0xb8;
	[tilespmem:$0x18E80] =	vst v63  }
0x2f1: {  	_ = 	snop  }
0x2f2: {  	[tilespmem:s20], [sflag:$0x3] =	stream.indirect_vreg.gather [hbm4b:s1+s3], $0x80, v20, vm0, $0xb8;
	[tilespmem:$0x18E80] =	vst v63  }
0x2f3: {  	v20 =	vld [tilespmem:$0x4F0];
	_ =	sdelay $0x4  }
0x2f4: {  	v55 =	vshll.u32 v20, $0x1  }
0x2f5: {  	v20 =	vand.u32 $0x7, v20;
	v21 =	vand.u32 $0xFFFFFFF0, v55  }
0x2f6: {  	v20 =	vor.u32 v20, v21  }
0x2f7: {  	v21 =	vperm.xlane v20, v8;
	_ =	sdelay $0x1  }
0x2f8: {  	v20 =	vperm.xlane v20, v10;
	v21 =	vadd.s32 v9, v21;
	_ =	sdelay $0x1  }
0x2f9: {  	v20 =	vadd.s32 v9, v20;
	_ =	sdelay $0x2  }
0x2fa: {  	[tilespmem:s21], [sflag:$0x3] =	stream.indirect_vreg.gather [hbm4b:s1+s3], $0x80, v21, vm0, $0xb8;
	[tilespmem:$0x18E80] =	vst v63  }
0x2fb: {  	_ = 	snop  }
0x2fc: {  	[tilespmem:s22], [sflag:$0x3] =	stream.indirect_vreg.gather [hbm4b:s1+s3], $0x80, v20, vm0, $0xb8;
	[tilespmem:$0x18E80] =	vst v63  }
0x2fd: {  	_ =	swait.ge [sflag:s24], $0x8000  }
0x2fe: {  	[sflag:s24] =	ssyncset.done $0x0  }
0x2ff: {  	[sflag:s24] =	ssyncadd.s32 $0xFFFF8000  }
0x300: {  	v20 =	vld [tilespmem:$0x0];
	_ =	sdelay $0x4  }
0x301: {  	v56 =	vshll.u32 v20, $0x3  }
0x302: {  	v57 =	vld [tilespmem:$0x10];
	v20 =	vand.u32 $0x7F, v20;
	v21 =	vand.u32 $0x400, v56  }
0x303: {  	v20 =	vor.u32 v21, v20  }
0x304: {  	v20 =	vor.u32 v11, v20;
	_ =	sdelay $0x2  }
0x305: {  	v58 =	vshll.u32 v57, $0x3  }
0x306: {  	v59 =	vld [tilespmem:$0x20];
	v22 =	vand.u32 $0x7F, v57;
	v21 =	vand.u32 $0x400, v58  }
0x307: {  	v21 =	vor.u32 v21, v22;
	v20 =	vld.idx.msk [tilespmem:v20+s7+$0x0], $0xffff  }
0x308: {  	v21 =	vor.u32 v12, v21;
	_ =	sdelay $0x2  }
0x309: {  	v60 =	vshll.u32 v59, $0x3  }
0x30a: {  	v61 =	vld [tilespmem:$0x30];
	v22 =	vand.u32 $0x400, v60;
	[tilespmem:$0x18780] =	vst v20;
	v20 =	vand.u32 $0x7F, v59  }
0x30b: {  	v21 =	vld.idx.msk [tilespmem:v21+s7+$0x0], $0xffff;
	v20 =	vor.u32 v22, v20  }
0x30c: {  	v20 =	vor.u32 v13, v20;
	_ =	sdelay $0x2  }
0x30d: {  	v62 =	vshll.u32 v61, $0x3  }
0x30e: {  	v24 =	vld [tilespmem:$0x40];
	v63 =	vand.u32 $0x7F, v61;
	v22 =	vand.u32 $0x400, v62;
	[tilespmem:$0x18790] =	vst v21  }
0x30f: {  	v21 =	vor.u32 v22, v63;
	v20 =	vld.idx.msk [tilespmem:v20+s7+$0x0], $0xffff  }
0x310: {  	v21 =	vor.u32 v14, v21;
	_ =	sdelay $0x2  }
0x311: {  	v25 =	vshll.u32 v24, $0x3  }
0x312: {  	v26 =	vld [tilespmem:$0x50];
	v22 =	vand.u32 $0x400, v25;
	[tilespmem:$0x187A0] =	vst v20;
	v20 =	vand.u32 $0x7F, v24  }
0x313: {  	v21 =	vld.idx.msk [tilespmem:v21+s7+$0x0], $0xffff;
	v20 =	vor.u32 v22, v20  }
0x314: {  	v20 =	vor.u32 v15, v20;
	_ =	sdelay $0x2  }
0x315: {  	v27 =	vshll.u32 v26, $0x3  }
0x316: {  	v29 =	vld [tilespmem:$0x60];
	v28 =	vand.u32 $0x7F, v26;
	v22 =	vand.u32 $0x400, v27;
	[tilespmem:$0x187B0] =	vst v21  }
0x317: {  	v21 =	vor.u32 v22, v28;
	v20 =	vld.idx.msk [tilespmem:v20+s7+$0x0], $0xffff  }
0x318: {  	v21 =	vor.u32 v17, v21;
	_ =	sdelay $0x2  }
0x319: {  	v30 =	vshll.u32 v29, $0x3  }
0x31a: {  	v31 =	vld [tilespmem:$0x70];
	v22 =	vand.u32 $0x400, v30;
	[tilespmem:$0x187C0] =	vst v20;
	v20 =	vand.u32 $0x7F, v29  }
0x31b: {  	v21 =	vld.idx.msk [tilespmem:v21+s7+$0x0], $0xffff;
	v20 =	vor.u32 v22, v20  }
0x31c: {  	v20 =	vor.u32 v18, v20;
	_ =	sdelay $0x1  }
0x31d: {  	v32 =	vld [tilespmem:$0x500]  }
0x31e: {  	v33 =	vshll.u32 v31, $0x3  }
0x31f: {  	v34 =	vand.u32 $0x7F, v31;
	v35 =	vand.u32 $0x400, v33;
	[tilespmem:$0x187D0] =	vst v21  }
0x320: {  	v21 =	vor.u32 v35, v34;
	v20 =	vld.idx.msk [tilespmem:v20+s7+$0x0], $0xffff  }
0x321: {  	v21 =	vor.u32 v19, v21  }
0x322: {  	v36 =	vshll.u32 v32, $0x1  }
0x323: {  	v23 =	vand.u32 $0xFFFFFFF0, v36;
	v22 =	vand.u32 $0x7, v32  }
0x324: {  	v22 =	vor.u32 v22, v23  }
0x325: {  	[tilespmem:$0x187E0] =	vst v20;
	v20 =	vperm.xlane v22, v8  }
0x326: {  	v21 =	vld.idx.msk [tilespmem:v21+s7+$0x0], $0xffff  }
0x327: {  	v22 =	vperm.xlane v22, v10;
	v20 =	vadd.s32 v9, v20;
	_ =	sdelay $0x1  }
0x328: {  	v22 =	vadd.s32 v9, v22;
	_ =	sdelay $0x1  }
0x329: {  	[tilespmem:$0x187F0] =	vst v21  }
0x32a: {  	[tilespmem:s7], [sflag:$0x1] =	stream.indirect_vreg.gather [hbm4b:s1+s3], $0x80, v20, vm0, $0xb8;
	[tilespmem:$0x18E80] =	vst v63  }
0x32b: {  	s0 =	simm.s32 $0xE00  }
0x32c: {  	[tilespmem:s0], [sflag:$0x1] =	stream.indirect_vreg.gather [hbm4b:s1+s3], $0x80, v22, vm0, $0xb8;
	[tilespmem:$0x18E80] =	vst v63  }
0x32d: {  	v20 =	vld [tilespmem:$0x510];
	_ =	sdelay $0x4  }
0x32e: {  	v37 =	vshll.u32 v20, $0x1  }
0x32f: {  	v20 =	vand.u32 $0x7, v20;
	v21 =	vand.u32 $0xFFFFFFF0, v37  }
0x330: {  	v20 =	vor.u32 v20, v21  }
0x331: {  	v21 =	vperm.xlane v20, v8;
	_ =	sdelay $0x1  }
0x332: {  	v20 =	vperm.xlane v20, v10;
	v21 =	vadd.s32 v9, v21;
	_ =	sdelay $0x1  }
0x333: {  	v20 =	vadd.s32 v9, v20;
	_ =	sdelay $0x1  }
0x334: {  	s0 =	simm.s32 $0x1600  }
0x335: {  	[tilespmem:s0], [sflag:$0x1] =	stream.indirect_vreg.gather [hbm4b:s1+s3], $0x80, v21, vm0, $0xb8;
	[tilespmem:$0x18E80] =	vst v63  }
0x336: {  	s0 =	simm.s32 $0x1E00  }
0x337: {  	[tilespmem:s0], [sflag:$0x1] =	stream.indirect_vreg.gather [hbm4b:s1+s3], $0x80, v20, vm0, $0xb8;
	[tilespmem:$0x18E80] =	vst v63  }
0x338: {  	v20 =	vld [tilespmem:$0x520];
	_ =	sdelay $0x4  }
0x339: {  	v38 =	vshll.u32 v20, $0x1  }
0x33a: {  	v20 =	vand.u32 $0x7, v20;
	v21 =	vand.u32 $0xFFFFFFF0, v38  }
0x33b: {  	v20 =	vor.u32 v20, v21  }
0x33c: {  	v21 =	vperm.xlane v20, v8;
	_ =	sdelay $0x1  }
0x33d: {  	v20 =	vperm.xlane v20, v10;
	v21 =	vadd.s32 v9, v21;
	_ =	sdelay $0x1  }
0x33e: {  	v20 =	vadd.s32 v9, v20;
	_ =	sdelay $0x1  }
0x33f: {  	s0 =	simm.s32 $0x2600  }
0x340: {  	[tilespmem:s0], [sflag:$0x1] =	stream.indirect_vreg.gather [hbm4b:s1+s3], $0x80, v21, vm0, $0xb8;
	[tilespmem:$0x18E80] =	vst v63  }
0x341: {  	s0 =	simm.s32 $0x2E00  }
0x342: {  	[tilespmem:s0], [sflag:$0x1] =	stream.indirect_vreg.gather [hbm4b:s1+s3], $0x80, v20, vm0, $0xb8;
	[tilespmem:$0x18E80] =	vst v63  }
0x343: {  	v20 =	vld [tilespmem:$0x530];
	_ =	sdelay $0x4  }
0x344: {  	v39 =	vshll.u32 v20, $0x1  }
0x345: {  	v20 =	vand.u32 $0x7, v20;
	v21 =	vand.u32 $0xFFFFFFF0, v39  }
0x346: {  	v20 =	vor.u32 v20, v21  }
0x347: {  	v21 =	vperm.xlane v20, v8;
	_ =	sdelay $0x1  }
0x348: {  	v20 =	vperm.xlane v20, v10;
	v21 =	vadd.s32 v9, v21;
	_ =	sdelay $0x1  }
0x349: {  	v20 =	vadd.s32 v9, v20;
	_ =	sdelay $0x1  }
0x34a: {  	s0 =	simm.s32 $0x3600  }
0x34b: {  	[tilespmem:s0], [sflag:$0x1] =	stream.indirect_vreg.gather [hbm4b:s1+s3], $0x80, v21, vm0, $0xb8;
	[tilespmem:$0x18E80] =	vst v63  }
0x34c: {  	s0 =	simm.s32 $0x3E00  }
0x34d: {  	[tilespmem:s0], [sflag:$0x1] =	stream.indirect_vreg.gather [hbm4b:s1+s3], $0x80, v20, vm0, $0xb8;
	[tilespmem:$0x18E80] =	vst v63  }
0x34e: {  	v20 =	vld [tilespmem:$0x540];
	_ =	sdelay $0x4  }
0x34f: {  	v40 =	vshll.u32 v20, $0x1  }
0x350: {  	v20 =	vand.u32 $0x7, v20;
	v21 =	vand.u32 $0xFFFFFFF0, v40  }
0x351: {  	v20 =	vor.u32 v20, v21  }
0x352: {  	v21 =	vperm.xlane v20, v8;
	_ =	sdelay $0x1  }
0x353: {  	v20 =	vperm.xlane v20, v10;
	v21 =	vadd.s32 v9, v21;
	_ =	sdelay $0x1  }
0x354: {  	v20 =	vadd.s32 v9, v20;
	_ =	sdelay $0x1  }
0x355: {  	s18 =	simm.s32 $0x4600  }
0x356: {  	[tilespmem:s18], [sflag:$0x1] =	stream.indirect_vreg.gather [hbm4b:s1+s3], $0x80, v21, vm0, $0xb8;
	[tilespmem:$0x18E80] =	vst v63  }
0x357: {  	s18 =	simm.s32 $0x4E00  }
0x358: {  	[tilespmem:s18], [sflag:$0x1] =	stream.indirect_vreg.gather [hbm4b:s1+s3], $0x80, v20, vm0, $0xb8;
	[tilespmem:$0x18E80] =	vst v63  }
0x359: {  	v20 =	vld [tilespmem:$0x550];
	_ =	sdelay $0x4  }
0x35a: {  	v41 =	vshll.u32 v20, $0x1  }
0x35b: {  	v20 =	vand.u32 $0x7, v20;
	v21 =	vand.u32 $0xFFFFFFF0, v41  }
0x35c: {  	v20 =	vor.u32 v20, v21  }
0x35d: {  	v21 =	vperm.xlane v20, v8;
	_ =	sdelay $0x1  }
0x35e: {  	v20 =	vperm.xlane v20, v10;
	v21 =	vadd.s32 v9, v21;
	_ =	sdelay $0x1  }
0x35f: {  	v20 =	vadd.s32 v9, v20;
	_ =	sdelay $0x1  }
0x360: {  	s30 =	simm.s32 $0x5600  }
0x361: {  	[tilespmem:s30], [sflag:$0x1] =	stream.indirect_vreg.gather [hbm4b:s1+s3], $0x80, v21, vm0, $0xb8;
	[tilespmem:$0x18E80] =	vst v63  }
0x362: {  	s30 =	simm.s32 $0x5E00  }
0x363: {  	[tilespmem:s30], [sflag:$0x1] =	stream.indirect_vreg.gather [hbm4b:s1+s3], $0x80, v20, vm0, $0xb8;
	[tilespmem:$0x18E80] =	vst v63  }
0x364: {  	v20 =	vld [tilespmem:$0x560];
	_ =	sdelay $0x4  }
0x365: {  	v42 =	vshll.u32 v20, $0x1  }
0x366: {  	v20 =	vand.u32 $0x7, v20;
	v21 =	vand.u32 $0xFFFFFFF0, v42  }
0x367: {  	v20 =	vor.u32 v20, v21  }
0x368: {  	v21 =	vperm.xlane v20, v8;
	_ =	sdelay $0x1  }
0x369: {  	v20 =	vperm.xlane v20, v10;
	v21 =	vadd.s32 v9, v21;
	_ =	sdelay $0x1  }
0x36a: {  	v20 =	vadd.s32 v9, v20;
	_ =	sdelay $0x1  }
0x36b: {  	s18 =	simm.s32 $0x6600  }
0x36c: {  	[tilespmem:s18], [sflag:$0x1] =	stream.indirect_vreg.gather [hbm4b:s1+s3], $0x80, v21, vm0, $0xb8;
	[tilespmem:$0x18E80] =	vst v63  }
0x36d: {  	s29 =	simm.s32 $0x6E00  }
0x36e: {  	[tilespmem:s29], [sflag:$0x1] =	stream.indirect_vreg.gather [hbm4b:s1+s3], $0x80, v20, vm0, $0xb8;
	[tilespmem:$0x18E80] =	vst v63  }
0x36f: {  	v20 =	vld [tilespmem:$0x570];
	_ =	sdelay $0x4  }
0x370: {  	v43 =	vshll.u32 v20, $0x1  }
0x371: {  	v20 =	vand.u32 $0x7, v20;
	v21 =	vand.u32 $0xFFFFFFF0, v43  }
0x372: {  	v20 =	vor.u32 v20, v21  }
0x373: {  	v21 =	vperm.xlane v20, v8;
	_ =	sdelay $0x1  }
0x374: {  	v20 =	vperm.xlane v20, v10;
	v21 =	vadd.s32 v9, v21;
	_ =	sdelay $0x1  }
0x375: {  	v20 =	vadd.s32 v9, v20;
	_ =	sdelay $0x1  }
0x376: {  	s19 =	simm.s32 $0x7600  }
0x377: {  	[tilespmem:s19], [sflag:$0x1] =	stream.indirect_vreg.gather [hbm4b:s1+s3], $0x80, v21, vm0, $0xb8;
	[tilespmem:$0x18E80] =	vst v63  }
0x378: {  	s31 =	simm.s32 $0x7E00  }
0x379: {  	[tilespmem:s31], [sflag:$0x1] =	stream.indirect_vreg.gather [hbm4b:s1+s3], $0x80, v20, vm0, $0xb8;
	[tilespmem:$0x18E80] =	vst v63  }
0x37a: {  	_ =	swait.ge [sflag:s25], $0x8000  }
0x37b: {  	[sflag:s25] =	ssyncset.done $0x0  }
0x37c: {  	[sflag:s25] =	ssyncadd.s32 $0xFFFF8000  }
0x37d: {  	v20 =	vld [tilespmem:$0x80];
	_ =	sdelay $0x4  }
0x37e: {  	v44 =	vshll.u32 v20, $0x3  }
0x37f: {  	v45 =	vld [tilespmem:$0x90];
	v20 =	vand.u32 $0x7F, v20;
	v21 =	vand.u32 $0x400, v44  }
0x380: {  	v20 =	vor.u32 v21, v20  }
0x381: {  	v20 =	vor.u32 v11, v20;
	_ =	sdelay $0x2  }
0x382: {  	v46 =	vshll.u32 v45, $0x3  }
0x383: {  	v47 =	vld [tilespmem:$0xA0];
	v22 =	vand.u32 $0x7F, v45;
	v21 =	vand.u32 $0x400, v46  }
0x384: {  	v21 =	vor.u32 v21, v22;
	v20 =	vld.idx.msk [tilespmem:v20+s23+$0x0], $0xffff  }
0x385: {  	v21 =	vor.u32 v12, v21;
	_ =	sdelay $0x2  }
0x386: {  	v48 =	vshll.u32 v47, $0x3  }
0x387: {  	v49 =	vld [tilespmem:$0xB0];
	v22 =	vand.u32 $0x400, v48;
	[tilespmem:$0x18800] =	vst v20;
	v20 =	vand.u32 $0x7F, v47  }
0x388: {  	v21 =	vld.idx.msk [tilespmem:v21+s23+$0x0], $0xffff;
	v20 =	vor.u32 v22, v20  }
0x389: {  	v20 =	vor.u32 v13, v20;
	_ =	sdelay $0x2  }
0x38a: {  	v50 =	vshll.u32 v49, $0x3  }
0x38b: {  	v52 =	vld [tilespmem:$0xC0];
	v51 =	vand.u32 $0x7F, v49;
	v22 =	vand.u32 $0x400, v50;
	[tilespmem:$0x18810] =	vst v21  }
0x38c: {  	v21 =	vor.u32 v22, v51;
	v20 =	vld.idx.msk [tilespmem:v20+s23+$0x0], $0xffff  }
0x38d: {  	v21 =	vor.u32 v14, v21;
	_ =	sdelay $0x2  }
0x38e: {  	v53 =	vshll.u32 v52, $0x3  }
0x38f: {  	v54 =	vld [tilespmem:$0xD0];
	v22 =	vand.u32 $0x400, v53;
	[tilespmem:$0x18820] =	vst v20;
	v20 =	vand.u32 $0x7F, v52  }
0x390: {  	v21 =	vld.idx.msk [tilespmem:v21+s23+$0x0], $0xffff;
	v20 =	vor.u32 v22, v20  }
0x391: {  	v20 =	vor.u32 v15, v20;
	_ =	sdelay $0x2  }
0x392: {  	v55 =	vshll.u32 v54, $0x3  }
0x393: {  	v57 =	vld [tilespmem:$0xE0];
	v56 =	vand.u32 $0x7F, v54;
	v22 =	vand.u32 $0x400, v55;
	[tilespmem:$0x18830] =	vst v21  }
0x394: {  	v21 =	vor.u32 v22, v56;
	v20 =	vld.idx.msk [tilespmem:v20+s23+$0x0], $0xffff  }
0x395: {  	v21 =	vor.u32 v17, v21;
	_ =	sdelay $0x2  }
0x396: {  	v58 =	vshll.u32 v57, $0x3  }
0x397: {  	v59 =	vld [tilespmem:$0xF0];
	v22 =	vand.u32 $0x400, v58;
	[tilespmem:$0x18840] =	vst v20;
	v20 =	vand.u32 $0x7F, v57  }
0x398: {  	v21 =	vld.idx.msk [tilespmem:v21+s23+$0x0], $0xffff;
	v20 =	vor.u32 v22, v20  }
0x399: {  	v20 =	vor.u32 v18, v20;
	_ =	sdelay $0x1  }
0x39a: {  	v60 =	vld [tilespmem:$0x580]  }
0x39b: {  	v61 =	vshll.u32 v59, $0x3  }
0x39c: {  	v62 =	vand.u32 $0x7F, v59;
	v63 =	vand.u32 $0x400, v61;
	[tilespmem:$0x18850] =	vst v21  }
0x39d: {  	v21 =	vor.u32 v63, v62;
	v20 =	vld.idx.msk [tilespmem:v20+s23+$0x0], $0xffff  }
0x39e: {  	v21 =	vor.u32 v19, v21  }
0x39f: {  	v24 =	vshll.u32 v60, $0x1  }
0x3a0: {  	v23 =	vand.u32 $0xFFFFFFF0, v24;
	v22 =	vand.u32 $0x7, v60  }
0x3a1: {  	v22 =	vor.u32 v22, v23  }
0x3a2: {  	[tilespmem:$0x18860] =	vst v20;
	v20 =	vperm.xlane v22, v8  }
0x3a3: {  	v21 =	vld.idx.msk [tilespmem:v21+s23+$0x0], $0xffff  }
0x3a4: {  	v22 =	vperm.xlane v22, v10;
	v20 =	vadd.s32 v9, v20;
	_ =	sdelay $0x1  }
0x3a5: {  	v22 =	vadd.s32 v9, v22;
	_ =	sdelay $0x1  }
0x3a6: {  	[tilespmem:$0x18870] =	vst v21  }
0x3a7: {  	[tilespmem:s23], [sflag:$0x2] =	stream.indirect_vreg.gather [hbm4b:s1+s3], $0x80, v20, vm0, $0xb8;
	[tilespmem:$0x18E80] =	vst v63  }
0x3a8: {  	s30 =	simm.s32 $0x8E00  }
0x3a9: {  	[tilespmem:s30], [sflag:$0x2] =	stream.indirect_vreg.gather [hbm4b:s1+s3], $0x80, v22, vm0, $0xb8;
	[tilespmem:$0x18E80] =	vst v63  }
0x3aa: {  	v20 =	vld [tilespmem:$0x590];
	_ =	sdelay $0x4  }
0x3ab: {  	v25 =	vshll.u32 v20, $0x1  }
0x3ac: {  	v20 =	vand.u32 $0x7, v20;
	v21 =	vand.u32 $0xFFFFFFF0, v25  }
0x3ad: {  	v20 =	vor.u32 v20, v21  }
0x3ae: {  	v21 =	vperm.xlane v20, v8;
	_ =	sdelay $0x1  }
0x3af: {  	v20 =	vperm.xlane v20, v10;
	v21 =	vadd.s32 v9, v21;
	_ =	sdelay $0x1  }
0x3b0: {  	v20 =	vadd.s32 v9, v20;
	_ =	sdelay $0x1  }
0x3b1: {  	s31 =	simm.s32 $0x9600  }
0x3b2: {  	[tilespmem:s31], [sflag:$0x2] =	stream.indirect_vreg.gather [hbm4b:s1+s3], $0x80, v21, vm0, $0xb8;
	[tilespmem:$0x18E80] =	vst v63  }
0x3b3: {  	s18 =	simm.s32 $0x9E00  }
0x3b4: {  	[tilespmem:s18], [sflag:$0x2] =	stream.indirect_vreg.gather [hbm4b:s1+s3], $0x80, v20, vm0, $0xb8;
	[tilespmem:$0x18E80] =	vst v63  }
0x3b5: {  	v20 =	vld [tilespmem:$0x5A0];
	_ =	sdelay $0x4  }
0x3b6: {  	v26 =	vshll.u32 v20, $0x1  }
0x3b7: {  	v20 =	vand.u32 $0x7, v20;
	v21 =	vand.u32 $0xFFFFFFF0, v26  }
0x3b8: {  	v20 =	vor.u32 v20, v21  }
0x3b9: {  	v21 =	vperm.xlane v20, v8;
	_ =	sdelay $0x1  }
0x3ba: {  	v20 =	vperm.xlane v20, v10;
	v21 =	vadd.s32 v9, v21;
	_ =	sdelay $0x1  }
0x3bb: {  	v20 =	vadd.s32 v9, v20;
	_ =	sdelay $0x1  }
0x3bc: {  	s19 =	simm.s32 $0xA600  }
0x3bd: {  	[tilespmem:s19], [sflag:$0x2] =	stream.indirect_vreg.gather [hbm4b:s1+s3], $0x80, v21, vm0, $0xb8;
	[tilespmem:$0x18E80] =	vst v63  }
0x3be: {  	s29 =	simm.s32 $0xAE00  }
0x3bf: {  	[tilespmem:s29], [sflag:$0x2] =	stream.indirect_vreg.gather [hbm4b:s1+s3], $0x80, v20, vm0, $0xb8;
	[tilespmem:$0x18E80] =	vst v63  }
0x3c0: {  	v20 =	vld [tilespmem:$0x5B0];
	_ =	sdelay $0x4  }
0x3c1: {  	v27 =	vshll.u32 v20, $0x1  }
0x3c2: {  	v20 =	vand.u32 $0x7, v20;
	v21 =	vand.u32 $0xFFFFFFF0, v27  }
0x3c3: {  	v20 =	vor.u32 v20, v21  }
0x3c4: {  	v21 =	vperm.xlane v20, v8;
	_ =	sdelay $0x1  }
0x3c5: {  	v20 =	vperm.xlane v20, v10;
	v21 =	vadd.s32 v9, v21;
	_ =	sdelay $0x1  }
0x3c6: {  	v20 =	vadd.s32 v9, v20;
	_ =	sdelay $0x1  }
0x3c7: {  	s30 =	simm.s32 $0xB600  }
0x3c8: {  	[tilespmem:s30], [sflag:$0x2] =	stream.indirect_vreg.gather [hbm4b:s1+s3], $0x80, v21, vm0, $0xb8;
	[tilespmem:$0x18E80] =	vst v63  }
0x3c9: {  	s31 =	simm.s32 $0xBE00  }
0x3ca: {  	[tilespmem:s31], [sflag:$0x2] =	stream.indirect_vreg.gather [hbm4b:s1+s3], $0x80, v20, vm0, $0xb8;
	[tilespmem:$0x18E80] =	vst v63  }
0x3cb: {  	v20 =	vld [tilespmem:$0x5C0];
	_ =	sdelay $0x4  }
0x3cc: {  	v28 =	vshll.u32 v20, $0x1  }
0x3cd: {  	v20 =	vand.u32 $0x7, v20;
	v21 =	vand.u32 $0xFFFFFFF0, v28  }
0x3ce: {  	v20 =	vor.u32 v20, v21  }
0x3cf: {  	v21 =	vperm.xlane v20, v8;
	_ =	sdelay $0x1  }
0x3d0: {  	v20 =	vperm.xlane v20, v10;
	v21 =	vadd.s32 v9, v21;
	_ =	sdelay $0x1  }
0x3d1: {  	v20 =	vadd.s32 v9, v20;
	_ =	sdelay $0x1  }
0x3d2: {  	s18 =	simm.s32 $0xC600  }
0x3d3: {  	[tilespmem:s18], [sflag:$0x2] =	stream.indirect_vreg.gather [hbm4b:s1+s3], $0x80, v21, vm0, $0xb8;
	[tilespmem:$0x18E80] =	vst v63  }
0x3d4: {  	s19 =	simm.s32 $0xCE00  }
0x3d5: {  	[tilespmem:s19], [sflag:$0x2] =	stream.indirect_vreg.gather [hbm4b:s1+s3], $0x80, v20, vm0, $0xb8;
	[tilespmem:$0x18E80] =	vst v63  }
0x3d6: {  	v20 =	vld [tilespmem:$0x5D0];
	_ =	sdelay $0x4  }
0x3d7: {  	v29 =	vshll.u32 v20, $0x1  }
0x3d8: {  	v20 =	vand.u32 $0x7, v20;
	v21 =	vand.u32 $0xFFFFFFF0, v29  }
0x3d9: {  	v20 =	vor.u32 v20, v21  }
0x3da: {  	v21 =	vperm.xlane v20, v8;
	_ =	sdelay $0x1  }
0x3db: {  	v20 =	vperm.xlane v20, v10;
	v21 =	vadd.s32 v9, v21;
	_ =	sdelay $0x1  }
0x3dc: {  	v20 =	vadd.s32 v9, v20;
	_ =	sdelay $0x1  }
0x3dd: {  	s29 =	simm.s32 $0xD600  }
0x3de: {  	[tilespmem:s29], [sflag:$0x2] =	stream.indirect_vreg.gather [hbm4b:s1+s3], $0x80, v21, vm0, $0xb8;
	[tilespmem:$0x18E80] =	vst v63  }
0x3df: {  	s30 =	simm.s32 $0xDE00  }
0x3e0: {  	[tilespmem:s30], [sflag:$0x2] =	stream.indirect_vreg.gather [hbm4b:s1+s3], $0x80, v20, vm0, $0xb8;
	[tilespmem:$0x18E80] =	vst v63  }
0x3e1: {  	v20 =	vld [tilespmem:$0x5E0];
	_ =	sdelay $0x4  }
0x3e2: {  	v30 =	vshll.u32 v20, $0x1  }
0x3e3: {  	v20 =	vand.u32 $0x7, v20;
	v21 =	vand.u32 $0xFFFFFFF0, v30  }
0x3e4: {  	v20 =	vor.u32 v20, v21  }
0x3e5: {  	v21 =	vperm.xlane v20, v8;
	_ =	sdelay $0x1  }
0x3e6: {  	v20 =	vperm.xlane v20, v10;
	v21 =	vadd.s32 v9, v21;
	_ =	sdelay $0x1  }
0x3e7: {  	v20 =	vadd.s32 v9, v20;
	_ =	sdelay $0x1  }
0x3e8: {  	s31 =	simm.s32 $0xE600  }
0x3e9: {  	[tilespmem:s31], [sflag:$0x2] =	stream.indirect_vreg.gather [hbm4b:s1+s3], $0x80, v21, vm0, $0xb8;
	[tilespmem:$0x18E80] =	vst v63  }
0x3ea: {  	s18 =	simm.s32 $0xEE00  }
0x3eb: {  	[tilespmem:s18], [sflag:$0x2] =	stream.indirect_vreg.gather [hbm4b:s1+s3], $0x80, v20, vm0, $0xb8;
	[tilespmem:$0x18E80] =	vst v63  }
0x3ec: {  	v20 =	vld [tilespmem:$0x5F0];
	_ =	sdelay $0x4  }
0x3ed: {  	v31 =	vshll.u32 v20, $0x1  }
0x3ee: {  	v20 =	vand.u32 $0x7, v20;
	v21 =	vand.u32 $0xFFFFFFF0, v31  }
0x3ef: {  	v20 =	vor.u32 v20, v21  }
0x3f0: {  	v21 =	vperm.xlane v20, v8;
	_ =	sdelay $0x1  }
0x3f1: {  	v20 =	vperm.xlane v20, v10;
	v21 =	vadd.s32 v9, v21;
	_ =	sdelay $0x1  }
0x3f2: {  	v20 =	vadd.s32 v9, v20;
	_ =	sdelay $0x1  }
0x3f3: {  	s19 =	simm.s32 $0xF600  }
0x3f4: {  	[tilespmem:s19], [sflag:$0x2] =	stream.indirect_vreg.gather [hbm4b:s1+s3], $0x80, v21, vm0, $0xb8;
	[tilespmem:$0x18E80] =	vst v63  }
0x3f5: {  	s29 =	simm.s32 $0xFE00  }
0x3f6: {  	[tilespmem:s29], [sflag:$0x2] =	stream.indirect_vreg.gather [hbm4b:s1+s3], $0x80, v20, vm0, $0xb8;
	[tilespmem:$0x18E80] =	vst v63  }
0x3f7: {  	_ =	swait.ge [sflag:s26], $0x8000  }
0x3f8: {  	[sflag:s26] =	ssyncset.done $0x0  }
0x3f9: {  	[sflag:s26] =	ssyncadd.s32 $0xFFFF8000  }
0x3fa: {  	v20 =	vld [tilespmem:$0x80];
	_ =	sdelay $0x4  }
0x3fb: {  	v32 =	vshll.u32 v20, $0x3  }
0x3fc: {  	v33 =	vld [tilespmem:$0x90];
	v20 =	vand.u32 $0x7F, v20;
	v21 =	vand.u32 $0x400, v32  }
0x3fd: {  	v20 =	vor.u32 v21, v20  }
0x3fe: {  	v20 =	vor.u32 v11, v20;
	_ =	sdelay $0x2  }
0x3ff: {  	v34 =	vshll.u32 v33, $0x3  }
0x400: {  	v35 =	vld [tilespmem:$0xA0];
	v22 =	vand.u32 $0x7F, v33;
	v21 =	vand.u32 $0x400, v34  }
0x401: {  	v37 =	vld.idx.msk [tilespmem:v20+s14+$0x0], $0xffff;
	v20 =	vor.u32 v21, v22  }
0x402: {  	v20 =	vor.u32 v12, v20;
	_ =	sdelay $0x2  }
0x403: {  	v39 =	vshll.u32 v35, $0x3  }
0x404: {  	v41 =	vld [tilespmem:$0xB0];
	v40 =	vand.u32 $0x7F, v35;
	v21 =	vand.u32 $0x400, v39;
	[tilespmem:$0x18880] =	vst v37  }
0x405: {  	v34 =	vld.idx.msk [tilespmem:v20+s14+$0x0], $0xffff;
	v20 =	vor.u32 v21, v40  }
0x406: {  	v20 =	vor.u32 v13, v20;
	_ =	sdelay $0x2  }
0x407: {  	v42 =	vshll.u32 v41, $0x3  }
0x408: {  	v44 =	vld [tilespmem:$0xC0];
	v43 =	vand.u32 $0x7F, v41;
	v21 =	vand.u32 $0x400, v42;
	[tilespmem:$0x18890] =	vst v34  }
0x409: {  	v31 =	vld.idx.msk [tilespmem:v20+s14+$0x0], $0xffff;
	v20 =	vor.u32 v21, v43  }
0x40a: {  	v20 =	vor.u32 v14, v20;
	_ =	sdelay $0x2  }
0x40b: {  	v45 =	vshll.u32 v44, $0x3  }
0x40c: {  	v47 =	vld [tilespmem:$0xD0];
	v46 =	vand.u32 $0x7F, v44;
	v21 =	vand.u32 $0x400, v45;
	[tilespmem:$0x188A0] =	vst v31  }
0x40d: {  	v28 =	vld.idx.msk [tilespmem:v20+s14+$0x0], $0xffff;
	v20 =	vor.u32 v21, v46  }
0x40e: {  	v20 =	vor.u32 v15, v20;
	_ =	sdelay $0x2  }
0x40f: {  	v48 =	vshll.u32 v47, $0x3  }
0x410: {  	v50 =	vld [tilespmem:$0xE0];
	v49 =	vand.u32 $0x7F, v47;
	v21 =	vand.u32 $0x400, v48;
	[tilespmem:$0x188B0] =	vst v28  }
0x411: {  	v25 =	vld.idx.msk [tilespmem:v20+s14+$0x0], $0xffff;
	v20 =	vor.u32 v21, v49  }
0x412: {  	v20 =	vor.u32 v17, v20;
	_ =	sdelay $0x2  }
0x413: {  	v51 =	vshll.u32 v50, $0x3  }
0x414: {  	v52 =	vld [tilespmem:$0xF0];
	v23 =	vand.u32 $0x7F, v50;
	v21 =	vand.u32 $0x400, v51;
	[tilespmem:$0x188C0] =	vst v25  }
0x415: {  	v22 =	vld.idx.msk [tilespmem:v20+s14+$0x0], $0xffff;
	v20 =	vor.u32 v21, v23  }
0x416: {  	v20 =	vor.u32 v18, v20;
	_ =	sdelay $0x2  }
0x417: {  	v53 =	vshll.u32 v52, $0x3  }
0x418: {  	v54 =	vand.u32 $0x7F, v52;
	v21 =	vand.u32 $0x400, v53;
	[tilespmem:$0x188D0] =	vst v22  }
0x419: {  	v21 =	vor.u32 v21, v54;
	v20 =	vld.idx.msk [tilespmem:v20+s14+$0x0], $0xffff  }
0x41a: {  	v21 =	vor.u32 v19, v21;
	_ =	sdelay $0x3  }
0x41b: {  	[tilespmem:$0x188E0] =	vst v20  }
0x41c: {  	v63 =	vld.idx.msk [tilespmem:v21+s14+$0x0], $0xffff;
	_ =	sdelay $0x4  }
0x41d: {  	[tilespmem:$0x188F0] =	vst v63  }
0x41e: {  	_ =	swait.ge [sflag:s24], $0x8000  }
0x41f: {  	[sflag:s24] =	ssyncset.done $0x0  }
0x420: {  	[sflag:s24] =	ssyncadd.s32 $0xFFFF8000  }
0x421: {  	v55 =	vld [tilespmem:$0x80];
	_ =	sdelay $0x4  }
0x422: {  	v56 =	vshll.u32 v55, $0x3  }
0x423: {  	v57 =	vld [tilespmem:$0x90];
	v21 =	vand.u32 $0x7F, v55;
	v23 =	vand.u32 $0x400, v56  }
0x424: {  	v21 =	vor.u32 v23, v21  }
0x425: {  	v21 =	vor.u32 v11, v21;
	_ =	sdelay $0x2  }
0x426: {  	v58 =	vshll.u32 v57, $0x3  }
0x427: {  	v26 =	vld [tilespmem:$0xA0];
	v24 =	vand.u32 $0x7F, v57;
	v23 =	vand.u32 $0x400, v58  }
0x428: {  	v59 =	vor.u32 v23, v24;
	v40 =	vld.idx.msk [tilespmem:v21+s7+$0x0], $0xffff  }
0x429: {  	v21 =	vor.u32 v12, v59;
	_ =	sdelay $0x2  }
0x42a: {  	v60 =	vshll.u32 v26, $0x3  }
0x42b: {  	v62 =	vld [tilespmem:$0xB0];
	v61 =	vand.u32 $0x7F, v26;
	v23 =	vand.u32 $0x400, v60;
	[tilespmem:$0x18900] =	vst v40  }
0x42c: {  	v27 =	vor.u32 v23, v61;
	v38 =	vld.idx.msk [tilespmem:v21+s7+$0x0], $0xffff  }
0x42d: {  	v21 =	vor.u32 v13, v27;
	_ =	sdelay $0x2  }
0x42e: {  	v29 =	vshll.u32 v62, $0x3  }
0x42f: {  	v36 =	vld [tilespmem:$0xC0];
	v30 =	vand.u32 $0x7F, v62;
	v23 =	vand.u32 $0x400, v29;
	[tilespmem:$0x18910] =	vst v38  }
0x430: {  	v39 =	vor.u32 v23, v30;
	v35 =	vld.idx.msk [tilespmem:v21+s7+$0x0], $0xffff  }
0x431: {  	v21 =	vor.u32 v14, v39;
	_ =	sdelay $0x2  }
0x432: {  	v41 =	vshll.u32 v36, $0x3  }
0x433: {  	v43 =	vld [tilespmem:$0xD0];
	v42 =	vand.u32 $0x7F, v36;
	v23 =	vand.u32 $0x400, v41;
	[tilespmem:$0x18920] =	vst v35  }
0x434: {  	v44 =	vor.u32 v23, v42;
	v32 =	vld.idx.msk [tilespmem:v21+s7+$0x0], $0xffff  }
0x435: {  	v21 =	vor.u32 v15, v44;
	_ =	sdelay $0x2  }
0x436: {  	v45 =	vshll.u32 v43, $0x3  }
0x437: {  	v47 =	vld [tilespmem:$0xE0];
	v46 =	vand.u32 $0x7F, v43;
	v23 =	vand.u32 $0x400, v45;
	[tilespmem:$0x18930] =	vst v32  }
0x438: {  	v48 =	vor.u32 v23, v46;
	v29 =	vld.idx.msk [tilespmem:v21+s7+$0x0], $0xffff  }
0x439: {  	v21 =	vor.u32 v17, v48;
	_ =	sdelay $0x2  }
0x43a: {  	v49 =	vshll.u32 v47, $0x3  }
0x43b: {  	v50 =	vand.u32 $0x7F, v47;
	v23 =	vand.u32 $0x400, v49;
	v27 =	vld [tilespmem:$0xF0];
	[tilespmem:$0x18940] =	vst v29  }
0x43c: {  	v51 =	vor.u32 v23, v50;
	v26 =	vld.idx.msk [tilespmem:v21+s7+$0x0], $0xffff  }
0x43d: {  	v21 =	vor.u32 v18, v51;
	_ =	sdelay $0x2  }
0x43e: {  	v52 =	vshll.u32 v27, $0x3  }
0x43f: {  	v53 =	vand.u32 $0x7F, v27;
	v54 =	vand.u32 $0x400, v52;
	[tilespmem:$0x18950] =	vst v26  }
0x440: {  	v55 =	vor.u32 v54, v53;
	v23 =	vld.idx.msk [tilespmem:v21+s7+$0x0], $0xffff  }
0x441: {  	v21 =	vor.u32 v19, v55;
	_ =	sdelay $0x3  }
0x442: {  	[tilespmem:$0x18960] =	vst v23  }
0x443: {  	v21 =	vld.idx.msk [tilespmem:v21+s7+$0x0], $0xffff;
	_ =	sdelay $0x4  }
0x444: {  	[tilespmem:$0x18970] =	vst v21  }
0x445: {  	_ =	swait.ge [sflag:s25], $0x8000  }
0x446: {  	[sflag:s25] =	ssyncset.done $0x0  }
0x447: {  	[sflag:s25] =	ssyncadd.s32 $0xFFFF8000  }
0x448: {  	v56 =	vld [tilespmem:$0x80];
	_ =	sdelay $0x4  }
0x449: {  	v57 =	vshll.u32 v56, $0x3  }
0x44a: {  	v30 =	vld [tilespmem:$0x90];
	v24 =	vand.u32 $0x7F, v56;
	v27 =	vand.u32 $0x400, v57  }
0x44b: {  	v24 =	vor.u32 v27, v24  }
0x44c: {  	v24 =	vor.u32 v11, v24;
	_ =	sdelay $0x2  }
0x44d: {  	v58 =	vshll.u32 v30, $0x3  }
0x44e: {  	v33 =	vld [tilespmem:$0xA0];
	v30 =	vand.u32 $0x7F, v30;
	v27 =	vand.u32 $0x400, v58  }
0x44f: {  	v59 =	vor.u32 v27, v30;
	v42 =	vld.idx.msk [tilespmem:v24+s23+$0x0], $0xffff  }
0x450: {  	v24 =	vor.u32 v12, v59;
	_ =	sdelay $0x2  }
0x451: {  	v60 =	vshll.u32 v33, $0x3  }
0x452: {  	v62 =	vld [tilespmem:$0xB0];
	v61 =	vand.u32 $0x7F, v33;
	v27 =	vand.u32 $0x400, v60;
	[tilespmem:$0x18980] =	vst v42  }
0x453: {  	v36 =	vor.u32 v27, v61;
	v41 =	vld.idx.msk [tilespmem:v24+s23+$0x0], $0xffff  }
0x454: {  	v24 =	vor.u32 v13, v36;
	_ =	sdelay $0x2  }
0x455: {  	v39 =	vshll.u32 v62, $0x3  }
0x456: {  	v44 =	vld [tilespmem:$0xC0];
	v43 =	vand.u32 $0x7F, v62;
	v27 =	vand.u32 $0x400, v39;
	[tilespmem:$0x18990] =	vst v41  }
0x457: {  	v45 =	vor.u32 v27, v43;
	v39 =	vld.idx.msk [tilespmem:v24+s23+$0x0], $0xffff  }
0x458: {  	v24 =	vor.u32 v14, v45;
	_ =	sdelay $0x2  }
0x459: {  	v46 =	vshll.u32 v44, $0x3  }
0x45a: {  	v48 =	vld [tilespmem:$0xD0];
	v47 =	vand.u32 $0x7F, v44;
	v27 =	vand.u32 $0x400, v46;
	[tilespmem:$0x189A0] =	vst v39  }
0x45b: {  	v49 =	vor.u32 v27, v47;
	v36 =	vld.idx.msk [tilespmem:v24+s23+$0x0], $0xffff  }
0x45c: {  	v24 =	vor.u32 v15, v49;
	_ =	sdelay $0x2  }
0x45d: {  	v50 =	vshll.u32 v48, $0x3  }
0x45e: {  	v51 =	vand.u32 $0x7F, v48;
	v43 =	vld [tilespmem:$0xE0];
	v27 =	vand.u32 $0x400, v50;
	[tilespmem:$0x189B0] =	vst v36  }
0x45f: {  	v52 =	vor.u32 v27, v51;
	v33 =	vld.idx.msk [tilespmem:v24+s23+$0x0], $0xffff  }
0x460: {  	v24 =	vor.u32 v17, v52;
	_ =	sdelay $0x2  }
0x461: {  	v53 =	vshll.u32 v43, $0x3  }
0x462: {  	v44 =	vld [tilespmem:$0xF0];
	v43 =	vand.u32 $0x7F, v43;
	v27 =	vand.u32 $0x400, v53;
	[tilespmem:$0x189C0] =	vst v33  }
0x463: {  	v54 =	vor.u32 v27, v43;
	v30 =	vld.idx.msk [tilespmem:v24+s23+$0x0], $0xffff  }
0x464: {  	v24 =	vor.u32 v18, v54;
	_ =	sdelay $0x2  }
0x465: {  	v55 =	vshll.u32 v44, $0x3  }
0x466: {  	v56 =	vand.u32 $0x7F, v44;
	v57 =	vand.u32 $0x400, v55;
	[tilespmem:$0x189D0] =	vst v30  }
0x467: {  	v58 =	vor.u32 v57, v56;
	v27 =	vld.idx.msk [tilespmem:v24+s23+$0x0], $0xffff  }
0x468: {  	v24 =	vor.u32 v19, v58;
	_ =	sdelay $0x3  }
0x469: {  	[tilespmem:$0x189E0] =	vst v27  }
0x46a: {  	v24 =	vld.idx.msk [tilespmem:v24+s23+$0x0], $0xffff;
	_ =	sdelay $0x1  }
0x46b: {  	v48 =	vld [tilespmem:$0x1FD60]  }
0x46c: {  	v61 =	vld [tilespmem:$0x1FD50]  }
0x46d: {  	v60 =	vld [tilespmem:$0x18600]  }
0x46e: {  	v59 =	vld [tilespmem:$0x100];
	[tilespmem:$0x189F0] =	vst v24  }
0x46f: {  	v45 =	vld.idx.msk [tilespmem:v16+s6+$0x0], $0xffff  }
0x470: {  	v46 =	vld [tilespmem:$0x18680]  }
0x471: {  	v47 =	vld [tilespmem:$0x18700]  }
0x472: {  	v50 =	vld [tilespmem:$0x1FD70]  }
0x473: {  	v53 =	vld [tilespmem:$0x1FD80]  }
0x474: {  	v43 =	vcvt.s32.f32 v59;
	v44 =	vsub.f32 v60, v45;
	v45 =	vld.idx.msk [tilespmem:v61+s6+$0x0], $0xffff  }
0x475: {  	v48 =	vld.idx.msk [tilespmem:v48+s6+$0x0], $0xffff  }
0x476: {  	v44 =	vmul.f32 v43, v44  }
0x477: {  	v61 =	vld [tilespmem:$0x1FD90]  }
0x478: {  	v62 =	vld [tilespmem:$0x18780];
	v49 =	vmul.f32 $5.000000000e-01, v44  }
0x479: {  	v52 =	vld [tilespmem:$0x18610];
	v45 =	vsub.f32 v46, v45  }
0x47a: {  	v50 =	vld.idx.msk [tilespmem:v50+s6+$0x0], $0xffff;
	v47 =	vsub.f32 v47, v48;
	v49 =	vmul.f32 v49, v44  }
0x47b: {  	v53 =	vld.idx.msk [tilespmem:v53+s6+$0x0], $0xffff;
	v44 =	vand.u32 $0x7FFFFFFF, v44;
	v45 =	vmul.f32 v43, v45  }
0x47c: {  	v48 =	vld [tilespmem:$0x110];
	v47 =	vmul.f32 v43, v47;
	v51 =	vadd.f32 $-5.000000000e-01, v44;
	v49 =	vadd.f32 $0.0e+00, v49  }
0x47d: {  	v55 =	vld [tilespmem:$0x18690];
	vm1 =	vlt.f32 v44, $1.000000000e+00;
	v57 =	vmul.f32 $5.000000000e-01, v45;
	v58 =	vand.u32 $0x7FFFFFFF, v45  }
0x47e: {  	v49 =	vsel vm1, v49, v51;
	v59 =	vadd.f32 $-5.000000000e-01, v58;
	vm1 =	vlt.f32 v58, $1.000000000e+00;
	v58 =	vld [tilespmem:$0x1FDA0]  }
0x47f: {  	v46 =	vsub.f32 v62, v50;
	v50 =	vld.idx.msk [tilespmem:v61+s6+$0x0], $0xffff;
	v44 =	vmul.f32 v57, v45  }
0x480: {  	v53 =	vsub.f32 v52, v53;
	v54 =	vmul.f32 $5.000000000e-01, v47;
	v60 =	vand.u32 $0x7FFFFFFF, v47  }
0x481: {  	v46 =	vmul.f32 v43, v46;
	v45 =	vsel vm1, v44, v59;
	v44 =	vcvt.s32.f32 v48  }
0x482: {  	v62 =	vadd.f32 $-5.000000000e-01, v60;
	v47 =	vmul.f32 v54, v47  }
0x483: {  	v56 =	vmul.f32 $5.000000000e-01, v46;
	v51 =	vld [tilespmem:$0x18710];
	vm1 =	vlt.f32 v60, $1.000000000e+00;
	v48 =	vmul.f32 v44, v53  }
0x484: {  	v50 =	vsub.f32 v55, v50;
	v47 =	vsel vm1, v47, v62;
	v62 =	vld [tilespmem:$0x1FDB0]  }
0x485: {  	v57 =	vand.u32 $0x7FFFFFFF, v46;
	v46 =	vmul.f32 v56, v46;
	v56 =	vld [tilespmem:$0x1FDE0];
	v60 =	vmul.f32 $5.000000000e-01, v48  }
0x486: {  	v45 =	vadd.f32 v45, v49;
	v50 =	vmul.f32 v44, v50;
	v52 =	vld.idx.msk [tilespmem:v58+s6+$0x0], $0xffff  }
0x487: {  	v59 =	vadd.f32 $-5.000000000e-01, v57;
	v61 =	vand.u32 $0x7FFFFFFF, v48;
	v48 =	vmul.f32 v60, v48;
	v60 =	vld [tilespmem:$0x1FDC0]  }
0x488: {  	v54 =	vld [tilespmem:$0x18790];
	vm1 =	vlt.f32 v57, $1.000000000e+00;
	v45 =	vadd.f32 v47, v45;
	v58 =	vmul.f32 $5.000000000e-01, v50  }
0x489: {  	v46 =	vsel vm1, v46, v59;
	v53 =	vld [tilespmem:$0x120]  }
0x48a: {  	v45 =	vadd.f32 v46, v45;
	v46 =	vmul.f32 v58, v50;
	v58 =	vld [tilespmem:$0x1FDD0]  }
0x48b: {  	v47 =	vld [tilespmem:$0x18620];
	v57 =	vadd.f32 $-5.000000000e-01, v61  }
0x48c: {  	v59 =	vand.u32 $0x7FFFFFFF, v50;
	vm1 =	vlt.f32 v61, $1.000000000e+00;
	v55 =	vld.idx.msk [tilespmem:v62+s6+$0x0], $0xffff;
	v51 =	vsub.f32 v51, v52  }
0x48d: {  	v61 =	vadd.f32 $-5.000000000e-01, v59;
	v56 =	vld.idx.msk [tilespmem:v56+s6+$0x0], $0xffff;
	v48 =	vsel vm1, v48, v57  }
0x48e: {  	vm1 =	vlt.f32 v59, $1.000000000e+00;
	v45 =	vadd.f32 v48, v45;
	v48 =	vld [tilespmem:$0x186A0];
	v62 =	vmul.f32 v44, v51  }
0x48f: {  	v46 =	vsel vm1, v46, v61;
	v52 =	vld.idx.msk [tilespmem:v60+s6+$0x0], $0xffff  }
0x490: {  	v46 =	vadd.f32 v46, v45;
	v45 =	vcvt.s32.f32 v53;
	v53 =	vld [tilespmem:$0x18720];
	v59 =	vand.u32 $0x7FFFFFFF, v62  }
0x491: {  	v57 =	vsub.f32 v54, v55;
	v60 =	vadd.f32 $-5.000000000e-01, v59;
	vm1 =	vlt.f32 v59, $1.000000000e+00;
	v59 =	vld [tilespmem:$0x1FDF0]  }
0x492: {  	v51 =	vmul.f32 $5.000000000e-01, v62;
	v54 =	vld.idx.msk [tilespmem:v58+s6+$0x0], $0xffff  }
0x493: {  	v50 =	vmul.f32 v44, v57  }
0x494: {  	v49 =	vmul.f32 v51, v62;
	v47 =	vsub.f32 v47, v52  }
0x495: {  	v56 =	vsub.f32 v53, v56;
	v61 =	vmul.f32 $5.000000000e-01, v50  }
0x496: {  	v62 =	vand.u32 $0x7FFFFFFF, v50;
	v49 =	vsel vm1, v49, v60;
	v47 =	vmul.f32 v45, v47  }
0x497: {  	v57 =	vadd.f32 $-5.000000000e-01, v62;
	vm1 =	vlt.f32 v62, $1.000000000e+00;
	v48 =	vsub.f32 v48, v54  }
0x498: {  	v52 =	vld [tilespmem:$0x187A0];
	v46 =	vadd.f32 v49, v46;
	v50 =	vmul.f32 v61, v50;
	v58 =	vmul.f32 $5.000000000e-01, v47  }
0x499: {  	v49 =	vmul.f32 v45, v56;
	v48 =	vmul.f32 v45, v48;
	v54 =	vld.idx.msk [tilespmem:v59+s6+$0x0], $0xffff;
	v61 =	vand.u32 $0x7FFFFFFF, v47  }
0x49a: {  	v60 =	vsel vm1, v50, v57;
	v62 =	vadd.f32 $-5.000000000e-01, v61;
	v47 =	vmul.f32 v58, v47;
	v58 =	vld [tilespmem:$0x1FE00]  }
0x49b: {  	v46 =	vadd.f32 v60, v46;
	vm1 =	vlt.f32 v61, $1.000000000e+00;
	v60 =	vand.u32 $0x7FFFFFFF, v48  }
0x49c: {  	v61 =	vadd.f32 $-5.000000000e-01, v60;
	v47 =	vsel vm1, v47, v62;
	vm1 =	vlt.f32 v60, $1.000000000e+00;
	v60 =	vld [tilespmem:$0x1FE10]  }
0x49d: {  	v62 =	vmul.f32 $5.000000000e-01, v49  }
0x49e: {  	v51 =	vld [tilespmem:$0x130]  }
0x49f: {  	v52 =	vsub.f32 v52, v54;
	v54 =	vand.u32 $0x7FFFFFFF, v49;
	v49 =	vmul.f32 v62, v49;
	v62 =	vld [tilespmem:$0x1FE20];
	_ =	sdelay $0x1  }
0x4a0: {  	v57 =	vld [tilespmem:$0x18630];
	v59 =	vmul.f32 $5.000000000e-01, v48  }
0x4a1: {  	v50 =	vld.idx.msk [tilespmem:v58+s6+$0x0], $0xffff  }
0x4a2: {  	v56 =	vld [tilespmem:$0x186B0];
	v48 =	vmul.f32 v59, v48  }
0x4a3: {  	v47 =	vadd.f32 v47, v46;
	v46 =	vcvt.s32.f32 v51;
	v51 =	vld.idx.msk [tilespmem:v60+s6+$0x0], $0xffff  }
0x4a4: {  	v48 =	vsel vm1, v48, v61;
	v61 =	vadd.f32 $-5.000000000e-01, v54;
	v52 =	vmul.f32 v45, v52  }
0x4a5: {  	vm1 =	vlt.f32 v54, $1.000000000e+00  }
0x4a6: {  	v60 =	vsel vm1, v49, v61;
	v61 =	vand.u32 $0x7FFFFFFF, v52;
	v50 =	vsub.f32 v57, v50;
	v57 =	vld.idx.msk [tilespmem:v62+s6+$0x0], $0xffff  }
0x4a7: {  	vm1 =	vlt.f32 v61, $1.000000000e+00;
	v62 =	vadd.f32 $-5.000000000e-01, v61;
	v61 =	vld [tilespmem:$0x1FE30]  }
0x4a8: {  	v55 =	vld [tilespmem:$0x18730];
	v54 =	vmul.f32 $5.000000000e-01, v52;
	v59 =	vsub.f32 v56, v51  }
0x4a9: {  	v50 =	vmul.f32 v46, v50  }
0x4aa: {  	v47 =	vadd.f32 v48, v47;
	v52 =	vmul.f32 v54, v52;
	v48 =	vmul.f32 v46, v59;
	v59 =	vld [tilespmem:$0x1FE40]  }
0x4ab: {  	v58 =	vmul.f32 $5.000000000e-01, v50  }
0x4ac: {  	v47 =	vadd.f32 v60, v47;
	v51 =	vsel vm1, v52, v62;
	v60 =	vand.u32 $0x7FFFFFFF, v50  }
0x4ad: {  	v62 =	vadd.f32 $-5.000000000e-01, v60;
	v55 =	vsub.f32 v55, v57;
	v50 =	vmul.f32 v58, v50  }
0x4ae: {  	v49 =	vld [tilespmem:$0x187B0];
	vm1 =	vlt.f32 v60, $1.000000000e+00;
	v58 =	vmul.f32 $5.000000000e-01, v48  }
0x4af: {  	v60 =	vand.u32 $0x7FFFFFFF, v48;
	v54 =	vmul.f32 v46, v55;
	v53 =	vld.idx.msk [tilespmem:v61+s6+$0x0], $0xffff;
	v50 =	vsel vm1, v50, v62  }
0x4b0: {  	v48 =	vmul.f32 v58, v48;
	v61 =	vadd.f32 $-5.000000000e-01, v60;
	vm1 =	vlt.f32 v60, $1.000000000e+00;
	v60 =	vld [tilespmem:$0x1FE50]  }
0x4b1: {  	v56 =	vld [tilespmem:$0x140];
	v62 =	vmul.f32 $5.000000000e-01, v54  }
0x4b2: {  	v47 =	vadd.f32 v51, v47;
	v48 =	vsel vm1, v48, v61;
	v55 =	vld.idx.msk [tilespmem:v59+s6+$0x0], $0xffff;
	v59 =	vand.u32 $0x7FFFFFFF, v54  }
0x4b3: {  	v61 =	vmul.f32 v62, v54;
	v62 =	vadd.f32 $-5.000000000e-01, v59;
	vm1 =	vlt.f32 v59, $1.000000000e+00;
	v59 =	vld [tilespmem:$0x1FE60]  }
0x4b4: {  	v51 =	vld [tilespmem:$0x18640]  }
0x4b5: {  	v50 =	vadd.f32 v50, v47;
	v47 =	vsub.f32 v49, v53;
	_ =	sdelay $0x1  }
0x4b6: {  	v58 =	vld [tilespmem:$0x186C0];
	v57 =	vmul.f32 v46, v47  }
0x4b7: {  	v47 =	vcvt.s32.f32 v56;
	v49 =	vld.idx.msk [tilespmem:v60+s6+$0x0], $0xffff  }
0x4b8: {  	v53 =	vld [tilespmem:$0x18740];
	v60 =	vsel vm1, v61, v62;
	v51 =	vsub.f32 v51, v55;
	v62 =	vand.u32 $0x7FFFFFFF, v57  }
0x4b9: {  	v61 =	vmul.f32 $5.000000000e-01, v57;
	v54 =	vadd.f32 $-5.000000000e-01, v62;
	vm1 =	vlt.f32 v62, $1.000000000e+00;
	v62 =	vld [tilespmem:$0x1FE70]  }
0x4ba: {  	v48 =	vadd.f32 v48, v50;
	v51 =	vmul.f32 v47, v51;
	v55 =	vld.idx.msk [tilespmem:v59+s6+$0x0], $0xffff  }
0x4bb: {  	v52 =	vmul.f32 v61, v57;
	v59 =	vld [tilespmem:$0x1FE80]  }
0x4bc: {  	v48 =	vadd.f32 v60, v48;
	v49 =	vsub.f32 v58, v49;
	v60 =	vmul.f32 $5.000000000e-01, v51  }
0x4bd: {  	v61 =	vand.u32 $0x7FFFFFFF, v51;
	v52 =	vsel vm1, v52, v54  }
0x4be: {  	v49 =	vmul.f32 v47, v49;
	v51 =	vmul.f32 v60, v51;
	v60 =	vadd.f32 $-5.000000000e-01, v61  }
0x4bf: {  	v48 =	vadd.f32 v52, v48;
	vm1 =	vlt.f32 v61, $1.000000000e+00  }
0x4c0: {  	v61 =	vmul.f32 $5.000000000e-01, v49;
	v51 =	vsel vm1, v51, v60;
	v53 =	vsub.f32 v53, v55  }
0x4c1: {  	v58 =	vld.idx.msk [tilespmem:v62+s6+$0x0], $0xffff;
	v62 =	vand.u32 $0x7FFFFFFF, v49;
	v48 =	vadd.f32 v51, v48  }
0x4c2: {  	v57 =	vld [tilespmem:$0x187C0];
	v49 =	vmul.f32 v61, v49;
	v60 =	vadd.f32 $-5.000000000e-01, v62;
	v51 =	vmul.f32 v47, v53  }
0x4c3: {  	vm1 =	vlt.f32 v62, $1.000000000e+00;
	v55 =	vld.idx.msk [tilespmem:v59+s6+$0x0], $0xffff  }
0x4c4: {  	v49 =	vsel vm1, v49, v60;
	v59 =	vld [tilespmem:$0x1FE90];
	v60 =	vand.u32 $0x7FFFFFFF, v51  }
0x4c5: {  	v54 =	vadd.f32 $-5.000000000e-01, v60;
	vm1 =	vlt.f32 v60, $1.000000000e+00;
	v60 =	vld [tilespmem:$0x1FEA0];
	_ =	sdelay $0x2  }
0x4c6: {  	v61 =	vsub.f32 v57, v58;
	_ =	sdelay $0x1  }
0x4c7: {  	v56 =	vld [tilespmem:$0x150];
	v53 =	vmul.f32 v47, v61  }
0x4c8: {  	v52 =	vld [tilespmem:$0x18650];
	v62 =	vmul.f32 $5.000000000e-01, v51  }
0x4c9: {  	v61 =	vmul.f32 $5.000000000e-01, v53;
	v57 =	vld.idx.msk [tilespmem:v59+s6+$0x0], $0xffff  }
0x4ca: {  	v51 =	vmul.f32 v62, v51;
	v62 =	vand.u32 $0x7FFFFFFF, v53;
	v59 =	vld.idx.msk [tilespmem:v60+s6+$0x0], $0xffff  }
0x4cb: {  	v49 =	vadd.f32 v49, v48;
	v53 =	vmul.f32 v61, v53;
	v61 =	vadd.f32 $-5.000000000e-01, v62;
	v60 =	vld [tilespmem:$0x1FEB0]  }
0x4cc: {  	v51 =	vsel vm1, v51, v54;
	vm1 =	vlt.f32 v62, $1.000000000e+00  }
0x4cd: {  	v49 =	vadd.f32 v51, v49;
	v51 =	vsel vm1, v53, v61;
	v61 =	vld [tilespmem:$0x1FEC0]  }
0x4ce: {  	v50 =	vld [tilespmem:$0x186D0];
	_ =	sdelay $0x1  }
0x4cf: {  	v48 =	vcvt.s32.f32 v56;
	v52 =	vsub.f32 v52, v55;
	_ =	sdelay $0x1  }
0x4d0: {  	v52 =	vmul.f32 v48, v52  }
0x4d1: {  	v50 =	vsub.f32 v50, v57;
	v57 =	vld.idx.msk [tilespmem:v60+s6+$0x0], $0xffff  }
0x4d2: {  	v53 =	vand.u32 $0x7FFFFFFF, v52;
	v60 =	vld [tilespmem:$0x18660]  }
0x4d3: {  	v58 =	vadd.f32 $-5.000000000e-01, v53;
	vm1 =	vlt.f32 v53, $1.000000000e+00;
	v53 =	vld.idx.msk [tilespmem:v61+s6+$0x0], $0xffff;
	_ =	sdelay $0x2  }
0x4d4: {  	v56 =	vld [tilespmem:$0x18750]  }
0x4d5: {  	v55 =	vld [tilespmem:$0x187D0]  }
0x4d6: {  	v53 =	vsub.f32 v60, v53;
	v60 =	vld [tilespmem:$0x1FED0];
	_ =	sdelay $0x1  }
0x4d7: {  	v62 =	vmul.f32 $5.000000000e-01, v52;
	v50 =	vmul.f32 v48, v50  }
0x4d8: {  	v54 =	vld [tilespmem:$0x160];
	v49 =	vadd.f32 v51, v49;
	v51 =	vsub.f32 v56, v59  }
0x4d9: {  	v52 =	vmul.f32 v62, v52;
	v62 =	vmul.f32 $5.000000000e-01, v50  }
0x4da: {  	v59 =	vand.u32 $0x7FFFFFFF, v50;
	v51 =	vmul.f32 v48, v51;
	v55 =	vsub.f32 v55, v57  }
0x4db: {  	v52 =	vsel vm1, v52, v58;
	vm1 =	vlt.f32 v59, $1.000000000e+00;
	v50 =	vmul.f32 v62, v50  }
0x4dc: {  	v56 =	vadd.f32 $-5.000000000e-01, v59;
	v59 =	vld [tilespmem:$0x186E0];
	v62 =	vmul.f32 $5.000000000e-01, v51;
	v55 =	vmul.f32 v48, v55  }
0x4dd: {  	v52 =	vadd.f32 v52, v49;
	v49 =	vcvt.s32.f32 v54;
	v61 =	vand.u32 $0x7FFFFFFF, v51;
	v54 =	vld.idx.msk [tilespmem:v60+s6+$0x0], $0xffff  }
0x4de: {  	v50 =	vsel vm1, v50, v56;
	v51 =	vmul.f32 v62, v51;
	v57 =	vmul.f32 $5.000000000e-01, v55  }
0x4df: {  	v56 =	vadd.f32 $-5.000000000e-01, v61;
	v50 =	vadd.f32 v50, v52;
	v52 =	vand.u32 $0x7FFFFFFF, v55  }
0x4e0: {  	vm1 =	vlt.f32 v61, $1.000000000e+00;
	v61 =	vadd.f32 $-5.000000000e-01, v52;
	v55 =	vmul.f32 v57, v55  }
0x4e1: {  	v51 =	vsel vm1, v51, v56;
	vm1 =	vlt.f32 v52, $1.000000000e+00  }
0x4e2: {  	v50 =	vadd.f32 v51, v50;
	v51 =	vsub.f32 v59, v54;
	v54 =	vsel vm1, v55, v61;
	v61 =	vld [tilespmem:$0x1FEF0];
	_ =	sdelay $0x3  }
0x4e3: {  	v60 =	vld [tilespmem:$0x1FEE0]  }
0x4e4: {  	v53 =	vmul.f32 v49, v53;
	_ =	sdelay $0x1  }
0x4e5: {  	v62 =	vmul.f32 $5.000000000e-01, v53;
	v52 =	vld [tilespmem:$0x187E0]  }
0x4e6: {  	v55 =	vand.u32 $0x7FFFFFFF, v53;
	v56 =	vld.idx.msk [tilespmem:v61+s6+$0x0], $0xffff  }
0x4e7: {  	v53 =	vmul.f32 v62, v53;
	v62 =	vadd.f32 $-5.000000000e-01, v55  }
0x4e8: {  	v50 =	vadd.f32 v54, v50;
	vm1 =	vlt.f32 v55, $1.000000000e+00;
	v51 =	vmul.f32 v49, v51  }
0x4e9: {  	v58 =	vld [tilespmem:$0x18760];
	v53 =	vsel vm1, v53, v62  }
0x4ea: {  	v60 =	vld.idx.msk [tilespmem:v60+s6+$0x0], $0xffff;
	v53 =	vadd.f32 v53, v50;
	v50 =	vand.u32 $0x7FFFFFFF, v51  }
0x4eb: {  	v55 =	vadd.f32 $-5.000000000e-01, v50;
	vm1 =	vlt.f32 v50, $1.000000000e+00;
	v50 =	vsub.f32 v52, v56;
	v56 =	vld [tilespmem:$0x1FF10]  }
0x4ec: {  	v62 =	vld [tilespmem:$0x1FF00];
	_ =	sdelay $0x3  }
0x4ed: {  	v59 =	vld [tilespmem:$0x170];
	v61 =	vmul.f32 $5.000000000e-01, v51  }
0x4ee: {  	v54 =	vld [tilespmem:$0x18670];
	v58 =	vsub.f32 v58, v60  }
0x4ef: {  	v51 =	vmul.f32 v61, v51;
	v61 =	vld [tilespmem:$0x186F0]  }
0x4f0: {  	v57 =	vmul.f32 v49, v58;
	v52 =	vld.idx.msk [tilespmem:v56+s6+$0x0], $0xffff  }
0x4f1: {  	v58 =	vld.idx.msk [tilespmem:v62+s6+$0x0], $0xffff  }
0x4f2: {  	v60 =	vmul.f32 $5.000000000e-01, v57  }
0x4f3: {  	v62 =	vand.u32 $0x7FFFFFFF, v57;
	v51 =	vsel vm1, v51, v55  }
0x4f4: {  	vm1 =	vlt.f32 v62, $1.000000000e+00;
	v55 =	vmul.f32 v60, v57;
	v60 =	vadd.f32 $-5.000000000e-01, v62;
	v62 =	vld [tilespmem:$0x1FF30]  }
0x4f5: {  	v52 =	vsub.f32 v61, v52;
	v61 =	vld [tilespmem:$0x1FF20]  }
0x4f6: {  	v57 =	vmul.f32 v49, v50;
	v50 =	vcvt.s32.f32 v59;
	v54 =	vsub.f32 v54, v58;
	_ =	sdelay $0x1  }
0x4f7: {  	v59 =	vsel vm1, v55, v60;
	v60 =	vmul.f32 $5.000000000e-01, v57;
	v54 =	vmul.f32 v50, v54  }
0x4f8: {  	v51 =	vadd.f32 v51, v53  }
0x4f9: {  	v55 =	vmul.f32 v60, v57;
	v56 =	vand.u32 $0x7FFFFFFF, v57;
	v57 =	vmul.f32 $5.000000000e-01, v54  }
0x4fa: {  	v53 =	vld [tilespmem:$0x18770];
	v51 =	vadd.f32 v59, v51;
	v60 =	vand.u32 $0x7FFFFFFF, v54  }
0x4fb: {  	v59 =	vadd.f32 $-5.000000000e-01, v56;
	v54 =	vmul.f32 v57, v54;
	v57 =	vld.idx.msk [tilespmem:v62+s6+$0x0], $0xffff;
	v52 =	vmul.f32 v50, v52  }
0x4fc: {  	vm1 =	vlt.f32 v56, $1.000000000e+00;
	v58 =	vld.idx.msk [tilespmem:v61+s6+$0x0], $0xffff  }
0x4fd: {  	v62 =	vld [tilespmem:$0x1FF40];
	v55 =	vsel vm1, v55, v59;
	v59 =	vmul.f32 $5.000000000e-01, v52  }
0x4fe: {  	v56 =	vadd.f32 $-5.000000000e-01, v60;
	v51 =	vadd.f32 v55, v51;
	v55 =	vand.u32 $0x7FFFFFFF, v52;
	v61 =	vld [tilespmem:$0x187F0]  }
0x4ff: {  	vm1 =	vlt.f32 v60, $1.000000000e+00;
	v52 =	vmul.f32 v59, v52;
	v59 =	vadd.f32 $-5.000000000e-01, v55  }
0x500: {  	v60 =	vld [tilespmem:$0x180];
	v54 =	vsel vm1, v54, v56;
	vm1 =	vlt.f32 v55, $1.000000000e+00  }
0x501: {  	v52 =	vsel vm1, v52, v59;
	v59 =	vld [tilespmem:$0x1FF50];
	v53 =	vsub.f32 v53, v58;
	_ =	sdelay $0x1  }
0x502: {  	v57 =	vsub.f32 v61, v57;
	v53 =	vmul.f32 v50, v53  }
0x503: {  	v43 =	vadd.f32 v44, v43;
	v51 =	vadd.f32 v54, v51  }
0x504: {  	v58 =	vld.idx.msk [tilespmem:v62+s6+$0x0], $0xffff;
	v54 =	vmul.f32 v50, v57;
	v61 =	vand.u32 $0x7FFFFFFF, v53;
	v62 =	vmul.f32 $5.000000000e-01, v53  }
0x505: {  	v44 =	vadd.f32 v52, v51;
	v57 =	vcvt.s32.f32 v60;
	v60 =	vld [tilespmem:$0x1FF60];
	vm1 =	vlt.f32 v61, $1.000000000e+00  }
0x506: {  	v51 =	vadd.f32 $-5.000000000e-01, v61;
	v61 =	vmul.f32 $5.000000000e-01, v54;
	v52 =	vmul.f32 v62, v53  }
0x507: {  	v62 =	vand.u32 $0x7FFFFFFF, v54  }
0x508: {  	v55 =	vld.idx.msk [tilespmem:v59+s6+$0x0], $0xffff;
	v51 =	vsel vm1, v52, v51;
	v52 =	vmul.f32 v61, v54;
	v61 =	vadd.f32 $-5.000000000e-01, v62  }
0x509: {  	vm1 =	vlt.f32 v62, $1.000000000e+00  }
0x50a: {  	v44 =	vadd.f32 v51, v44;
	v51 =	vsel vm1, v52, v61;
	v61 =	vld [tilespmem:$0x1FF80];
	_ =	sdelay $0x1  }
0x50b: {  	v56 =	vld [tilespmem:$0x18800]  }
0x50c: {  	v37 =	vsub.f32 v37, v55;
	v55 =	vld.idx.msk [tilespmem:v60+s6+$0x0], $0xffff  }
0x50d: {  	v60 =	vld [tilespmem:$0x1FF70];
	_ =	sdelay $0x2  }
0x50e: {  	v56 =	vsub.f32 v56, v58  }
0x50f: {  	v44 =	vadd.f32 v51, v44;
	v51 =	vld.idx.msk [tilespmem:v61+s6+$0x0], $0xffff  }
0x510: {  	v56 =	vmul.f32 v57, v56;
	v61 =	vld [tilespmem:$0x1FF90];
	_ =	sdelay $0x1  }
0x511: {  	v62 =	vmul.f32 $5.000000000e-01, v56;
	v37 =	vmul.f32 v57, v37  }
0x512: {  	v52 =	vand.u32 $0x7FFFFFFF, v56;
	v58 =	vld.idx.msk [tilespmem:v60+s6+$0x0], $0xffff  }
0x513: {  	v54 =	vmul.f32 v62, v56;
	v56 =	vadd.f32 $-5.000000000e-01, v52;
	v59 =	vmul.f32 $5.000000000e-01, v37  }
0x514: {  	vm1 =	vlt.f32 v52, $1.000000000e+00  }
0x515: {  	v52 =	vsel vm1, v54, v56;
	v62 =	vmul.f32 v59, v37;
	v60 =	vld [tilespmem:$0x18810]  }
0x516: {  	v53 =	vld [tilespmem:$0x190];
	v37 =	vand.u32 $0x7FFFFFFF, v37;
	v44 =	vadd.f32 v52, v44;
	v40 =	vsub.f32 v40, v55  }
0x517: {  	v42 =	vsub.f32 v42, v58;
	v58 =	vadd.f32 $-5.000000000e-01, v37;
	v52 =	vld.idx.msk [tilespmem:v61+s6+$0x0], $0xffff  }
0x518: {  	vm1 =	vlt.f32 v37, $1.000000000e+00;
	v40 =	vmul.f32 v57, v40;
	v61 =	vld [tilespmem:$0x1FFA0]  }
0x519: {  	v37 =	vsel vm1, v62, v58;
	v42 =	vmul.f32 v57, v42  }
0x51a: {  	v59 =	vmul.f32 $5.000000000e-01, v40;
	v51 =	vsub.f32 v60, v51;
	v44 =	vadd.f32 v37, v44  }
0x51b: {  	v37 =	vcvt.s32.f32 v53;
	v53 =	vand.u32 $0x7FFFFFFF, v40;
	v62 =	vmul.f32 $5.000000000e-01, v42  }
0x51c: {  	v40 =	vmul.f32 v59, v40;
	v54 =	vadd.f32 $-5.000000000e-01, v53;
	v60 =	vand.u32 $0x7FFFFFFF, v42  }
0x51d: {  	vm1 =	vlt.f32 v53, $1.000000000e+00;
	v42 =	vmul.f32 v62, v42;
	v62 =	vadd.f32 $-5.000000000e-01, v60  }
0x51e: {  	v51 =	vmul.f32 v37, v51;
	v40 =	vsel vm1, v40, v54;
	vm1 =	vlt.f32 v60, $1.000000000e+00  }
0x51f: {  	v42 =	vsel vm1, v42, v62;
	v62 =	vld [tilespmem:$0x1FFB0]  }
0x520: {  	v59 =	vand.u32 $0x7FFFFFFF, v51;
	v56 =	vld.idx.msk [tilespmem:v61+s6+$0x0], $0xffff  }
0x521: {  	vm1 =	vlt.f32 v59, $1.000000000e+00;
	v61 =	vadd.f32 $-5.000000000e-01, v59;
	v59 =	vld [tilespmem:$0x1FFC0]  }
0x522: {  	v58 =	vmul.f32 $5.000000000e-01, v51  }
0x523: {  	v40 =	vadd.f32 v40, v44  }
0x524: {  	v43 =	vadd.f32 v45, v43;
	v60 =	vmul.f32 v58, v51  }
0x525: {  	v34 =	vsub.f32 v34, v52;
	v40 =	vadd.f32 v42, v40  }
0x526: {  	v43 =	vadd.f32 v46, v43;
	v55 =	vld [tilespmem:$0x18820];
	v52 =	vsel vm1, v60, v61  }
0x527: {  	v34 =	vmul.f32 v37, v34;
	v40 =	vadd.f32 v52, v40;
	v52 =	vld [tilespmem:$0x1FFD0]  }
0x528: {  	v43 =	vadd.f32 v47, v43;
	v38 =	vsub.f32 v38, v56;
	v51 =	vld.idx.msk [tilespmem:v62+s6+$0x0], $0xffff  }
0x529: {  	v53 =	vmul.f32 $5.000000000e-01, v34;
	v47 =	vld.idx.msk [tilespmem:v59+s6+$0x0], $0xffff  }
0x52a: {  	v43 =	vadd.f32 v48, v43;
	v56 =	vand.u32 $0x7FFFFFFF, v34;
	v38 =	vmul.f32 v37, v38  }
0x52b: {  	v34 =	vmul.f32 v53, v34;
	v60 =	vadd.f32 $-5.000000000e-01, v56  }
0x52c: {  	v43 =	vadd.f32 v49, v43;
	v54 =	vld [tilespmem:$0x1A0];
	vm1 =	vlt.f32 v56, $1.000000000e+00;
	v61 =	vand.u32 $0x7FFFFFFF, v38  }
0x52d: {  	v34 =	vsel vm1, v34, v60;
	v62 =	vadd.f32 $-5.000000000e-01, v61;
	vm1 =	vlt.f32 v61, $1.000000000e+00;
	v61 =	vld [tilespmem:$0x1FFF0]  }
0x52e: {  	v58 =	vmul.f32 $5.000000000e-01, v38;
	v41 =	vsub.f32 v41, v51;
	v42 =	vsub.f32 v55, v47;
	v55 =	vld [tilespmem:$0x1FFE0]  }
0x52f: {  	v46 =	vld.idx.msk [tilespmem:v52+s6+$0x0], $0xffff  }
0x530: {  	v43 =	vadd.f32 v50, v43;
	v38 =	vmul.f32 v58, v38;
	v41 =	vmul.f32 v37, v41  }
0x531: {  	v40 =	vadd.f32 v34, v40;
	v34 =	vcvt.s32.f32 v54;
	v58 =	vor.u32 $0x2C0, v16  }
0x532: {  	v38 =	vsel vm1, v38, v62;
	v53 =	vmul.f32 $5.000000000e-01, v41;
	v54 =	vand.u32 $0x7FFFFFFF, v41  }
0x533: {  	v56 =	vadd.f32 $-5.000000000e-01, v54;
	v42 =	vmul.f32 v34, v42;
	vm1 =	vlt.f32 v54, $1.000000000e+00  }
0x534: {  	v54 =	vor.u32 $0x2C1, v16;
	v41 =	vmul.f32 v53, v41;
	v31 =	vsub.f32 v31, v46;
	v53 =	vld [tilespmem:$0x18830]  }
0x535: {  	v43 =	vadd.f32 v57, v43;
	v59 =	vmul.f32 $5.000000000e-01, v42;
	v46 =	vld.idx.msk [tilespmem:v61+s6+$0x0], $0xffff;
	v61 =	vor.u32 $0x2C3, v16  }
0x536: {  	v38 =	vadd.f32 v38, v40;
	v60 =	vand.u32 $0x7FFFFFFF, v42;
	v31 =	vmul.f32 v34, v31;
	v45 =	vld.idx.msk [tilespmem:v55+s6+$0x0], $0xffff  }
0x537: {  	v40 =	vld.idx.msk [tilespmem:v58+s6+$0x0], $0xffff;
	v62 =	vadd.f32 $-5.000000000e-01, v60;
	v42 =	vmul.f32 v59, v42;
	v59 =	vor.u32 $0x2C2, v16  }
0x538: {  	v41 =	vsel vm1, v41, v56;
	vm1 =	vlt.f32 v60, $1.000000000e+00;
	v52 =	vmul.f32 $5.000000000e-01, v31  }
0x539: {  	v38 =	vadd.f32 v41, v38;
	v60 =	vld.idx.msk [tilespmem:v54+s6+$0x0], $0xffff;
	v42 =	vsel vm1, v42, v62;
	v55 =	vand.u32 $0x7FFFFFFF, v31  }
0x53a: {  	v31 =	vmul.f32 v52, v31;
	v56 =	vadd.f32 $-5.000000000e-01, v55;
	v39 =	vsub.f32 v39, v46;
	v54 =	vld.idx.msk [tilespmem:v61+s6+$0x0], $0xffff  }
0x53b: {  	v38 =	vadd.f32 v42, v38;
	vm1 =	vlt.f32 v55, $1.000000000e+00;
	v35 =	vsub.f32 v35, v45;
	v45 =	vld [tilespmem:$0x1B0]  }
0x53c: {  	v40 =	vsub.f32 v53, v40;
	v41 =	vsel vm1, v31, v56;
	v52 =	vld.idx.msk [tilespmem:v59+s6+$0x0], $0xffff;
	v39 =	vmul.f32 v34, v39  }
0x53d: {  	v55 =	vor.u32 $0x300, v16;
	v38 =	vadd.f32 v41, v38;
	v35 =	vmul.f32 v34, v35  }
0x53e: {  	v28 =	vsub.f32 v28, v60;
	v49 =	vmul.f32 $5.000000000e-01, v39;
	v50 =	vand.u32 $0x7FFFFFFF, v39  }
0x53f: {  	v60 =	vor.u32 $0x301, v16;
	v51 =	vadd.f32 $-5.000000000e-01, v50;
	v57 =	vmul.f32 $5.000000000e-01, v35  }
0x540: {  	v36 =	vsub.f32 v36, v54;
	v39 =	vmul.f32 v49, v39;
	v31 =	vcvt.s32.f32 v45  }
0x541: {  	v32 =	vsub.f32 v32, v52;
	v58 =	vand.u32 $0x7FFFFFFF, v35;
	v35 =	vmul.f32 v57, v35  }
0x542: {  	v62 =	vadd.f32 $-5.000000000e-01, v58;
	v40 =	vmul.f32 v31, v40;
	v28 =	vmul.f32 v31, v28  }
0x543: {  	vm1 =	vlt.f32 v58, $1.000000000e+00;
	v32 =	vmul.f32 v31, v32;
	v36 =	vmul.f32 v31, v36  }
0x544: {  	v35 =	vsel vm1, v35, v62;
	vm1 =	vlt.f32 v50, $1.000000000e+00;
	v53 =	vmul.f32 $5.000000000e-01, v40  }
0x545: {  	v35 =	vadd.f32 v35, v38;
	v56 =	vsel vm1, v39, v51;
	v57 =	vand.u32 $0x7FFFFFFF, v40  }
0x546: {  	v49 =	vld.idx.msk [tilespmem:v55+s6+$0x0], $0xffff;
	v61 =	vmul.f32 $5.000000000e-01, v28;
	v48 =	vand.u32 $0x7FFFFFFF, v28;
	v51 =	vor.u32 $0x302, v16  }
0x547: {  	v62 =	vld [tilespmem:$0x18840];
	v52 =	vand.u32 $0x7FFFFFFF, v32;
	v54 =	vmul.f32 $5.000000000e-01, v36;
	v58 =	vadd.f32 $-5.000000000e-01, v57  }
0x548: {  	vm1 =	vlt.f32 v57, $1.000000000e+00;
	v50 =	vadd.f32 $-5.000000000e-01, v48;
	v41 =	vadd.f32 $-5.000000000e-01, v52  }
0x549: {  	v39 =	vld.idx.msk [tilespmem:v60+s6+$0x0], $0xffff;
	v40 =	vmul.f32 v53, v40;
	v35 =	vadd.f32 v56, v35;
	v28 =	vmul.f32 v61, v28  }
0x54a: {  	v59 =	vld [tilespmem:$0x1C0];
	v53 =	vmul.f32 $5.000000000e-01, v32;
	v56 =	vand.u32 $0x7FFFFFFF, v36;
	v36 =	vmul.f32 v54, v36  }
0x54b: {  	v57 =	vadd.f32 $-5.000000000e-01, v56;
	v40 =	vsel vm1, v40, v58;
	vm1 =	vlt.f32 v48, $1.000000000e+00  }
0x54c: {  	v32 =	vmul.f32 v53, v32;
	v55 =	vsub.f32 v62, v49;
	v62 =	vor.u32 $0x340, v16  }
0x54d: {  	v35 =	vadd.f32 v40, v35;
	v28 =	vsel vm1, v28, v50;
	vm1 =	vlt.f32 v52, $1.000000000e+00;
	v40 =	vld.idx.msk [tilespmem:v51+s6+$0x0], $0xffff  }
0x54e: {  	v58 =	vor.u32 $0x303, v16;
	v25 =	vsub.f32 v25, v39;
	v32 =	vsel vm1, v32, v41  }
0x54f: {  	vm1 =	vlt.f32 v56, $1.000000000e+00;
	v35 =	vadd.f32 v28, v35;
	v28 =	vcvt.s32.f32 v59  }
0x550: {  	v51 =	vor.u32 $0x341, v16;
	v59 =	vsel vm1, v36, v57  }
0x551: {  	v38 =	vmul.f32 v28, v55;
	v32 =	vadd.f32 v32, v35;
	v25 =	vmul.f32 v28, v25  }
0x552: {  	v54 =	vld.idx.msk [tilespmem:v62+s6+$0x0], $0xffff;
	v55 =	vadd.f32 v37, v43;
	v62 =	vor.u32 $0x343, v16;
	v29 =	vsub.f32 v29, v40  }
0x553: {  	v48 =	vld.idx.msk [tilespmem:v58+s6+$0x0], $0xffff;
	v60 =	vmul.f32 $5.000000000e-01, v38;
	v61 =	vand.u32 $0x7FFFFFFF, v38;
	v32 =	vadd.f32 v59, v32  }
0x554: {  	v53 =	vld [tilespmem:$0x18850];
	v47 =	vmul.f32 $5.000000000e-01, v25;
	v49 =	vand.u32 $0x7FFFFFFF, v25;
	v34 =	vadd.f32 v34, v55  }
0x555: {  	v55 =	vor.u32 $0x381, v16;
	v46 =	vadd.f32 $-5.000000000e-01, v61;
	vm1 =	vlt.f32 v61, $1.000000000e+00  }
0x556: {  	v50 =	vld [tilespmem:$0x1D0];
	v52 =	vadd.f32 $-5.000000000e-01, v49;
	v29 =	vmul.f32 v28, v29;
	v44 =	vmul.f32 v60, v38  }
0x557: {  	v59 =	vld.idx.msk [tilespmem:v51+s6+$0x0], $0xffff;
	v25 =	vmul.f32 v47, v25;
	v60 =	vor.u32 $0x342, v16;
	v31 =	vadd.f32 v31, v34  }
0x558: {  	v38 =	vor.u32 $0x3C3, v16;
	v56 =	vmul.f32 $5.000000000e-01, v29;
	v57 =	vsub.f32 v33, v48  }
0x559: {  	v58 =	vand.u32 $0x7FFFFFFF, v29;
	v43 =	vsub.f32 v53, v54;
	v35 =	vsel vm1, v44, v46  }
0x55a: {  	v54 =	vld [tilespmem:$0x1E0];
	vm1 =	vlt.f32 v49, $1.000000000e+00;
	v61 =	vadd.f32 $-5.000000000e-01, v58;
	v32 =	vadd.f32 v35, v32  }
0x55b: {  	v25 =	vsel vm1, v25, v52;
	v29 =	vmul.f32 v56, v29;
	vm1 =	vlt.f32 v58, $1.000000000e+00  }
0x55c: {  	v35 =	vcvt.s32.f32 v50;
	v22 =	vsub.f32 v22, v59;
	v50 =	vor.u32 $0x380, v16  }
0x55d: {  	v49 =	vld.idx.msk [tilespmem:v62+s6+$0x0], $0xffff;
	v25 =	vadd.f32 v25, v32;
	v32 =	vmul.f32 v28, v57;
	v29 =	vsel vm1, v29, v61  }
0x55e: {  	v33 =	vmul.f32 v35, v43;
	v22 =	vmul.f32 v35, v22;
	v61 =	vor.u32 $0x382, v16  }
0x55f: {  	v40 =	vld.idx.msk [tilespmem:v55+s6+$0x0], $0xffff;
	v43 =	vor.u32 $0x383, v16;
	v28 =	vadd.f32 v28, v31;
	v36 =	vcvt.s32.f32 v54  }
0x560: {  	v44 =	vmul.f32 $5.000000000e-01, v32;
	v25 =	vadd.f32 v29, v25;
	v45 =	vand.u32 $0x7FFFFFFF, v32  }
0x561: {  	v47 =	vld.idx.msk [tilespmem:v60+s6+$0x0], $0xffff;
	v48 =	vmul.f32 $5.000000000e-01, v33;
	v51 =	vand.u32 $0x7FFFFFFF, v33;
	v53 =	vmul.f32 $5.000000000e-01, v22  }
0x562: {  	v56 =	vand.u32 $0x7FFFFFFF, v22;
	v30 =	vsub.f32 v30, v49;
	v28 =	vadd.f32 v35, v28  }
0x563: {  	v46 =	vadd.f32 $-5.000000000e-01, v45;
	vm1 =	vlt.f32 v45, $1.000000000e+00;
	v52 =	vadd.f32 $-5.000000000e-01, v51  }
0x564: {  	v58 =	vadd.f32 $-5.000000000e-01, v56;
	v20 =	vsub.f32 v20, v40;
	v32 =	vmul.f32 v44, v32  }
0x565: {  	v59 =	vld.idx.msk [tilespmem:v50+s6+$0x0], $0xffff;
	v50 =	vor.u32 $0x3C0, v16;
	v29 =	vmul.f32 v48, v33;
	v60 =	vmul.f32 v35, v30  }
0x566: {  	v57 =	vld [tilespmem:$0x18860];
	v22 =	vmul.f32 v53, v22;
	v26 =	vsub.f32 v26, v47;
	v20 =	vmul.f32 v36, v20  }
0x567: {  	v32 =	vsel vm1, v32, v46;
	vm1 =	vlt.f32 v51, $1.000000000e+00;
	v42 =	vmul.f32 $5.000000000e-01, v60  }
0x568: {  	v44 =	vand.u32 $0x7FFFFFFF, v60;
	v25 =	vadd.f32 v32, v25;
	v29 =	vsel vm1, v29, v52  }
0x569: {  	v30 =	vld.idx.msk [tilespmem:v61+s6+$0x0], $0xffff;
	vm1 =	vlt.f32 v56, $1.000000000e+00;
	v26 =	vmul.f32 v35, v26;
	v45 =	vadd.f32 $-5.000000000e-01, v44  }
0x56a: {  	v51 =	vmul.f32 $5.000000000e-01, v20;
	v52 =	vor.u32 $0x3C1, v16;
	v54 =	vand.u32 $0x7FFFFFFF, v20  }
0x56b: {  	v49 =	vld.idx.msk [tilespmem:v43+s6+$0x0], $0xffff;
	v22 =	vsel vm1, v22, v58;
	v37 =	vsub.f32 v57, v59;
	v56 =	vadd.f32 $-5.000000000e-01, v54  }
0x56c: {  	v57 =	vld [tilespmem:$0x18870];
	v25 =	vadd.f32 v29, v25;
	v62 =	vand.u32 $0x7FFFFFFF, v26;
	v41 =	vmul.f32 $5.000000000e-01, v26  }
0x56d: {  	v59 =	vld.idx.msk [tilespmem:v50+s6+$0x0], $0xffff;
	v29 =	vmul.f32 v42, v60;
	v20 =	vmul.f32 v51, v20;
	v60 =	vor.u32 $0x3C2, v16  }
0x56e: {  	vm1 =	vlt.f32 v62, $1.000000000e+00;
	v37 =	vmul.f32 v36, v37;
	v23 =	vsub.f32 v23, v30  }
0x56f: {  	v22 =	vadd.f32 v22, v25;
	v26 =	vmul.f32 v41, v26;
	v25 =	vadd.f32 $-5.000000000e-01, v62  }
0x570: {  	v58 =	vsub.f32 v27, v49;
	v47 =	vmul.f32 $5.000000000e-01, v37;
	v48 =	vand.u32 $0x7FFFFFFF, v37  }
0x571: {  	v55 =	vld [tilespmem:$0x1F0];
	v23 =	vmul.f32 v36, v23;
	v25 =	vsel vm1, v26, v25;
	vm1 =	vlt.f32 v44, $1.000000000e+00  }
0x572: {  	v30 =	vld.idx.msk [tilespmem:v52+s6+$0x0], $0xffff;
	v27 =	vsub.f32 v57, v59;
	v22 =	vadd.f32 v25, v22;
	v46 =	vsel vm1, v29, v45  }
0x573: {  	v26 =	vmul.f32 v47, v37;
	v29 =	vadd.f32 $-5.000000000e-01, v48;
	v61 =	vand.u32 $0x7FFFFFFF, v23  }
0x574: {  	vm1 =	vlt.f32 v48, $1.000000000e+00;
	v62 =	vmul.f32 $5.000000000e-01, v23;
	v40 =	vadd.f32 $-5.000000000e-01, v61  }
0x575: {  	v32 =	vld.idx.msk [tilespmem:v60+s6+$0x0], $0xffff;
	v22 =	vadd.f32 v46, v22;
	v53 =	vsel vm1, v26, v29;
	v26 =	vmul.f32 v36, v58  }
0x576: {  	vm1 =	vlt.f32 v54, $1.000000000e+00;
	v39 =	vmul.f32 v62, v23;
	v29 =	vcvt.s32.f32 v55  }
0x577: {  	v20 =	vsel vm1, v20, v56;
	vm1 =	vlt.f32 v61, $1.000000000e+00;
	v45 =	vsub.f32 v63, v30  }
0x578: {  	v46 =	vld.idx.msk [tilespmem:v38+s6+$0x0], $0xffff;
	v63 =	vadd.f32 v36, v28;
	v22 =	vadd.f32 v53, v22;
	v42 =	vand.u32 $0x7FFFFFFF, v26  }
0x579: {  	v41 =	vmul.f32 $5.000000000e-01, v26;
	v27 =	vmul.f32 v29, v27;
	v44 =	vadd.f32 $-5.000000000e-01, v42  }
0x57a: {  	v21 =	vsub.f32 v21, v32;
	v20 =	vadd.f32 v20, v22;
	v22 =	vsel vm1, v39, v40  }
0x57b: {  	v43 =	vmul.f32 v41, v26;
	vm1 =	vlt.f32 v42, $1.000000000e+00;
	v48 =	vand.u32 $0x7FFFFFFF, v27  }
0x57c: {  	v49 =	vmul.f32 $5.000000000e-01, v27;
	v26 =	vmul.f32 v29, v45;
	v23 =	vadd.f32 $-5.000000000e-01, v48  }
0x57d: {  	v24 =	vsub.f32 v24, v46;
	v21 =	vmul.f32 v29, v21;
	v20 =	vadd.f32 v22, v20  }
0x57e: {  	v47 =	vsel vm1, v43, v44;
	vm1 =	vlt.f32 v48, $1.000000000e+00;
	v52 =	vand.u32 $0x7FFFFFFF, v26  }
0x57f: {  	v50 =	vmul.f32 v49, v27;
	v51 =	vmul.f32 $5.000000000e-01, v26;
	v54 =	vadd.f32 $-5.000000000e-01, v52  }
0x580: {  	v55 =	vmul.f32 $5.000000000e-01, v21;
	v24 =	vmul.f32 v29, v24;
	v20 =	vadd.f32 v47, v20  }
0x581: {  	v57 =	vand.u32 $0x7FFFFFFF, v21;
	v22 =	vsel vm1, v50, v23;
	v53 =	vmul.f32 v51, v26  }
0x582: {  	vm1 =	vlt.f32 v52, $1.000000000e+00;
	v58 =	vadd.f32 $-5.000000000e-01, v57;
	v20 =	vadd.f32 v22, v20  }
0x583: {  	v21 =	vmul.f32 v55, v21;
	v59 =	vmul.f32 $5.000000000e-01, v24;
	v56 =	vsel vm1, v53, v54  }
0x584: {  	v60 =	vand.u32 $0x7FFFFFFF, v24;
	vm1 =	vlt.f32 v57, $1.000000000e+00;
	v20 =	vadd.f32 v56, v20  }
0x585: {  	v62 =	vadd.f32 $-5.000000000e-01, v60;
	v21 =	vsel vm1, v21, v58;
	v61 =	vmul.f32 v59, v24  }
0x586: {  	vm1 =	vlt.f32 v60, $1.000000000e+00;
	v20 =	vadd.f32 v21, v20  }
0x587: {  	v22 =	vsel vm1, v61, v62;
	v21 =	vadd.f32 v29, v63  }
0x588: {  	v20 =	vadd.f32 v22, v20  }
0x589: {  	p0 =	sne.s32 s4, $0x1;
	s30 =	rddreg [dreg:$0x8];
	[tilespmem:$0x18E10] =	vst v21  }
.Ltmp0:
0x58a: {  	s31 =	rddreg [dreg:$0xa];
	[tilespmem:$0x18E00] =	vst v20;
	(pc) =	sbr.rel @p0 .LBB2_1-.Ltmp0, $4  }
0x58b: {  	[hbm4b:s30+s3] =	stream.linear.scatter [tilespmem:s31], [sflag:$0x4], $0x80, $0x38;
	[tilespmem:$0x18E80] =	vst v63  }
0x58c: {  	_ =	swait.ge [sflag:s28], $0x80  }
0x58d: {  	[sflag:s28] =	ssyncset.done $0x0  }
0x58e: {  	s4 =	sadd.s32 $0xFFFFFFFF, s4;
	[sflag:s28] =	ssyncadd.s32 $0xFFFFFF80  }
0x58f: {  	_ =	sfence.sel $0x180000  }
0x590: {  	[bflag:$0x0] =	sbarrier.arrive $0xFFFF  }
0x591: {  	_ =	strace $0x90000047  }
0x592: {  	s0 =	stileid.u32;
	[bflag:$0x2] =	sbarrier.arrive $0xFFFF  }
0x593: {  	p0 =	sne.s32 s0, $0x0;
	s0 =	rddreg [dreg:$0x4]  }
0x594: {  	s0 =	sadd.s32 @!p0 $0x100000, s0  }
0x595: {  	[sflag:s0] =	ssyncadd.tile.s32 @!p0 $0x1;
	_ =	shalt  }
.Lfunc_end2:
_tile_overlayer_lowered:
.L_overlay_start_2:
0x596: {  	(tag) =	ssettag $0x2  }
0x597: {  	s0 =	rddreg [dreg:$0x0];
	s2 =	stileid.u32  }
0x598: {  	s1 =	rddreg [dreg:$0x1];
	p0 =	sne.s32 s2, $0x0  }
0x599: {  	s3 =	rddreg [dreg:$0x2];
	[bflag:$0x3] =	sbarrier.arrive $0xFFFF;
	s2 =	simm.s32 @!p0 $0x1C04  }
0x59a: {  	[timem:s3], [sflag:s2] =	dma.local @!p0 [hbm:s0], s1  }
0x59b: {  	s0 =	simm.s32 @!p0 $0x4  }
0x59c: {  	_ =	swait.ge @!p0 [sflag:s0], s1  }
0x59d: {  	s1 =	ssub.s32 @!p0 $0x0, s1;
	[sflag:s0] =	ssyncset.done @!p0 $0x0  }
0x59e: {  	[sflag:s0] =	ssyncadd.s32 @!p0 s1  }
0x59f: {  	[bflag:$0x3] =	sbarrier.arrive $0xFFFF  }
0x5a0: {  	_ =	shalt  }

</sc_bundles>
